<compile_context>
chip_gen: v7x
topology: tpu7x:2x2x1
jax: 0.10.2.dev20260603
libtpu: 0.0.44.dev20260713+nightly
codegen_flags: <defaults>
</compile_context>

<pallas_src>
import functools

import jax
import jax.numpy as jnp
import numpy as np
from jax import lax
from jax.experimental import pallas as pl
from jax.experimental.pallas import tpu as pltpu
from jax.experimental.pallas import tpu_sc as plsc

B, N, FEAT, KNN, NUM_CLASSES = 2, 4096, 24, 16, 17
SAMPLE_RATE = [4, 8, 16]
DILATED_RATE = [8, 8, 8]
BN = B * N
BNK = BN * KNN
HALF = FEAT // 2
HID = 128

NC, NS = 2, 16
NW = NC * NS
GCH = 128
ROWS_W = BNK // NW
NCHUNK = ROWS_W // GCH
NPAIR = NCHUNK // 2


def _lrelu(v):
    return jnp.where(v > 0, v, 0.2 * v)


def _dot(a, b):
    a = a.astype(jnp.bfloat16).astype(jnp.float32)
    b = b.astype(jnp.bfloat16).astype(jnp.float32)
    return lax.dot_general(a, b, (((1,), (0,)), ((), ())),
                           preferred_element_type=jnp.float32)



def _sc_gather_body(table_hbm, idx_hbm, out_hbm, idx_v, r0, r1, s0, s1):
    wid = lax.axis_index("s") * NC + lax.axis_index("c")
    base = wid * ROWS_W
    pltpu.sync_copy(idx_hbm.at[pl.ds(wid * NCHUNK, NCHUNK)], idx_v)

    def start(i, buf, sem):
        pltpu.async_copy(table_hbm.at[idx_v.at[i]], buf, sem)

    def wait(buf, sem):
        pltpu.make_async_copy(table_hbm.at[pl.ds(0, GCH)], buf, sem).wait()

    start(0, r0, s0)
    start(1, r1, s1)

    def body(j, carry):
        i0 = 2 * j
        wait(r0, s0)
        pltpu.sync_copy(r0, out_hbm.at[pl.ds(base + i0 * GCH, GCH)])

        @pl.when(j + 1 < NPAIR)
        def _():
            start(i0 + 2, r0, s0)

        wait(r1, s1)
        pltpu.sync_copy(r1, out_hbm.at[pl.ds(base + (i0 + 1) * GCH, GCH)])

        @pl.when(j + 1 < NPAIR)
        def _():
            start(i0 + 3, r1, s1)

        return carry

    lax.fori_loop(0, NPAIR, body, 0)


@functools.cache
def _sc_gather_call():
    mesh = plsc.VectorSubcoreMesh(core_axis_name="c", subcore_axis_name="s",
                                  num_cores=NC, num_subcores=NS)
    return pl.kernel(
        _sc_gather_body,
        out_type=jax.ShapeDtypeStruct((BNK, HID), jnp.float32),
        mesh=mesh,
        scratch_types=[
            pltpu.VMEM((NCHUNK, GCH), jnp.int32),
            pltpu.VMEM((GCH, HID), jnp.float32),
            pltpu.VMEM((GCH, HID), jnp.float32),
            pltpu.SemaphoreType.DMA,
            pltpu.SemaphoreType.DMA,
        ],
    )


def _sc_gather(table, idx_flat):
    return _sc_gather_call()(table, idx_flat.reshape(BNK // GCH, GCH))



def _ec2_body(x_ref, xnb_ref, w1a_ref, w1b_ref, b1_ref, w2_ref, b2_ref, o_ref,
              *, rows, k, hid, cout):
    ctr = x_ref[...]
    nb = xnb_ref[...].reshape(rows, k, HID)
    nbc = (nb - ctr[:, None, :]).reshape(rows * k, HID)
    pc = _dot(ctr, w1a_ref[...]) + b1_ref[...]
    h1 = _lrelu(pc[:, None, :]
                + _dot(nbc, w1b_ref[...]).reshape(rows, k, hid))
    h2 = _lrelu(_dot(h1.reshape(rows * k, hid), w2_ref[...]) + b2_ref[...])
    o_ref[...] = jnp.max(h2.reshape(rows, k, cout), axis=1)


@functools.lru_cache(maxsize=None)
def _ec2_call(hid, cout, rows):
    body = functools.partial(_ec2_body, rows=rows, k=KNN, hid=hid, cout=cout)
    return pl.pallas_call(
        body,
        grid=(BN // rows,),
        in_specs=[
            pl.BlockSpec((rows, HID), lambda i: (i, 0)),
            pl.BlockSpec((rows * KNN, HID), lambda i: (i, 0)),
            pl.BlockSpec((HID, hid), lambda i: (0, 0)),
            pl.BlockSpec((HID, hid), lambda i: (0, 0)),
            pl.BlockSpec((1, hid), lambda i: (0, 0)),
            pl.BlockSpec((hid, cout), lambda i: (0, 0)),
            pl.BlockSpec((1, cout), lambda i: (0, 0)),
        ],
        out_specs=pl.BlockSpec((rows, cout), lambda i: (i, 0)),
        out_shape=jax.ShapeDtypeStruct((BN, cout), jnp.float32),
    )


def _pad_rows(w, rows):
    return jnp.zeros((rows, w.shape[1]), w.dtype).at[:w.shape[0]].set(w)


def _edgeconv(p, x, idx_flat):
    cin = x.shape[-1]
    g1, bb1 = p["bn1"]["g"], p["bn1"]["b"]
    w1f = p["l1"]["w"] * g1[None, :]
    b1f = p["l1"]["b"] * g1 + bb1
    w1a = _pad_rows(w1f[:cin], HID)
    w1b = _pad_rows(w1f[cin:], HID)
    w2f, b2f = _fold_lin_bn(p["l2"], p["bn2"])
    hid, cout = w2f.shape
    x_pad = x.reshape(BN, cin)
    if cin < HID:
        x_pad = jnp.pad(x_pad, ((0, 0), (0, HID - cin)))
    xnb = _sc_gather(x_pad, idx_flat)
    out = _ec2_call(hid, cout, 512)(
        x_pad, xnb, w1a, w1b, b1f[None], w2f, b2f[None])
    return out.reshape(B, N, cout)



def _head_body(h_ref, w11, b11, w12, b12, w21, b21, w22, b22, wr, br, wo, bo,
               o_ref):
    h = h_ref[...]
    a = _lrelu(_dot(h, w11[...]) + b11[...])
    a = _lrelu(_dot(a, w12[...]) + b12[...])
    h1 = a + h
    b_ = _lrelu(_dot(h1, w21[...]) + b21[...])
    b_ = _lrelu(_dot(b_, w22[...]) + b22[...])
    h2 = b_ + _dot(h1, wr[...]) + br[...]
    o_ref[...] = _dot(h2, wo[...]) + bo[...]


def _fold_lin_bn(lin_p, bn_p):
    w = lin_p["w"] * bn_p["g"][None, :]
    b = lin_p["b"] * bn_p["g"] + bn_p["b"]
    return w, b


@functools.lru_cache(maxsize=None)
def _head_call(rows):
    full = lambda a, b: pl.BlockSpec((a, b), lambda i: (0, 0))
    return pl.pallas_call(
        _head_body,
        grid=(BN // rows,),
        in_specs=[
            pl.BlockSpec((rows, 512), lambda i: (i, 0)),
            full(512, 512), full(1, 512), full(512, 512), full(1, 512),
            full(512, 256), full(1, 256), full(256, 256), full(1, 256),
            full(512, 256), full(1, 256),
            full(256, NUM_CLASSES), full(1, NUM_CLASSES),
        ],
        out_specs=pl.BlockSpec((rows, NUM_CLASSES), lambda i: (i, 0)),
        out_shape=jax.ShapeDtypeStruct((BN, NUM_CLASSES), jnp.float32),
    )


def _head(params, h):
    r1, r2 = params["res1"], params["res2"]
    w11, b11 = _fold_lin_bn(r1["l1"], r1["bn1"])
    w12, b12 = _fold_lin_bn(r1["l2"], r1["bn2"])
    w21, b21 = _fold_lin_bn(r2["l1"], r2["bn1"])
    w22, b22 = _fold_lin_bn(r2["l2"], r2["bn2"])
    wr, br = _fold_lin_bn(r2["res"], r2["resbn"])
    wo, bo = params["out"]["w"], params["out"]["b"]
    out = _head_call(512)(
        h.reshape(BN, 512), w11, b11[None], w12, b12[None],
        w21, b21[None], w22, b22[None], wr, br[None], wo, bo[None])
    return out.reshape(B, N, NUM_CLASSES)



def _lin(p, x):
    return x @ p["w"] + p["b"]


def _bn(p, x):
    return x * p["g"] + p["b"]



RQ = 128


def _knn_body(posd_ref, posqt_ref, o_ref, dm_ref, *, m, nsel, dr, sr):
    posd = posd_ref[0]
    posqt = posqt_ref[0]
    x0, x1, x2 = posqt[0:1, :], posqt[1:2, :], posqt[2:3, :]
    y0, y1, y2 = posd[:, 0:1], posd[:, 1:2], posd[:, 2:3]
    r = lambda v: v.astype(jnp.bfloat16).astype(jnp.float32)
    ab = r(y0) * r(x0) + r(y1) * r(x1) + r(y2) * r(x2)
    aa = x0 * x0 + x1 * x1 + x2 * x2
    bb = y0 * y0 + y1 * y1 + y2 * y2
    d = jnp.maximum(aa + bb - 2.0 * ab, 0.0)
    rowid = lax.broadcasted_iota(jnp.int32, (m, RQ), 0)
    boff = pl.program_id(0) * N
    dm_ref[...] = d
    outs = []
    for t in range(nsel * dr):
        dmv = dm_ref[...]
        mv = jnp.min(dmv, axis=0, keepdims=True)
        eq = dmv == mv
        av = jnp.min(jnp.where(eq, rowid, m), axis=0, keepdims=True)
        if t % dr == 0:
            outs.append(av * sr + boff)
        dm_ref[...] = jnp.where(eq & (rowid == av), jnp.inf, dmv)
    o_ref[0] = jnp.concatenate(outs, axis=0)


@functools.lru_cache(maxsize=None)
def _knn_call(m, nsel, dr, sr):
    body = functools.partial(_knn_body, m=m, nsel=nsel, dr=dr, sr=sr)
    return pl.pallas_call(
        body,
        grid=(B, N // RQ),
        in_specs=[
            pl.BlockSpec((1, m, 3), lambda b, i: (b, 0, 0)),
            pl.BlockSpec((1, 3, RQ), lambda b, i: (b, 0, i)),
        ],
        out_specs=pl.BlockSpec((1, nsel, RQ), lambda b, i: (b, 0, i)),
        out_shape=jax.ShapeDtypeStruct((B, nsel, N), jnp.int32),
        scratch_shapes=[pltpu.VMEM((m, RQ), jnp.float32)],
    )


def _get_idx(k, pos):
    out = _knn_call(N, k, 1, 1)(pos, pos.transpose(0, 2, 1))
    return out.transpose(0, 2, 1).reshape(BNK)


def _get_downsample_dilated_idx(k, sr, dr, pos):
    pos_d = pos[:, ::sr, :]
    aa = jnp.sum(pos * pos, axis=-1)
    bb = jnp.sum(pos_d * pos_d, axis=-1)
    ab = jnp.einsum("bnd,bmd->bnm", pos, pos_d)
    d = jnp.maximum(aa[:, :, None] + bb[:, None, :] - 2.0 * ab, 0.0)
    _, idx = jax.lax.top_k(-d, k * dr)
    idx = idx[:, :, ::dr] * sr
    off = (jnp.arange(B, dtype=idx.dtype) * N)[:, None, None]
    return (idx + off).reshape(BNK)



def _stn_pre_body(x_ref, w1, b1, w2, b2, w3, b3, o_ref):
    r = lambda v: v.astype(jnp.bfloat16).astype(jnp.float32)
    x = x_ref[0]
    h = jax.nn.relu(_dot(r(x), r(w1[...])) + b1[...])
    h = jax.nn.relu(_dot(r(h), r(w2[...])) + b2[...])
    h = jax.nn.relu(_dot(r(h), r(w3[...])) + b3[...])
    part = jnp.max(h, axis=0, keepdims=True)[None]

    @pl.when(pl.program_id(1) == 0)
    def _():
        o_ref[...] = part

    @pl.when(pl.program_id(1) != 0)
    def _():
        o_ref[...] = jnp.maximum(o_ref[...], part)


@functools.lru_cache(maxsize=None)
def _stn_pre_call(rows):
    full = lambda a, b: pl.BlockSpec((a, b), lambda bi, i: (0, 0))
    return pl.pallas_call(
        _stn_pre_body,
        grid=(B, N // rows),
        in_specs=[
            pl.BlockSpec((1, rows, HALF), lambda bi, i: (bi, i, 0)),
            full(HALF, 64), full(1, 64),
            full(64, 128), full(1, 128),
            full(128, 1024), full(1, 1024),
        ],
        out_specs=pl.BlockSpec((1, 1, 1024), lambda bi, i: (bi, 0, 0)),
        out_shape=jax.ShapeDtypeStruct((B, 1, 1024), jnp.float32),
    )


def _stn_apply(p, x):
    k = x.shape[-1]
    w1, b1 = _fold_lin_bn(p["c1"], p["bn1"])
    w2, b2 = _fold_lin_bn(p["c2"], p["bn2"])
    w3, b3 = _fold_lin_bn(p["c3"], p["bn3"])
    g = _stn_pre_call(512)(x, w1, b1[None], w2, b2[None], w3, b3[None])[:, 0]
    g = jax.nn.relu(_bn(p["bn4"], _lin(p["f1"], g)))
    g = jax.nn.relu(_bn(p["bn5"], _lin(p["f2"], g)))
    t = _lin(p["f3"], g).reshape(-1, k, k) + jnp.eye(k, dtype=x.dtype)[None]
    return jnp.einsum("bnk,bkj->bnj", x, t)


def _attn_apply(p, x):
    def full(xx):
        q = _lin(p["q"], xx)
        k_ = _lin(p["k"], xx)
        v = _lin(p["v"], xx)
        energy = jnp.einsum("bnd,bmd->bnm", q, k_)
        a = jax.nn.softmax(energy, axis=-1)
        o = jnp.einsum("bnm,bmc->bnc", a, v)
        return p["gamma"] * o + xx

    return lax.cond(p["gamma"][0] != 0.0, full, lambda xx: xx, x)


def kernel(x, pos, params):
    idx = _get_idx(KNN, pos)
    sample_idx = [_get_downsample_dilated_idx(KNN, sr, dr, pos)
                  for sr, dr in zip(SAMPLE_RATE, DILATED_RATE)]
    c, n = x[..., :HALF], x[..., HALF:]

    c = _stn_apply(params["stn_c"], c)
    c = _edgeconv(params["c_local"], c, idx)
    c = _edgeconv(params["c0"], c, sample_idx[0])
    c = _edgeconv(params["c1"], c, sample_idx[1])
    c = _edgeconv(params["c2"], c, sample_idx[2])
    c = _attn_apply(params["c_att"], c)

    n = _stn_apply(params["stn_n"], n)
    n = _edgeconv(params["n_local"], n, idx)
    n = _edgeconv(params["n0"], n, sample_idx[0])
    n = _edgeconv(params["n1"], n, sample_idx[1])
    n = _edgeconv(params["n2"], n, sample_idx[2])
    n = _attn_apply(params["n_att"], n)

    h = jnp.concatenate([c, n], axis=-1)
    return _head(params, h)

# --- scband reference (transcript-rebuilt; emitter-appended) ---
"""Pipeline reference for scband-swsnet-two-stream-42631845380168 (READ-ONLY COPY).

The authoritative reference and input builder live on the scoring server;
editing this copy changes nothing except your own understanding.
"""

import jax, jax.numpy as jnp
import numpy as np

B, N, FEAT, K, NUM_CLASSES = 2, 4096, 24, 16, 17
SAMPLE_RATE = [4, 8, 16]
DILATED_RATE = [8, 8, 8]


def lin_init(key, cin, cout):
    w = jax.random.normal(key, (cin, cout), dtype=jnp.float32) / np.sqrt(cin)
    return {"w": w, "b": jnp.zeros((cout,), jnp.float32)}


def bn_init(c):
    # inference-mode batchnorm folded to per-channel affine (running stats = identity)
    return {"g": jnp.ones((c,), jnp.float32), "b": jnp.zeros((c,), jnp.float32)}


def lin(p, x):
    return x @ p["w"] + p["b"]


def bn(p, x):
    return x * p["g"] + p["b"]


def lrelu(x):
    return jnp.where(x > 0, x, 0.2 * x)


def stn_init(key, k):
    ks = jax.random.split(key, 6)
    return {"c1": lin_init(ks[0], k, 64), "bn1": bn_init(64),
            "c2": lin_init(ks[1], 64, 128), "bn2": bn_init(128),
            "c3": lin_init(ks[2], 128, 1024), "bn3": bn_init(1024),
            "f1": lin_init(ks[3], 1024, 512), "bn4": bn_init(512),
            "f2": lin_init(ks[4], 512, 256), "bn5": bn_init(256),
            "f3": lin_init(ks[5], 256, k * k)}


def stn_apply(p, x):
    # x: (B, N, k) -> PointNet STNkd, returns x @ trans
    k = x.shape[-1]
    h = jax.nn.relu(bn(p["bn1"], lin(p["c1"], x)))
    h = jax.nn.relu(bn(p["bn2"], lin(p["c2"], h)))
    h = jax.nn.relu(bn(p["bn3"], lin(p["c3"], h)))
    g = jnp.max(h, axis=1)
    g = jax.nn.relu(bn(p["bn4"], lin(p["f1"], g)))
    g = jax.nn.relu(bn(p["bn5"], lin(p["f2"], g)))
    t = lin(p["f3"], g).reshape(-1, k, k) + jnp.eye(k, dtype=x.dtype)[None]
    return jnp.einsum("bnk,bkj->bnj", x, t)


def e2f_init(key, cin, hid, cout):
    k1, k2 = jax.random.split(key)
    return {"l1": lin_init(k1, 2 * cin, hid), "bn1": bn_init(hid),
            "l2": lin_init(k2, hid, cout), "bn2": bn_init(cout)}


def gather_neighbors(x, idx):
    # x: (B, N, C), idx: (B, N, k) -> (B, N, k, C)
    return jax.vmap(lambda xb, ib: xb[ib])(x, idx)


def e2f_apply(p, x, idx):
    # DGCNN-style edge conv: edge feature = concat(x_i, x_j - x_i), MLP, max over k
    nb = gather_neighbors(x, idx)
    ctr = jnp.broadcast_to(x[:, :, None, :], nb.shape)
    e = jnp.concatenate([ctr, nb - ctr], axis=-1)
    e = lrelu(bn(p["bn1"], lin(p["l1"], e)))
    e = lrelu(bn(p["bn2"], lin(p["l2"], e)))
    return jnp.max(e, axis=2)


def attn_init(key, c):
    k1, k2, k3 = jax.random.split(key, 3)
    return {"q": lin_init(k1, c, c // 8), "k": lin_init(k2, c, c // 8),
            "v": lin_init(k3, c, c), "gamma": jnp.zeros((1,), jnp.float32)}


def attn_apply(p, x):
    # SAGAN-style spatial self-attention over points
    q = lin(p["q"], x)
    k_ = lin(p["k"], x)
    v = lin(p["v"], x)
    energy = jnp.einsum("bnd,bmd->bnm", q, k_)
    a = jax.nn.softmax(energy, axis=-1)
    o = jnp.einsum("bnm,bmc->bnc", a, v)
    return p["gamma"] * o + x


def res_init(key, cin, cout, hid):
    k1, k2, k3 = jax.random.split(key, 3)
    p = {"l1": lin_init(k1, cin, hid), "bn1": bn_init(hid),
         "l2": lin_init(k2, hid, cout), "bn2": bn_init(cout)}
    if cin != cout:
        p["res"] = lin_init(k3, cin, cout)
        p["resbn"] = bn_init(cout)
    return p


def res_apply(p, x):
    h = lrelu(bn(p["bn1"], lin(p["l1"], x)))
    h = lrelu(bn(p["bn2"], lin(p["l2"], h)))
    r = bn(p["resbn"], lin(p["res"], x)) if "res" in p else x
    return h + r


def pairwise_sq(a, b):
    aa = jnp.sum(a * a, axis=-1)
    bb = jnp.sum(b * b, axis=-1)
    ab = jnp.einsum("bnd,bmd->bnm", a, b)
    return jnp.maximum(aa[:, :, None] + bb[:, None, :] - 2.0 * ab, 0.0)


def get_idx(k, pos):
    d = jax.lax.stop_gradient(pairwise_sq(pos, pos))
    _, idx = jax.lax.top_k(-d, k)
    return idx


def get_downsample_dilated_idx(k, sr, dr, pos):
    pos_d = pos[:, ::sr, :]
    d = jax.lax.stop_gradient(pairwise_sq(pos, pos_d))
    _, idx = jax.lax.top_k(-d, k * dr)
    return idx[:, :, ::dr] * sr


def swsnet_forward(x, pos, params):
    idx = get_idx(K, pos)
    sample_idx = [get_downsample_dilated_idx(K, sr, dr, pos)
                  for sr, dr in zip(SAMPLE_RATE, DILATED_RATE)]
    half = FEAT // 2
    c, n = x[..., :half], x[..., half:]
    c = stn_apply(params["stn_c"], c)
    c = e2f_apply(params["c_local"], c, idx)
    c = e2f_apply(params["c0"], c, sample_idx[0])
    c = e2f_apply(params["c1"], c, sample_idx[1])
    c = e2f_apply(params["c2"], c, sample_idx[2])
    c = attn_apply(params["c_att"], c)
    n = stn_apply(params["stn_n"], n)
    n = e2f_apply(params["n_local"], n, idx)
    n = e2f_apply(params["n0"], n, sample_idx[0])
    n = e2f_apply(params["n1"], n, sample_idx[1])
    n = e2f_apply(params["n2"], n, sample_idx[2])
    n = attn_apply(params["n_att"], n)
    h = jnp.concatenate([c, n], axis=-1)
    h = res_apply(params["res1"], h)
    h = res_apply(params["res2"], h)
    return lin(params["out"], h)


def init_params(key):
    ks = jax.random.split(key, 15)
    half = FEAT // 2
    return {"stn_c": stn_init(ks[0], half), "stn_n": stn_init(ks[1], half),
            "c_local": e2f_init(ks[2], half, 128, 128),
            "n_local": e2f_init(ks[3], half, 128, 128),
            "c0": e2f_init(ks[4], 128, 128, 128),
            "c1": e2f_init(ks[5], 128, 128, 128),
            "c2": e2f_init(ks[6], 128, 128, 256),
            "n0": e2f_init(ks[7], 128, 128, 128),
            "n1": e2f_init(ks[8], 128, 128, 128),
            "n2": e2f_init(ks[9], 128, 128, 256),
            "c_att": attn_init(ks[10], 256), "n_att": attn_init(ks[11], 256),
            "res1": res_init(ks[12], 512, 512, 512),
            "res2": res_init(ks[13], 512, 256, 256),
            "out": lin_init(ks[14], 256, NUM_CLASSES)}


def setup_inputs(seed: int = 0) -> dict:
    key = jax.random.key(seed)
    k1, k2, k3 = jax.random.split(key, 3)
    x = jax.random.normal(k1, (B, N, FEAT), dtype=jnp.float32)
    pos = jax.random.uniform(k2, (B, N, 3), dtype=jnp.float32)
    params = init_params(k3)
    return {"x": x, "pos": pos, "params": params}


def reference(x, pos, params):
    return swsnet_forward(x, pos, params)

if __name__ == "__main__":
    import jax
    _d = setup_inputs()
    print(jax.jit(kernel)(*tuple(_d.values())))

</pallas_src>

<mosaic_0001>
#map = affine_map<(d0, d1) -> (0, 0)>
module attributes {stable_mosaic.version = 14 : i64} {
  func.func @_sc_gather_body(%arg0: i32, %arg1: i32, %arg2: memref<8192x128xf32, #tpu.memory_space<hbm>>, %arg3: memref<1024x128xi32, #tpu.memory_space<hbm>>, %arg4: memref<131072x128xf32, #tpu.memory_space<hbm>>, %arg5: memref<32x128xi32, #tpu.memory_space<vmem>>, %arg6: memref<128x128xf32, #tpu.memory_space<vmem>>, %arg7: memref<128x128xf32, #tpu.memory_space<vmem>>, %arg8: memref<!tpu.dma_semaphore, #tpu.memory_space<semaphore_mem>>, %arg9: memref<!tpu.dma_semaphore, #tpu.memory_space<semaphore_mem>>) attributes {dimension_semantics = [#tpu.dimension_semantics<core_parallel>, #tpu.dimension_semantics<subcore_parallel>], iteration_bounds = array<i64: 2, 16>, scalar_prefetch = 0 : i64, scratch_operands = 5 : i64, tpu.core_type = #tpu.core_type<sc_vector_subcore>, window_params = [{transform_indices = #map}, {transform_indices = #map}, {transform_indices = #map}]} {
    %mul3A = arith.constant 2 : i32
    %mul3A_0 = arith.muli %arg1, %mul3A : i32
    %add3A = arith.addi %mul3A_0, %arg0 : i32
    %mul3A_1 = arith.constant 4096 : i32
    %mul3A_2 = arith.muli %add3A, %mul3A_1 : i32
    %mul3A_3 = arith.constant 32 : i32
    %mul3A_4 = arith.muli %add3A, %mul3A_3 : i32
    "tpu.region"() ({
      %run_scoped3A = tpu.sem_alloc : memref<!tpu.dma_semaphore, #tpu.memory_space<semaphore_mem>>
      %dma_start3A_23 = arith.constant 0 : i32
      %dma_start3A_24 = tpu.memref_slice %arg3[%mul3A_4, %dma_start3A_23] : memref<1024x128xi32, #tpu.memory_space<hbm>> -> memref<32x128xi32, #tpu.memory_space<hbm>>
      %dma_start3A_25 = arith.constant 0 : i32
      %dma_start3A_26 = tpu.memref_slice %arg3[%mul3A_4, %dma_start3A_25] : memref<1024x128xi32, #tpu.memory_space<hbm>> -> memref<32x128xi32, #tpu.memory_space<hbm>>
      tpu.enqueue_dma source(%dma_start3A_26 : memref<32x128xi32, #tpu.memory_space<hbm>>) target(%arg5 : memref<32x128xi32, #tpu.memory_space<vmem>>) target_semaphore(%run_scoped3A : memref<!tpu.dma_semaphore, #tpu.memory_space<semaphore_mem>>)
      %dma_wait3A = arith.constant 0 : i32
      %dma_wait3A_27 = tpu.memref_slice %arg3[%mul3A_4, %dma_wait3A] : memref<1024x128xi32, #tpu.memory_space<hbm>> -> memref<32x128xi32, #tpu.memory_space<hbm>>
      %dma_wait3A_28 = arith.constant 0 : i32
      %dma_wait3A_29 = tpu.memref_slice %arg3[%mul3A_4, %dma_wait3A_28] : memref<1024x128xi32, #tpu.memory_space<hbm>> -> memref<32x128xi32, #tpu.memory_space<hbm>>
      tpu.wait_dma2 semaphore(%run_scoped3A : memref<!tpu.dma_semaphore, #tpu.memory_space<semaphore_mem>>) src(%dma_wait3A_29 : memref<32x128xi32, #tpu.memory_space<hbm>>) dst(%arg5 : memref<32x128xi32, #tpu.memory_space<vmem>>)
      tpu.yield
    }) : () -> ()
    %dma_start3A = arith.constant 0 : i32
    %dma_start3A_5 = arith.constant 0 : i32
    %dma_start3A_6 = tpu.memref_slice %arg5[%dma_start3A, %dma_start3A_5] : memref<32x128xi32, #tpu.memory_space<vmem>> -> memref<1x128xi32, #tpu.memory_space<vmem>>
    %dma_start3A_7 = tpu.memref_squeeze %dma_start3A_6 : memref<1x128xi32, #tpu.memory_space<vmem>> -> memref<128xi32, #tpu.memory_space<vmem>>
    %dma_start3A_8 = arith.constant 0 : i32
    %dma_start3A_9 = arith.constant 0 : i32
    %dma_start3A_10 = tpu.memref_slice %arg2[%dma_start3A_8, %dma_start3A_9] : memref<8192x128xf32, #tpu.memory_space<hbm>> -> memref<8192x128xf32, #tpu.memory_space<hbm>>
    tpu.enqueue_indirect_dma source(%dma_start3A_10 : memref<8192x128xf32, #tpu.memory_space<hbm>>) target(%arg6 : memref<128x128xf32, #tpu.memory_space<vmem>>) offsets(%dma_start3A_7 : memref<128xi32, #tpu.memory_space<vmem>>) semaphore(%arg8 : memref<!tpu.dma_semaphore, #tpu.memory_space<semaphore_mem>>)
    %dma_start3A_11 = arith.constant 1 : i32
    %dma_start3A_12 = arith.constant 0 : i32
    %dma_start3A_13 = tpu.memref_slice %arg5[%dma_start3A_11, %dma_start3A_12] : memref<32x128xi32, #tpu.memory_space<vmem>> -> memref<1x128xi32, #tpu.memory_space<vmem>>
    %dma_start3A_14 = tpu.memref_squeeze %dma_start3A_13 : memref<1x128xi32, #tpu.memory_space<vmem>> -> memref<128xi32, #tpu.memory_space<vmem>>
    %dma_start3A_15 = arith.constant 0 : i32
    %dma_start3A_16 = arith.constant 0 : i32
    %dma_start3A_17 = tpu.memref_slice %arg2[%dma_start3A_15, %dma_start3A_16] : memref<8192x128xf32, #tpu.memory_space<hbm>> -> memref<8192x128xf32, #tpu.memory_space<hbm>>
    tpu.enqueue_indirect_dma source(%dma_start3A_17 : memref<8192x128xf32, #tpu.memory_space<hbm>>) target(%arg7 : memref<128x128xf32, #tpu.memory_space<vmem>>) offsets(%dma_start3A_14 : memref<128xi32, #tpu.memory_space<vmem>>) semaphore(%arg9 : memref<!tpu.dma_semaphore, #tpu.memory_space<semaphore_mem>>)
    %scan3A = arith.constant 0 : i32
    %scan3A_18 = arith.constant 0 : i32
    %scan3A_19 = arith.constant 16 : i32
    %scan3A_20 = arith.addi %scan3A_18, %scan3A_19 : i32
    %scan3A_21 = arith.constant 1 : i32
    scf.for %scan3A_23 = %scan3A_18 to %scan3A_20 step %scan3A_21  : i32 {
      %mul3A_24 = arith.constant 2 : i32
      %mul3A_25 = arith.muli %mul3A_24, %scan3A_23 : i32
      %dma_wait3A = arith.constant 0 : i32
      %dma_wait3A_26 = arith.constant 0 : i32
      %dma_wait3A_27 = tpu.memref_slice %arg2[%dma_wait3A, %dma_wait3A_26] : memref<8192x128xf32, #tpu.memory_space<hbm>> -> memref<128x128xf32, #tpu.memory_space<hbm>>
      %dma_wait3A_28 = arith.constant 0 : i32
      %dma_wait3A_29 = arith.constant 0 : i32
      %dma_wait3A_30 = tpu.memref_slice %arg2[%dma_wait3A_28, %dma_wait3A_29] : memref<8192x128xf32, #tpu.memory_space<hbm>> -> memref<128x128xf32, #tpu.memory_space<hbm>>
      tpu.wait_dma2 semaphore(%arg8 : memref<!tpu.dma_semaphore, #tpu.memory_space<semaphore_mem>>) src(%dma_wait3A_30 : memref<128x128xf32, #tpu.memory_space<hbm>>) dst(%arg6 : memref<128x128xf32, #tpu.memory_space<vmem>>)
      %mul3A_31 = arith.constant 128 : i32
      %mul3A_32 = arith.muli %mul3A_25, %mul3A_31 : i32
      %add3A_33 = arith.addi %mul3A_2, %mul3A_32 : i32
      "tpu.region"() ({
        %run_scoped3A = tpu.sem_alloc : memref<!tpu.dma_semaphore, #tpu.memory_space<semaphore_mem>>
        %dma_start3A_56 = arith.constant 0 : i32
        %dma_start3A_57 = tpu.memref_slice %arg4[%add3A_33, %dma_start3A_56] : memref<131072x128xf32, #tpu.memory_space<hbm>> -> memref<128x128xf32, #tpu.memory_space<hbm>>
        %dma_start3A_58 = arith.constant 0 : i32
        %dma_start3A_59 = tpu.memref_slice %arg4[%add3A_33, %dma_start3A_58] : memref<131072x128xf32, #tpu.memory_space<hbm>> -> memref<128x128xf32, #tpu.memory_space<hbm>>
        tpu.enqueue_dma source(%arg6 : memref<128x128xf32, #tpu.memory_space<vmem>>) target(%dma_start3A_59 : memref<128x128xf32, #tpu.memory_space<hbm>>) target_semaphore(%run_scoped3A : memref<!tpu.dma_semaphore, #tpu.memory_space<semaphore_mem>>)
        %dma_wait3A_60 = arith.constant 0 : i32
        %dma_wait3A_61 = tpu.memref_slice %arg4[%add3A_33, %dma_wait3A_60] : memref<131072x128xf32, #tpu.memory_space<hbm>> -> memref<128x128xf32, #tpu.memory_space<hbm>>
        %dma_wait3A_62 = arith.constant 0 : i32
        %dma_wait3A_63 = tpu.memref_slice %arg4[%add3A_33, %dma_wait3A_62] : memref<131072x128xf32, #tpu.memory_space<hbm>> -> memref<128x128xf32, #tpu.memory_space<hbm>>
        tpu.wait_dma2 semaphore(%run_scoped3A : memref<!tpu.dma_semaphore, #tpu.memory_space<semaphore_mem>>) src(%arg6 : memref<128x128xf32, #tpu.memory_space<vmem>>) dst(%dma_wait3A_63 : memref<128x128xf32, #tpu.memory_space<hbm>>)
        tpu.yield
      }) : () -> ()
      %add3A_34 = arith.constant 1 : i32
      %add3A_35 = arith.addi %scan3A_23, %add3A_34 : i32
      %lt3A = arith.constant 16 : i32
      %lt3A_36 = arith.cmpi slt, %add3A_35, %lt3A : i32
      %convert_element_type3A = arith.extui %lt3A_36 : i1 to i32
      %cond3A = arith.constant 0 : i32
      %cond3A_37 = arith.cmpi ne, %convert_element_type3A, %cond3A : i32
      scf.if %cond3A_37 {
        %add3A_56 = arith.constant 2 : i32
        %add3A_57 = arith.addi %mul3A_25, %add3A_56 : i32
        %dma_start3A_58 = arith.constant 0 : i32
        %dma_start3A_59 = tpu.memref_slice %arg5[%add3A_57, %dma_start3A_58] : memref<32x128xi32, #tpu.memory_space<vmem>> -> memref<1x128xi32, #tpu.memory_space<vmem>>
        %dma_start3A_60 = tpu.memref_squeeze %dma_start3A_59 : memref<1x128xi32, #tpu.memory_space<vmem>> -> memref<128xi32, #tpu.memory_space<vmem>>
        %dma_start3A_61 = arith.constant 0 : i32
        %dma_start3A_62 = arith.constant 0 : i32
        %dma_start3A_63 = tpu.memref_slice %arg2[%dma_start3A_61, %dma_start3A_62] : memref<8192x128xf32, #tpu.memory_space<hbm>> -> memref<8192x128xf32, #tpu.memory_space<hbm>>
        tpu.enqueue_indirect_dma source(%dma_start3A_63 : memref<8192x128xf32, #tpu.memory_space<hbm>>) target(%arg6 : memref<128x128xf32, #tpu.memory_space<vmem>>) offsets(%dma_start3A_60 : memref<128xi32, #tpu.memory_space<vmem>>) semaphore(%arg8 : memref<!tpu.dma_semaphore, #tpu.memory_space<semaphore_mem>>)
      } else {
      }
      %dma_wait3A_38 = arith.constant 0 : i32
      %dma_wait3A_39 = arith.constant 0 : i32
      %dma_wait3A_40 = tpu.memref_slice %arg2[%dma_wait3A_38, %dma_wait3A_39] : memref<8192x128xf32, #tpu.memory_space<hbm>> -> memref<128x128xf32, #tpu.memory_space<hbm>>
      %dma_wait3A_41 = arith.constant 0 : i32
      %dma_wait3A_42 = arith.constant 0 : i32
      %dma_wait3A_43 = tpu.memref_slice %arg2[%dma_wait3A_41, %dma_wait3A_42] : memref<8192x128xf32, #tpu.memory_space<hbm>> -> memref<128x128xf32, #tpu.memory_space<hbm>>
      tpu.wait_dma2 semaphore(%arg9 : memref<!tpu.dma_semaphore, #tpu.memory_space<semaphore_mem>>) src(%dma_wait3A_43 : memref<128x128xf32, #tpu.memory_space<hbm>>) dst(%arg7 : memref<128x128xf32, #tpu.memory_space<vmem>>)
      %add3A_44 = arith.constant 1 : i32
      %add3A_45 = arith.addi %mul3A_25, %add3A_44 : i32
      %mul3A_46 = arith.constant 128 : i32
      %mul3A_47 = arith.muli %add3A_45, %mul3A_46 : i32
      %add3A_48 = arith.addi %mul3A_2, %mul3A_47 : i32
      "tpu.region"() ({
        %run_scoped3A = tpu.sem_alloc : memref<!tpu.dma_semaphore, #tpu.memory_space<semaphore_mem>>
        %dma_start3A_56 = arith.constant 0 : i32
        %dma_start3A_57 = tpu.memref_slice %arg4[%add3A_48, %dma_start3A_56] : memref<131072x128xf32, #tpu.memory_space<hbm>> -> memref<128x128xf32, #tpu.memory_space<hbm>>
        %dma_start3A_58 = arith.constant 0 : i32
        %dma_start3A_59 = tpu.memref_slice %arg4[%add3A_48, %dma_start3A_58] : memref<131072x128xf32, #tpu.memory_space<hbm>> -> memref<128x128xf32, #tpu.memory_space<hbm>>
        tpu.enqueue_dma source(%arg7 : memref<128x128xf32, #tpu.memory_space<vmem>>) target(%dma_start3A_59 : memref<128x128xf32, #tpu.memory_space<hbm>>) target_semaphore(%run_scoped3A : memref<!tpu.dma_semaphore, #tpu.memory_space<semaphore_mem>>)
        %dma_wait3A_60 = arith.constant 0 : i32
        %dma_wait3A_61 = tpu.memref_slice %arg4[%add3A_48, %dma_wait3A_60] : memref<131072x128xf32, #tpu.memory_space<hbm>> -> memref<128x128xf32, #tpu.memory_space<hbm>>
        %dma_wait3A_62 = arith.constant 0 : i32
        %dma_wait3A_63 = tpu.memref_slice %arg4[%add3A_48, %dma_wait3A_62] : memref<131072x128xf32, #tpu.memory_space<hbm>> -> memref<128x128xf32, #tpu.memory_space<hbm>>
        tpu.wait_dma2 semaphore(%run_scoped3A : memref<!tpu.dma_semaphore, #tpu.memory_space<semaphore_mem>>) src(%arg7 : memref<128x128xf32, #tpu.memory_space<vmem>>) dst(%dma_wait3A_63 : memref<128x128xf32, #tpu.memory_space<hbm>>)
        tpu.yield
      }) : () -> ()
      %add3A_49 = arith.constant 1 : i32
      %add3A_50 = arith.addi %scan3A_23, %add3A_49 : i32
      %lt3A_51 = arith.constant 16 : i32
      %lt3A_52 = arith.cmpi slt, %add3A_50, %lt3A_51 : i32
      %convert_element_type3A_53 = arith.extui %lt3A_52 : i1 to i32
      %cond3A_54 = arith.constant 0 : i32
      %cond3A_55 = arith.cmpi ne, %convert_element_type3A_53, %cond3A_54 : i32
      scf.if %cond3A_55 {
        %add3A_56 = arith.constant 3 : i32
        %add3A_57 = arith.addi %mul3A_25, %add3A_56 : i32
        %dma_start3A_58 = arith.constant 0 : i32
        %dma_start3A_59 = tpu.memref_slice %arg5[%add3A_57, %dma_start3A_58] : memref<32x128xi32, #tpu.memory_space<vmem>> -> memref<1x128xi32, #tpu.memory_space<vmem>>
        %dma_start3A_60 = tpu.memref_squeeze %dma_start3A_59 : memref<1x128xi32, #tpu.memory_space<vmem>> -> memref<128xi32, #tpu.memory_space<vmem>>
        %dma_start3A_61 = arith.constant 0 : i32
        %dma_start3A_62 = arith.constant 0 : i32
        %dma_start3A_63 = tpu.memref_slice %arg2[%dma_start3A_61, %dma_start3A_62] : memref<8192x128xf32, #tpu.memory_space<hbm>> -> memref<8192x128xf32, #tpu.memory_space<hbm>>
        tpu.enqueue_indirect_dma source(%dma_start3A_63 : memref<8192x128xf32, #tpu.memory_space<hbm>>) target(%arg7 : memref<128x128xf32, #tpu.memory_space<vmem>>) offsets(%dma_start3A_60 : memref<128xi32, #tpu.memory_space<vmem>>) semaphore(%arg9 : memref<!tpu.dma_semaphore, #tpu.memory_space<semaphore_mem>>)
      } else {
      }
    }
    %scan3A_22 = arith.constant 16 : i32
    return
  }
}

#map = affine_map<(d0, d1) -> (0, 0)>
module attributes {stable_mosaic.version = 14 : i64} {
  func.func @_sc_gather_body(%arg0: i32, %arg1: i32, %arg2: memref<8192x128xf32, #tpu.memory_space<hbm>>, %arg3: memref<1024x128xi32, #tpu.memory_space<hbm>>, %arg4: memref<131072x128xf32, #tpu.memory_space<hbm>>, %arg5: memref<32x128xi32, #tpu.memory_space<vmem>>, %arg6: memref<128x128xf32, #tpu.memory_space<vmem>>, %arg7: memref<128x128xf32, #tpu.memory_space<vmem>>, %arg8: memref<!tpu.dma_semaphore, #tpu.memory_space<semaphore_mem>>, %arg9: memref<!tpu.dma_semaphore, #tpu.memory_space<semaphore_mem>>) attributes {dimension_semantics = [#tpu.dimension_semantics<core_parallel>, #tpu.dimension_semantics<subcore_parallel>], iteration_bounds = array<i64: 2, 16>, scalar_prefetch = 0 : i64, scratch_operands = 5 : i64, tpu.core_type = #tpu.core_type<sc_vector_subcore>, window_params = [{transform_indices = #map}, {transform_indices = #map}, {transform_indices = #map}]} {
    %mul3A = arith.constant 2 : i32
    %mul3A_0 = arith.muli %arg1, %mul3A : i32
    %add3A = arith.addi %mul3A_0, %arg0 : i32
    %mul3A_1 = arith.constant 4096 : i32
    %mul3A_2 = arith.muli %add3A, %mul3A_1 : i32
    %mul3A_3 = arith.constant 32 : i32
    %mul3A_4 = arith.muli %add3A, %mul3A_3 : i32
    "tpu.region"() ({
      %run_scoped3A = tpu.sem_alloc : memref<!tpu.dma_semaphore, #tpu.memory_space<semaphore_mem>>
      %dma_start3A_23 = arith.constant 0 : i32
      %dma_start3A_24 = tpu.memref_slice %arg3[%mul3A_4, %dma_start3A_23] : memref<1024x128xi32, #tpu.memory_space<hbm>> -> memref<32x128xi32, #tpu.memory_space<hbm>>
      %dma_start3A_25 = arith.constant 0 : i32
      %dma_start3A_26 = tpu.memref_slice %arg3[%mul3A_4, %dma_start3A_25] : memref<1024x128xi32, #tpu.memory_space<hbm>> -> memref<32x128xi32, #tpu.memory_space<hbm>>
      tpu.enqueue_dma source(%dma_start3A_26 : memref<32x128xi32, #tpu.memory_space<hbm>>) target(%arg5 : memref<32x128xi32, #tpu.memory_space<vmem>>) target_semaphore(%run_scoped3A : memref<!tpu.dma_semaphore, #tpu.memory_space<semaphore_mem>>)
      %dma_wait3A = arith.constant 0 : i32
      %dma_wait3A_27 = tpu.memref_slice %arg3[%mul3A_4, %dma_wait3A] : memref<1024x128xi32, #tpu.memory_space<hbm>> -> memref<32x128xi32, #tpu.memory_space<hbm>>
      %dma_wait3A_28 = arith.constant 0 : i32
      %dma_wait3A_29 = tpu.memref_slice %arg3[%mul3A_4, %dma_wait3A_28] : memref<1024x128xi32, #tpu.memory_space<hbm>> -> memref<32x128xi32, #tpu.memory_space<hbm>>
      tpu.wait_dma2 semaphore(%run_scoped3A : memref<!tpu.dma_semaphore, #tpu.memory_space<semaphore_mem>>) src(%dma_wait3A_29 : memref<32x128xi32, #tpu.memory_space<hbm>>) dst(%arg5 : memref<32x128xi32, #tpu.memory_space<vmem>>)
      tpu.yield
    }) : () -> ()
    %dma_start3A = arith.constant 0 : i32
    %dma_start3A_5 = arith.constant 0 : i32
    %dma_start3A_6 = tpu.memref_slice %arg5[%dma_start3A, %dma_start3A_5] : memref<32x128xi32, #tpu.memory_space<vmem>> -> memref<1x128xi32, #tpu.memory_space<vmem>>
    %dma_start3A_7 = tpu.memref_squeeze %dma_start3A_6 : memref<1x128xi32, #tpu.memory_space<vmem>> -> memref<128xi32, #tpu.memory_space<vmem>>
    %dma_start3A_8 = arith.constant 0 : i32
    %dma_start3A_9 = arith.constant 0 : i32
    %dma_start3A_10 = tpu.memref_slice %arg2[%dma_start3A_8, %dma_start3A_9] : memref<8192x128xf32, #tpu.memory_space<hbm>> -> memref<8192x128xf32, #tpu.memory_space<hbm>>
    tpu.enqueue_indirect_dma source(%dma_start3A_10 : memref<8192x128xf32, #tpu.memory_space<hbm>>) target(%arg6 : memref<128x128xf32, #tpu.memory_space<vmem>>) offsets(%dma_start3A_7 : memref<128xi32, #tpu.memory_space<vmem>>) semaphore(%arg8 : memref<!tpu.dma_semaphore, #tpu.memory_space<semaphore_mem>>)
    %dma_start3A_11 = arith.constant 1 : i32
    %dma_start3A_12 = arith.constant 0 : i32
    %dma_start3A_13 = tpu.memref_slice %arg5[%dma_start3A_11, %dma_start3A_12] : memref<32x128xi32, #tpu.memory_space<vmem>> -> memref<1x128xi32, #tpu.memory_space<vmem>>
    %dma_start3A_14 = tpu.memref_squeeze %dma_start3A_13 : memref<1x128xi32, #tpu.memory_space<vmem>> -> memref<128xi32, #tpu.memory_space<vmem>>
    %dma_start3A_15 = arith.constant 0 : i32
    %dma_start3A_16 = arith.constant 0 : i32
    %dma_start3A_17 = tpu.memref_slice %arg2[%dma_start3A_15, %dma_start3A_16] : memref<8192x128xf32, #tpu.memory_space<hbm>> -> memref<8192x128xf32, #tpu.memory_space<hbm>>
    tpu.enqueue_indirect_dma source(%dma_start3A_17 : memref<8192x128xf32, #tpu.memory_space<hbm>>) target(%arg7 : memref<128x128xf32, #tpu.memory_space<vmem>>) offsets(%dma_start3A_14 : memref<128xi32, #tpu.memory_space<vmem>>) semaphore(%arg9 : memref<!tpu.dma_semaphore, #tpu.memory_space<semaphore_mem>>)
    %scan3A = arith.constant 0 : i32
    %scan3A_18 = arith.constant 0 : i32
    %scan3A_19 = arith.constant 16 : i32
    %scan3A_20 = arith.addi %scan3A_18, %scan3A_19 : i32
    %scan3A_21 = arith.constant 1 : i32
    scf.for %scan3A_23 = %scan3A_18 to %scan3A_20 step %scan3A_21  : i32 {
      %mul3A_24 = arith.constant 2 : i32
      %mul3A_25 = arith.muli %mul3A_24, %scan3A_23 : i32
      %dma_wait3A = arith.constant 0 : i32
      %dma_wait3A_26 = arith.constant 0 : i32
      %dma_wait3A_27 = tpu.memref_slice %arg2[%dma_wait3A, %dma_wait3A_26] : memref<8192x128xf32, #tpu.memory_space<hbm>> -> memref<128x128xf32, #tpu.memory_space<hbm>>
      %dma_wait3A_28 = arith.constant 0 : i32
      %dma_wait3A_29 = arith.constant 0 : i32
      %dma_wait3A_30 = tpu.memref_slice %arg2[%dma_wait3A_28, %dma_wait3A_29] : memref<8192x128xf32, #tpu.memory_space<hbm>> -> memref<128x128xf32, #tpu.memory_space<hbm>>
      tpu.wait_dma2 semaphore(%arg8 : memref<!tpu.dma_semaphore, #tpu.memory_space<semaphore_mem>>) src(%dma_wait3A_30 : memref<128x128xf32, #tpu.memory_space<hbm>>) dst(%arg6 : memref<128x128xf32, #tpu.memory_space<vmem>>)
      %mul3A_31 = arith.constant 128 : i32
      %mul3A_32 = arith.muli %mul3A_25, %mul3A_31 : i32
      %add3A_33 = arith.addi %mul3A_2, %mul3A_32 : i32
      "tpu.region"() ({
        %run_scoped3A = tpu.sem_alloc : memref<!tpu.dma_semaphore, #tpu.memory_space<semaphore_mem>>
        %dma_start3A_56 = arith.constant 0 : i32
        %dma_start3A_57 = tpu.memref_slice %arg4[%add3A_33, %dma_start3A_56] : memref<131072x128xf32, #tpu.memory_space<hbm>> -> memref<128x128xf32, #tpu.memory_space<hbm>>
        %dma_start3A_58 = arith.constant 0 : i32
        %dma_start3A_59 = tpu.memref_slice %arg4[%add3A_33, %dma_start3A_58] : memref<131072x128xf32, #tpu.memory_space<hbm>> -> memref<128x128xf32, #tpu.memory_space<hbm>>
        tpu.enqueue_dma source(%arg6 : memref<128x128xf32, #tpu.memory_space<vmem>>) target(%dma_start3A_59 : memref<128x128xf32, #tpu.memory_space<hbm>>) target_semaphore(%run_scoped3A : memref<!tpu.dma_semaphore, #tpu.memory_space<semaphore_mem>>)
        %dma_wait3A_60 = arith.constant 0 : i32
        %dma_wait3A_61 = tpu.memref_slice %arg4[%add3A_33, %dma_wait3A_60] : memref<131072x128xf32, #tpu.memory_space<hbm>> -> memref<128x128xf32, #tpu.memory_space<hbm>>
        %dma_wait3A_62 = arith.constant 0 : i32
        %dma_wait3A_63 = tpu.memref_slice %arg4[%add3A_33, %dma_wait3A_62] : memref<131072x128xf32, #tpu.memory_space<hbm>> -> memref<128x128xf32, #tpu.memory_space<hbm>>
        tpu.wait_dma2 semaphore(%run_scoped3A : memref<!tpu.dma_semaphore, #tpu.memory_space<semaphore_mem>>) src(%arg6 : memref<128x128xf32, #tpu.memory_space<vmem>>) dst(%dma_wait3A_63 : memref<128x128xf32, #tpu.memory_space<hbm>>)
        tpu.yield
      }) : () -> ()
      %add3A_34 = arith.constant 1 : i32
      %add3A_35 = arith.addi %scan3A_23, %add3A_34 : i32
      %lt3A = arith.constant 16 : i32
      %lt3A_36 = arith.cmpi slt, %add3A_35, %lt3A : i32
      %convert_element_type3A = arith.extui %lt3A_36 : i1 to i32
      %cond3A = arith.constant 0 : i32
      %cond3A_37 = arith.cmpi ne, %convert_element_type3A, %cond3A : i32
      scf.if %cond3A_37 {
        %add3A_56 = arith.constant 2 : i32
        %add3A_57 = arith.addi %mul3A_25, %add3A_56 : i32
        %dma_start3A_58 = arith.constant 0 : i32
        %dma_start3A_59 = tpu.memref_slice %arg5[%add3A_57, %dma_start3A_58] : memref<32x128xi32, #tpu.memory_space<vmem>> -> memref<1x128xi32, #tpu.memory_space<vmem>>
        %dma_start3A_60 = tpu.memref_squeeze %dma_start3A_59 : memref<1x128xi32, #tpu.memory_space<vmem>> -> memref<128xi32, #tpu.memory_space<vmem>>
        %dma_start3A_61 = arith.constant 0 : i32
        %dma_start3A_62 = arith.constant 0 : i32
        %dma_start3A_63 = tpu.memref_slice %arg2[%dma_start3A_61, %dma_start3A_62] : memref<8192x128xf32, #tpu.memory_space<hbm>> -> memref<8192x128xf32, #tpu.memory_space<hbm>>
        tpu.enqueue_indirect_dma source(%dma_start3A_63 : memref<8192x128xf32, #tpu.memory_space<hbm>>) target(%arg6 : memref<128x128xf32, #tpu.memory_space<vmem>>) offsets(%dma_start3A_60 : memref<128xi32, #tpu.memory_space<vmem>>) semaphore(%arg8 : memref<!tpu.dma_semaphore, #tpu.memory_space<semaphore_mem>>)
      } else {
      }
      %dma_wait3A_38 = arith.constant 0 : i32
      %dma_wait3A_39 = arith.constant 0 : i32
      %dma_wait3A_40 = tpu.memref_slice %arg2[%dma_wait3A_38, %dma_wait3A_39] : memref<8192x128xf32, #tpu.memory_space<hbm>> -> memref<128x128xf32, #tpu.memory_space<hbm>>
      %dma_wait3A_41 = arith.constant 0 : i32
      %dma_wait3A_42 = arith.constant 0 : i32
      %dma_wait3A_43 = tpu.memref_slice %arg2[%dma_wait3A_41, %dma_wait3A_42] : memref<8192x128xf32, #tpu.memory_space<hbm>> -> memref<128x128xf32, #tpu.memory_space<hbm>>
      tpu.wait_dma2 semaphore(%arg9 : memref<!tpu.dma_semaphore, #tpu.memory_space<semaphore_mem>>) src(%dma_wait3A_43 : memref<128x128xf32, #tpu.memory_space<hbm>>) dst(%arg7 : memref<128x128xf32, #tpu.memory_space<vmem>>)
      %add3A_44 = arith.constant 1 : i32
      %add3A_45 = arith.addi %mul3A_25, %add3A_44 : i32
      %mul3A_46 = arith.constant 128 : i32
      %mul3A_47 = arith.muli %add3A_45, %mul3A_46 : i32
      %add3A_48 = arith.addi %mul3A_2, %mul3A_47 : i32
      "tpu.region"() ({
        %run_scoped3A = tpu.sem_alloc : memref<!tpu.dma_semaphore, #tpu.memory_space<semaphore_mem>>
        %dma_start3A_56 = arith.constant 0 : i32
        %dma_start3A_57 = tpu.memref_slice %arg4[%add3A_48, %dma_start3A_56] : memref<131072x128xf32, #tpu.memory_space<hbm>> -> memref<128x128xf32, #tpu.memory_space<hbm>>
        %dma_start3A_58 = arith.constant 0 : i32
        %dma_start3A_59 = tpu.memref_slice %arg4[%add3A_48, %dma_start3A_58] : memref<131072x128xf32, #tpu.memory_space<hbm>> -> memref<128x128xf32, #tpu.memory_space<hbm>>
        tpu.enqueue_dma source(%arg7 : memref<128x128xf32, #tpu.memory_space<vmem>>) target(%dma_start3A_59 : memref<128x128xf32, #tpu.memory_space<hbm>>) target_semaphore(%run_scoped3A : memref<!tpu.dma_semaphore, #tpu.memory_space<semaphore_mem>>)
        %dma_wait3A_60 = arith.constant 0 : i32
        %dma_wait3A_61 = tpu.memref_slice %arg4[%add3A_48, %dma_wait3A_60] : memref<131072x128xf32, #tpu.memory_space<hbm>> -> memref<128x128xf32, #tpu.memory_space<hbm>>
        %dma_wait3A_62 = arith.constant 0 : i32
        %dma_wait3A_63 = tpu.memref_slice %arg4[%add3A_48, %dma_wait3A_62] : memref<131072x128xf32, #tpu.memory_space<hbm>> -> memref<128x128xf32, #tpu.memory_space<hbm>>
        tpu.wait_dma2 semaphore(%run_scoped3A : memref<!tpu.dma_semaphore, #tpu.memory_space<semaphore_mem>>) src(%arg7 : memref<128x128xf32, #tpu.memory_space<vmem>>) dst(%dma_wait3A_63 : memref<128x128xf32, #tpu.memory_space<hbm>>)
        tpu.yield
      }) : () -> ()
      %add3A_49 = arith.constant 1 : i32
      %add3A_50 = arith.addi %scan3A_23, %add3A_49 : i32
      %lt3A_51 = arith.constant 16 : i32
      %lt3A_52 = arith.cmpi slt, %add3A_50, %lt3A_51 : i32
      %convert_element_type3A_53 = arith.extui %lt3A_52 : i1 to i32
      %cond3A_54 = arith.constant 0 : i32
      %cond3A_55 = arith.cmpi ne, %convert_element_type3A_53, %cond3A_54 : i32
      scf.if %cond3A_55 {
        %add3A_56 = arith.constant 3 : i32
        %add3A_57 = arith.addi %mul3A_25, %add3A_56 : i32
        %dma_start3A_58 = arith.constant 0 : i32
        %dma_start3A_59 = tpu.memref_slice %arg5[%add3A_57, %dma_start3A_58] : memref<32x128xi32, #tpu.memory_space<vmem>> -> memref<1x128xi32, #tpu.memory_space<vmem>>
        %dma_start3A_60 = tpu.memref_squeeze %dma_start3A_59 : memref<1x128xi32, #tpu.memory_space<vmem>> -> memref<128xi32, #tpu.memory_space<vmem>>
        %dma_start3A_61 = arith.constant 0 : i32
        %dma_start3A_62 = arith.constant 0 : i32
        %dma_start3A_63 = tpu.memref_slice %arg2[%dma_start3A_61, %dma_start3A_62] : memref<8192x128xf32, #tpu.memory_space<hbm>> -> memref<8192x128xf32, #tpu.memory_space<hbm>>
        tpu.enqueue_indirect_dma source(%dma_start3A_63 : memref<8192x128xf32, #tpu.memory_space<hbm>>) target(%arg7 : memref<128x128xf32, #tpu.memory_space<vmem>>) offsets(%dma_start3A_60 : memref<128xi32, #tpu.memory_space<vmem>>) semaphore(%arg9 : memref<!tpu.dma_semaphore, #tpu.memory_space<semaphore_mem>>)
      } else {
      }
    }
    %scan3A_22 = arith.constant 16 : i32
    return
  }
}

#map = affine_map<(d0, d1) -> (0, 0)>
module attributes {stable_mosaic.version = 14 : i64} {
  func.func @_sc_gather_body(%arg0: i32, %arg1: i32, %arg2: memref<8192x128xf32, #tpu.memory_space<hbm>>, %arg3: memref<1024x128xi32, #tpu.memory_space<hbm>>, %arg4: memref<131072x128xf32, #tpu.memory_space<hbm>>, %arg5: memref<32x128xi32, #tpu.memory_space<vmem>>, %arg6: memref<128x128xf32, #tpu.memory_space<vmem>>, %arg7: memref<128x128xf32, #tpu.memory_space<vmem>>, %arg8: memref<!tpu.dma_semaphore, #tpu.memory_space<semaphore_mem>>, %arg9: memref<!tpu.dma_semaphore, #tpu.memory_space<semaphore_mem>>) attributes {dimension_semantics = [#tpu.dimension_semantics<core_parallel>, #tpu.dimension_semantics<subcore_parallel>], iteration_bounds = array<i64: 2, 16>, scalar_prefetch = 0 : i64, scratch_operands = 5 : i64, tpu.core_type = #tpu.core_type<sc_vector_subcore>, window_params = [{transform_indices = #map}, {transform_indices = #map}, {transform_indices = #map}]} {
    %mul3A = arith.constant 2 : i32
    %mul3A_0 = arith.muli %arg1, %mul3A : i32
    %add3A = arith.addi %mul3A_0, %arg0 : i32
    %mul3A_1 = arith.constant 4096 : i32
    %mul3A_2 = arith.muli %add3A, %mul3A_1 : i32
    %mul3A_3 = arith.constant 32 : i32
    %mul3A_4 = arith.muli %add3A, %mul3A_3 : i32
    "tpu.region"() ({
      %run_scoped3A = tpu.sem_alloc : memref<!tpu.dma_semaphore, #tpu.memory_space<semaphore_mem>>
      %dma_start3A_23 = arith.constant 0 : i32
      %dma_start3A_24 = tpu.memref_slice %arg3[%mul3A_4, %dma_start3A_23] : memref<1024x128xi32, #tpu.memory_space<hbm>> -> memref<32x128xi32, #tpu.memory_space<hbm>>
      %dma_start3A_25 = arith.constant 0 : i32
      %dma_start3A_26 = tpu.memref_slice %arg3[%mul3A_4, %dma_start3A_25] : memref<1024x128xi32, #tpu.memory_space<hbm>> -> memref<32x128xi32, #tpu.memory_space<hbm>>
      tpu.enqueue_dma source(%dma_start3A_26 : memref<32x128xi32, #tpu.memory_space<hbm>>) target(%arg5 : memref<32x128xi32, #tpu.memory_space<vmem>>) target_semaphore(%run_scoped3A : memref<!tpu.dma_semaphore, #tpu.memory_space<semaphore_mem>>)
      %dma_wait3A = arith.constant 0 : i32
      %dma_wait3A_27 = tpu.memref_slice %arg3[%mul3A_4, %dma_wait3A] : memref<1024x128xi32, #tpu.memory_space<hbm>> -> memref<32x128xi32, #tpu.memory_space<hbm>>
      %dma_wait3A_28 = arith.constant 0 : i32
      %dma_wait3A_29 = tpu.memref_slice %arg3[%mul3A_4, %dma_wait3A_28] : memref<1024x128xi32, #tpu.memory_space<hbm>> -> memref<32x128xi32, #tpu.memory_space<hbm>>
      tpu.wait_dma2 semaphore(%run_scoped3A : memref<!tpu.dma_semaphore, #tpu.memory_space<semaphore_mem>>) src(%dma_wait3A_29 : memref<32x128xi32, #tpu.memory_space<hbm>>) dst(%arg5 : memref<32x128xi32, #tpu.memory_space<vmem>>)
      tpu.yield
    }) : () -> ()
    %dma_start3A = arith.constant 0 : i32
    %dma_start3A_5 = arith.constant 0 : i32
    %dma_start3A_6 = tpu.memref_slice %arg5[%dma_start3A, %dma_start3A_5] : memref<32x128xi32, #tpu.memory_space<vmem>> -> memref<1x128xi32, #tpu.memory_space<vmem>>
    %dma_start3A_7 = tpu.memref_squeeze %dma_start3A_6 : memref<1x128xi32, #tpu.memory_space<vmem>> -> memref<128xi32, #tpu.memory_space<vmem>>
    %dma_start3A_8 = arith.constant 0 : i32
    %dma_start3A_9 = arith.constant 0 : i32
    %dma_start3A_10 = tpu.memref_slice %arg2[%dma_start3A_8, %dma_start3A_9] : memref<8192x128xf32, #tpu.memory_space<hbm>> -> memref<8192x128xf32, #tpu.memory_space<hbm>>
    tpu.enqueue_indirect_dma source(%dma_start3A_10 : memref<8192x128xf32, #tpu.memory_space<hbm>>) target(%arg6 : memref<128x128xf32, #tpu.memory_space<vmem>>) offsets(%dma_start3A_7 : memref<128xi32, #tpu.memory_space<vmem>>) semaphore(%arg8 : memref<!tpu.dma_semaphore, #tpu.memory_space<semaphore_mem>>)
    %dma_start3A_11 = arith.constant 1 : i32
    %dma_start3A_12 = arith.constant 0 : i32
    %dma_start3A_13 = tpu.memref_slice %arg5[%dma_start3A_11, %dma_start3A_12] : memref<32x128xi32, #tpu.memory_space<vmem>> -> memref<1x128xi32, #tpu.memory_space<vmem>>
    %dma_start3A_14 = tpu.memref_squeeze %dma_start3A_13 : memref<1x128xi32, #tpu.memory_space<vmem>> -> memref<128xi32, #tpu.memory_space<vmem>>
    %dma_start3A_15 = arith.constant 0 : i32
    %dma_start3A_16 = arith.constant 0 : i32
    %dma_start3A_17 = tpu.memref_slice %arg2[%dma_start3A_15, %dma_start3A_16] : memref<8192x128xf32, #tpu.memory_space<hbm>> -> memref<8192x128xf32, #tpu.memory_space<hbm>>
    tpu.enqueue_indirect_dma source(%dma_start3A_17 : memref<8192x128xf32, #tpu.memory_space<hbm>>) target(%arg7 : memref<128x128xf32, #tpu.memory_space<vmem>>) offsets(%dma_start3A_14 : memref<128xi32, #tpu.memory_space<vmem>>) semaphore(%arg9 : memref<!tpu.dma_semaphore, #tpu.memory_space<semaphore_mem>>)
    %scan3A = arith.constant 0 : i32
    %scan3A_18 = arith.constant 0 : i32
    %scan3A_19 = arith.constant 16 : i32
    %scan3A_20 = arith.addi %scan3A_18, %scan3A_19 : i32
    %scan3A_21 = arith.constant 1 : i32
    scf.for %scan3A_23 = %scan3A_18 to %scan3A_20 step %scan3A_21  : i32 {
      %mul3A_24 = arith.constant 2 : i32
      %mul3A_25 = arith.muli %mul3A_24, %scan3A_23 : i32
      %dma_wait3A = arith.constant 0 : i32
      %dma_wait3A_26 = arith.constant 0 : i32
      %dma_wait3A_27 = tpu.memref_slice %arg2[%dma_wait3A, %dma_wait3A_26] : memref<8192x128xf32, #tpu.memory_space<hbm>> -> memref<128x128xf32, #tpu.memory_space<hbm>>
      %dma_wait3A_28 = arith.constant 0 : i32
      %dma_wait3A_29 = arith.constant 0 : i32
      %dma_wait3A_30 = tpu.memref_slice %arg2[%dma_wait3A_28, %dma_wait3A_29] : memref<8192x128xf32, #tpu.memory_space<hbm>> -> memref<128x128xf32, #tpu.memory_space<hbm>>
      tpu.wait_dma2 semaphore(%arg8 : memref<!tpu.dma_semaphore, #tpu.memory_space<semaphore_mem>>) src(%dma_wait3A_30 : memref<128x128xf32, #tpu.memory_space<hbm>>) dst(%arg6 : memref<128x128xf32, #tpu.memory_space<vmem>>)
      %mul3A_31 = arith.constant 128 : i32
      %mul3A_32 = arith.muli %mul3A_25, %mul3A_31 : i32
      %add3A_33 = arith.addi %mul3A_2, %mul3A_32 : i32
      "tpu.region"() ({
        %run_scoped3A = tpu.sem_alloc : memref<!tpu.dma_semaphore, #tpu.memory_space<semaphore_mem>>
        %dma_start3A_56 = arith.constant 0 : i32
        %dma_start3A_57 = tpu.memref_slice %arg4[%add3A_33, %dma_start3A_56] : memref<131072x128xf32, #tpu.memory_space<hbm>> -> memref<128x128xf32, #tpu.memory_space<hbm>>
        %dma_start3A_58 = arith.constant 0 : i32
        %dma_start3A_59 = tpu.memref_slice %arg4[%add3A_33, %dma_start3A_58] : memref<131072x128xf32, #tpu.memory_space<hbm>> -> memref<128x128xf32, #tpu.memory_space<hbm>>
        tpu.enqueue_dma source(%arg6 : memref<128x128xf32, #tpu.memory_space<vmem>>) target(%dma_start3A_59 : memref<128x128xf32, #tpu.memory_space<hbm>>) target_semaphore(%run_scoped3A : memref<!tpu.dma_semaphore, #tpu.memory_space<semaphore_mem>>)
        %dma_wait3A_60 = arith.constant 0 : i32
        %dma_wait3A_61 = tpu.memref_slice %arg4[%add3A_33, %dma_wait3A_60] : memref<131072x128xf32, #tpu.memory_space<hbm>> -> memref<128x128xf32, #tpu.memory_space<hbm>>
        %dma_wait3A_62 = arith.constant 0 : i32
        %dma_wait3A_63 = tpu.memref_slice %arg4[%add3A_33, %dma_wait3A_62] : memref<131072x128xf32, #tpu.memory_space<hbm>> -> memref<128x128xf32, #tpu.memory_space<hbm>>
        tpu.wait_dma2 semaphore(%run_scoped3A : memref<!tpu.dma_semaphore, #tpu.memory_space<semaphore_mem>>) src(%arg6 : memref<128x128xf32, #tpu.memory_space<vmem>>) dst(%dma_wait3A_63 : memref<128x128xf32, #tpu.memory_space<hbm>>)
        tpu.yield
      }) : () -> ()
      %add3A_34 = arith.constant 1 : i32
      %add3A_35 = arith.addi %scan3A_23, %add3A_34 : i32
      %lt3A = arith.constant 16 : i32
      %lt3A_36 = arith.cmpi slt, %add3A_35, %lt3A : i32
      %convert_element_type3A = arith.extui %lt3A_36 : i1 to i32
      %cond3A = arith.constant 0 : i32
      %cond3A_37 = arith.cmpi ne, %convert_element_type3A, %cond3A : i32
      scf.if %cond3A_37 {
        %add3A_56 = arith.constant 2 : i32
        %add3A_57 = arith.addi %mul3A_25, %add3A_56 : i32
        %dma_start3A_58 = arith.constant 0 : i32
        %dma_start3A_59 = tpu.memref_slice %arg5[%add3A_57, %dma_start3A_58] : memref<32x128xi32, #tpu.memory_space<vmem>> -> memref<1x128xi32, #tpu.memory_space<vmem>>
        %dma_start3A_60 = tpu.memref_squeeze %dma_start3A_59 : memref<1x128xi32, #tpu.memory_space<vmem>> -> memref<128xi32, #tpu.memory_space<vmem>>
        %dma_start3A_61 = arith.constant 0 : i32
        %dma_start3A_62 = arith.constant 0 : i32
        %dma_start3A_63 = tpu.memref_slice %arg2[%dma_start3A_61, %dma_start3A_62] : memref<8192x128xf32, #tpu.memory_space<hbm>> -> memref<8192x128xf32, #tpu.memory_space<hbm>>
        tpu.enqueue_indirect_dma source(%dma_start3A_63 : memref<8192x128xf32, #tpu.memory_space<hbm>>) target(%arg6 : memref<128x128xf32, #tpu.memory_space<vmem>>) offsets(%dma_start3A_60 : memref<128xi32, #tpu.memory_space<vmem>>) semaphore(%arg8 : memref<!tpu.dma_semaphore, #tpu.memory_space<semaphore_mem>>)
      } else {
      }
      %dma_wait3A_38 = arith.constant 0 : i32
      %dma_wait3A_39 = arith.constant 0 : i32
      %dma_wait3A_40 = tpu.memref_slice %arg2[%dma_wait3A_38, %dma_wait3A_39] : memref<8192x128xf32, #tpu.memory_space<hbm>> -> memref<128x128xf32, #tpu.memory_space<hbm>>
      %dma_wait3A_41 = arith.constant 0 : i32
      %dma_wait3A_42 = arith.constant 0 : i32
      %dma_wait3A_43 = tpu.memref_slice %arg2[%dma_wait3A_41, %dma_wait3A_42] : memref<8192x128xf32, #tpu.memory_space<hbm>> -> memref<128x128xf32, #tpu.memory_space<hbm>>
      tpu.wait_dma2 semaphore(%arg9 : memref<!tpu.dma_semaphore, #tpu.memory_space<semaphore_mem>>) src(%dma_wait3A_43 : memref<128x128xf32, #tpu.memory_space<hbm>>) dst(%arg7 : memref<128x128xf32, #tpu.memory_space<vmem>>)
      %add3A_44 = arith.constant 1 : i32
      %add3A_45 = arith.addi %mul3A_25, %add3A_44 : i32
      %mul3A_46 = arith.constant 128 : i32
      %mul3A_47 = arith.muli %add3A_45, %mul3A_46 : i32
      %add3A_48 = arith.addi %mul3A_2, %mul3A_47 : i32
      "tpu.region"() ({
        %run_scoped3A = tpu.sem_alloc : memref<!tpu.dma_semaphore, #tpu.memory_space<semaphore_mem>>
        %dma_start3A_56 = arith.constant 0 : i32
        %dma_start3A_57 = tpu.memref_slice %arg4[%add3A_48, %dma_start3A_56] : memref<131072x128xf32, #tpu.memory_space<hbm>> -> memref<128x128xf32, #tpu.memory_space<hbm>>
        %dma_start3A_58 = arith.constant 0 : i32
        %dma_start3A_59 = tpu.memref_slice %arg4[%add3A_48, %dma_start3A_58] : memref<131072x128xf32, #tpu.memory_space<hbm>> -> memref<128x128xf32, #tpu.memory_space<hbm>>
        tpu.enqueue_dma source(%arg7 : memref<128x128xf32, #tpu.memory_space<vmem>>) target(%dma_start3A_59 : memref<128x128xf32, #tpu.memory_space<hbm>>) target_semaphore(%run_scoped3A : memref<!tpu.dma_semaphore, #tpu.memory_space<semaphore_mem>>)
        %dma_wait3A_60 = arith.constant 0 : i32
        %dma_wait3A_61 = tpu.memref_slice %arg4[%add3A_48, %dma_wait3A_60] : memref<131072x128xf32, #tpu.memory_space<hbm>> -> memref<128x128xf32, #tpu.memory_space<hbm>>
        %dma_wait3A_62 = arith.constant 0 : i32
        %dma_wait3A_63 = tpu.memref_slice %arg4[%add3A_48, %dma_wait3A_62] : memref<131072x128xf32, #tpu.memory_space<hbm>> -> memref<128x128xf32, #tpu.memory_space<hbm>>
        tpu.wait_dma2 semaphore(%run_scoped3A : memref<!tpu.dma_semaphore, #tpu.memory_space<semaphore_mem>>) src(%arg7 : memref<128x128xf32, #tpu.memory_space<vmem>>) dst(%dma_wait3A_63 : memref<128x128xf32, #tpu.memory_space<hbm>>)
        tpu.yield
      }) : () -> ()
      %add3A_49 = arith.constant 1 : i32
      %add3A_50 = arith.addi %scan3A_23, %add3A_49 : i32
      %lt3A_51 = arith.constant 16 : i32
      %lt3A_52 = arith.cmpi slt, %add3A_50, %lt3A_51 : i32
      %convert_element_type3A_53 = arith.extui %lt3A_52 : i1 to i32
      %cond3A_54 = arith.constant 0 : i32
      %cond3A_55 = arith.cmpi ne, %convert_element_type3A_53, %cond3A_54 : i32
      scf.if %cond3A_55 {
        %add3A_56 = arith.constant 3 : i32
        %add3A_57 = arith.addi %mul3A_25, %add3A_56 : i32
        %dma_start3A_58 = arith.constant 0 : i32
        %dma_start3A_59 = tpu.memref_slice %arg5[%add3A_57, %dma_start3A_58] : memref<32x128xi32, #tpu.memory_space<vmem>> -> memref<1x128xi32, #tpu.memory_space<vmem>>
        %dma_start3A_60 = tpu.memref_squeeze %dma_start3A_59 : memref<1x128xi32, #tpu.memory_space<vmem>> -> memref<128xi32, #tpu.memory_space<vmem>>
        %dma_start3A_61 = arith.constant 0 : i32
        %dma_start3A_62 = arith.constant 0 : i32
        %dma_start3A_63 = tpu.memref_slice %arg2[%dma_start3A_61, %dma_start3A_62] : memref<8192x128xf32, #tpu.memory_space<hbm>> -> memref<8192x128xf32, #tpu.memory_space<hbm>>
        tpu.enqueue_indirect_dma source(%dma_start3A_63 : memref<8192x128xf32, #tpu.memory_space<hbm>>) target(%arg7 : memref<128x128xf32, #tpu.memory_space<vmem>>) offsets(%dma_start3A_60 : memref<128xi32, #tpu.memory_space<vmem>>) semaphore(%arg9 : memref<!tpu.dma_semaphore, #tpu.memory_space<semaphore_mem>>)
      } else {
      }
    }
    %scan3A_22 = arith.constant 16 : i32
    return
  }
}

#map = affine_map<(d0, d1) -> (0, 0)>
module attributes {stable_mosaic.version = 14 : i64} {
  func.func @_sc_gather_body(%arg0: i32, %arg1: i32, %arg2: memref<8192x128xf32, #tpu.memory_space<hbm>>, %arg3: memref<1024x128xi32, #tpu.memory_space<hbm>>, %arg4: memref<131072x128xf32, #tpu.memory_space<hbm>>, %arg5: memref<32x128xi32, #tpu.memory_space<vmem>>, %arg6: memref<128x128xf32, #tpu.memory_space<vmem>>, %arg7: memref<128x128xf32, #tpu.memory_space<vmem>>, %arg8: memref<!tpu.dma_semaphore, #tpu.memory_space<semaphore_mem>>, %arg9: memref<!tpu.dma_semaphore, #tpu.memory_space<semaphore_mem>>) attributes {dimension_semantics = [#tpu.dimension_semantics<core_parallel>, #tpu.dimension_semantics<subcore_parallel>], iteration_bounds = array<i64: 2, 16>, scalar_prefetch = 0 : i64, scratch_operands = 5 : i64, tpu.core_type = #tpu.core_type<sc_vector_subcore>, window_params = [{transform_indices = #map}, {transform_indices = #map}, {transform_indices = #map}]} {
    %mul3A = arith.constant 2 : i32
    %mul3A_0 = arith.muli %arg1, %mul3A : i32
    %add3A = arith.addi %mul3A_0, %arg0 : i32
    %mul3A_1 = arith.constant 4096 : i32
    %mul3A_2 = arith.muli %add3A, %mul3A_1 : i32
    %mul3A_3 = arith.constant 32 : i32
    %mul3A_4 = arith.muli %add3A, %mul3A_3 : i32
    "tpu.region"() ({
      %run_scoped3A = tpu.sem_alloc : memref<!tpu.dma_semaphore, #tpu.memory_space<semaphore_mem>>
      %dma_start3A_23 = arith.constant 0 : i32
      %dma_start3A_24 = tpu.memref_slice %arg3[%mul3A_4, %dma_start3A_23] : memref<1024x128xi32, #tpu.memory_space<hbm>> -> memref<32x128xi32, #tpu.memory_space<hbm>>
      %dma_start3A_25 = arith.constant 0 : i32
      %dma_start3A_26 = tpu.memref_slice %arg3[%mul3A_4, %dma_start3A_25] : memref<1024x128xi32, #tpu.memory_space<hbm>> -> memref<32x128xi32, #tpu.memory_space<hbm>>
      tpu.enqueue_dma source(%dma_start3A_26 : memref<32x128xi32, #tpu.memory_space<hbm>>) target(%arg5 : memref<32x128xi32, #tpu.memory_space<vmem>>) target_semaphore(%run_scoped3A : memref<!tpu.dma_semaphore, #tpu.memory_space<semaphore_mem>>)
      %dma_wait3A = arith.constant 0 : i32
      %dma_wait3A_27 = tpu.memref_slice %arg3[%mul3A_4, %dma_wait3A] : memref<1024x128xi32, #tpu.memory_space<hbm>> -> memref<32x128xi32, #tpu.memory_space<hbm>>
      %dma_wait3A_28 = arith.constant 0 : i32
      %dma_wait3A_29 = tpu.memref_slice %arg3[%mul3A_4, %dma_wait3A_28] : memref<1024x128xi32, #tpu.memory_space<hbm>> -> memref<32x128xi32, #tpu.memory_space<hbm>>
      tpu.wait_dma2 semaphore(%run_scoped3A : memref<!tpu.dma_semaphore, #tpu.memory_space<semaphore_mem>>) src(%dma_wait3A_29 : memref<32x128xi32, #tpu.memory_space<hbm>>) dst(%arg5 : memref<32x128xi32, #tpu.memory_space<vmem>>)
      tpu.yield
    }) : () -> ()
    %dma_start3A = arith.constant 0 : i32
    %dma_start3A_5 = arith.constant 0 : i32
    %dma_start3A_6 = tpu.memref_slice %arg5[%dma_start3A, %dma_start3A_5] : memref<32x128xi32, #tpu.memory_space<vmem>> -> memref<1x128xi32, #tpu.memory_space<vmem>>
    %dma_start3A_7 = tpu.memref_squeeze %dma_start3A_6 : memref<1x128xi32, #tpu.memory_space<vmem>> -> memref<128xi32, #tpu.memory_space<vmem>>
    %dma_start3A_8 = arith.constant 0 : i32
    %dma_start3A_9 = arith.constant 0 : i32
    %dma_start3A_10 = tpu.memref_slice %arg2[%dma_start3A_8, %dma_start3A_9] : memref<8192x128xf32, #tpu.memory_space<hbm>> -> memref<8192x128xf32, #tpu.memory_space<hbm>>
    tpu.enqueue_indirect_dma source(%dma_start3A_10 : memref<8192x128xf32, #tpu.memory_space<hbm>>) target(%arg6 : memref<128x128xf32, #tpu.memory_space<vmem>>) offsets(%dma_start3A_7 : memref<128xi32, #tpu.memory_space<vmem>>) semaphore(%arg8 : memref<!tpu.dma_semaphore, #tpu.memory_space<semaphore_mem>>)
    %dma_start3A_11 = arith.constant 1 : i32
    %dma_start3A_12 = arith.constant 0 : i32
    %dma_start3A_13 = tpu.memref_slice %arg5[%dma_start3A_11, %dma_start3A_12] : memref<32x128xi32, #tpu.memory_space<vmem>> -> memref<1x128xi32, #tpu.memory_space<vmem>>
    %dma_start3A_14 = tpu.memref_squeeze %dma_start3A_13 : memref<1x128xi32, #tpu.memory_space<vmem>> -> memref<128xi32, #tpu.memory_space<vmem>>
    %dma_start3A_15 = arith.constant 0 : i32
    %dma_start3A_16 = arith.constant 0 : i32
    %dma_start3A_17 = tpu.memref_slice %arg2[%dma_start3A_15, %dma_start3A_16] : memref<8192x128xf32, #tpu.memory_space<hbm>> -> memref<8192x128xf32, #tpu.memory_space<hbm>>
    tpu.enqueue_indirect_dma source(%dma_start3A_17 : memref<8192x128xf32, #tpu.memory_space<hbm>>) target(%arg7 : memref<128x128xf32, #tpu.memory_space<vmem>>) offsets(%dma_start3A_14 : memref<128xi32, #tpu.memory_space<vmem>>) semaphore(%arg9 : memref<!tpu.dma_semaphore, #tpu.memory_space<semaphore_mem>>)
    %scan3A = arith.constant 0 : i32
    %scan3A_18 = arith.constant 0 : i32
    %scan3A_19 = arith.constant 16 : i32
    %scan3A_20 = arith.addi %scan3A_18, %scan3A_19 : i32
    %scan3A_21 = arith.constant 1 : i32
    scf.for %scan3A_23 = %scan3A_18 to %scan3A_20 step %scan3A_21  : i32 {
      %mul3A_24 = arith.constant 2 : i32
      %mul3A_25 = arith.muli %mul3A_24, %scan3A_23 : i32
      %dma_wait3A = arith.constant 0 : i32
      %dma_wait3A_26 = arith.constant 0 : i32
      %dma_wait3A_27 = tpu.memref_slice %arg2[%dma_wait3A, %dma_wait3A_26] : memref<8192x128xf32, #tpu.memory_space<hbm>> -> memref<128x128xf32, #tpu.memory_space<hbm>>
      %dma_wait3A_28 = arith.constant 0 : i32
      %dma_wait3A_29 = arith.constant 0 : i32
      %dma_wait3A_30 = tpu.memref_slice %arg2[%dma_wait3A_28, %dma_wait3A_29] : memref<8192x128xf32, #tpu.memory_space<hbm>> -> memref<128x128xf32, #tpu.memory_space<hbm>>
      tpu.wait_dma2 semaphore(%arg8 : memref<!tpu.dma_semaphore, #tpu.memory_space<semaphore_mem>>) src(%dma_wait3A_30 : memref<128x128xf32, #tpu.memory_space<hbm>>) dst(%arg6 : memref<128x128xf32, #tpu.memory_space<vmem>>)
      %mul3A_31 = arith.constant 128 : i32
      %mul3A_32 = arith.muli %mul3A_25, %mul3A_31 : i32
      %add3A_33 = arith.addi %mul3A_2, %mul3A_32 : i32
      "tpu.region"() ({
        %run_scoped3A = tpu.sem_alloc : memref<!tpu.dma_semaphore, #tpu.memory_space<semaphore_mem>>
        %dma_start3A_56 = arith.constant 0 : i32
        %dma_start3A_57 = tpu.memref_slice %arg4[%add3A_33, %dma_start3A_56] : memref<131072x128xf32, #tpu.memory_space<hbm>> -> memref<128x128xf32, #tpu.memory_space<hbm>>
        %dma_start3A_58 = arith.constant 0 : i32
        %dma_start3A_59 = tpu.memref_slice %arg4[%add3A_33, %dma_start3A_58] : memref<131072x128xf32, #tpu.memory_space<hbm>> -> memref<128x128xf32, #tpu.memory_space<hbm>>
        tpu.enqueue_dma source(%arg6 : memref<128x128xf32, #tpu.memory_space<vmem>>) target(%dma_start3A_59 : memref<128x128xf32, #tpu.memory_space<hbm>>) target_semaphore(%run_scoped3A : memref<!tpu.dma_semaphore, #tpu.memory_space<semaphore_mem>>)
        %dma_wait3A_60 = arith.constant 0 : i32
        %dma_wait3A_61 = tpu.memref_slice %arg4[%add3A_33, %dma_wait3A_60] : memref<131072x128xf32, #tpu.memory_space<hbm>> -> memref<128x128xf32, #tpu.memory_space<hbm>>
        %dma_wait3A_62 = arith.constant 0 : i32
        %dma_wait3A_63 = tpu.memref_slice %arg4[%add3A_33, %dma_wait3A_62] : memref<131072x128xf32, #tpu.memory_space<hbm>> -> memref<128x128xf32, #tpu.memory_space<hbm>>
        tpu.wait_dma2 semaphore(%run_scoped3A : memref<!tpu.dma_semaphore, #tpu.memory_space<semaphore_mem>>) src(%arg6 : memref<128x128xf32, #tpu.memory_space<vmem>>) dst(%dma_wait3A_63 : memref<128x128xf32, #tpu.memory_space<hbm>>)
        tpu.yield
      }) : () -> ()
      %add3A_34 = arith.constant 1 : i32
      %add3A_35 = arith.addi %scan3A_23, %add3A_34 : i32
      %lt3A = arith.constant 16 : i32
      %lt3A_36 = arith.cmpi slt, %add3A_35, %lt3A : i32
      %convert_element_type3A = arith.extui %lt3A_36 : i1 to i32
      %cond3A = arith.constant 0 : i32
      %cond3A_37 = arith.cmpi ne, %convert_element_type3A, %cond3A : i32
      scf.if %cond3A_37 {
        %add3A_56 = arith.constant 2 : i32
        %add3A_57 = arith.addi %mul3A_25, %add3A_56 : i32
        %dma_start3A_58 = arith.constant 0 : i32
        %dma_start3A_59 = tpu.memref_slice %arg5[%add3A_57, %dma_start3A_58] : memref<32x128xi32, #tpu.memory_space<vmem>> -> memref<1x128xi32, #tpu.memory_space<vmem>>
        %dma_start3A_60 = tpu.memref_squeeze %dma_start3A_59 : memref<1x128xi32, #tpu.memory_space<vmem>> -> memref<128xi32, #tpu.memory_space<vmem>>
        %dma_start3A_61 = arith.constant 0 : i32
        %dma_start3A_62 = arith.constant 0 : i32
        %dma_start3A_63 = tpu.memref_slice %arg2[%dma_start3A_61, %dma_start3A_62] : memref<8192x128xf32, #tpu.memory_space<hbm>> -> memref<8192x128xf32, #tpu.memory_space<hbm>>
        tpu.enqueue_indirect_dma source(%dma_start3A_63 : memref<8192x128xf32, #tpu.memory_space<hbm>>) target(%arg6 : memref<128x128xf32, #tpu.memory_space<vmem>>) offsets(%dma_start3A_60 : memref<128xi32, #tpu.memory_space<vmem>>) semaphore(%arg8 : memref<!tpu.dma_semaphore, #tpu.memory_space<semaphore_mem>>)
      } else {
      }
      %dma_wait3A_38 = arith.constant 0 : i32
      %dma_wait3A_39 = arith.constant 0 : i32
      %dma_wait3A_40 = tpu.memref_slice %arg2[%dma_wait3A_38, %dma_wait3A_39] : memref<8192x128xf32, #tpu.memory_space<hbm>> -> memref<128x128xf32, #tpu.memory_space<hbm>>
      %dma_wait3A_41 = arith.constant 0 : i32
      %dma_wait3A_42 = arith.constant 0 : i32
      %dma_wait3A_43 = tpu.memref_slice %arg2[%dma_wait3A_41, %dma_wait3A_42] : memref<8192x128xf32, #tpu.memory_space<hbm>> -> memref<128x128xf32, #tpu.memory_space<hbm>>
      tpu.wait_dma2 semaphore(%arg9 : memref<!tpu.dma_semaphore, #tpu.memory_space<semaphore_mem>>) src(%dma_wait3A_43 : memref<128x128xf32, #tpu.memory_space<hbm>>) dst(%arg7 : memref<128x128xf32, #tpu.memory_space<vmem>>)
      %add3A_44 = arith.constant 1 : i32
      %add3A_45 = arith.addi %mul3A_25, %add3A_44 : i32
      %mul3A_46 = arith.constant 128 : i32
      %mul3A_47 = arith.muli %add3A_45, %mul3A_46 : i32
      %add3A_48 = arith.addi %mul3A_2, %mul3A_47 : i32
      "tpu.region"() ({
        %run_scoped3A = tpu.sem_alloc : memref<!tpu.dma_semaphore, #tpu.memory_space<semaphore_mem>>
        %dma_start3A_56 = arith.constant 0 : i32
        %dma_start3A_57 = tpu.memref_slice %arg4[%add3A_48, %dma_start3A_56] : memref<131072x128xf32, #tpu.memory_space<hbm>> -> memref<128x128xf32, #tpu.memory_space<hbm>>
        %dma_start3A_58 = arith.constant 0 : i32
        %dma_start3A_59 = tpu.memref_slice %arg4[%add3A_48, %dma_start3A_58] : memref<131072x128xf32, #tpu.memory_space<hbm>> -> memref<128x128xf32, #tpu.memory_space<hbm>>
        tpu.enqueue_dma source(%arg7 : memref<128x128xf32, #tpu.memory_space<vmem>>) target(%dma_start3A_59 : memref<128x128xf32, #tpu.memory_space<hbm>>) target_semaphore(%run_scoped3A : memref<!tpu.dma_semaphore, #tpu.memory_space<semaphore_mem>>)
        %dma_wait3A_60 = arith.constant 0 : i32
        %dma_wait3A_61 = tpu.memref_slice %arg4[%add3A_48, %dma_wait3A_60] : memref<131072x128xf32, #tpu.memory_space<hbm>> -> memref<128x128xf32, #tpu.memory_space<hbm>>
        %dma_wait3A_62 = arith.constant 0 : i32
        %dma_wait3A_63 = tpu.memref_slice %arg4[%add3A_48, %dma_wait3A_62] : memref<131072x128xf32, #tpu.memory_space<hbm>> -> memref<128x128xf32, #tpu.memory_space<hbm>>
        tpu.wait_dma2 semaphore(%run_scoped3A : memref<!tpu.dma_semaphore, #tpu.memory_space<semaphore_mem>>) src(%arg7 : memref<128x128xf32, #tpu.memory_space<vmem>>) dst(%dma_wait3A_63 : memref<128x128xf32, #tpu.memory_space<hbm>>)
        tpu.yield
      }) : () -> ()
      %add3A_49 = arith.constant 1 : i32
      %add3A_50 = arith.addi %scan3A_23, %add3A_49 : i32
      %lt3A_51 = arith.constant 16 : i32
      %lt3A_52 = arith.cmpi slt, %add3A_50, %lt3A_51 : i32
      %convert_element_type3A_53 = arith.extui %lt3A_52 : i1 to i32
      %cond3A_54 = arith.constant 0 : i32
      %cond3A_55 = arith.cmpi ne, %convert_element_type3A_53, %cond3A_54 : i32
      scf.if %cond3A_55 {
        %add3A_56 = arith.constant 3 : i32
        %add3A_57 = arith.addi %mul3A_25, %add3A_56 : i32
        %dma_start3A_58 = arith.constant 0 : i32
        %dma_start3A_59 = tpu.memref_slice %arg5[%add3A_57, %dma_start3A_58] : memref<32x128xi32, #tpu.memory_space<vmem>> -> memref<1x128xi32, #tpu.memory_space<vmem>>
        %dma_start3A_60 = tpu.memref_squeeze %dma_start3A_59 : memref<1x128xi32, #tpu.memory_space<vmem>> -> memref<128xi32, #tpu.memory_space<vmem>>
        %dma_start3A_61 = arith.constant 0 : i32
        %dma_start3A_62 = arith.constant 0 : i32
        %dma_start3A_63 = tpu.memref_slice %arg2[%dma_start3A_61, %dma_start3A_62] : memref<8192x128xf32, #tpu.memory_space<hbm>> -> memref<8192x128xf32, #tpu.memory_space<hbm>>
        tpu.enqueue_indirect_dma source(%dma_start3A_63 : memref<8192x128xf32, #tpu.memory_space<hbm>>) target(%arg7 : memref<128x128xf32, #tpu.memory_space<vmem>>) offsets(%dma_start3A_60 : memref<128xi32, #tpu.memory_space<vmem>>) semaphore(%arg9 : memref<!tpu.dma_semaphore, #tpu.memory_space<semaphore_mem>>)
      } else {
      }
    }
    %scan3A_22 = arith.constant 16 : i32
    return
  }
}

#map = affine_map<(d0, d1) -> (0, 0)>
module attributes {stable_mosaic.version = 14 : i64} {
  func.func @_sc_gather_body(%arg0: i32, %arg1: i32, %arg2: memref<8192x128xf32, #tpu.memory_space<hbm>>, %arg3: memref<1024x128xi32, #tpu.memory_space<hbm>>, %arg4: memref<131072x128xf32, #tpu.memory_space<hbm>>, %arg5: memref<32x128xi32, #tpu.memory_space<vmem>>, %arg6: memref<128x128xf32, #tpu.memory_space<vmem>>, %arg7: memref<128x128xf32, #tpu.memory_space<vmem>>, %arg8: memref<!tpu.dma_semaphore, #tpu.memory_space<semaphore_mem>>, %arg9: memref<!tpu.dma_semaphore, #tpu.memory_space<semaphore_mem>>) attributes {dimension_semantics = [#tpu.dimension_semantics<core_parallel>, #tpu.dimension_semantics<subcore_parallel>], iteration_bounds = array<i64: 2, 16>, scalar_prefetch = 0 : i64, scratch_operands = 5 : i64, tpu.core_type = #tpu.core_type<sc_vector_subcore>, window_params = [{transform_indices = #map}, {transform_indices = #map}, {transform_indices = #map}]} {
    %mul3A = arith.constant 2 : i32
    %mul3A_0 = arith.muli %arg1, %mul3A : i32
    %add3A = arith.addi %mul3A_0, %arg0 : i32
    %mul3A_1 = arith.constant 4096 : i32
    %mul3A_2 = arith.muli %add3A, %mul3A_1 : i32
    %mul3A_3 = arith.constant 32 : i32
    %mul3A_4 = arith.muli %add3A, %mul3A_3 : i32
    "tpu.region"() ({
      %run_scoped3A = tpu.sem_alloc : memref<!tpu.dma_semaphore, #tpu.memory_space<semaphore_mem>>
      %dma_start3A_23 = arith.constant 0 : i32
      %dma_start3A_24 = tpu.memref_slice %arg3[%mul3A_4, %dma_start3A_23] : memref<1024x128xi32, #tpu.memory_space<hbm>> -> memref<32x128xi32, #tpu.memory_space<hbm>>
      %dma_start3A_25 = arith.constant 0 : i32
      %dma_start3A_26 = tpu.memref_slice %arg3[%mul3A_4, %dma_start3A_25] : memref<1024x128xi32, #tpu.memory_space<hbm>> -> memref<32x128xi32, #tpu.memory_space<hbm>>
      tpu.enqueue_dma source(%dma_start3A_26 : memref<32x128xi32, #tpu.memory_space<hbm>>) target(%arg5 : memref<32x128xi32, #tpu.memory_space<vmem>>) target_semaphore(%run_scoped3A : memref<!tpu.dma_semaphore, #tpu.memory_space<semaphore_mem>>)
      %dma_wait3A = arith.constant 0 : i32
      %dma_wait3A_27 = tpu.memref_slice %arg3[%mul3A_4, %dma_wait3A] : memref<1024x128xi32, #tpu.memory_space<hbm>> -> memref<32x128xi32, #tpu.memory_space<hbm>>
      %dma_wait3A_28 = arith.constant 0 : i32
      %dma_wait3A_29 = tpu.memref_slice %arg3[%mul3A_4, %dma_wait3A_28] : memref<1024x128xi32, #tpu.memory_space<hbm>> -> memref<32x128xi32, #tpu.memory_space<hbm>>
      tpu.wait_dma2 semaphore(%run_scoped3A : memref<!tpu.dma_semaphore, #tpu.memory_space<semaphore_mem>>) src(%dma_wait3A_29 : memref<32x128xi32, #tpu.memory_space<hbm>>) dst(%arg5 : memref<32x128xi32, #tpu.memory_space<vmem>>)
      tpu.yield
    }) : () -> ()
    %dma_start3A = arith.constant 0 : i32
    %dma_start3A_5 = arith.constant 0 : i32
    %dma_start3A_6 = tpu.memref_slice %arg5[%dma_start3A, %dma_start3A_5] : memref<32x128xi32, #tpu.memory_space<vmem>> -> memref<1x128xi32, #tpu.memory_space<vmem>>
    %dma_start3A_7 = tpu.memref_squeeze %dma_start3A_6 : memref<1x128xi32, #tpu.memory_space<vmem>> -> memref<128xi32, #tpu.memory_space<vmem>>
    %dma_start3A_8 = arith.constant 0 : i32
    %dma_start3A_9 = arith.constant 0 : i32
    %dma_start3A_10 = tpu.memref_slice %arg2[%dma_start3A_8, %dma_start3A_9] : memref<8192x128xf32, #tpu.memory_space<hbm>> -> memref<8192x128xf32, #tpu.memory_space<hbm>>
    tpu.enqueue_indirect_dma source(%dma_start3A_10 : memref<8192x128xf32, #tpu.memory_space<hbm>>) target(%arg6 : memref<128x128xf32, #tpu.memory_space<vmem>>) offsets(%dma_start3A_7 : memref<128xi32, #tpu.memory_space<vmem>>) semaphore(%arg8 : memref<!tpu.dma_semaphore, #tpu.memory_space<semaphore_mem>>)
    %dma_start3A_11 = arith.constant 1 : i32
    %dma_start3A_12 = arith.constant 0 : i32
    %dma_start3A_13 = tpu.memref_slice %arg5[%dma_start3A_11, %dma_start3A_12] : memref<32x128xi32, #tpu.memory_space<vmem>> -> memref<1x128xi32, #tpu.memory_space<vmem>>
    %dma_start3A_14 = tpu.memref_squeeze %dma_start3A_13 : memref<1x128xi32, #tpu.memory_space<vmem>> -> memref<128xi32, #tpu.memory_space<vmem>>
    %dma_start3A_15 = arith.constant 0 : i32
    %dma_start3A_16 = arith.constant 0 : i32
    %dma_start3A_17 = tpu.memref_slice %arg2[%dma_start3A_15, %dma_start3A_16] : memref<8192x128xf32, #tpu.memory_space<hbm>> -> memref<8192x128xf32, #tpu.memory_space<hbm>>
    tpu.enqueue_indirect_dma source(%dma_start3A_17 : memref<8192x128xf32, #tpu.memory_space<hbm>>) target(%arg7 : memref<128x128xf32, #tpu.memory_space<vmem>>) offsets(%dma_start3A_14 : memref<128xi32, #tpu.memory_space<vmem>>) semaphore(%arg9 : memref<!tpu.dma_semaphore, #tpu.memory_space<semaphore_mem>>)
    %scan3A = arith.constant 0 : i32
    %scan3A_18 = arith.constant 0 : i32
    %scan3A_19 = arith.constant 16 : i32
    %scan3A_20 = arith.addi %scan3A_18, %scan3A_19 : i32
    %scan3A_21 = arith.constant 1 : i32
    scf.for %scan3A_23 = %scan3A_18 to %scan3A_20 step %scan3A_21  : i32 {
      %mul3A_24 = arith.constant 2 : i32
      %mul3A_25 = arith.muli %mul3A_24, %scan3A_23 : i32
      %dma_wait3A = arith.constant 0 : i32
      %dma_wait3A_26 = arith.constant 0 : i32
      %dma_wait3A_27 = tpu.memref_slice %arg2[%dma_wait3A, %dma_wait3A_26] : memref<8192x128xf32, #tpu.memory_space<hbm>> -> memref<128x128xf32, #tpu.memory_space<hbm>>
      %dma_wait3A_28 = arith.constant 0 : i32
      %dma_wait3A_29 = arith.constant 0 : i32
      %dma_wait3A_30 = tpu.memref_slice %arg2[%dma_wait3A_28, %dma_wait3A_29] : memref<8192x128xf32, #tpu.memory_space<hbm>> -> memref<128x128xf32, #tpu.memory_space<hbm>>
      tpu.wait_dma2 semaphore(%arg8 : memref<!tpu.dma_semaphore, #tpu.memory_space<semaphore_mem>>) src(%dma_wait3A_30 : memref<128x128xf32, #tpu.memory_space<hbm>>) dst(%arg6 : memref<128x128xf32, #tpu.memory_space<vmem>>)
      %mul3A_31 = arith.constant 128 : i32
      %mul3A_32 = arith.muli %mul3A_25, %mul3A_31 : i32
      %add3A_33 = arith.addi %mul3A_2, %mul3A_32 : i32
      "tpu.region"() ({
        %run_scoped3A = tpu.sem_alloc : memref<!tpu.dma_semaphore, #tpu.memory_space<semaphore_mem>>
        %dma_start3A_56 = arith.constant 0 : i32
        %dma_start3A_57 = tpu.memref_slice %arg4[%add3A_33, %dma_start3A_56] : memref<131072x128xf32, #tpu.memory_space<hbm>> -> memref<128x128xf32, #tpu.memory_space<hbm>>
        %dma_start3A_58 = arith.constant 0 : i32
        %dma_start3A_59 = tpu.memref_slice %arg4[%add3A_33, %dma_start3A_58] : memref<131072x128xf32, #tpu.memory_space<hbm>> -> memref<128x128xf32, #tpu.memory_space<hbm>>
        tpu.enqueue_dma source(%arg6 : memref<128x128xf32, #tpu.memory_space<vmem>>) target(%dma_start3A_59 : memref<128x128xf32, #tpu.memory_space<hbm>>) target_semaphore(%run_scoped3A : memref<!tpu.dma_semaphore, #tpu.memory_space<semaphore_mem>>)
        %dma_wait3A_60 = arith.constant 0 : i32
        %dma_wait3A_61 = tpu.memref_slice %arg4[%add3A_33, %dma_wait3A_60] : memref<131072x128xf32, #tpu.memory_space<hbm>> -> memref<128x128xf32, #tpu.memory_space<hbm>>
        %dma_wait3A_62 = arith.constant 0 : i32
        %dma_wait3A_63 = tpu.memref_slice %arg4[%add3A_33, %dma_wait3A_62] : memref<131072x128xf32, #tpu.memory_space<hbm>> -> memref<128x128xf32, #tpu.memory_space<hbm>>
        tpu.wait_dma2 semaphore(%run_scoped3A : memref<!tpu.dma_semaphore, #tpu.memory_space<semaphore_mem>>) src(%arg6 : memref<128x128xf32, #tpu.memory_space<vmem>>) dst(%dma_wait3A_63 : memref<128x128xf32, #tpu.memory_space<hbm>>)
        tpu.yield
      }) : () -> ()
      %add3A_34 = arith.constant 1 : i32
      %add3A_35 = arith.addi %scan3A_23, %add3A_34 : i32
      %lt3A = arith.constant 16 : i32
      %lt3A_36 = arith.cmpi slt, %add3A_35, %lt3A : i32
      %convert_element_type3A = arith.extui %lt3A_36 : i1 to i32
      %cond3A = arith.constant 0 : i32
      %cond3A_37 = arith.cmpi ne, %convert_element_type3A, %cond3A : i32
      scf.if %cond3A_37 {
        %add3A_56 = arith.constant 2 : i32
        %add3A_57 = arith.addi %mul3A_25, %add3A_56 : i32
        %dma_start3A_58 = arith.constant 0 : i32
        %dma_start3A_59 = tpu.memref_slice %arg5[%add3A_57, %dma_start3A_58] : memref<32x128xi32, #tpu.memory_space<vmem>> -> memref<1x128xi32, #tpu.memory_space<vmem>>
        %dma_start3A_60 = tpu.memref_squeeze %dma_start3A_59 : memref<1x128xi32, #tpu.memory_space<vmem>> -> memref<128xi32, #tpu.memory_space<vmem>>
        %dma_start3A_61 = arith.constant 0 : i32
        %dma_start3A_62 = arith.constant 0 : i32
        %dma_start3A_63 = tpu.memref_slice %arg2[%dma_start3A_61, %dma_start3A_62] : memref<8192x128xf32, #tpu.memory_space<hbm>> -> memref<8192x128xf32, #tpu.memory_space<hbm>>
        tpu.enqueue_indirect_dma source(%dma_start3A_63 : memref<8192x128xf32, #tpu.memory_space<hbm>>) target(%arg6 : memref<128x128xf32, #tpu.memory_space<vmem>>) offsets(%dma_start3A_60 : memref<128xi32, #tpu.memory_space<vmem>>) semaphore(%arg8 : memref<!tpu.dma_semaphore, #tpu.memory_space<semaphore_mem>>)
      } else {
      }
      %dma_wait3A_38 = arith.constant 0 : i32
      %dma_wait3A_39 = arith.constant 0 : i32
      %dma_wait3A_40 = tpu.memref_slice %arg2[%dma_wait3A_38, %dma_wait3A_39] : memref<8192x128xf32, #tpu.memory_space<hbm>> -> memref<128x128xf32, #tpu.memory_space<hbm>>
      %dma_wait3A_41 = arith.constant 0 : i32
      %dma_wait3A_42 = arith.constant 0 : i32
      %dma_wait3A_43 = tpu.memref_slice %arg2[%dma_wait3A_41, %dma_wait3A_42] : memref<8192x128xf32, #tpu.memory_space<hbm>> -> memref<128x128xf32, #tpu.memory_space<hbm>>
      tpu.wait_dma2 semaphore(%arg9 : memref<!tpu.dma_semaphore, #tpu.memory_space<semaphore_mem>>) src(%dma_wait3A_43 : memref<128x128xf32, #tpu.memory_space<hbm>>) dst(%arg7 : memref<128x128xf32, #tpu.memory_space<vmem>>)
      %add3A_44 = arith.constant 1 : i32
      %add3A_45 = arith.addi %mul3A_25, %add3A_44 : i32
      %mul3A_46 = arith.constant 128 : i32
      %mul3A_47 = arith.muli %add3A_45, %mul3A_46 : i32
      %add3A_48 = arith.addi %mul3A_2, %mul3A_47 : i32
      "tpu.region"() ({
        %run_scoped3A = tpu.sem_alloc : memref<!tpu.dma_semaphore, #tpu.memory_space<semaphore_mem>>
        %dma_start3A_56 = arith.constant 0 : i32
        %dma_start3A_57 = tpu.memref_slice %arg4[%add3A_48, %dma_start3A_56] : memref<131072x128xf32, #tpu.memory_space<hbm>> -> memref<128x128xf32, #tpu.memory_space<hbm>>
        %dma_start3A_58 = arith.constant 0 : i32
        %dma_start3A_59 = tpu.memref_slice %arg4[%add3A_48, %dma_start3A_58] : memref<131072x128xf32, #tpu.memory_space<hbm>> -> memref<128x128xf32, #tpu.memory_space<hbm>>
        tpu.enqueue_dma source(%arg7 : memref<128x128xf32, #tpu.memory_space<vmem>>) target(%dma_start3A_59 : memref<128x128xf32, #tpu.memory_space<hbm>>) target_semaphore(%run_scoped3A : memref<!tpu.dma_semaphore, #tpu.memory_space<semaphore_mem>>)
        %dma_wait3A_60 = arith.constant 0 : i32
        %dma_wait3A_61 = tpu.memref_slice %arg4[%add3A_48, %dma_wait3A_60] : memref<131072x128xf32, #tpu.memory_space<hbm>> -> memref<128x128xf32, #tpu.memory_space<hbm>>
        %dma_wait3A_62 = arith.constant 0 : i32
        %dma_wait3A_63 = tpu.memref_slice %arg4[%add3A_48, %dma_wait3A_62] : memref<131072x128xf32, #tpu.memory_space<hbm>> -> memref<128x128xf32, #tpu.memory_space<hbm>>
        tpu.wait_dma2 semaphore(%run_scoped3A : memref<!tpu.dma_semaphore, #tpu.memory_space<semaphore_mem>>) src(%arg7 : memref<128x128xf32, #tpu.memory_space<vmem>>) dst(%dma_wait3A_63 : memref<128x128xf32, #tpu.memory_space<hbm>>)
        tpu.yield
      }) : () -> ()
      %add3A_49 = arith.constant 1 : i32
      %add3A_50 = arith.addi %scan3A_23, %add3A_49 : i32
      %lt3A_51 = arith.constant 16 : i32
      %lt3A_52 = arith.cmpi slt, %add3A_50, %lt3A_51 : i32
      %convert_element_type3A_53 = arith.extui %lt3A_52 : i1 to i32
      %cond3A_54 = arith.constant 0 : i32
      %cond3A_55 = arith.cmpi ne, %convert_element_type3A_53, %cond3A_54 : i32
      scf.if %cond3A_55 {
        %add3A_56 = arith.constant 3 : i32
        %add3A_57 = arith.addi %mul3A_25, %add3A_56 : i32
        %dma_start3A_58 = arith.constant 0 : i32
        %dma_start3A_59 = tpu.memref_slice %arg5[%add3A_57, %dma_start3A_58] : memref<32x128xi32, #tpu.memory_space<vmem>> -> memref<1x128xi32, #tpu.memory_space<vmem>>
        %dma_start3A_60 = tpu.memref_squeeze %dma_start3A_59 : memref<1x128xi32, #tpu.memory_space<vmem>> -> memref<128xi32, #tpu.memory_space<vmem>>
        %dma_start3A_61 = arith.constant 0 : i32
        %dma_start3A_62 = arith.constant 0 : i32
        %dma_start3A_63 = tpu.memref_slice %arg2[%dma_start3A_61, %dma_start3A_62] : memref<8192x128xf32, #tpu.memory_space<hbm>> -> memref<8192x128xf32, #tpu.memory_space<hbm>>
        tpu.enqueue_indirect_dma source(%dma_start3A_63 : memref<8192x128xf32, #tpu.memory_space<hbm>>) target(%arg7 : memref<128x128xf32, #tpu.memory_space<vmem>>) offsets(%dma_start3A_60 : memref<128xi32, #tpu.memory_space<vmem>>) semaphore(%arg9 : memref<!tpu.dma_semaphore, #tpu.memory_space<semaphore_mem>>)
      } else {
      }
    }
    %scan3A_22 = arith.constant 16 : i32
    return
  }
}

#map = affine_map<(d0, d1) -> (0, 0)>
module attributes {stable_mosaic.version = 14 : i64} {
  func.func @_sc_gather_body(%arg0: i32, %arg1: i32, %arg2: memref<8192x128xf32, #tpu.memory_space<hbm>>, %arg3: memref<1024x128xi32, #tpu.memory_space<hbm>>, %arg4: memref<131072x128xf32, #tpu.memory_space<hbm>>, %arg5: memref<32x128xi32, #tpu.memory_space<vmem>>, %arg6: memref<128x128xf32, #tpu.memory_space<vmem>>, %arg7: memref<128x128xf32, #tpu.memory_space<vmem>>, %arg8: memref<!tpu.dma_semaphore, #tpu.memory_space<semaphore_mem>>, %arg9: memref<!tpu.dma_semaphore, #tpu.memory_space<semaphore_mem>>) attributes {dimension_semantics = [#tpu.dimension_semantics<core_parallel>, #tpu.dimension_semantics<subcore_parallel>], iteration_bounds = array<i64: 2, 16>, scalar_prefetch = 0 : i64, scratch_operands = 5 : i64, tpu.core_type = #tpu.core_type<sc_vector_subcore>, window_params = [{transform_indices = #map}, {transform_indices = #map}, {transform_indices = #map}]} {
    %mul3A = arith.constant 2 : i32
    %mul3A_0 = arith.muli %arg1, %mul3A : i32
    %add3A = arith.addi %mul3A_0, %arg0 : i32
    %mul3A_1 = arith.constant 4096 : i32
    %mul3A_2 = arith.muli %add3A, %mul3A_1 : i32
    %mul3A_3 = arith.constant 32 : i32
    %mul3A_4 = arith.muli %add3A, %mul3A_3 : i32
    "tpu.region"() ({
      %run_scoped3A = tpu.sem_alloc : memref<!tpu.dma_semaphore, #tpu.memory_space<semaphore_mem>>
      %dma_start3A_23 = arith.constant 0 : i32
      %dma_start3A_24 = tpu.memref_slice %arg3[%mul3A_4, %dma_start3A_23] : memref<1024x128xi32, #tpu.memory_space<hbm>> -> memref<32x128xi32, #tpu.memory_space<hbm>>
      %dma_start3A_25 = arith.constant 0 : i32
      %dma_start3A_26 = tpu.memref_slice %arg3[%mul3A_4, %dma_start3A_25] : memref<1024x128xi32, #tpu.memory_space<hbm>> -> memref<32x128xi32, #tpu.memory_space<hbm>>
      tpu.enqueue_dma source(%dma_start3A_26 : memref<32x128xi32, #tpu.memory_space<hbm>>) target(%arg5 : memref<32x128xi32, #tpu.memory_space<vmem>>) target_semaphore(%run_scoped3A : memref<!tpu.dma_semaphore, #tpu.memory_space<semaphore_mem>>)
      %dma_wait3A = arith.constant 0 : i32
      %dma_wait3A_27 = tpu.memref_slice %arg3[%mul3A_4, %dma_wait3A] : memref<1024x128xi32, #tpu.memory_space<hbm>> -> memref<32x128xi32, #tpu.memory_space<hbm>>
      %dma_wait3A_28 = arith.constant 0 : i32
      %dma_wait3A_29 = tpu.memref_slice %arg3[%mul3A_4, %dma_wait3A_28] : memref<1024x128xi32, #tpu.memory_space<hbm>> -> memref<32x128xi32, #tpu.memory_space<hbm>>
      tpu.wait_dma2 semaphore(%run_scoped3A : memref<!tpu.dma_semaphore, #tpu.memory_space<semaphore_mem>>) src(%dma_wait3A_29 : memref<32x128xi32, #tpu.memory_space<hbm>>) dst(%arg5 : memref<32x128xi32, #tpu.memory_space<vmem>>)
      tpu.yield
    }) : () -> ()
    %dma_start3A = arith.constant 0 : i32
    %dma_start3A_5 = arith.constant 0 : i32
    %dma_start3A_6 = tpu.memref_slice %arg5[%dma_start3A, %dma_start3A_5] : memref<32x128xi32, #tpu.memory_space<vmem>> -> memref<1x128xi32, #tpu.memory_space<vmem>>
    %dma_start3A_7 = tpu.memref_squeeze %dma_start3A_6 : memref<1x128xi32, #tpu.memory_space<vmem>> -> memref<128xi32, #tpu.memory_space<vmem>>
    %dma_start3A_8 = arith.constant 0 : i32
    %dma_start3A_9 = arith.constant 0 : i32
    %dma_start3A_10 = tpu.memref_slice %arg2[%dma_start3A_8, %dma_start3A_9] : memref<8192x128xf32, #tpu.memory_space<hbm>> -> memref<8192x128xf32, #tpu.memory_space<hbm>>
    tpu.enqueue_indirect_dma source(%dma_start3A_10 : memref<8192x128xf32, #tpu.memory_space<hbm>>) target(%arg6 : memref<128x128xf32, #tpu.memory_space<vmem>>) offsets(%dma_start3A_7 : memref<128xi32, #tpu.memory_space<vmem>>) semaphore(%arg8 : memref<!tpu.dma_semaphore, #tpu.memory_space<semaphore_mem>>)
    %dma_start3A_11 = arith.constant 1 : i32
    %dma_start3A_12 = arith.constant 0 : i32
    %dma_start3A_13 = tpu.memref_slice %arg5[%dma_start3A_11, %dma_start3A_12] : memref<32x128xi32, #tpu.memory_space<vmem>> -> memref<1x128xi32, #tpu.memory_space<vmem>>
    %dma_start3A_14 = tpu.memref_squeeze %dma_start3A_13 : memref<1x128xi32, #tpu.memory_space<vmem>> -> memref<128xi32, #tpu.memory_space<vmem>>
    %dma_start3A_15 = arith.constant 0 : i32
    %dma_start3A_16 = arith.constant 0 : i32
    %dma_start3A_17 = tpu.memref_slice %arg2[%dma_start3A_15, %dma_start3A_16] : memref<8192x128xf32, #tpu.memory_space<hbm>> -> memref<8192x128xf32, #tpu.memory_space<hbm>>
    tpu.enqueue_indirect_dma source(%dma_start3A_17 : memref<8192x128xf32, #tpu.memory_space<hbm>>) target(%arg7 : memref<128x128xf32, #tpu.memory_space<vmem>>) offsets(%dma_start3A_14 : memref<128xi32, #tpu.memory_space<vmem>>) semaphore(%arg9 : memref<!tpu.dma_semaphore, #tpu.memory_space<semaphore_mem>>)
    %scan3A = arith.constant 0 : i32
    %scan3A_18 = arith.constant 0 : i32
    %scan3A_19 = arith.constant 16 : i32
    %scan3A_20 = arith.addi %scan3A_18, %scan3A_19 : i32
    %scan3A_21 = arith.constant 1 : i32
    scf.for %scan3A_23 = %scan3A_18 to %scan3A_20 step %scan3A_21  : i32 {
      %mul3A_24 = arith.constant 2 : i32
      %mul3A_25 = arith.muli %mul3A_24, %scan3A_23 : i32
      %dma_wait3A = arith.constant 0 : i32
      %dma_wait3A_26 = arith.constant 0 : i32
      %dma_wait3A_27 = tpu.memref_slice %arg2[%dma_wait3A, %dma_wait3A_26] : memref<8192x128xf32, #tpu.memory_space<hbm>> -> memref<128x128xf32, #tpu.memory_space<hbm>>
      %dma_wait3A_28 = arith.constant 0 : i32
      %dma_wait3A_29 = arith.constant 0 : i32
      %dma_wait3A_30 = tpu.memref_slice %arg2[%dma_wait3A_28, %dma_wait3A_29] : memref<8192x128xf32, #tpu.memory_space<hbm>> -> memref<128x128xf32, #tpu.memory_space<hbm>>
      tpu.wait_dma2 semaphore(%arg8 : memref<!tpu.dma_semaphore, #tpu.memory_space<semaphore_mem>>) src(%dma_wait3A_30 : memref<128x128xf32, #tpu.memory_space<hbm>>) dst(%arg6 : memref<128x128xf32, #tpu.memory_space<vmem>>)
      %mul3A_31 = arith.constant 128 : i32
      %mul3A_32 = arith.muli %mul3A_25, %mul3A_31 : i32
      %add3A_33 = arith.addi %mul3A_2, %mul3A_32 : i32
      "tpu.region"() ({
        %run_scoped3A = tpu.sem_alloc : memref<!tpu.dma_semaphore, #tpu.memory_space<semaphore_mem>>
        %dma_start3A_56 = arith.constant 0 : i32
        %dma_start3A_57 = tpu.memref_slice %arg4[%add3A_33, %dma_start3A_56] : memref<131072x128xf32, #tpu.memory_space<hbm>> -> memref<128x128xf32, #tpu.memory_space<hbm>>
        %dma_start3A_58 = arith.constant 0 : i32
        %dma_start3A_59 = tpu.memref_slice %arg4[%add3A_33, %dma_start3A_58] : memref<131072x128xf32, #tpu.memory_space<hbm>> -> memref<128x128xf32, #tpu.memory_space<hbm>>
        tpu.enqueue_dma source(%arg6 : memref<128x128xf32, #tpu.memory_space<vmem>>) target(%dma_start3A_59 : memref<128x128xf32, #tpu.memory_space<hbm>>) target_semaphore(%run_scoped3A : memref<!tpu.dma_semaphore, #tpu.memory_space<semaphore_mem>>)
        %dma_wait3A_60 = arith.constant 0 : i32
        %dma_wait3A_61 = tpu.memref_slice %arg4[%add3A_33, %dma_wait3A_60] : memref<131072x128xf32, #tpu.memory_space<hbm>> -> memref<128x128xf32, #tpu.memory_space<hbm>>
        %dma_wait3A_62 = arith.constant 0 : i32
        %dma_wait3A_63 = tpu.memref_slice %arg4[%add3A_33, %dma_wait3A_62] : memref<131072x128xf32, #tpu.memory_space<hbm>> -> memref<128x128xf32, #tpu.memory_space<hbm>>
        tpu.wait_dma2 semaphore(%run_scoped3A : memref<!tpu.dma_semaphore, #tpu.memory_space<semaphore_mem>>) src(%arg6 : memref<128x128xf32, #tpu.memory_space<vmem>>) dst(%dma_wait3A_63 : memref<128x128xf32, #tpu.memory_space<hbm>>)
        tpu.yield
      }) : () -> ()
      %add3A_34 = arith.constant 1 : i32
      %add3A_35 = arith.addi %scan3A_23, %add3A_34 : i32
      %lt3A = arith.constant 16 : i32
      %lt3A_36 = arith.cmpi slt, %add3A_35, %lt3A : i32
      %convert_element_type3A = arith.extui %lt3A_36 : i1 to i32
      %cond3A = arith.constant 0 : i32
      %cond3A_37 = arith.cmpi ne, %convert_element_type3A, %cond3A : i32
      scf.if %cond3A_37 {
        %add3A_56 = arith.constant 2 : i32
        %add3A_57 = arith.addi %mul3A_25, %add3A_56 : i32
        %dma_start3A_58 = arith.constant 0 : i32
        %dma_start3A_59 = tpu.memref_slice %arg5[%add3A_57, %dma_start3A_58] : memref<32x128xi32, #tpu.memory_space<vmem>> -> memref<1x128xi32, #tpu.memory_space<vmem>>
        %dma_start3A_60 = tpu.memref_squeeze %dma_start3A_59 : memref<1x128xi32, #tpu.memory_space<vmem>> -> memref<128xi32, #tpu.memory_space<vmem>>
        %dma_start3A_61 = arith.constant 0 : i32
        %dma_start3A_62 = arith.constant 0 : i32
        %dma_start3A_63 = tpu.memref_slice %arg2[%dma_start3A_61, %dma_start3A_62] : memref<8192x128xf32, #tpu.memory_space<hbm>> -> memref<8192x128xf32, #tpu.memory_space<hbm>>
        tpu.enqueue_indirect_dma source(%dma_start3A_63 : memref<8192x128xf32, #tpu.memory_space<hbm>>) target(%arg6 : memref<128x128xf32, #tpu.memory_space<vmem>>) offsets(%dma_start3A_60 : memref<128xi32, #tpu.memory_space<vmem>>) semaphore(%arg8 : memref<!tpu.dma_semaphore, #tpu.memory_space<semaphore_mem>>)
      } else {
      }
      %dma_wait3A_38 = arith.constant 0 : i32
      %dma_wait3A_39 = arith.constant 0 : i32
      %dma_wait3A_40 = tpu.memref_slice %arg2[%dma_wait3A_38, %dma_wait3A_39] : memref<8192x128xf32, #tpu.memory_space<hbm>> -> memref<128x128xf32, #tpu.memory_space<hbm>>
      %dma_wait3A_41 = arith.constant 0 : i32
      %dma_wait3A_42 = arith.constant 0 : i32
      %dma_wait3A_43 = tpu.memref_slice %arg2[%dma_wait3A_41, %dma_wait3A_42] : memref<8192x128xf32, #tpu.memory_space<hbm>> -> memref<128x128xf32, #tpu.memory_space<hbm>>
      tpu.wait_dma2 semaphore(%arg9 : memref<!tpu.dma_semaphore, #tpu.memory_space<semaphore_mem>>) src(%dma_wait3A_43 : memref<128x128xf32, #tpu.memory_space<hbm>>) dst(%arg7 : memref<128x128xf32, #tpu.memory_space<vmem>>)
      %add3A_44 = arith.constant 1 : i32
      %add3A_45 = arith.addi %mul3A_25, %add3A_44 : i32
      %mul3A_46 = arith.constant 128 : i32
      %mul3A_47 = arith.muli %add3A_45, %mul3A_46 : i32
      %add3A_48 = arith.addi %mul3A_2, %mul3A_47 : i32
      "tpu.region"() ({
        %run_scoped3A = tpu.sem_alloc : memref<!tpu.dma_semaphore, #tpu.memory_space<semaphore_mem>>
        %dma_start3A_56 = arith.constant 0 : i32
        %dma_start3A_57 = tpu.memref_slice %arg4[%add3A_48, %dma_start3A_56] : memref<131072x128xf32, #tpu.memory_space<hbm>> -> memref<128x128xf32, #tpu.memory_space<hbm>>
        %dma_start3A_58 = arith.constant 0 : i32
        %dma_start3A_59 = tpu.memref_slice %arg4[%add3A_48, %dma_start3A_58] : memref<131072x128xf32, #tpu.memory_space<hbm>> -> memref<128x128xf32, #tpu.memory_space<hbm>>
        tpu.enqueue_dma source(%arg7 : memref<128x128xf32, #tpu.memory_space<vmem>>) target(%dma_start3A_59 : memref<128x128xf32, #tpu.memory_space<hbm>>) target_semaphore(%run_scoped3A : memref<!tpu.dma_semaphore, #tpu.memory_space<semaphore_mem>>)
        %dma_wait3A_60 = arith.constant 0 : i32
        %dma_wait3A_61 = tpu.memref_slice %arg4[%add3A_48, %dma_wait3A_60] : memref<131072x128xf32, #tpu.memory_space<hbm>> -> memref<128x128xf32, #tpu.memory_space<hbm>>
        %dma_wait3A_62 = arith.constant 0 : i32
        %dma_wait3A_63 = tpu.memref_slice %arg4[%add3A_48, %dma_wait3A_62] : memref<131072x128xf32, #tpu.memory_space<hbm>> -> memref<128x128xf32, #tpu.memory_space<hbm>>
        tpu.wait_dma2 semaphore(%run_scoped3A : memref<!tpu.dma_semaphore, #tpu.memory_space<semaphore_mem>>) src(%arg7 : memref<128x128xf32, #tpu.memory_space<vmem>>) dst(%dma_wait3A_63 : memref<128x128xf32, #tpu.memory_space<hbm>>)
        tpu.yield
      }) : () -> ()
      %add3A_49 = arith.constant 1 : i32
      %add3A_50 = arith.addi %scan3A_23, %add3A_49 : i32
      %lt3A_51 = arith.constant 16 : i32
      %lt3A_52 = arith.cmpi slt, %add3A_50, %lt3A_51 : i32
      %convert_element_type3A_53 = arith.extui %lt3A_52 : i1 to i32
      %cond3A_54 = arith.constant 0 : i32
      %cond3A_55 = arith.cmpi ne, %convert_element_type3A_53, %cond3A_54 : i32
      scf.if %cond3A_55 {
        %add3A_56 = arith.constant 3 : i32
        %add3A_57 = arith.addi %mul3A_25, %add3A_56 : i32
        %dma_start3A_58 = arith.constant 0 : i32
        %dma_start3A_59 = tpu.memref_slice %arg5[%add3A_57, %dma_start3A_58] : memref<32x128xi32, #tpu.memory_space<vmem>> -> memref<1x128xi32, #tpu.memory_space<vmem>>
        %dma_start3A_60 = tpu.memref_squeeze %dma_start3A_59 : memref<1x128xi32, #tpu.memory_space<vmem>> -> memref<128xi32, #tpu.memory_space<vmem>>
        %dma_start3A_61 = arith.constant 0 : i32
        %dma_start3A_62 = arith.constant 0 : i32
        %dma_start3A_63 = tpu.memref_slice %arg2[%dma_start3A_61, %dma_start3A_62] : memref<8192x128xf32, #tpu.memory_space<hbm>> -> memref<8192x128xf32, #tpu.memory_space<hbm>>
        tpu.enqueue_indirect_dma source(%dma_start3A_63 : memref<8192x128xf32, #tpu.memory_space<hbm>>) target(%arg7 : memref<128x128xf32, #tpu.memory_space<vmem>>) offsets(%dma_start3A_60 : memref<128xi32, #tpu.memory_space<vmem>>) semaphore(%arg9 : memref<!tpu.dma_semaphore, #tpu.memory_space<semaphore_mem>>)
      } else {
      }
    }
    %scan3A_22 = arith.constant 16 : i32
    return
  }
}

#map = affine_map<(d0, d1) -> (0, 0)>
module attributes {stable_mosaic.version = 14 : i64} {
  func.func @_sc_gather_body(%arg0: i32, %arg1: i32, %arg2: memref<8192x128xf32, #tpu.memory_space<hbm>>, %arg3: memref<1024x128xi32, #tpu.memory_space<hbm>>, %arg4: memref<131072x128xf32, #tpu.memory_space<hbm>>, %arg5: memref<32x128xi32, #tpu.memory_space<vmem>>, %arg6: memref<128x128xf32, #tpu.memory_space<vmem>>, %arg7: memref<128x128xf32, #tpu.memory_space<vmem>>, %arg8: memref<!tpu.dma_semaphore, #tpu.memory_space<semaphore_mem>>, %arg9: memref<!tpu.dma_semaphore, #tpu.memory_space<semaphore_mem>>) attributes {dimension_semantics = [#tpu.dimension_semantics<core_parallel>, #tpu.dimension_semantics<subcore_parallel>], iteration_bounds = array<i64: 2, 16>, scalar_prefetch = 0 : i64, scratch_operands = 5 : i64, tpu.core_type = #tpu.core_type<sc_vector_subcore>, window_params = [{transform_indices = #map}, {transform_indices = #map}, {transform_indices = #map}]} {
    %mul3A = arith.constant 2 : i32
    %mul3A_0 = arith.muli %arg1, %mul3A : i32
    %add3A = arith.addi %mul3A_0, %arg0 : i32
    %mul3A_1 = arith.constant 4096 : i32
    %mul3A_2 = arith.muli %add3A, %mul3A_1 : i32
    %mul3A_3 = arith.constant 32 : i32
    %mul3A_4 = arith.muli %add3A, %mul3A_3 : i32
    "tpu.region"() ({
      %run_scoped3A = tpu.sem_alloc : memref<!tpu.dma_semaphore, #tpu.memory_space<semaphore_mem>>
      %dma_start3A_23 = arith.constant 0 : i32
      %dma_start3A_24 = tpu.memref_slice %arg3[%mul3A_4, %dma_start3A_23] : memref<1024x128xi32, #tpu.memory_space<hbm>> -> memref<32x128xi32, #tpu.memory_space<hbm>>
      %dma_start3A_25 = arith.constant 0 : i32
      %dma_start3A_26 = tpu.memref_slice %arg3[%mul3A_4, %dma_start3A_25] : memref<1024x128xi32, #tpu.memory_space<hbm>> -> memref<32x128xi32, #tpu.memory_space<hbm>>
      tpu.enqueue_dma source(%dma_start3A_26 : memref<32x128xi32, #tpu.memory_space<hbm>>) target(%arg5 : memref<32x128xi32, #tpu.memory_space<vmem>>) target_semaphore(%run_scoped3A : memref<!tpu.dma_semaphore, #tpu.memory_space<semaphore_mem>>)
      %dma_wait3A = arith.constant 0 : i32
      %dma_wait3A_27 = tpu.memref_slice %arg3[%mul3A_4, %dma_wait3A] : memref<1024x128xi32, #tpu.memory_space<hbm>> -> memref<32x128xi32, #tpu.memory_space<hbm>>
      %dma_wait3A_28 = arith.constant 0 : i32
      %dma_wait3A_29 = tpu.memref_slice %arg3[%mul3A_4, %dma_wait3A_28] : memref<1024x128xi32, #tpu.memory_space<hbm>> -> memref<32x128xi32, #tpu.memory_space<hbm>>
      tpu.wait_dma2 semaphore(%run_scoped3A : memref<!tpu.dma_semaphore, #tpu.memory_space<semaphore_mem>>) src(%dma_wait3A_29 : memref<32x128xi32, #tpu.memory_space<hbm>>) dst(%arg5 : memref<32x128xi32, #tpu.memory_space<vmem>>)
      tpu.yield
    }) : () -> ()
    %dma_start3A = arith.constant 0 : i32
    %dma_start3A_5 = arith.constant 0 : i32
    %dma_start3A_6 = tpu.memref_slice %arg5[%dma_start3A, %dma_start3A_5] : memref<32x128xi32, #tpu.memory_space<vmem>> -> memref<1x128xi32, #tpu.memory_space<vmem>>
    %dma_start3A_7 = tpu.memref_squeeze %dma_start3A_6 : memref<1x128xi32, #tpu.memory_space<vmem>> -> memref<128xi32, #tpu.memory_space<vmem>>
    %dma_start3A_8 = arith.constant 0 : i32
    %dma_start3A_9 = arith.constant 0 : i32
    %dma_start3A_10 = tpu.memref_slice %arg2[%dma_start3A_8, %dma_start3A_9] : memref<8192x128xf32, #tpu.memory_space<hbm>> -> memref<8192x128xf32, #tpu.memory_space<hbm>>
    tpu.enqueue_indirect_dma source(%dma_start3A_10 : memref<8192x128xf32, #tpu.memory_space<hbm>>) target(%arg6 : memref<128x128xf32, #tpu.memory_space<vmem>>) offsets(%dma_start3A_7 : memref<128xi32, #tpu.memory_space<vmem>>) semaphore(%arg8 : memref<!tpu.dma_semaphore, #tpu.memory_space<semaphore_mem>>)
    %dma_start3A_11 = arith.constant 1 : i32
    %dma_start3A_12 = arith.constant 0 : i32
    %dma_start3A_13 = tpu.memref_slice %arg5[%dma_start3A_11, %dma_start3A_12] : memref<32x128xi32, #tpu.memory_space<vmem>> -> memref<1x128xi32, #tpu.memory_space<vmem>>
    %dma_start3A_14 = tpu.memref_squeeze %dma_start3A_13 : memref<1x128xi32, #tpu.memory_space<vmem>> -> memref<128xi32, #tpu.memory_space<vmem>>
    %dma_start3A_15 = arith.constant 0 : i32
    %dma_start3A_16 = arith.constant 0 : i32
    %dma_start3A_17 = tpu.memref_slice %arg2[%dma_start3A_15, %dma_start3A_16] : memref<8192x128xf32, #tpu.memory_space<hbm>> -> memref<8192x128xf32, #tpu.memory_space<hbm>>
    tpu.enqueue_indirect_dma source(%dma_start3A_17 : memref<8192x128xf32, #tpu.memory_space<hbm>>) target(%arg7 : memref<128x128xf32, #tpu.memory_space<vmem>>) offsets(%dma_start3A_14 : memref<128xi32, #tpu.memory_space<vmem>>) semaphore(%arg9 : memref<!tpu.dma_semaphore, #tpu.memory_space<semaphore_mem>>)
    %scan3A = arith.constant 0 : i32
    %scan3A_18 = arith.constant 0 : i32
    %scan3A_19 = arith.constant 16 : i32
    %scan3A_20 = arith.addi %scan3A_18, %scan3A_19 : i32
    %scan3A_21 = arith.constant 1 : i32
    scf.for %scan3A_23 = %scan3A_18 to %scan3A_20 step %scan3A_21  : i32 {
      %mul3A_24 = arith.constant 2 : i32
      %mul3A_25 = arith.muli %mul3A_24, %scan3A_23 : i32
      %dma_wait3A = arith.constant 0 : i32
      %dma_wait3A_26 = arith.constant 0 : i32
      %dma_wait3A_27 = tpu.memref_slice %arg2[%dma_wait3A, %dma_wait3A_26] : memref<8192x128xf32, #tpu.memory_space<hbm>> -> memref<128x128xf32, #tpu.memory_space<hbm>>
      %dma_wait3A_28 = arith.constant 0 : i32
      %dma_wait3A_29 = arith.constant 0 : i32
      %dma_wait3A_30 = tpu.memref_slice %arg2[%dma_wait3A_28, %dma_wait3A_29] : memref<8192x128xf32, #tpu.memory_space<hbm>> -> memref<128x128xf32, #tpu.memory_space<hbm>>
      tpu.wait_dma2 semaphore(%arg8 : memref<!tpu.dma_semaphore, #tpu.memory_space<semaphore_mem>>) src(%dma_wait3A_30 : memref<128x128xf32, #tpu.memory_space<hbm>>) dst(%arg6 : memref<128x128xf32, #tpu.memory_space<vmem>>)
      %mul3A_31 = arith.constant 128 : i32
      %mul3A_32 = arith.muli %mul3A_25, %mul3A_31 : i32
      %add3A_33 = arith.addi %mul3A_2, %mul3A_32 : i32
      "tpu.region"() ({
        %run_scoped3A = tpu.sem_alloc : memref<!tpu.dma_semaphore, #tpu.memory_space<semaphore_mem>>
        %dma_start3A_56 = arith.constant 0 : i32
        %dma_start3A_57 = tpu.memref_slice %arg4[%add3A_33, %dma_start3A_56] : memref<131072x128xf32, #tpu.memory_space<hbm>> -> memref<128x128xf32, #tpu.memory_space<hbm>>
        %dma_start3A_58 = arith.constant 0 : i32
        %dma_start3A_59 = tpu.memref_slice %arg4[%add3A_33, %dma_start3A_58] : memref<131072x128xf32, #tpu.memory_space<hbm>> -> memref<128x128xf32, #tpu.memory_space<hbm>>
        tpu.enqueue_dma source(%arg6 : memref<128x128xf32, #tpu.memory_space<vmem>>) target(%dma_start3A_59 : memref<128x128xf32, #tpu.memory_space<hbm>>) target_semaphore(%run_scoped3A : memref<!tpu.dma_semaphore, #tpu.memory_space<semaphore_mem>>)
        %dma_wait3A_60 = arith.constant 0 : i32
        %dma_wait3A_61 = tpu.memref_slice %arg4[%add3A_33, %dma_wait3A_60] : memref<131072x128xf32, #tpu.memory_space<hbm>> -> memref<128x128xf32, #tpu.memory_space<hbm>>
        %dma_wait3A_62 = arith.constant 0 : i32
        %dma_wait3A_63 = tpu.memref_slice %arg4[%add3A_33, %dma_wait3A_62] : memref<131072x128xf32, #tpu.memory_space<hbm>> -> memref<128x128xf32, #tpu.memory_space<hbm>>
        tpu.wait_dma2 semaphore(%run_scoped3A : memref<!tpu.dma_semaphore, #tpu.memory_space<semaphore_mem>>) src(%arg6 : memref<128x128xf32, #tpu.memory_space<vmem>>) dst(%dma_wait3A_63 : memref<128x128xf32, #tpu.memory_space<hbm>>)
        tpu.yield
      }) : () -> ()
      %add3A_34 = arith.constant 1 : i32
      %add3A_35 = arith.addi %scan3A_23, %add3A_34 : i32
      %lt3A = arith.constant 16 : i32
      %lt3A_36 = arith.cmpi slt, %add3A_35, %lt3A : i32
      %convert_element_type3A = arith.extui %lt3A_36 : i1 to i32
      %cond3A = arith.constant 0 : i32
      %cond3A_37 = arith.cmpi ne, %convert_element_type3A, %cond3A : i32
      scf.if %cond3A_37 {
        %add3A_56 = arith.constant 2 : i32
        %add3A_57 = arith.addi %mul3A_25, %add3A_56 : i32
        %dma_start3A_58 = arith.constant 0 : i32
        %dma_start3A_59 = tpu.memref_slice %arg5[%add3A_57, %dma_start3A_58] : memref<32x128xi32, #tpu.memory_space<vmem>> -> memref<1x128xi32, #tpu.memory_space<vmem>>
        %dma_start3A_60 = tpu.memref_squeeze %dma_start3A_59 : memref<1x128xi32, #tpu.memory_space<vmem>> -> memref<128xi32, #tpu.memory_space<vmem>>
        %dma_start3A_61 = arith.constant 0 : i32
        %dma_start3A_62 = arith.constant 0 : i32
        %dma_start3A_63 = tpu.memref_slice %arg2[%dma_start3A_61, %dma_start3A_62] : memref<8192x128xf32, #tpu.memory_space<hbm>> -> memref<8192x128xf32, #tpu.memory_space<hbm>>
        tpu.enqueue_indirect_dma source(%dma_start3A_63 : memref<8192x128xf32, #tpu.memory_space<hbm>>) target(%arg6 : memref<128x128xf32, #tpu.memory_space<vmem>>) offsets(%dma_start3A_60 : memref<128xi32, #tpu.memory_space<vmem>>) semaphore(%arg8 : memref<!tpu.dma_semaphore, #tpu.memory_space<semaphore_mem>>)
      } else {
      }
      %dma_wait3A_38 = arith.constant 0 : i32
      %dma_wait3A_39 = arith.constant 0 : i32
      %dma_wait3A_40 = tpu.memref_slice %arg2[%dma_wait3A_38, %dma_wait3A_39] : memref<8192x128xf32, #tpu.memory_space<hbm>> -> memref<128x128xf32, #tpu.memory_space<hbm>>
      %dma_wait3A_41 = arith.constant 0 : i32
      %dma_wait3A_42 = arith.constant 0 : i32
      %dma_wait3A_43 = tpu.memref_slice %arg2[%dma_wait3A_41, %dma_wait3A_42] : memref<8192x128xf32, #tpu.memory_space<hbm>> -> memref<128x128xf32, #tpu.memory_space<hbm>>
      tpu.wait_dma2 semaphore(%arg9 : memref<!tpu.dma_semaphore, #tpu.memory_space<semaphore_mem>>) src(%dma_wait3A_43 : memref<128x128xf32, #tpu.memory_space<hbm>>) dst(%arg7 : memref<128x128xf32, #tpu.memory_space<vmem>>)
      %add3A_44 = arith.constant 1 : i32
      %add3A_45 = arith.addi %mul3A_25, %add3A_44 : i32
      %mul3A_46 = arith.constant 128 : i32
      %mul3A_47 = arith.muli %add3A_45, %mul3A_46 : i32
      %add3A_48 = arith.addi %mul3A_2, %mul3A_47 : i32
      "tpu.region"() ({
        %run_scoped3A = tpu.sem_alloc : memref<!tpu.dma_semaphore, #tpu.memory_space<semaphore_mem>>
        %dma_start3A_56 = arith.constant 0 : i32
        %dma_start3A_57 = tpu.memref_slice %arg4[%add3A_48, %dma_start3A_56] : memref<131072x128xf32, #tpu.memory_space<hbm>> -> memref<128x128xf32, #tpu.memory_space<hbm>>
        %dma_start3A_58 = arith.constant 0 : i32
        %dma_start3A_59 = tpu.memref_slice %arg4[%add3A_48, %dma_start3A_58] : memref<131072x128xf32, #tpu.memory_space<hbm>> -> memref<128x128xf32, #tpu.memory_space<hbm>>
        tpu.enqueue_dma source(%arg7 : memref<128x128xf32, #tpu.memory_space<vmem>>) target(%dma_start3A_59 : memref<128x128xf32, #tpu.memory_space<hbm>>) target_semaphore(%run_scoped3A : memref<!tpu.dma_semaphore, #tpu.memory_space<semaphore_mem>>)
        %dma_wait3A_60 = arith.constant 0 : i32
        %dma_wait3A_61 = tpu.memref_slice %arg4[%add3A_48, %dma_wait3A_60] : memref<131072x128xf32, #tpu.memory_space<hbm>> -> memref<128x128xf32, #tpu.memory_space<hbm>>
        %dma_wait3A_62 = arith.constant 0 : i32
        %dma_wait3A_63 = tpu.memref_slice %arg4[%add3A_48, %dma_wait3A_62] : memref<131072x128xf32, #tpu.memory_space<hbm>> -> memref<128x128xf32, #tpu.memory_space<hbm>>
        tpu.wait_dma2 semaphore(%run_scoped3A : memref<!tpu.dma_semaphore, #tpu.memory_space<semaphore_mem>>) src(%arg7 : memref<128x128xf32, #tpu.memory_space<vmem>>) dst(%dma_wait3A_63 : memref<128x128xf32, #tpu.memory_space<hbm>>)
        tpu.yield
      }) : () -> ()
      %add3A_49 = arith.constant 1 : i32
      %add3A_50 = arith.addi %scan3A_23, %add3A_49 : i32
      %lt3A_51 = arith.constant 16 : i32
      %lt3A_52 = arith.cmpi slt, %add3A_50, %lt3A_51 : i32
      %convert_element_type3A_53 = arith.extui %lt3A_52 : i1 to i32
      %cond3A_54 = arith.constant 0 : i32
      %cond3A_55 = arith.cmpi ne, %convert_element_type3A_53, %cond3A_54 : i32
      scf.if %cond3A_55 {
        %add3A_56 = arith.constant 3 : i32
        %add3A_57 = arith.addi %mul3A_25, %add3A_56 : i32
        %dma_start3A_58 = arith.constant 0 : i32
        %dma_start3A_59 = tpu.memref_slice %arg5[%add3A_57, %dma_start3A_58] : memref<32x128xi32, #tpu.memory_space<vmem>> -> memref<1x128xi32, #tpu.memory_space<vmem>>
        %dma_start3A_60 = tpu.memref_squeeze %dma_start3A_59 : memref<1x128xi32, #tpu.memory_space<vmem>> -> memref<128xi32, #tpu.memory_space<vmem>>
        %dma_start3A_61 = arith.constant 0 : i32
        %dma_start3A_62 = arith.constant 0 : i32
        %dma_start3A_63 = tpu.memref_slice %arg2[%dma_start3A_61, %dma_start3A_62] : memref<8192x128xf32, #tpu.memory_space<hbm>> -> memref<8192x128xf32, #tpu.memory_space<hbm>>
        tpu.enqueue_indirect_dma source(%dma_start3A_63 : memref<8192x128xf32, #tpu.memory_space<hbm>>) target(%arg7 : memref<128x128xf32, #tpu.memory_space<vmem>>) offsets(%dma_start3A_60 : memref<128xi32, #tpu.memory_space<vmem>>) semaphore(%arg9 : memref<!tpu.dma_semaphore, #tpu.memory_space<semaphore_mem>>)
      } else {
      }
    }
    %scan3A_22 = arith.constant 16 : i32
    return
  }
}

#map = affine_map<(d0, d1) -> (0, 0)>
module attributes {stable_mosaic.version = 14 : i64} {
  func.func @_sc_gather_body(%arg0: i32, %arg1: i32, %arg2: memref<8192x128xf32, #tpu.memory_space<hbm>>, %arg3: memref<1024x128xi32, #tpu.memory_space<hbm>>, %arg4: memref<131072x128xf32, #tpu.memory_space<hbm>>, %arg5: memref<32x128xi32, #tpu.memory_space<vmem>>, %arg6: memref<128x128xf32, #tpu.memory_space<vmem>>, %arg7: memref<128x128xf32, #tpu.memory_space<vmem>>, %arg8: memref<!tpu.dma_semaphore, #tpu.memory_space<semaphore_mem>>, %arg9: memref<!tpu.dma_semaphore, #tpu.memory_space<semaphore_mem>>) attributes {dimension_semantics = [#tpu.dimension_semantics<core_parallel>, #tpu.dimension_semantics<subcore_parallel>], iteration_bounds = array<i64: 2, 16>, scalar_prefetch = 0 : i64, scratch_operands = 5 : i64, tpu.core_type = #tpu.core_type<sc_vector_subcore>, window_params = [{transform_indices = #map}, {transform_indices = #map}, {transform_indices = #map}]} {
    %mul3A = arith.constant 2 : i32
    %mul3A_0 = arith.muli %arg1, %mul3A : i32
    %add3A = arith.addi %mul3A_0, %arg0 : i32
    %mul3A_1 = arith.constant 4096 : i32
    %mul3A_2 = arith.muli %add3A, %mul3A_1 : i32
    %mul3A_3 = arith.constant 32 : i32
    %mul3A_4 = arith.muli %add3A, %mul3A_3 : i32
    "tpu.region"() ({
      %run_scoped3A = tpu.sem_alloc : memref<!tpu.dma_semaphore, #tpu.memory_space<semaphore_mem>>
      %dma_start3A_23 = arith.constant 0 : i32
      %dma_start3A_24 = tpu.memref_slice %arg3[%mul3A_4, %dma_start3A_23] : memref<1024x128xi32, #tpu.memory_space<hbm>> -> memref<32x128xi32, #tpu.memory_space<hbm>>
      %dma_start3A_25 = arith.constant 0 : i32
      %dma_start3A_26 = tpu.memref_slice %arg3[%mul3A_4, %dma_start3A_25] : memref<1024x128xi32, #tpu.memory_space<hbm>> -> memref<32x128xi32, #tpu.memory_space<hbm>>
      tpu.enqueue_dma source(%dma_start3A_26 : memref<32x128xi32, #tpu.memory_space<hbm>>) target(%arg5 : memref<32x128xi32, #tpu.memory_space<vmem>>) target_semaphore(%run_scoped3A : memref<!tpu.dma_semaphore, #tpu.memory_space<semaphore_mem>>)
      %dma_wait3A = arith.constant 0 : i32
      %dma_wait3A_27 = tpu.memref_slice %arg3[%mul3A_4, %dma_wait3A] : memref<1024x128xi32, #tpu.memory_space<hbm>> -> memref<32x128xi32, #tpu.memory_space<hbm>>
      %dma_wait3A_28 = arith.constant 0 : i32
      %dma_wait3A_29 = tpu.memref_slice %arg3[%mul3A_4, %dma_wait3A_28] : memref<1024x128xi32, #tpu.memory_space<hbm>> -> memref<32x128xi32, #tpu.memory_space<hbm>>
      tpu.wait_dma2 semaphore(%run_scoped3A : memref<!tpu.dma_semaphore, #tpu.memory_space<semaphore_mem>>) src(%dma_wait3A_29 : memref<32x128xi32, #tpu.memory_space<hbm>>) dst(%arg5 : memref<32x128xi32, #tpu.memory_space<vmem>>)
      tpu.yield
    }) : () -> ()
    %dma_start3A = arith.constant 0 : i32
    %dma_start3A_5 = arith.constant 0 : i32
    %dma_start3A_6 = tpu.memref_slice %arg5[%dma_start3A, %dma_start3A_5] : memref<32x128xi32, #tpu.memory_space<vmem>> -> memref<1x128xi32, #tpu.memory_space<vmem>>
    %dma_start3A_7 = tpu.memref_squeeze %dma_start3A_6 : memref<1x128xi32, #tpu.memory_space<vmem>> -> memref<128xi32, #tpu.memory_space<vmem>>
    %dma_start3A_8 = arith.constant 0 : i32
    %dma_start3A_9 = arith.constant 0 : i32
    %dma_start3A_10 = tpu.memref_slice %arg2[%dma_start3A_8, %dma_start3A_9] : memref<8192x128xf32, #tpu.memory_space<hbm>> -> memref<8192x128xf32, #tpu.memory_space<hbm>>
    tpu.enqueue_indirect_dma source(%dma_start3A_10 : memref<8192x128xf32, #tpu.memory_space<hbm>>) target(%arg6 : memref<128x128xf32, #tpu.memory_space<vmem>>) offsets(%dma_start3A_7 : memref<128xi32, #tpu.memory_space<vmem>>) semaphore(%arg8 : memref<!tpu.dma_semaphore, #tpu.memory_space<semaphore_mem>>)
    %dma_start3A_11 = arith.constant 1 : i32
    %dma_start3A_12 = arith.constant 0 : i32
    %dma_start3A_13 = tpu.memref_slice %arg5[%dma_start3A_11, %dma_start3A_12] : memref<32x128xi32, #tpu.memory_space<vmem>> -> memref<1x128xi32, #tpu.memory_space<vmem>>
    %dma_start3A_14 = tpu.memref_squeeze %dma_start3A_13 : memref<1x128xi32, #tpu.memory_space<vmem>> -> memref<128xi32, #tpu.memory_space<vmem>>
    %dma_start3A_15 = arith.constant 0 : i32
    %dma_start3A_16 = arith.constant 0 : i32
    %dma_start3A_17 = tpu.memref_slice %arg2[%dma_start3A_15, %dma_start3A_16] : memref<8192x128xf32, #tpu.memory_space<hbm>> -> memref<8192x128xf32, #tpu.memory_space<hbm>>
    tpu.enqueue_indirect_dma source(%dma_start3A_17 : memref<8192x128xf32, #tpu.memory_space<hbm>>) target(%arg7 : memref<128x128xf32, #tpu.memory_space<vmem>>) offsets(%dma_start3A_14 : memref<128xi32, #tpu.memory_space<vmem>>) semaphore(%arg9 : memref<!tpu.dma_semaphore, #tpu.memory_space<semaphore_mem>>)
    %scan3A = arith.constant 0 : i32
    %scan3A_18 = arith.constant 0 : i32
    %scan3A_19 = arith.constant 16 : i32
    %scan3A_20 = arith.addi %scan3A_18, %scan3A_19 : i32
    %scan3A_21 = arith.constant 1 : i32
    scf.for %scan3A_23 = %scan3A_18 to %scan3A_20 step %scan3A_21  : i32 {
      %mul3A_24 = arith.constant 2 : i32
      %mul3A_25 = arith.muli %mul3A_24, %scan3A_23 : i32
      %dma_wait3A = arith.constant 0 : i32
      %dma_wait3A_26 = arith.constant 0 : i32
      %dma_wait3A_27 = tpu.memref_slice %arg2[%dma_wait3A, %dma_wait3A_26] : memref<8192x128xf32, #tpu.memory_space<hbm>> -> memref<128x128xf32, #tpu.memory_space<hbm>>
      %dma_wait3A_28 = arith.constant 0 : i32
      %dma_wait3A_29 = arith.constant 0 : i32
      %dma_wait3A_30 = tpu.memref_slice %arg2[%dma_wait3A_28, %dma_wait3A_29] : memref<8192x128xf32, #tpu.memory_space<hbm>> -> memref<128x128xf32, #tpu.memory_space<hbm>>
      tpu.wait_dma2 semaphore(%arg8 : memref<!tpu.dma_semaphore, #tpu.memory_space<semaphore_mem>>) src(%dma_wait3A_30 : memref<128x128xf32, #tpu.memory_space<hbm>>) dst(%arg6 : memref<128x128xf32, #tpu.memory_space<vmem>>)
      %mul3A_31 = arith.constant 128 : i32
      %mul3A_32 = arith.muli %mul3A_25, %mul3A_31 : i32
      %add3A_33 = arith.addi %mul3A_2, %mul3A_32 : i32
      "tpu.region"() ({
        %run_scoped3A = tpu.sem_alloc : memref<!tpu.dma_semaphore, #tpu.memory_space<semaphore_mem>>
        %dma_start3A_56 = arith.constant 0 : i32
        %dma_start3A_57 = tpu.memref_slice %arg4[%add3A_33, %dma_start3A_56] : memref<131072x128xf32, #tpu.memory_space<hbm>> -> memref<128x128xf32, #tpu.memory_space<hbm>>
        %dma_start3A_58 = arith.constant 0 : i32
        %dma_start3A_59 = tpu.memref_slice %arg4[%add3A_33, %dma_start3A_58] : memref<131072x128xf32, #tpu.memory_space<hbm>> -> memref<128x128xf32, #tpu.memory_space<hbm>>
        tpu.enqueue_dma source(%arg6 : memref<128x128xf32, #tpu.memory_space<vmem>>) target(%dma_start3A_59 : memref<128x128xf32, #tpu.memory_space<hbm>>) target_semaphore(%run_scoped3A : memref<!tpu.dma_semaphore, #tpu.memory_space<semaphore_mem>>)
        %dma_wait3A_60 = arith.constant 0 : i32
        %dma_wait3A_61 = tpu.memref_slice %arg4[%add3A_33, %dma_wait3A_60] : memref<131072x128xf32, #tpu.memory_space<hbm>> -> memref<128x128xf32, #tpu.memory_space<hbm>>
        %dma_wait3A_62 = arith.constant 0 : i32
        %dma_wait3A_63 = tpu.memref_slice %arg4[%add3A_33, %dma_wait3A_62] : memref<131072x128xf32, #tpu.memory_space<hbm>> -> memref<128x128xf32, #tpu.memory_space<hbm>>
        tpu.wait_dma2 semaphore(%run_scoped3A : memref<!tpu.dma_semaphore, #tpu.memory_space<semaphore_mem>>) src(%arg6 : memref<128x128xf32, #tpu.memory_space<vmem>>) dst(%dma_wait3A_63 : memref<128x128xf32, #tpu.memory_space<hbm>>)
        tpu.yield
      }) : () -> ()
      %add3A_34 = arith.constant 1 : i32
      %add3A_35 = arith.addi %scan3A_23, %add3A_34 : i32
      %lt3A = arith.constant 16 : i32
      %lt3A_36 = arith.cmpi slt, %add3A_35, %lt3A : i32
      %convert_element_type3A = arith.extui %lt3A_36 : i1 to i32
      %cond3A = arith.constant 0 : i32
      %cond3A_37 = arith.cmpi ne, %convert_element_type3A, %cond3A : i32
      scf.if %cond3A_37 {
        %add3A_56 = arith.constant 2 : i32
        %add3A_57 = arith.addi %mul3A_25, %add3A_56 : i32
        %dma_start3A_58 = arith.constant 0 : i32
        %dma_start3A_59 = tpu.memref_slice %arg5[%add3A_57, %dma_start3A_58] : memref<32x128xi32, #tpu.memory_space<vmem>> -> memref<1x128xi32, #tpu.memory_space<vmem>>
        %dma_start3A_60 = tpu.memref_squeeze %dma_start3A_59 : memref<1x128xi32, #tpu.memory_space<vmem>> -> memref<128xi32, #tpu.memory_space<vmem>>
        %dma_start3A_61 = arith.constant 0 : i32
        %dma_start3A_62 = arith.constant 0 : i32
        %dma_start3A_63 = tpu.memref_slice %arg2[%dma_start3A_61, %dma_start3A_62] : memref<8192x128xf32, #tpu.memory_space<hbm>> -> memref<8192x128xf32, #tpu.memory_space<hbm>>
        tpu.enqueue_indirect_dma source(%dma_start3A_63 : memref<8192x128xf32, #tpu.memory_space<hbm>>) target(%arg6 : memref<128x128xf32, #tpu.memory_space<vmem>>) offsets(%dma_start3A_60 : memref<128xi32, #tpu.memory_space<vmem>>) semaphore(%arg8 : memref<!tpu.dma_semaphore, #tpu.memory_space<semaphore_mem>>)
      } else {
      }
      %dma_wait3A_38 = arith.constant 0 : i32
      %dma_wait3A_39 = arith.constant 0 : i32
      %dma_wait3A_40 = tpu.memref_slice %arg2[%dma_wait3A_38, %dma_wait3A_39] : memref<8192x128xf32, #tpu.memory_space<hbm>> -> memref<128x128xf32, #tpu.memory_space<hbm>>
      %dma_wait3A_41 = arith.constant 0 : i32
      %dma_wait3A_42 = arith.constant 0 : i32
      %dma_wait3A_43 = tpu.memref_slice %arg2[%dma_wait3A_41, %dma_wait3A_42] : memref<8192x128xf32, #tpu.memory_space<hbm>> -> memref<128x128xf32, #tpu.memory_space<hbm>>
      tpu.wait_dma2 semaphore(%arg9 : memref<!tpu.dma_semaphore, #tpu.memory_space<semaphore_mem>>) src(%dma_wait3A_43 : memref<128x128xf32, #tpu.memory_space<hbm>>) dst(%arg7 : memref<128x128xf32, #tpu.memory_space<vmem>>)
      %add3A_44 = arith.constant 1 : i32
      %add3A_45 = arith.addi %mul3A_25, %add3A_44 : i32
      %mul3A_46 = arith.constant 128 : i32
      %mul3A_47 = arith.muli %add3A_45, %mul3A_46 : i32
      %add3A_48 = arith.addi %mul3A_2, %mul3A_47 : i32
      "tpu.region"() ({
        %run_scoped3A = tpu.sem_alloc : memref<!tpu.dma_semaphore, #tpu.memory_space<semaphore_mem>>
        %dma_start3A_56 = arith.constant 0 : i32
        %dma_start3A_57 = tpu.memref_slice %arg4[%add3A_48, %dma_start3A_56] : memref<131072x128xf32, #tpu.memory_space<hbm>> -> memref<128x128xf32, #tpu.memory_space<hbm>>
        %dma_start3A_58 = arith.constant 0 : i32
        %dma_start3A_59 = tpu.memref_slice %arg4[%add3A_48, %dma_start3A_58] : memref<131072x128xf32, #tpu.memory_space<hbm>> -> memref<128x128xf32, #tpu.memory_space<hbm>>
        tpu.enqueue_dma source(%arg7 : memref<128x128xf32, #tpu.memory_space<vmem>>) target(%dma_start3A_59 : memref<128x128xf32, #tpu.memory_space<hbm>>) target_semaphore(%run_scoped3A : memref<!tpu.dma_semaphore, #tpu.memory_space<semaphore_mem>>)
        %dma_wait3A_60 = arith.constant 0 : i32
        %dma_wait3A_61 = tpu.memref_slice %arg4[%add3A_48, %dma_wait3A_60] : memref<131072x128xf32, #tpu.memory_space<hbm>> -> memref<128x128xf32, #tpu.memory_space<hbm>>
        %dma_wait3A_62 = arith.constant 0 : i32
        %dma_wait3A_63 = tpu.memref_slice %arg4[%add3A_48, %dma_wait3A_62] : memref<131072x128xf32, #tpu.memory_space<hbm>> -> memref<128x128xf32, #tpu.memory_space<hbm>>
        tpu.wait_dma2 semaphore(%run_scoped3A : memref<!tpu.dma_semaphore, #tpu.memory_space<semaphore_mem>>) src(%arg7 : memref<128x128xf32, #tpu.memory_space<vmem>>) dst(%dma_wait3A_63 : memref<128x128xf32, #tpu.memory_space<hbm>>)
        tpu.yield
      }) : () -> ()
      %add3A_49 = arith.constant 1 : i32
      %add3A_50 = arith.addi %scan3A_23, %add3A_49 : i32
      %lt3A_51 = arith.constant 16 : i32
      %lt3A_52 = arith.cmpi slt, %add3A_50, %lt3A_51 : i32
      %convert_element_type3A_53 = arith.extui %lt3A_52 : i1 to i32
      %cond3A_54 = arith.constant 0 : i32
      %cond3A_55 = arith.cmpi ne, %convert_element_type3A_53, %cond3A_54 : i32
      scf.if %cond3A_55 {
        %add3A_56 = arith.constant 3 : i32
        %add3A_57 = arith.addi %mul3A_25, %add3A_56 : i32
        %dma_start3A_58 = arith.constant 0 : i32
        %dma_start3A_59 = tpu.memref_slice %arg5[%add3A_57, %dma_start3A_58] : memref<32x128xi32, #tpu.memory_space<vmem>> -> memref<1x128xi32, #tpu.memory_space<vmem>>
        %dma_start3A_60 = tpu.memref_squeeze %dma_start3A_59 : memref<1x128xi32, #tpu.memory_space<vmem>> -> memref<128xi32, #tpu.memory_space<vmem>>
        %dma_start3A_61 = arith.constant 0 : i32
        %dma_start3A_62 = arith.constant 0 : i32
        %dma_start3A_63 = tpu.memref_slice %arg2[%dma_start3A_61, %dma_start3A_62] : memref<8192x128xf32, #tpu.memory_space<hbm>> -> memref<8192x128xf32, #tpu.memory_space<hbm>>
        tpu.enqueue_indirect_dma source(%dma_start3A_63 : memref<8192x128xf32, #tpu.memory_space<hbm>>) target(%arg7 : memref<128x128xf32, #tpu.memory_space<vmem>>) offsets(%dma_start3A_60 : memref<128xi32, #tpu.memory_space<vmem>>) semaphore(%arg9 : memref<!tpu.dma_semaphore, #tpu.memory_space<semaphore_mem>>)
      } else {
      }
    }
    %scan3A_22 = arith.constant 16 : i32
    return
  }
}

module attributes {stable_mosaic.version = 14 : i64} {
  func.func @_stn_pre_body(%arg0: i32, %arg1: i32, %arg2: memref<1x512x12xf32, #tpu.memory_space<vmem>>, %arg3: memref<12x64xf32, #tpu.memory_space<vmem>>, %arg4: memref<1x64xf32, #tpu.memory_space<vmem>>, %arg5: memref<64x128xf32, #tpu.memory_space<vmem>>, %arg6: memref<1x128xf32, #tpu.memory_space<vmem>>, %arg7: memref<128x1024xf32, #tpu.memory_space<vmem>>, %arg8: memref<1x1024xf32, #tpu.memory_space<vmem>>, %arg9: memref<1x1x1024xf32, #tpu.memory_space<vmem>>) attributes {dimension_semantics = [#tpu.dimension_semantics<arbitrary>, #tpu.dimension_semantics<arbitrary>], iteration_bounds = array<i64: 2, 8>, scalar_prefetch = 0 : i64, scratch_operands = 0 : i64, tpu.core_type = #tpu.core_type<tc>, window_params = [{transform_indices = @transform_0, window_bounds = array<i64: 1, 512, 12>}, {pipeline_mode = #tpu.pipeline_mode<synchronous>, transform_indices = @transform_1, window_bounds = array<i64: 12, 64>}, {pipeline_mode = #tpu.pipeline_mode<synchronous>, transform_indices = @transform_2, window_bounds = array<i64: 1, 64>}, {pipeline_mode = #tpu.pipeline_mode<synchronous>, transform_indices = @transform_3, window_bounds = array<i64: 64, 128>}, {pipeline_mode = #tpu.pipeline_mode<synchronous>, transform_indices = @transform_4, window_bounds = array<i64: 1, 128>}, {pipeline_mode = #tpu.pipeline_mode<synchronous>, transform_indices = @transform_5, window_bounds = array<i64: 128, 1024>}, {pipeline_mode = #tpu.pipeline_mode<synchronous>, transform_indices = @transform_6, window_bounds = array<i64: 1, 1024>}, {transform_indices = @transform_7, window_bounds = array<i64: 1, 1, 1024>}]} {
    %get3A = arith.constant 0 : index
    %get3A_0 = arith.constant 0 : index
    %get3A_1 = arith.constant 0 : index
    %get3A_2 = vector.load %arg2[%get3A, %get3A_0, %get3A_1] : memref<1x512x12xf32, #tpu.memory_space<vmem>>, vector<1x512x12xf32>
    %get3A_3 = vector.shape_cast %get3A_2 : vector<1x512x12xf32> to vector<512x12xf32>
    %convert_element_type3A = arith.truncf %get3A_3 : vector<512x12xf32> to vector<512x12xbf16>
    %convert_element_type3A_4 = arith.extf %convert_element_type3A : vector<512x12xbf16> to vector<512x12xf32>
    %get3A_5 = arith.constant 0 : index
    %get3A_6 = arith.constant 0 : index
    %get3A_7 = vector.load %arg3[%get3A_5, %get3A_6] : memref<12x64xf32, #tpu.memory_space<vmem>>, vector<12x64xf32>
    %convert_element_type3A_8 = arith.truncf %get3A_7 : vector<12x64xf32> to vector<12x64xbf16>
    %convert_element_type3A_9 = arith.extf %convert_element_type3A_8 : vector<12x64xbf16> to vector<12x64xf32>
    %convert_element_type3A_10 = arith.truncf %convert_element_type3A_4 : vector<512x12xf32> to vector<512x12xbf16>
    %convert_element_type3A_11 = arith.extf %convert_element_type3A_10 : vector<512x12xbf16> to vector<512x12xf32>
    %convert_element_type3A_12 = arith.truncf %convert_element_type3A_9 : vector<12x64xf32> to vector<12x64xbf16>
    %convert_element_type3A_13 = arith.extf %convert_element_type3A_12 : vector<12x64xbf16> to vector<12x64xf32>
    %dot_general3A = arith.constant dense<0.000000e+00> : vector<512x64xf32>
    %dot_general3A_14 = tpu.matmul %convert_element_type3A_11, %convert_element_type3A_13, %dot_general3A {dimension_numbers = #tpu.dot_dimension_numbers<[1], [0], [0], [1], [0, 0, 1, 1], [], []>, transpose_lhs_hint = false} : vector<512x12xf32>, vector<12x64xf32>, vector<512x64xf32> -> vector<512x64xf32>
    %get3A_15 = arith.constant 0 : index
    %get3A_16 = arith.constant 0 : index
    %get3A_17 = vector.load %arg4[%get3A_15, %get3A_16] : memref<1x64xf32, #tpu.memory_space<vmem>>, vector<1x64xf32>
    %add3A = vector.broadcast %get3A_17 : vector<1x64xf32> to vector<512x64xf32>
    %add3A_18 = arith.addf %dot_general3A_14, %add3A : vector<512x64xf32>
    %max3A = arith.constant 0.000000e+00 : f32
    %max3A_19 = vector.broadcast %max3A : f32 to vector<512x64xf32>
    %max3A_20 = arith.maximumf %add3A_18, %max3A_19 : vector<512x64xf32>
    %convert_element_type3A_21 = arith.truncf %max3A_20 : vector<512x64xf32> to vector<512x64xbf16>
    %convert_element_type3A_22 = arith.extf %convert_element_type3A_21 : vector<512x64xbf16> to vector<512x64xf32>
    %get3A_23 = arith.constant 0 : index
    %get3A_24 = arith.constant 0 : index
    %get3A_25 = vector.load %arg5[%get3A_23, %get3A_24] : memref<64x128xf32, #tpu.memory_space<vmem>>, vector<64x128xf32>
    %convert_element_type3A_26 = arith.truncf %get3A_25 : vector<64x128xf32> to vector<64x128xbf16>
    %convert_element_type3A_27 = arith.extf %convert_element_type3A_26 : vector<64x128xbf16> to vector<64x128xf32>
    %convert_element_type3A_28 = arith.truncf %convert_element_type3A_22 : vector<512x64xf32> to vector<512x64xbf16>
    %convert_element_type3A_29 = arith.extf %convert_element_type3A_28 : vector<512x64xbf16> to vector<512x64xf32>
    %convert_element_type3A_30 = arith.truncf %convert_element_type3A_27 : vector<64x128xf32> to vector<64x128xbf16>
    %convert_element_type3A_31 = arith.extf %convert_element_type3A_30 : vector<64x128xbf16> to vector<64x128xf32>
    %dot_general3A_32 = arith.constant dense<0.000000e+00> : vector<512x128xf32>
    %dot_general3A_33 = tpu.matmul %convert_element_type3A_29, %convert_element_type3A_31, %dot_general3A_32 {dimension_numbers = #tpu.dot_dimension_numbers<[1], [0], [0], [1], [0, 0, 1, 1], [], []>, transpose_lhs_hint = false} : vector<512x64xf32>, vector<64x128xf32>, vector<512x128xf32> -> vector<512x128xf32>
    %get3A_34 = arith.constant 0 : index
    %get3A_35 = arith.constant 0 : index
    %get3A_36 = vector.load %arg6[%get3A_34, %get3A_35] : memref<1x128xf32, #tpu.memory_space<vmem>>, vector<1x128xf32>
    %add3A_37 = vector.broadcast %get3A_36 : vector<1x128xf32> to vector<512x128xf32>
    %add3A_38 = arith.addf %dot_general3A_33, %add3A_37 : vector<512x128xf32>
    %max3A_39 = arith.constant 0.000000e+00 : f32
    %max3A_40 = vector.broadcast %max3A_39 : f32 to vector<512x128xf32>
    %max3A_41 = arith.maximumf %add3A_38, %max3A_40 : vector<512x128xf32>
    %convert_element_type3A_42 = arith.truncf %max3A_41 : vector<512x128xf32> to vector<512x128xbf16>
    %convert_element_type3A_43 = arith.extf %convert_element_type3A_42 : vector<512x128xbf16> to vector<512x128xf32>
    %get3A_44 = arith.constant 0 : index
    %get3A_45 = arith.constant 0 : index
    %get3A_46 = vector.load %arg7[%get3A_44, %get3A_45] : memref<128x1024xf32, #tpu.memory_space<vmem>>, vector<128x1024xf32>
    %convert_element_type3A_47 = arith.truncf %get3A_46 : vector<128x1024xf32> to vector<128x1024xbf16>
    %convert_element_type3A_48 = arith.extf %convert_element_type3A_47 : vector<128x1024xbf16> to vector<128x1024xf32>
    %convert_element_type3A_49 = arith.truncf %convert_element_type3A_43 : vector<512x128xf32> to vector<512x128xbf16>
    %convert_element_type3A_50 = arith.extf %convert_element_type3A_49 : vector<512x128xbf16> to vector<512x128xf32>
    %convert_element_type3A_51 = arith.truncf %convert_element_type3A_48 : vector<128x1024xf32> to vector<128x1024xbf16>
    %convert_element_type3A_52 = arith.extf %convert_element_type3A_51 : vector<128x1024xbf16> to vector<128x1024xf32>
    %dot_general3A_53 = arith.constant dense<0.000000e+00> : vector<512x1024xf32>
    %dot_general3A_54 = tpu.matmul %convert_element_type3A_50, %convert_element_type3A_52, %dot_general3A_53 {dimension_numbers = #tpu.dot_dimension_numbers<[1], [0], [0], [1], [0, 0, 1, 1], [], []>, transpose_lhs_hint = false} : vector<512x128xf32>, vector<128x1024xf32>, vector<512x1024xf32> -> vector<512x1024xf32>
    %get3A_55 = arith.constant 0 : index
    %get3A_56 = arith.constant 0 : index
    %get3A_57 = vector.load %arg8[%get3A_55, %get3A_56] : memref<1x1024xf32, #tpu.memory_space<vmem>>, vector<1x1024xf32>
    %add3A_58 = vector.broadcast %get3A_57 : vector<1x1024xf32> to vector<512x1024xf32>
    %add3A_59 = arith.addf %dot_general3A_54, %add3A_58 : vector<512x1024xf32>
    %max3A_60 = arith.constant 0.000000e+00 : f32
    %max3A_61 = vector.broadcast %max3A_60 : f32 to vector<512x1024xf32>
    %max3A_62 = arith.maximumf %add3A_59, %max3A_61 : vector<512x1024xf32>
    %reduce_max3A = arith.constant dense<0xFF800000> : vector<1024xf32>
    %reduce_max3A_63 = vector.multi_reduction <maximumf>, %max3A_62, %reduce_max3A [0] : vector<512x1024xf32> to vector<1024xf32>
    %broadcast_in_dim3A = vector.shape_cast %reduce_max3A_63 : vector<1024xf32> to vector<1x1024xf32>
    %broadcast_in_dim3A_64 = vector.shape_cast %broadcast_in_dim3A : vector<1x1024xf32> to vector<1x1x1024xf32>
    %eq3A = arith.constant 0 : i32
    %eq3A_65 = arith.cmpi eq, %arg1, %eq3A : i32
    %convert_element_type3A_66 = arith.extui %eq3A_65 : i1 to i32
    %cond3A = arith.constant 0 : i32
    %cond3A_67 = arith.cmpi ne, %convert_element_type3A_66, %cond3A : i32
    scf.if %cond3A_67 {
      %swap3A = arith.constant 0 : index
      %swap3A_72 = arith.constant 0 : index
      %swap3A_73 = arith.constant 0 : index
      %swap3A_74 = vector.load %arg9[%swap3A, %swap3A_72, %swap3A_73] : memref<1x1x1024xf32, #tpu.memory_space<vmem>>, vector<1x1x1024xf32>
      tpu.vector_store %arg9[%swap3A, %swap3A_72, %swap3A_73], %broadcast_in_dim3A_64 {strides = array<i32>} : memref<1x1x1024xf32, #tpu.memory_space<vmem>>, vector<1x1x1024xf32>,
    } else {
    }
    %ne3A = arith.constant 0 : i32
    %ne3A_68 = arith.cmpi ne, %arg1, %ne3A : i32
    %convert_element_type3A_69 = arith.extui %ne3A_68 : i1 to i32
    %cond3A_70 = arith.constant 0 : i32
    %cond3A_71 = arith.cmpi ne, %convert_element_type3A_69, %cond3A_70 : i32
    scf.if %cond3A_71 {
      %get3A_72 = arith.constant 0 : index
      %get3A_73 = arith.constant 0 : index
      %get3A_74 = arith.constant 0 : index
      %get3A_75 = vector.load %arg9[%get3A_72, %get3A_73, %get3A_74] : memref<1x1x1024xf32, #tpu.memory_space<vmem>>, vector<1x1x1024xf32>
      %max3A_76 = arith.maximumf %get3A_75, %broadcast_in_dim3A_64 : vector<1x1x1024xf32>
      %swap3A = arith.constant 0 : index
      %swap3A_77 = arith.constant 0 : index
      %swap3A_78 = arith.constant 0 : index
      %swap3A_79 = vector.load %arg9[%swap3A, %swap3A_77, %swap3A_78] : memref<1x1x1024xf32, #tpu.memory_space<vmem>>, vector<1x1x1024xf32>
      tpu.vector_store %arg9[%swap3A, %swap3A_77, %swap3A_78], %max3A_76 {strides = array<i32>} : memref<1x1x1024xf32, #tpu.memory_space<vmem>>, vector<1x1x1024xf32>,
    } else {
    }
    return
  }
  func.func @transform_0(%arg0: i32, %arg1: i32) -> (i32, i32, i32) {
    %c0_i32 = arith.constant 0 : i32
    %c0_i32_0 = arith.constant 0 : i32
    return %arg0, %arg1, %c0_i32 : i32, i32, i32
  }
  func.func @transform_1(%arg0: i32, %arg1: i32) -> (i32, i32) {
    %c0_i32 = arith.constant 0 : i32
    %c0_i32_0 = arith.constant 0 : i32
    %c0_i32_1 = arith.constant 0 : i32
    return %c0_i32, %c0_i32_0 : i32, i32
  }
  func.func @transform_2(%arg0: i32, %arg1: i32) -> (i32, i32) {
    %c0_i32 = arith.constant 0 : i32
    %c0_i32_0 = arith.constant 0 : i32
    %c0_i32_1 = arith.constant 0 : i32
    return %c0_i32, %c0_i32_0 : i32, i32
  }
  func.func @transform_3(%arg0: i32, %arg1: i32) -> (i32, i32) {
    %c0_i32 = arith.constant 0 : i32
    %c0_i32_0 = arith.constant 0 : i32
    %c0_i32_1 = arith.constant 0 : i32
    return %c0_i32, %c0_i32_0 : i32, i32
  }
  func.func @transform_4(%arg0: i32, %arg1: i32) -> (i32, i32) {
    %c0_i32 = arith.constant 0 : i32
    %c0_i32_0 = arith.constant 0 : i32
    %c0_i32_1 = arith.constant 0 : i32
    return %c0_i32, %c0_i32_0 : i32, i32
  }
  func.func @transform_5(%arg0: i32, %arg1: i32) -> (i32, i32) {
    %c0_i32 = arith.constant 0 : i32
    %c0_i32_0 = arith.constant 0 : i32
    %c0_i32_1 = arith.constant 0 : i32
    return %c0_i32, %c0_i32_0 : i32, i32
  }
  func.func @transform_6(%arg0: i32, %arg1: i32) -> (i32, i32) {
    %c0_i32 = arith.constant 0 : i32
    %c0_i32_0 = arith.constant 0 : i32
    %c0_i32_1 = arith.constant 0 : i32
    return %c0_i32, %c0_i32_0 : i32, i32
  }
  func.func @transform_7(%arg0: i32, %arg1: i32) -> (i32, i32, i32) {
    %c0_i32 = arith.constant 0 : i32
    %c0_i32_0 = arith.constant 0 : i32
    %c0_i32_1 = arith.constant 0 : i32
    return %arg0, %c0_i32, %c0_i32_0 : i32, i32, i32
  }
}

module attributes {stable_mosaic.version = 14 : i64} {
  func.func @_knn_body(%arg0: i32, %arg1: i32, %arg2: memref<1x4096x3xf32, #tpu.memory_space<vmem>>, %arg3: memref<1x3x128xf32, #tpu.memory_space<vmem>>, %arg4: memref<1x16x128xi32, #tpu.memory_space<vmem>>, %arg5: memref<4096x128xf32, #tpu.memory_space<vmem>>) attributes {dimension_semantics = [#tpu.dimension_semantics<arbitrary>, #tpu.dimension_semantics<arbitrary>], iteration_bounds = array<i64: 2, 32>, scalar_prefetch = 0 : i64, scratch_operands = 1 : i64, tpu.core_type = #tpu.core_type<tc>, window_params = [{transform_indices = @transform_0, window_bounds = array<i64: 1, 4096, 3>}, {transform_indices = @transform_1, window_bounds = array<i64: 1, 3, 128>}, {transform_indices = @transform_2, window_bounds = array<i64: 1, 16, 128>}]} {
    %get3A = arith.constant 0 : index
    %get3A_0 = arith.constant 0 : index
    %get3A_1 = arith.constant 0 : index
    %get3A_2 = vector.load %arg2[%get3A, %get3A_0, %get3A_1] : memref<1x4096x3xf32, #tpu.memory_space<vmem>>, vector<1x4096x3xf32>
    %get3A_3 = vector.shape_cast %get3A_2 : vector<1x4096x3xf32> to vector<4096x3xf32>
    %get3A_4 = arith.constant 0 : index
    %get3A_5 = arith.constant 0 : index
    %get3A_6 = arith.constant 0 : index
    %get3A_7 = vector.load %arg3[%get3A_4, %get3A_5, %get3A_6] : memref<1x3x128xf32, #tpu.memory_space<vmem>>, vector<1x3x128xf32>
    %get3A_8 = vector.shape_cast %get3A_7 : vector<1x3x128xf32> to vector<3x128xf32>
    %slice3A = vector.extract_strided_slice %get3A_8 {offsets = [0, 0], sizes = [1, 128], strides = [1, 1]} : vector<3x128xf32> to vector<1x128xf32>
    %slice3A_9 = vector.extract_strided_slice %get3A_8 {offsets = [1, 0], sizes = [1, 128], strides = [1, 1]} : vector<3x128xf32> to vector<1x128xf32>
    %slice3A_10 = vector.extract_strided_slice %get3A_8 {offsets = [2, 0], sizes = [1, 128], strides = [1, 1]} : vector<3x128xf32> to vector<1x128xf32>
    %slice3A_11 = vector.extract_strided_slice %get3A_3 {offsets = [0, 0], sizes = [4096, 1], strides = [1, 1]} : vector<4096x3xf32> to vector<4096x1xf32>
    %slice3A_12 = vector.extract_strided_slice %get3A_3 {offsets = [0, 1], sizes = [4096, 1], strides = [1, 1]} : vector<4096x3xf32> to vector<4096x1xf32>
    %slice3A_13 = vector.extract_strided_slice %get3A_3 {offsets = [0, 2], sizes = [4096, 1], strides = [1, 1]} : vector<4096x3xf32> to vector<4096x1xf32>
    %convert_element_type3A = arith.truncf %slice3A_11 : vector<4096x1xf32> to vector<4096x1xbf16>
    %convert_element_type3A_14 = arith.extf %convert_element_type3A : vector<4096x1xbf16> to vector<4096x1xf32>
    %convert_element_type3A_15 = arith.truncf %slice3A : vector<1x128xf32> to vector<1x128xbf16>
    %convert_element_type3A_16 = arith.extf %convert_element_type3A_15 : vector<1x128xbf16> to vector<1x128xf32>
    %mul3A = vector.broadcast %convert_element_type3A_14 : vector<4096x1xf32> to vector<4096x128xf32>
    %mul3A_17 = vector.broadcast %convert_element_type3A_16 : vector<1x128xf32> to vector<4096x128xf32>
    %mul3A_18 = arith.mulf %mul3A, %mul3A_17 : vector<4096x128xf32>
    %convert_element_type3A_19 = arith.truncf %slice3A_12 : vector<4096x1xf32> to vector<4096x1xbf16>
    %convert_element_type3A_20 = arith.extf %convert_element_type3A_19 : vector<4096x1xbf16> to vector<4096x1xf32>
    %convert_element_type3A_21 = arith.truncf %slice3A_9 : vector<1x128xf32> to vector<1x128xbf16>
    %convert_element_type3A_22 = arith.extf %convert_element_type3A_21 : vector<1x128xbf16> to vector<1x128xf32>
    %mul3A_23 = vector.broadcast %convert_element_type3A_20 : vector<4096x1xf32> to vector<4096x128xf32>
    %mul3A_24 = vector.broadcast %convert_element_type3A_22 : vector<1x128xf32> to vector<4096x128xf32>
    %mul3A_25 = arith.mulf %mul3A_23, %mul3A_24 : vector<4096x128xf32>
    %add3A = arith.addf %mul3A_18, %mul3A_25 : vector<4096x128xf32>
    %convert_element_type3A_26 = arith.truncf %slice3A_13 : vector<4096x1xf32> to vector<4096x1xbf16>
    %convert_element_type3A_27 = arith.extf %convert_element_type3A_26 : vector<4096x1xbf16> to vector<4096x1xf32>
    %convert_element_type3A_28 = arith.truncf %slice3A_10 : vector<1x128xf32> to vector<1x128xbf16>
    %convert_element_type3A_29 = arith.extf %convert_element_type3A_28 : vector<1x128xbf16> to vector<1x128xf32>
    %mul3A_30 = vector.broadcast %convert_element_type3A_27 : vector<4096x1xf32> to vector<4096x128xf32>
    %mul3A_31 = vector.broadcast %convert_element_type3A_29 : vector<1x128xf32> to vector<4096x128xf32>
    %mul3A_32 = arith.mulf %mul3A_30, %mul3A_31 : vector<4096x128xf32>
    %add3A_33 = arith.addf %add3A, %mul3A_32 : vector<4096x128xf32>
    %mul3A_34 = arith.mulf %slice3A, %slice3A : vector<1x128xf32>
    %mul3A_35 = arith.mulf %slice3A_9, %slice3A_9 : vector<1x128xf32>
    %add3A_36 = arith.addf %mul3A_34, %mul3A_35 : vector<1x128xf32>
    %mul3A_37 = arith.mulf %slice3A_10, %slice3A_10 : vector<1x128xf32>
    %add3A_38 = arith.addf %add3A_36, %mul3A_37 : vector<1x128xf32>
    %mul3A_39 = arith.mulf %slice3A_11, %slice3A_11 : vector<4096x1xf32>
    %mul3A_40 = arith.mulf %slice3A_12, %slice3A_12 : vector<4096x1xf32>
    %add3A_41 = arith.addf %mul3A_39, %mul3A_40 : vector<4096x1xf32>
    %mul3A_42 = arith.mulf %slice3A_13, %slice3A_13 : vector<4096x1xf32>
    %add3A_43 = arith.addf %add3A_41, %mul3A_42 : vector<4096x1xf32>
    %add3A_44 = vector.broadcast %add3A_38 : vector<1x128xf32> to vector<4096x128xf32>
    %add3A_45 = vector.broadcast %add3A_43 : vector<4096x1xf32> to vector<4096x128xf32>
    %add3A_46 = arith.addf %add3A_44, %add3A_45 : vector<4096x128xf32>
    %mul3A_47 = arith.constant 2.000000e+00 : f32
    %mul3A_48 = vector.broadcast %mul3A_47 : f32 to vector<4096x128xf32>
    %mul3A_49 = arith.mulf %mul3A_48, %add3A_33 : vector<4096x128xf32>
    %sub3A = arith.subf %add3A_46, %mul3A_49 : vector<4096x128xf32>
    %max3A = arith.constant 0.000000e+00 : f32
    %max3A_50 = vector.broadcast %max3A : f32 to vector<4096x128xf32>
    %max3A_51 = arith.maximumf %sub3A, %max3A_50 : vector<4096x128xf32>
    %iota3A = tpu.iota {dimensions = array<i32: 0>} : vector<4096x128xi32>
    %mul3A_52 = arith.constant 4096 : i32
    %mul3A_53 = arith.muli %arg0, %mul3A_52 : i32
    %swap3A = arith.constant 0 : index
    %swap3A_54 = arith.constant 0 : index
    %swap3A_55 = vector.load %arg5[%swap3A, %swap3A_54] : memref<4096x128xf32, #tpu.memory_space<vmem>>, vector<4096x128xf32>
    tpu.vector_store %arg5[%swap3A, %swap3A_54], %max3A_51 {strides = array<i32>} : memref<4096x128xf32, #tpu.memory_space<vmem>>, vector<4096x128xf32>,
    %get3A_56 = arith.constant 0 : index
    %get3A_57 = arith.constant 0 : index
    %get3A_58 = vector.load %arg5[%get3A_56, %get3A_57] : memref<4096x128xf32, #tpu.memory_space<vmem>>, vector<4096x128xf32>
    %reduce_min3A = arith.constant dense<0x7F800000> : vector<128xf32>
    %reduce_min3A_59 = vector.multi_reduction <minimumf>, %get3A_58, %reduce_min3A [0] : vector<4096x128xf32> to vector<128xf32>
    %broadcast_in_dim3A = vector.shape_cast %reduce_min3A_59 : vector<128xf32> to vector<1x128xf32>
    %eq3A = vector.broadcast %broadcast_in_dim3A : vector<1x128xf32> to vector<4096x128xf32>
    %eq3A_60 = arith.cmpf oeq, %get3A_58, %eq3A : vector<4096x128xf32>
    %jit3A = arith.constant 4096 : i32
    %broadcast_in_dim3A_61 = vector.broadcast %jit3A : i32 to vector<4096x128xi32>
    %select_n3A = arith.select %eq3A_60, %iota3A, %broadcast_in_dim3A_61 : vector<4096x128xi1>, vector<4096x128xi32>
    %reduce_min3A_62 = arith.constant dense<2147483647> : vector<128xi32>
    %reduce_min3A_63 = vector.multi_reduction <minsi>, %select_n3A, %reduce_min3A_62 [0] : vector<4096x128xi32> to vector<128xi32>
    %broadcast_in_dim3A_64 = vector.shape_cast %reduce_min3A_63 : vector<128xi32> to vector<1x128xi32>
    %mul3A_65 = arith.constant 1 : i32
    %mul3A_66 = vector.broadcast %mul3A_65 : i32 to vector<1x128xi32>
    %mul3A_67 = arith.muli %broadcast_in_dim3A_64, %mul3A_66 : vector<1x128xi32>
    %add3A_68 = vector.broadcast %mul3A_53 : i32 to vector<1x128xi32>
    %add3A_69 = arith.addi %mul3A_67, %add3A_68 : vector<1x128xi32>
    %eq3A_70 = vector.broadcast %broadcast_in_dim3A_64 : vector<1x128xi32> to vector<4096x128xi32>
    %eq3A_71 = arith.cmpi eq, %iota3A, %eq3A_70 : vector<4096x128xi32>
    %and3A = arith.andi %eq3A_60, %eq3A_71 : vector<4096x128xi1>
    %jit3A_72 = arith.constant 0x7F800000 : f32
    %broadcast_in_dim3A_73 = vector.broadcast %jit3A_72 : f32 to vector<4096x128xf32>
    %select_n3A_74 = arith.select %and3A, %broadcast_in_dim3A_73, %get3A_58 : vector<4096x128xi1>, vector<4096x128xf32>
    %swap3A_75 = arith.constant 0 : index
    %swap3A_76 = arith.constant 0 : index
    %swap3A_77 = vector.load %arg5[%swap3A_75, %swap3A_76] : memref<4096x128xf32, #tpu.memory_space<vmem>>, vector<4096x128xf32>
    tpu.vector_store %arg5[%swap3A_75, %swap3A_76], %select_n3A_74 {strides = array<i32>} : memref<4096x128xf32, #tpu.memory_space<vmem>>, vector<4096x128xf32>,
    %get3A_78 = arith.constant 0 : index
    %get3A_79 = arith.constant 0 : index
    %get3A_80 = vector.load %arg5[%get3A_78, %get3A_79] : memref<4096x128xf32, #tpu.memory_space<vmem>>, vector<4096x128xf32>
    %reduce_min3A_81 = arith.constant dense<0x7F800000> : vector<128xf32>
    %reduce_min3A_82 = vector.multi_reduction <minimumf>, %get3A_80, %reduce_min3A_81 [0] : vector<4096x128xf32> to vector<128xf32>
    %broadcast_in_dim3A_83 = vector.shape_cast %reduce_min3A_82 : vector<128xf32> to vector<1x128xf32>
    %eq3A_84 = vector.broadcast %broadcast_in_dim3A_83 : vector<1x128xf32> to vector<4096x128xf32>
    %eq3A_85 = arith.cmpf oeq, %get3A_80, %eq3A_84 : vector<4096x128xf32>
    %jit3A_86 = arith.constant 4096 : i32
    %broadcast_in_dim3A_87 = vector.broadcast %jit3A_86 : i32 to vector<4096x128xi32>
    %select_n3A_88 = arith.select %eq3A_85, %iota3A, %broadcast_in_dim3A_87 : vector<4096x128xi1>, vector<4096x128xi32>
    %reduce_min3A_89 = arith.constant dense<2147483647> : vector<128xi32>
    %reduce_min3A_90 = vector.multi_reduction <minsi>, %select_n3A_88, %reduce_min3A_89 [0] : vector<4096x128xi32> to vector<128xi32>
    %broadcast_in_dim3A_91 = vector.shape_cast %reduce_min3A_90 : vector<128xi32> to vector<1x128xi32>
    %mul3A_92 = arith.constant 1 : i32
    %mul3A_93 = vector.broadcast %mul3A_92 : i32 to vector<1x128xi32>
    %mul3A_94 = arith.muli %broadcast_in_dim3A_91, %mul3A_93 : vector<1x128xi32>
    %add3A_95 = vector.broadcast %mul3A_53 : i32 to vector<1x128xi32>
    %add3A_96 = arith.addi %mul3A_94, %add3A_95 : vector<1x128xi32>
    %eq3A_97 = vector.broadcast %broadcast_in_dim3A_91 : vector<1x128xi32> to vector<4096x128xi32>
    %eq3A_98 = arith.cmpi eq, %iota3A, %eq3A_97 : vector<4096x128xi32>
    %and3A_99 = arith.andi %eq3A_85, %eq3A_98 : vector<4096x128xi1>
    %jit3A_100 = arith.constant 0x7F800000 : f32
    %broadcast_in_dim3A_101 = vector.broadcast %jit3A_100 : f32 to vector<4096x128xf32>
    %select_n3A_102 = arith.select %and3A_99, %broadcast_in_dim3A_101, %get3A_80 : vector<4096x128xi1>, vector<4096x128xf32>
    %swap3A_103 = arith.constant 0 : index
    %swap3A_104 = arith.constant 0 : index
    %swap3A_105 = vector.load %arg5[%swap3A_103, %swap3A_104] : memref<4096x128xf32, #tpu.memory_space<vmem>>, vector<4096x128xf32>
    tpu.vector_store %arg5[%swap3A_103, %swap3A_104], %select_n3A_102 {strides = array<i32>} : memref<4096x128xf32, #tpu.memory_space<vmem>>, vector<4096x128xf32>,
    %get3A_106 = arith.constant 0 : index
    %get3A_107 = arith.constant 0 : index
    %get3A_108 = vector.load %arg5[%get3A_106, %get3A_107] : memref<4096x128xf32, #tpu.memory_space<vmem>>, vector<4096x128xf32>
    %reduce_min3A_109 = arith.constant dense<0x7F800000> : vector<128xf32>
    %reduce_min3A_110 = vector.multi_reduction <minimumf>, %get3A_108, %reduce_min3A_109 [0] : vector<4096x128xf32> to vector<128xf32>
    %broadcast_in_dim3A_111 = vector.shape_cast %reduce_min3A_110 : vector<128xf32> to vector<1x128xf32>
    %eq3A_112 = vector.broadcast %broadcast_in_dim3A_111 : vector<1x128xf32> to vector<4096x128xf32>
    %eq3A_113 = arith.cmpf oeq, %get3A_108, %eq3A_112 : vector<4096x128xf32>
    %jit3A_114 = arith.constant 4096 : i32
    %broadcast_in_dim3A_115 = vector.broadcast %jit3A_114 : i32 to vector<4096x128xi32>
    %select_n3A_116 = arith.select %eq3A_113, %iota3A, %broadcast_in_dim3A_115 : vector<4096x128xi1>, vector<4096x128xi32>
    %reduce_min3A_117 = arith.constant dense<2147483647> : vector<128xi32>
    %reduce_min3A_118 = vector.multi_reduction <minsi>, %select_n3A_116, %reduce_min3A_117 [0] : vector<4096x128xi32> to vector<128xi32>
    %broadcast_in_dim3A_119 = vector.shape_cast %reduce_min3A_118 : vector<128xi32> to vector<1x128xi32>
    %mul3A_120 = arith.constant 1 : i32
    %mul3A_121 = vector.broadcast %mul3A_120 : i32 to vector<1x128xi32>
    %mul3A_122 = arith.muli %broadcast_in_dim3A_119, %mul3A_121 : vector<1x128xi32>
    %add3A_123 = vector.broadcast %mul3A_53 : i32 to vector<1x128xi32>
    %add3A_124 = arith.addi %mul3A_122, %add3A_123 : vector<1x128xi32>
    %eq3A_125 = vector.broadcast %broadcast_in_dim3A_119 : vector<1x128xi32> to vector<4096x128xi32>
    %eq3A_126 = arith.cmpi eq, %iota3A, %eq3A_125 : vector<4096x128xi32>
    %and3A_127 = arith.andi %eq3A_113, %eq3A_126 : vector<4096x128xi1>
    %jit3A_128 = arith.constant 0x7F800000 : f32
    %broadcast_in_dim3A_129 = vector.broadcast %jit3A_128 : f32 to vector<4096x128xf32>
    %select_n3A_130 = arith.select %and3A_127, %broadcast_in_dim3A_129, %get3A_108 : vector<4096x128xi1>, vector<4096x128xf32>
    %swap3A_131 = arith.constant 0 : index
    %swap3A_132 = arith.constant 0 : index
    %swap3A_133 = vector.load %arg5[%swap3A_131, %swap3A_132] : memref<4096x128xf32, #tpu.memory_space<vmem>>, vector<4096x128xf32>
    tpu.vector_store %arg5[%swap3A_131, %swap3A_132], %select_n3A_130 {strides = array<i32>} : memref<4096x128xf32, #tpu.memory_space<vmem>>, vector<4096x128xf32>,
    %get3A_134 = arith.constant 0 : index
    %get3A_135 = arith.constant 0 : index
    %get3A_136 = vector.load %arg5[%get3A_134, %get3A_135] : memref<4096x128xf32, #tpu.memory_space<vmem>>, vector<4096x128xf32>
    %reduce_min3A_137 = arith.constant dense<0x7F800000> : vector<128xf32>
    %reduce_min3A_138 = vector.multi_reduction <minimumf>, %get3A_136, %reduce_min3A_137 [0] : vector<4096x128xf32> to vector<128xf32>
    %broadcast_in_dim3A_139 = vector.shape_cast %reduce_min3A_138 : vector<128xf32> to vector<1x128xf32>
    %eq3A_140 = vector.broadcast %broadcast_in_dim3A_139 : vector<1x128xf32> to vector<4096x128xf32>
    %eq3A_141 = arith.cmpf oeq, %get3A_136, %eq3A_140 : vector<4096x128xf32>
    %jit3A_142 = arith.constant 4096 : i32
    %broadcast_in_dim3A_143 = vector.broadcast %jit3A_142 : i32 to vector<4096x128xi32>
    %select_n3A_144 = arith.select %eq3A_141, %iota3A, %broadcast_in_dim3A_143 : vector<4096x128xi1>, vector<4096x128xi32>
    %reduce_min3A_145 = arith.constant dense<2147483647> : vector<128xi32>
    %reduce_min3A_146 = vector.multi_reduction <minsi>, %select_n3A_144, %reduce_min3A_145 [0] : vector<4096x128xi32> to vector<128xi32>
    %broadcast_in_dim3A_147 = vector.shape_cast %reduce_min3A_146 : vector<128xi32> to vector<1x128xi32>
    %mul3A_148 = arith.constant 1 : i32
    %mul3A_149 = vector.broadcast %mul3A_148 : i32 to vector<1x128xi32>
    %mul3A_150 = arith.muli %broadcast_in_dim3A_147, %mul3A_149 : vector<1x128xi32>
    %add3A_151 = vector.broadcast %mul3A_53 : i32 to vector<1x128xi32>
    %add3A_152 = arith.addi %mul3A_150, %add3A_151 : vector<1x128xi32>
    %eq3A_153 = vector.broadcast %broadcast_in_dim3A_147 : vector<1x128xi32> to vector<4096x128xi32>
    %eq3A_154 = arith.cmpi eq, %iota3A, %eq3A_153 : vector<4096x128xi32>
    %and3A_155 = arith.andi %eq3A_141, %eq3A_154 : vector<4096x128xi1>
    %jit3A_156 = arith.constant 0x7F800000 : f32
    %broadcast_in_dim3A_157 = vector.broadcast %jit3A_156 : f32 to vector<4096x128xf32>
    %select_n3A_158 = arith.select %and3A_155, %broadcast_in_dim3A_157, %get3A_136 : vector<4096x128xi1>, vector<4096x128xf32>
    %swap3A_159 = arith.constant 0 : index
    %swap3A_160 = arith.constant 0 : index
    %swap3A_161 = vector.load %arg5[%swap3A_159, %swap3A_160] : memref<4096x128xf32, #tpu.memory_space<vmem>>, vector<4096x128xf32>
    tpu.vector_store %arg5[%swap3A_159, %swap3A_160], %select_n3A_158 {strides = array<i32>} : memref<4096x128xf32, #tpu.memory_space<vmem>>, vector<4096x128xf32>,
    %get3A_162 = arith.constant 0 : index
    %get3A_163 = arith.constant 0 : index
    %get3A_164 = vector.load %arg5[%get3A_162, %get3A_163] : memref<4096x128xf32, #tpu.memory_space<vmem>>, vector<4096x128xf32>
    %reduce_min3A_165 = arith.constant dense<0x7F800000> : vector<128xf32>
    %reduce_min3A_166 = vector.multi_reduction <minimumf>, %get3A_164, %reduce_min3A_165 [0] : vector<4096x128xf32> to vector<128xf32>
    %broadcast_in_dim3A_167 = vector.shape_cast %reduce_min3A_166 : vector<128xf32> to vector<1x128xf32>
    %eq3A_168 = vector.broadcast %broadcast_in_dim3A_167 : vector<1x128xf32> to vector<4096x128xf32>
    %eq3A_169 = arith.cmpf oeq, %get3A_164, %eq3A_168 : vector<4096x128xf32>
    %jit3A_170 = arith.constant 4096 : i32
    %broadcast_in_dim3A_171 = vector.broadcast %jit3A_170 : i32 to vector<4096x128xi32>
    %select_n3A_172 = arith.select %eq3A_169, %iota3A, %broadcast_in_dim3A_171 : vector<4096x128xi1>, vector<4096x128xi32>
    %reduce_min3A_173 = arith.constant dense<2147483647> : vector<128xi32>
    %reduce_min3A_174 = vector.multi_reduction <minsi>, %select_n3A_172, %reduce_min3A_173 [0] : vector<4096x128xi32> to vector<128xi32>
    %broadcast_in_dim3A_175 = vector.shape_cast %reduce_min3A_174 : vector<128xi32> to vector<1x128xi32>
    %mul3A_176 = arith.constant 1 : i32
    %mul3A_177 = vector.broadcast %mul3A_176 : i32 to vector<1x128xi32>
    %mul3A_178 = arith.muli %broadcast_in_dim3A_175, %mul3A_177 : vector<1x128xi32>
    %add3A_179 = vector.broadcast %mul3A_53 : i32 to vector<1x128xi32>
    %add3A_180 = arith.addi %mul3A_178, %add3A_179 : vector<1x128xi32>
    %eq3A_181 = vector.broadcast %broadcast_in_dim3A_175 : vector<1x128xi32> to vector<4096x128xi32>
    %eq3A_182 = arith.cmpi eq, %iota3A, %eq3A_181 : vector<4096x128xi32>
    %and3A_183 = arith.andi %eq3A_169, %eq3A_182 : vector<4096x128xi1>
    %jit3A_184 = arith.constant 0x7F800000 : f32
    %broadcast_in_dim3A_185 = vector.broadcast %jit3A_184 : f32 to vector<4096x128xf32>
    %select_n3A_186 = arith.select %and3A_183, %broadcast_in_dim3A_185, %get3A_164 : vector<4096x128xi1>, vector<4096x128xf32>
    %swap3A_187 = arith.constant 0 : index
    %swap3A_188 = arith.constant 0 : index
    %swap3A_189 = vector.load %arg5[%swap3A_187, %swap3A_188] : memref<4096x128xf32, #tpu.memory_space<vmem>>, vector<4096x128xf32>
    tpu.vector_store %arg5[%swap3A_187, %swap3A_188], %select_n3A_186 {strides = array<i32>} : memref<4096x128xf32, #tpu.memory_space<vmem>>, vector<4096x128xf32>,
    %get3A_190 = arith.constant 0 : index
    %get3A_191 = arith.constant 0 : index
    %get3A_192 = vector.load %arg5[%get3A_190, %get3A_191] : memref<4096x128xf32, #tpu.memory_space<vmem>>, vector<4096x128xf32>
    %reduce_min3A_193 = arith.constant dense<0x7F800000> : vector<128xf32>
    %reduce_min3A_194 = vector.multi_reduction <minimumf>, %get3A_192, %reduce_min3A_193 [0] : vector<4096x128xf32> to vector<128xf32>
    %broadcast_in_dim3A_195 = vector.shape_cast %reduce_min3A_194 : vector<128xf32> to vector<1x128xf32>
    %eq3A_196 = vector.broadcast %broadcast_in_dim3A_195 : vector<1x128xf32> to vector<4096x128xf32>
    %eq3A_197 = arith.cmpf oeq, %get3A_192, %eq3A_196 : vector<4096x128xf32>
    %jit3A_198 = arith.constant 4096 : i32
    %broadcast_in_dim3A_199 = vector.broadcast %jit3A_198 : i32 to vector<4096x128xi32>
    %select_n3A_200 = arith.select %eq3A_197, %iota3A, %broadcast_in_dim3A_199 : vector<4096x128xi1>, vector<4096x128xi32>
    %reduce_min3A_201 = arith.constant dense<2147483647> : vector<128xi32>
    %reduce_min3A_202 = vector.multi_reduction <minsi>, %select_n3A_200, %reduce_min3A_201 [0] : vector<4096x128xi32> to vector<128xi32>
    %broadcast_in_dim3A_203 = vector.shape_cast %reduce_min3A_202 : vector<128xi32> to vector<1x128xi32>
    %mul3A_204 = arith.constant 1 : i32
    %mul3A_205 = vector.broadcast %mul3A_204 : i32 to vector<1x128xi32>
    %mul3A_206 = arith.muli %broadcast_in_dim3A_203, %mul3A_205 : vector<1x128xi32>
    %add3A_207 = vector.broadcast %mul3A_53 : i32 to vector<1x128xi32>
    %add3A_208 = arith.addi %mul3A_206, %add3A_207 : vector<1x128xi32>
    %eq3A_209 = vector.broadcast %broadcast_in_dim3A_203 : vector<1x128xi32> to vector<4096x128xi32>
    %eq3A_210 = arith.cmpi eq, %iota3A, %eq3A_209 : vector<4096x128xi32>
    %and3A_211 = arith.andi %eq3A_197, %eq3A_210 : vector<4096x128xi1>
    %jit3A_212 = arith.constant 0x7F800000 : f32
    %broadcast_in_dim3A_213 = vector.broadcast %jit3A_212 : f32 to vector<4096x128xf32>
    %select_n3A_214 = arith.select %and3A_211, %broadcast_in_dim3A_213, %get3A_192 : vector<4096x128xi1>, vector<4096x128xf32>
    %swap3A_215 = arith.constant 0 : index
    %swap3A_216 = arith.constant 0 : index
    %swap3A_217 = vector.load %arg5[%swap3A_215, %swap3A_216] : memref<4096x128xf32, #tpu.memory_space<vmem>>, vector<4096x128xf32>
    tpu.vector_store %arg5[%swap3A_215, %swap3A_216], %select_n3A_214 {strides = array<i32>} : memref<4096x128xf32, #tpu.memory_space<vmem>>, vector<4096x128xf32>,
    %get3A_218 = arith.constant 0 : index
    %get3A_219 = arith.constant 0 : index
    %get3A_220 = vector.load %arg5[%get3A_218, %get3A_219] : memref<4096x128xf32, #tpu.memory_space<vmem>>, vector<4096x128xf32>
    %reduce_min3A_221 = arith.constant dense<0x7F800000> : vector<128xf32>
    %reduce_min3A_222 = vector.multi_reduction <minimumf>, %get3A_220, %reduce_min3A_221 [0] : vector<4096x128xf32> to vector<128xf32>
    %broadcast_in_dim3A_223 = vector.shape_cast %reduce_min3A_222 : vector<128xf32> to vector<1x128xf32>
    %eq3A_224 = vector.broadcast %broadcast_in_dim3A_223 : vector<1x128xf32> to vector<4096x128xf32>
    %eq3A_225 = arith.cmpf oeq, %get3A_220, %eq3A_224 : vector<4096x128xf32>
    %jit3A_226 = arith.constant 4096 : i32
    %broadcast_in_dim3A_227 = vector.broadcast %jit3A_226 : i32 to vector<4096x128xi32>
    %select_n3A_228 = arith.select %eq3A_225, %iota3A, %broadcast_in_dim3A_227 : vector<4096x128xi1>, vector<4096x128xi32>
    %reduce_min3A_229 = arith.constant dense<2147483647> : vector<128xi32>
    %reduce_min3A_230 = vector.multi_reduction <minsi>, %select_n3A_228, %reduce_min3A_229 [0] : vector<4096x128xi32> to vector<128xi32>
    %broadcast_in_dim3A_231 = vector.shape_cast %reduce_min3A_230 : vector<128xi32> to vector<1x128xi32>
    %mul3A_232 = arith.constant 1 : i32
    %mul3A_233 = vector.broadcast %mul3A_232 : i32 to vector<1x128xi32>
    %mul3A_234 = arith.muli %broadcast_in_dim3A_231, %mul3A_233 : vector<1x128xi32>
    %add3A_235 = vector.broadcast %mul3A_53 : i32 to vector<1x128xi32>
    %add3A_236 = arith.addi %mul3A_234, %add3A_235 : vector<1x128xi32>
    %eq3A_237 = vector.broadcast %broadcast_in_dim3A_231 : vector<1x128xi32> to vector<4096x128xi32>
    %eq3A_238 = arith.cmpi eq, %iota3A, %eq3A_237 : vector<4096x128xi32>
    %and3A_239 = arith.andi %eq3A_225, %eq3A_238 : vector<4096x128xi1>
    %jit3A_240 = arith.constant 0x7F800000 : f32
    %broadcast_in_dim3A_241 = vector.broadcast %jit3A_240 : f32 to vector<4096x128xf32>
    %select_n3A_242 = arith.select %and3A_239, %broadcast_in_dim3A_241, %get3A_220 : vector<4096x128xi1>, vector<4096x128xf32>
    %swap3A_243 = arith.constant 0 : index
    %swap3A_244 = arith.constant 0 : index
    %swap3A_245 = vector.load %arg5[%swap3A_243, %swap3A_244] : memref<4096x128xf32, #tpu.memory_space<vmem>>, vector<4096x128xf32>
    tpu.vector_store %arg5[%swap3A_243, %swap3A_244], %select_n3A_242 {strides = array<i32>} : memref<4096x128xf32, #tpu.memory_space<vmem>>, vector<4096x128xf32>,
    %get3A_246 = arith.constant 0 : index
    %get3A_247 = arith.constant 0 : index
    %get3A_248 = vector.load %arg5[%get3A_246, %get3A_247] : memref<4096x128xf32, #tpu.memory_space<vmem>>, vector<4096x128xf32>
    %reduce_min3A_249 = arith.constant dense<0x7F800000> : vector<128xf32>
    %reduce_min3A_250 = vector.multi_reduction <minimumf>, %get3A_248, %reduce_min3A_249 [0] : vector<4096x128xf32> to vector<128xf32>
    %broadcast_in_dim3A_251 = vector.shape_cast %reduce_min3A_250 : vector<128xf32> to vector<1x128xf32>
    %eq3A_252 = vector.broadcast %broadcast_in_dim3A_251 : vector<1x128xf32> to vector<4096x128xf32>
    %eq3A_253 = arith.cmpf oeq, %get3A_248, %eq3A_252 : vector<4096x128xf32>
    %jit3A_254 = arith.constant 4096 : i32
    %broadcast_in_dim3A_255 = vector.broadcast %jit3A_254 : i32 to vector<4096x128xi32>
    %select_n3A_256 = arith.select %eq3A_253, %iota3A, %broadcast_in_dim3A_255 : vector<4096x128xi1>, vector<4096x128xi32>
    %reduce_min3A_257 = arith.constant dense<2147483647> : vector<128xi32>
    %reduce_min3A_258 = vector.multi_reduction <minsi>, %select_n3A_256, %reduce_min3A_257 [0] : vector<4096x128xi32> to vector<128xi32>
    %broadcast_in_dim3A_259 = vector.shape_cast %reduce_min3A_258 : vector<128xi32> to vector<1x128xi32>
    %mul3A_260 = arith.constant 1 : i32
    %mul3A_261 = vector.broadcast %mul3A_260 : i32 to vector<1x128xi32>
    %mul3A_262 = arith.muli %broadcast_in_dim3A_259, %mul3A_261 : vector<1x128xi32>
    %add3A_263 = vector.broadcast %mul3A_53 : i32 to vector<1x128xi32>
    %add3A_264 = arith.addi %mul3A_262, %add3A_263 : vector<1x128xi32>
    %eq3A_265 = vector.broadcast %broadcast_in_dim3A_259 : vector<1x128xi32> to vector<4096x128xi32>
    %eq3A_266 = arith.cmpi eq, %iota3A, %eq3A_265 : vector<4096x128xi32>
    %and3A_267 = arith.andi %eq3A_253, %eq3A_266 : vector<4096x128xi1>
    %jit3A_268 = arith.constant 0x7F800000 : f32
    %broadcast_in_dim3A_269 = vector.broadcast %jit3A_268 : f32 to vector<4096x128xf32>
    %select_n3A_270 = arith.select %and3A_267, %broadcast_in_dim3A_269, %get3A_248 : vector<4096x128xi1>, vector<4096x128xf32>
    %swap3A_271 = arith.constant 0 : index
    %swap3A_272 = arith.constant 0 : index
    %swap3A_273 = vector.load %arg5[%swap3A_271, %swap3A_272] : memref<4096x128xf32, #tpu.memory_space<vmem>>, vector<4096x128xf32>
    tpu.vector_store %arg5[%swap3A_271, %swap3A_272], %select_n3A_270 {strides = array<i32>} : memref<4096x128xf32, #tpu.memory_space<vmem>>, vector<4096x128xf32>,
    %get3A_274 = arith.constant 0 : index
    %get3A_275 = arith.constant 0 : index
    %get3A_276 = vector.load %arg5[%get3A_274, %get3A_275] : memref<4096x128xf32, #tpu.memory_space<vmem>>, vector<4096x128xf32>
    %reduce_min3A_277 = arith.constant dense<0x7F800000> : vector<128xf32>
    %reduce_min3A_278 = vector.multi_reduction <minimumf>, %get3A_276, %reduce_min3A_277 [0] : vector<4096x128xf32> to vector<128xf32>
    %broadcast_in_dim3A_279 = vector.shape_cast %reduce_min3A_278 : vector<128xf32> to vector<1x128xf32>
    %eq3A_280 = vector.broadcast %broadcast_in_dim3A_279 : vector<1x128xf32> to vector<4096x128xf32>
    %eq3A_281 = arith.cmpf oeq, %get3A_276, %eq3A_280 : vector<4096x128xf32>
    %jit3A_282 = arith.constant 4096 : i32
    %broadcast_in_dim3A_283 = vector.broadcast %jit3A_282 : i32 to vector<4096x128xi32>
    %select_n3A_284 = arith.select %eq3A_281, %iota3A, %broadcast_in_dim3A_283 : vector<4096x128xi1>, vector<4096x128xi32>
    %reduce_min3A_285 = arith.constant dense<2147483647> : vector<128xi32>
    %reduce_min3A_286 = vector.multi_reduction <minsi>, %select_n3A_284, %reduce_min3A_285 [0] : vector<4096x128xi32> to vector<128xi32>
    %broadcast_in_dim3A_287 = vector.shape_cast %reduce_min3A_286 : vector<128xi32> to vector<1x128xi32>
    %mul3A_288 = arith.constant 1 : i32
    %mul3A_289 = vector.broadcast %mul3A_288 : i32 to vector<1x128xi32>
    %mul3A_290 = arith.muli %broadcast_in_dim3A_287, %mul3A_289 : vector<1x128xi32>
    %add3A_291 = vector.broadcast %mul3A_53 : i32 to vector<1x128xi32>
    %add3A_292 = arith.addi %mul3A_290, %add3A_291 : vector<1x128xi32>
    %eq3A_293 = vector.broadcast %broadcast_in_dim3A_287 : vector<1x128xi32> to vector<4096x128xi32>
    %eq3A_294 = arith.cmpi eq, %iota3A, %eq3A_293 : vector<4096x128xi32>
    %and3A_295 = arith.andi %eq3A_281, %eq3A_294 : vector<4096x128xi1>
    %jit3A_296 = arith.constant 0x7F800000 : f32
    %broadcast_in_dim3A_297 = vector.broadcast %jit3A_296 : f32 to vector<4096x128xf32>
    %select_n3A_298 = arith.select %and3A_295, %broadcast_in_dim3A_297, %get3A_276 : vector<4096x128xi1>, vector<4096x128xf32>
    %swap3A_299 = arith.constant 0 : index
    %swap3A_300 = arith.constant 0 : index
    %swap3A_301 = vector.load %arg5[%swap3A_299, %swap3A_300] : memref<4096x128xf32, #tpu.memory_space<vmem>>, vector<4096x128xf32>
    tpu.vector_store %arg5[%swap3A_299, %swap3A_300], %select_n3A_298 {strides = array<i32>} : memref<4096x128xf32, #tpu.memory_space<vmem>>, vector<4096x128xf32>,
    %get3A_302 = arith.constant 0 : index
    %get3A_303 = arith.constant 0 : index
    %get3A_304 = vector.load %arg5[%get3A_302, %get3A_303] : memref<4096x128xf32, #tpu.memory_space<vmem>>, vector<4096x128xf32>
    %reduce_min3A_305 = arith.constant dense<0x7F800000> : vector<128xf32>
    %reduce_min3A_306 = vector.multi_reduction <minimumf>, %get3A_304, %reduce_min3A_305 [0] : vector<4096x128xf32> to vector<128xf32>
    %broadcast_in_dim3A_307 = vector.shape_cast %reduce_min3A_306 : vector<128xf32> to vector<1x128xf32>
    %eq3A_308 = vector.broadcast %broadcast_in_dim3A_307 : vector<1x128xf32> to vector<4096x128xf32>
    %eq3A_309 = arith.cmpf oeq, %get3A_304, %eq3A_308 : vector<4096x128xf32>
    %jit3A_310 = arith.constant 4096 : i32
    %broadcast_in_dim3A_311 = vector.broadcast %jit3A_310 : i32 to vector<4096x128xi32>
    %select_n3A_312 = arith.select %eq3A_309, %iota3A, %broadcast_in_dim3A_311 : vector<4096x128xi1>, vector<4096x128xi32>
    %reduce_min3A_313 = arith.constant dense<2147483647> : vector<128xi32>
    %reduce_min3A_314 = vector.multi_reduction <minsi>, %select_n3A_312, %reduce_min3A_313 [0] : vector<4096x128xi32> to vector<128xi32>
    %broadcast_in_dim3A_315 = vector.shape_cast %reduce_min3A_314 : vector<128xi32> to vector<1x128xi32>
    %mul3A_316 = arith.constant 1 : i32
    %mul3A_317 = vector.broadcast %mul3A_316 : i32 to vector<1x128xi32>
    %mul3A_318 = arith.muli %broadcast_in_dim3A_315, %mul3A_317 : vector<1x128xi32>
    %add3A_319 = vector.broadcast %mul3A_53 : i32 to vector<1x128xi32>
    %add3A_320 = arith.addi %mul3A_318, %add3A_319 : vector<1x128xi32>
    %eq3A_321 = vector.broadcast %broadcast_in_dim3A_315 : vector<1x128xi32> to vector<4096x128xi32>
    %eq3A_322 = arith.cmpi eq, %iota3A, %eq3A_321 : vector<4096x128xi32>
    %and3A_323 = arith.andi %eq3A_309, %eq3A_322 : vector<4096x128xi1>
    %jit3A_324 = arith.constant 0x7F800000 : f32
    %broadcast_in_dim3A_325 = vector.broadcast %jit3A_324 : f32 to vector<4096x128xf32>
    %select_n3A_326 = arith.select %and3A_323, %broadcast_in_dim3A_325, %get3A_304 : vector<4096x128xi1>, vector<4096x128xf32>
    %swap3A_327 = arith.constant 0 : index
    %swap3A_328 = arith.constant 0 : index
    %swap3A_329 = vector.load %arg5[%swap3A_327, %swap3A_328] : memref<4096x128xf32, #tpu.memory_space<vmem>>, vector<4096x128xf32>
    tpu.vector_store %arg5[%swap3A_327, %swap3A_328], %select_n3A_326 {strides = array<i32>} : memref<4096x128xf32, #tpu.memory_space<vmem>>, vector<4096x128xf32>,
    %get3A_330 = arith.constant 0 : index
    %get3A_331 = arith.constant 0 : index
    %get3A_332 = vector.load %arg5[%get3A_330, %get3A_331] : memref<4096x128xf32, #tpu.memory_space<vmem>>, vector<4096x128xf32>
    %reduce_min3A_333 = arith.constant dense<0x7F800000> : vector<128xf32>
    %reduce_min3A_334 = vector.multi_reduction <minimumf>, %get3A_332, %reduce_min3A_333 [0] : vector<4096x128xf32> to vector<128xf32>
    %broadcast_in_dim3A_335 = vector.shape_cast %reduce_min3A_334 : vector<128xf32> to vector<1x128xf32>
    %eq3A_336 = vector.broadcast %broadcast_in_dim3A_335 : vector<1x128xf32> to vector<4096x128xf32>
    %eq3A_337 = arith.cmpf oeq, %get3A_332, %eq3A_336 : vector<4096x128xf32>
    %jit3A_338 = arith.constant 4096 : i32
    %broadcast_in_dim3A_339 = vector.broadcast %jit3A_338 : i32 to vector<4096x128xi32>
    %select_n3A_340 = arith.select %eq3A_337, %iota3A, %broadcast_in_dim3A_339 : vector<4096x128xi1>, vector<4096x128xi32>
    %reduce_min3A_341 = arith.constant dense<2147483647> : vector<128xi32>
    %reduce_min3A_342 = vector.multi_reduction <minsi>, %select_n3A_340, %reduce_min3A_341 [0] : vector<4096x128xi32> to vector<128xi32>
    %broadcast_in_dim3A_343 = vector.shape_cast %reduce_min3A_342 : vector<128xi32> to vector<1x128xi32>
    %mul3A_344 = arith.constant 1 : i32
    %mul3A_345 = vector.broadcast %mul3A_344 : i32 to vector<1x128xi32>
    %mul3A_346 = arith.muli %broadcast_in_dim3A_343, %mul3A_345 : vector<1x128xi32>
    %add3A_347 = vector.broadcast %mul3A_53 : i32 to vector<1x128xi32>
    %add3A_348 = arith.addi %mul3A_346, %add3A_347 : vector<1x128xi32>
    %eq3A_349 = vector.broadcast %broadcast_in_dim3A_343 : vector<1x128xi32> to vector<4096x128xi32>
    %eq3A_350 = arith.cmpi eq, %iota3A, %eq3A_349 : vector<4096x128xi32>
    %and3A_351 = arith.andi %eq3A_337, %eq3A_350 : vector<4096x128xi1>
    %jit3A_352 = arith.constant 0x7F800000 : f32
    %broadcast_in_dim3A_353 = vector.broadcast %jit3A_352 : f32 to vector<4096x128xf32>
    %select_n3A_354 = arith.select %and3A_351, %broadcast_in_dim3A_353, %get3A_332 : vector<4096x128xi1>, vector<4096x128xf32>
    %swap3A_355 = arith.constant 0 : index
    %swap3A_356 = arith.constant 0 : index
    %swap3A_357 = vector.load %arg5[%swap3A_355, %swap3A_356] : memref<4096x128xf32, #tpu.memory_space<vmem>>, vector<4096x128xf32>
    tpu.vector_store %arg5[%swap3A_355, %swap3A_356], %select_n3A_354 {strides = array<i32>} : memref<4096x128xf32, #tpu.memory_space<vmem>>, vector<4096x128xf32>,
    %get3A_358 = arith.constant 0 : index
    %get3A_359 = arith.constant 0 : index
    %get3A_360 = vector.load %arg5[%get3A_358, %get3A_359] : memref<4096x128xf32, #tpu.memory_space<vmem>>, vector<4096x128xf32>
    %reduce_min3A_361 = arith.constant dense<0x7F800000> : vector<128xf32>
    %reduce_min3A_362 = vector.multi_reduction <minimumf>, %get3A_360, %reduce_min3A_361 [0] : vector<4096x128xf32> to vector<128xf32>
    %broadcast_in_dim3A_363 = vector.shape_cast %reduce_min3A_362 : vector<128xf32> to vector<1x128xf32>
    %eq3A_364 = vector.broadcast %broadcast_in_dim3A_363 : vector<1x128xf32> to vector<4096x128xf32>
    %eq3A_365 = arith.cmpf oeq, %get3A_360, %eq3A_364 : vector<4096x128xf32>
    %jit3A_366 = arith.constant 4096 : i32
    %broadcast_in_dim3A_367 = vector.broadcast %jit3A_366 : i32 to vector<4096x128xi32>
    %select_n3A_368 = arith.select %eq3A_365, %iota3A, %broadcast_in_dim3A_367 : vector<4096x128xi1>, vector<4096x128xi32>
    %reduce_min3A_369 = arith.constant dense<2147483647> : vector<128xi32>
    %reduce_min3A_370 = vector.multi_reduction <minsi>, %select_n3A_368, %reduce_min3A_369 [0] : vector<4096x128xi32> to vector<128xi32>
    %broadcast_in_dim3A_371 = vector.shape_cast %reduce_min3A_370 : vector<128xi32> to vector<1x128xi32>
    %mul3A_372 = arith.constant 1 : i32
    %mul3A_373 = vector.broadcast %mul3A_372 : i32 to vector<1x128xi32>
    %mul3A_374 = arith.muli %broadcast_in_dim3A_371, %mul3A_373 : vector<1x128xi32>
    %add3A_375 = vector.broadcast %mul3A_53 : i32 to vector<1x128xi32>
    %add3A_376 = arith.addi %mul3A_374, %add3A_375 : vector<1x128xi32>
    %eq3A_377 = vector.broadcast %broadcast_in_dim3A_371 : vector<1x128xi32> to vector<4096x128xi32>
    %eq3A_378 = arith.cmpi eq, %iota3A, %eq3A_377 : vector<4096x128xi32>
    %and3A_379 = arith.andi %eq3A_365, %eq3A_378 : vector<4096x128xi1>
    %jit3A_380 = arith.constant 0x7F800000 : f32
    %broadcast_in_dim3A_381 = vector.broadcast %jit3A_380 : f32 to vector<4096x128xf32>
    %select_n3A_382 = arith.select %and3A_379, %broadcast_in_dim3A_381, %get3A_360 : vector<4096x128xi1>, vector<4096x128xf32>
    %swap3A_383 = arith.constant 0 : index
    %swap3A_384 = arith.constant 0 : index
    %swap3A_385 = vector.load %arg5[%swap3A_383, %swap3A_384] : memref<4096x128xf32, #tpu.memory_space<vmem>>, vector<4096x128xf32>
    tpu.vector_store %arg5[%swap3A_383, %swap3A_384], %select_n3A_382 {strides = array<i32>} : memref<4096x128xf32, #tpu.memory_space<vmem>>, vector<4096x128xf32>,
    %get3A_386 = arith.constant 0 : index
    %get3A_387 = arith.constant 0 : index
    %get3A_388 = vector.load %arg5[%get3A_386, %get3A_387] : memref<4096x128xf32, #tpu.memory_space<vmem>>, vector<4096x128xf32>
    %reduce_min3A_389 = arith.constant dense<0x7F800000> : vector<128xf32>
    %reduce_min3A_390 = vector.multi_reduction <minimumf>, %get3A_388, %reduce_min3A_389 [0] : vector<4096x128xf32> to vector<128xf32>
    %broadcast_in_dim3A_391 = vector.shape_cast %reduce_min3A_390 : vector<128xf32> to vector<1x128xf32>
    %eq3A_392 = vector.broadcast %broadcast_in_dim3A_391 : vector<1x128xf32> to vector<4096x128xf32>
    %eq3A_393 = arith.cmpf oeq, %get3A_388, %eq3A_392 : vector<4096x128xf32>
    %jit3A_394 = arith.constant 4096 : i32
    %broadcast_in_dim3A_395 = vector.broadcast %jit3A_394 : i32 to vector<4096x128xi32>
    %select_n3A_396 = arith.select %eq3A_393, %iota3A, %broadcast_in_dim3A_395 : vector<4096x128xi1>, vector<4096x128xi32>
    %reduce_min3A_397 = arith.constant dense<2147483647> : vector<128xi32>
    %reduce_min3A_398 = vector.multi_reduction <minsi>, %select_n3A_396, %reduce_min3A_397 [0] : vector<4096x128xi32> to vector<128xi32>
    %broadcast_in_dim3A_399 = vector.shape_cast %reduce_min3A_398 : vector<128xi32> to vector<1x128xi32>
    %mul3A_400 = arith.constant 1 : i32
    %mul3A_401 = vector.broadcast %mul3A_400 : i32 to vector<1x128xi32>
    %mul3A_402 = arith.muli %broadcast_in_dim3A_399, %mul3A_401 : vector<1x128xi32>
    %add3A_403 = vector.broadcast %mul3A_53 : i32 to vector<1x128xi32>
    %add3A_404 = arith.addi %mul3A_402, %add3A_403 : vector<1x128xi32>
    %eq3A_405 = vector.broadcast %broadcast_in_dim3A_399 : vector<1x128xi32> to vector<4096x128xi32>
    %eq3A_406 = arith.cmpi eq, %iota3A, %eq3A_405 : vector<4096x128xi32>
    %and3A_407 = arith.andi %eq3A_393, %eq3A_406 : vector<4096x128xi1>
    %jit3A_408 = arith.constant 0x7F800000 : f32
    %broadcast_in_dim3A_409 = vector.broadcast %jit3A_408 : f32 to vector<4096x128xf32>
    %select_n3A_410 = arith.select %and3A_407, %broadcast_in_dim3A_409, %get3A_388 : vector<4096x128xi1>, vector<4096x128xf32>
    %swap3A_411 = arith.constant 0 : index
    %swap3A_412 = arith.constant 0 : index
    %swap3A_413 = vector.load %arg5[%swap3A_411, %swap3A_412] : memref<4096x128xf32, #tpu.memory_space<vmem>>, vector<4096x128xf32>
    tpu.vector_store %arg5[%swap3A_411, %swap3A_412], %select_n3A_410 {strides = array<i32>} : memref<4096x128xf32, #tpu.memory_space<vmem>>, vector<4096x128xf32>,
    %get3A_414 = arith.constant 0 : index
    %get3A_415 = arith.constant 0 : index
    %get3A_416 = vector.load %arg5[%get3A_414, %get3A_415] : memref<4096x128xf32, #tpu.memory_space<vmem>>, vector<4096x128xf32>
    %reduce_min3A_417 = arith.constant dense<0x7F800000> : vector<128xf32>
    %reduce_min3A_418 = vector.multi_reduction <minimumf>, %get3A_416, %reduce_min3A_417 [0] : vector<4096x128xf32> to vector<128xf32>
    %broadcast_in_dim3A_419 = vector.shape_cast %reduce_min3A_418 : vector<128xf32> to vector<1x128xf32>
    %eq3A_420 = vector.broadcast %broadcast_in_dim3A_419 : vector<1x128xf32> to vector<4096x128xf32>
    %eq3A_421 = arith.cmpf oeq, %get3A_416, %eq3A_420 : vector<4096x128xf32>
    %jit3A_422 = arith.constant 4096 : i32
    %broadcast_in_dim3A_423 = vector.broadcast %jit3A_422 : i32 to vector<4096x128xi32>
    %select_n3A_424 = arith.select %eq3A_421, %iota3A, %broadcast_in_dim3A_423 : vector<4096x128xi1>, vector<4096x128xi32>
    %reduce_min3A_425 = arith.constant dense<2147483647> : vector<128xi32>
    %reduce_min3A_426 = vector.multi_reduction <minsi>, %select_n3A_424, %reduce_min3A_425 [0] : vector<4096x128xi32> to vector<128xi32>
    %broadcast_in_dim3A_427 = vector.shape_cast %reduce_min3A_426 : vector<128xi32> to vector<1x128xi32>
    %mul3A_428 = arith.constant 1 : i32
    %mul3A_429 = vector.broadcast %mul3A_428 : i32 to vector<1x128xi32>
    %mul3A_430 = arith.muli %broadcast_in_dim3A_427, %mul3A_429 : vector<1x128xi32>
    %add3A_431 = vector.broadcast %mul3A_53 : i32 to vector<1x128xi32>
    %add3A_432 = arith.addi %mul3A_430, %add3A_431 : vector<1x128xi32>
    %eq3A_433 = vector.broadcast %broadcast_in_dim3A_427 : vector<1x128xi32> to vector<4096x128xi32>
    %eq3A_434 = arith.cmpi eq, %iota3A, %eq3A_433 : vector<4096x128xi32>
    %and3A_435 = arith.andi %eq3A_421, %eq3A_434 : vector<4096x128xi1>
    %jit3A_436 = arith.constant 0x7F800000 : f32
    %broadcast_in_dim3A_437 = vector.broadcast %jit3A_436 : f32 to vector<4096x128xf32>
    %select_n3A_438 = arith.select %and3A_435, %broadcast_in_dim3A_437, %get3A_416 : vector<4096x128xi1>, vector<4096x128xf32>
    %swap3A_439 = arith.constant 0 : index
    %swap3A_440 = arith.constant 0 : index
    %swap3A_441 = vector.load %arg5[%swap3A_439, %swap3A_440] : memref<4096x128xf32, #tpu.memory_space<vmem>>, vector<4096x128xf32>
    tpu.vector_store %arg5[%swap3A_439, %swap3A_440], %select_n3A_438 {strides = array<i32>} : memref<4096x128xf32, #tpu.memory_space<vmem>>, vector<4096x128xf32>,
    %get3A_442 = arith.constant 0 : index
    %get3A_443 = arith.constant 0 : index
    %get3A_444 = vector.load %arg5[%get3A_442, %get3A_443] : memref<4096x128xf32, #tpu.memory_space<vmem>>, vector<4096x128xf32>
    %reduce_min3A_445 = arith.constant dense<0x7F800000> : vector<128xf32>
    %reduce_min3A_446 = vector.multi_reduction <minimumf>, %get3A_444, %reduce_min3A_445 [0] : vector<4096x128xf32> to vector<128xf32>
    %broadcast_in_dim3A_447 = vector.shape_cast %reduce_min3A_446 : vector<128xf32> to vector<1x128xf32>
    %eq3A_448 = vector.broadcast %broadcast_in_dim3A_447 : vector<1x128xf32> to vector<4096x128xf32>
    %eq3A_449 = arith.cmpf oeq, %get3A_444, %eq3A_448 : vector<4096x128xf32>
    %jit3A_450 = arith.constant 4096 : i32
    %broadcast_in_dim3A_451 = vector.broadcast %jit3A_450 : i32 to vector<4096x128xi32>
    %select_n3A_452 = arith.select %eq3A_449, %iota3A, %broadcast_in_dim3A_451 : vector<4096x128xi1>, vector<4096x128xi32>
    %reduce_min3A_453 = arith.constant dense<2147483647> : vector<128xi32>
    %reduce_min3A_454 = vector.multi_reduction <minsi>, %select_n3A_452, %reduce_min3A_453 [0] : vector<4096x128xi32> to vector<128xi32>
    %broadcast_in_dim3A_455 = vector.shape_cast %reduce_min3A_454 : vector<128xi32> to vector<1x128xi32>
    %mul3A_456 = arith.constant 1 : i32
    %mul3A_457 = vector.broadcast %mul3A_456 : i32 to vector<1x128xi32>
    %mul3A_458 = arith.muli %broadcast_in_dim3A_455, %mul3A_457 : vector<1x128xi32>
    %add3A_459 = vector.broadcast %mul3A_53 : i32 to vector<1x128xi32>
    %add3A_460 = arith.addi %mul3A_458, %add3A_459 : vector<1x128xi32>
    %eq3A_461 = vector.broadcast %broadcast_in_dim3A_455 : vector<1x128xi32> to vector<4096x128xi32>
    %eq3A_462 = arith.cmpi eq, %iota3A, %eq3A_461 : vector<4096x128xi32>
    %and3A_463 = arith.andi %eq3A_449, %eq3A_462 : vector<4096x128xi1>
    %jit3A_464 = arith.constant 0x7F800000 : f32
    %broadcast_in_dim3A_465 = vector.broadcast %jit3A_464 : f32 to vector<4096x128xf32>
    %select_n3A_466 = arith.select %and3A_463, %broadcast_in_dim3A_465, %get3A_444 : vector<4096x128xi1>, vector<4096x128xf32>
    %swap3A_467 = arith.constant 0 : index
    %swap3A_468 = arith.constant 0 : index
    %swap3A_469 = vector.load %arg5[%swap3A_467, %swap3A_468] : memref<4096x128xf32, #tpu.memory_space<vmem>>, vector<4096x128xf32>
    tpu.vector_store %arg5[%swap3A_467, %swap3A_468], %select_n3A_466 {strides = array<i32>} : memref<4096x128xf32, #tpu.memory_space<vmem>>, vector<4096x128xf32>,
    %get3A_470 = arith.constant 0 : index
    %get3A_471 = arith.constant 0 : index
    %get3A_472 = vector.load %arg5[%get3A_470, %get3A_471] : memref<4096x128xf32, #tpu.memory_space<vmem>>, vector<4096x128xf32>
    %reduce_min3A_473 = arith.constant dense<0x7F800000> : vector<128xf32>
    %reduce_min3A_474 = vector.multi_reduction <minimumf>, %get3A_472, %reduce_min3A_473 [0] : vector<4096x128xf32> to vector<128xf32>
    %broadcast_in_dim3A_475 = vector.shape_cast %reduce_min3A_474 : vector<128xf32> to vector<1x128xf32>
    %eq3A_476 = vector.broadcast %broadcast_in_dim3A_475 : vector<1x128xf32> to vector<4096x128xf32>
    %eq3A_477 = arith.cmpf oeq, %get3A_472, %eq3A_476 : vector<4096x128xf32>
    %jit3A_478 = arith.constant 4096 : i32
    %broadcast_in_dim3A_479 = vector.broadcast %jit3A_478 : i32 to vector<4096x128xi32>
    %select_n3A_480 = arith.select %eq3A_477, %iota3A, %broadcast_in_dim3A_479 : vector<4096x128xi1>, vector<4096x128xi32>
    %reduce_min3A_481 = arith.constant dense<2147483647> : vector<128xi32>
    %reduce_min3A_482 = vector.multi_reduction <minsi>, %select_n3A_480, %reduce_min3A_481 [0] : vector<4096x128xi32> to vector<128xi32>
    %broadcast_in_dim3A_483 = vector.shape_cast %reduce_min3A_482 : vector<128xi32> to vector<1x128xi32>
    %mul3A_484 = arith.constant 1 : i32
    %mul3A_485 = vector.broadcast %mul3A_484 : i32 to vector<1x128xi32>
    %mul3A_486 = arith.muli %broadcast_in_dim3A_483, %mul3A_485 : vector<1x128xi32>
    %add3A_487 = vector.broadcast %mul3A_53 : i32 to vector<1x128xi32>
    %add3A_488 = arith.addi %mul3A_486, %add3A_487 : vector<1x128xi32>
    %eq3A_489 = vector.broadcast %broadcast_in_dim3A_483 : vector<1x128xi32> to vector<4096x128xi32>
    %eq3A_490 = arith.cmpi eq, %iota3A, %eq3A_489 : vector<4096x128xi32>
    %and3A_491 = arith.andi %eq3A_477, %eq3A_490 : vector<4096x128xi1>
    %jit3A_492 = arith.constant 0x7F800000 : f32
    %broadcast_in_dim3A_493 = vector.broadcast %jit3A_492 : f32 to vector<4096x128xf32>
    %select_n3A_494 = arith.select %and3A_491, %broadcast_in_dim3A_493, %get3A_472 : vector<4096x128xi1>, vector<4096x128xf32>
    %swap3A_495 = arith.constant 0 : index
    %swap3A_496 = arith.constant 0 : index
    %swap3A_497 = vector.load %arg5[%swap3A_495, %swap3A_496] : memref<4096x128xf32, #tpu.memory_space<vmem>>, vector<4096x128xf32>
    tpu.vector_store %arg5[%swap3A_495, %swap3A_496], %select_n3A_494 {strides = array<i32>} : memref<4096x128xf32, #tpu.memory_space<vmem>>, vector<4096x128xf32>,
    %concatenate3A = tpu.concatenate %add3A_69, %add3A_96, %add3A_124, %add3A_152, %add3A_180, %add3A_208, %add3A_236, %add3A_264, %add3A_292, %add3A_320, %add3A_348, %add3A_376, %add3A_404, %add3A_432, %add3A_460, %add3A_488 in 0 : vector<1x128xi32>, vector<1x128xi32>, vector<1x128xi32>, vector<1x128xi32>, vector<1x128xi32>, vector<1x128xi32>, vector<1x128xi32>, vector<1x128xi32>, vector<1x128xi32>, vector<1x128xi32>, vector<1x128xi32>, vector<1x128xi32>, vector<1x128xi32>, vector<1x128xi32>, vector<1x128xi32>, vector<1x128xi32> -> vector<16x128xi32>
    %swap3A_498 = arith.constant 0 : index
    %swap3A_499 = arith.constant 0 : index
    %swap3A_500 = arith.constant 0 : index
    %swap3A_501 = vector.load %arg4[%swap3A_498, %swap3A_499, %swap3A_500] : memref<1x16x128xi32, #tpu.memory_space<vmem>>, vector<1x16x128xi32>
    %swap3A_502 = vector.shape_cast %swap3A_501 : vector<1x16x128xi32> to vector<16x128xi32>
    %swap3A_503 = vector.shape_cast %concatenate3A : vector<16x128xi32> to vector<1x16x128xi32>
    tpu.vector_store %arg4[%swap3A_498, %swap3A_499, %swap3A_500], %swap3A_503 {strides = array<i32>} : memref<1x16x128xi32, #tpu.memory_space<vmem>>, vector<1x16x128xi32>,
    return
  }
  func.func @transform_0(%arg0: i32, %arg1: i32) -> (i32, i32, i32) {
    %c0_i32 = arith.constant 0 : i32
    %c0_i32_0 = arith.constant 0 : i32
    %c0_i32_1 = arith.constant 0 : i32
    return %arg0, %c0_i32, %c0_i32_0 : i32, i32, i32
  }
  func.func @transform_1(%arg0: i32, %arg1: i32) -> (i32, i32, i32) {
    %c0_i32 = arith.constant 0 : i32
    %c0_i32_0 = arith.constant 0 : i32
    return %arg0, %c0_i32, %arg1 : i32, i32, i32
  }
  func.func @transform_2(%arg0: i32, %arg1: i32) -> (i32, i32, i32) {
    %c0_i32 = arith.constant 0 : i32
    %c0_i32_0 = arith.constant 0 : i32
    return %arg0, %c0_i32, %arg1 : i32, i32, i32
  }
}

module attributes {stable_mosaic.version = 14 : i64} {
  func.func @_ec2_body(%arg0: i32, %arg1: memref<512x128xf32, #tpu.memory_space<vmem>>, %arg2: memref<8192x128xf32, #tpu.memory_space<vmem>>, %arg3: memref<128x128xf32, #tpu.memory_space<vmem>>, %arg4: memref<128x128xf32, #tpu.memory_space<vmem>>, %arg5: memref<1x128xf32, #tpu.memory_space<vmem>>, %arg6: memref<128x128xf32, #tpu.memory_space<vmem>>, %arg7: memref<1x128xf32, #tpu.memory_space<vmem>>, %arg8: memref<512x128xf32, #tpu.memory_space<vmem>>) attributes {dimension_semantics = [#tpu.dimension_semantics<arbitrary>], iteration_bounds = array<i64: 16>, scalar_prefetch = 0 : i64, scratch_operands = 0 : i64, tpu.core_type = #tpu.core_type<tc>, window_params = [{transform_indices = @transform_0, window_bounds = array<i64: 512, 128>}, {transform_indices = @transform_1, window_bounds = array<i64: 8192, 128>}, {pipeline_mode = #tpu.pipeline_mode<synchronous>, transform_indices = @transform_2, window_bounds = array<i64: 128, 128>}, {pipeline_mode = #tpu.pipeline_mode<synchronous>, transform_indices = @transform_3, window_bounds = array<i64: 128, 128>}, {pipeline_mode = #tpu.pipeline_mode<synchronous>, transform_indices = @transform_4, window_bounds = array<i64: 1, 128>}, {pipeline_mode = #tpu.pipeline_mode<synchronous>, transform_indices = @transform_5, window_bounds = array<i64: 128, 128>}, {pipeline_mode = #tpu.pipeline_mode<synchronous>, transform_indices = @transform_6, window_bounds = array<i64: 1, 128>}, {transform_indices = @transform_7, window_bounds = array<i64: 512, 128>}]} {
    %get3A = arith.constant 0 : index
    %get3A_0 = arith.constant 0 : index
    %get3A_1 = vector.load %arg1[%get3A, %get3A_0] : memref<512x128xf32, #tpu.memory_space<vmem>>, vector<512x128xf32>
    %get3A_2 = arith.constant 0 : index
    %get3A_3 = arith.constant 0 : index
    %get3A_4 = vector.load %arg2[%get3A_2, %get3A_3] : memref<8192x128xf32, #tpu.memory_space<vmem>>, vector<8192x128xf32>
    %reshape3A = vector.shape_cast %get3A_4 : vector<8192x128xf32> to vector<512x16x128xf32>
    %broadcast_in_dim3A = vector.shape_cast %get3A_1 : vector<512x128xf32> to vector<512x1x128xf32>
    %sub3A = vector.broadcast %broadcast_in_dim3A : vector<512x1x128xf32> to vector<512x16x128xf32>
    %sub3A_5 = arith.subf %reshape3A, %sub3A : vector<512x16x128xf32>
    %reshape3A_6 = vector.shape_cast %sub3A_5 : vector<512x16x128xf32> to vector<8192x128xf32>
    %get3A_7 = arith.constant 0 : index
    %get3A_8 = arith.constant 0 : index
    %get3A_9 = vector.load %arg3[%get3A_7, %get3A_8] : memref<128x128xf32, #tpu.memory_space<vmem>>, vector<128x128xf32>
    %convert_element_type3A = arith.truncf %get3A_1 : vector<512x128xf32> to vector<512x128xbf16>
    %convert_element_type3A_10 = arith.extf %convert_element_type3A : vector<512x128xbf16> to vector<512x128xf32>
    %convert_element_type3A_11 = arith.truncf %get3A_9 : vector<128x128xf32> to vector<128x128xbf16>
    %convert_element_type3A_12 = arith.extf %convert_element_type3A_11 : vector<128x128xbf16> to vector<128x128xf32>
    %dot_general3A = arith.constant dense<0.000000e+00> : vector<512x128xf32>
    %dot_general3A_13 = tpu.matmul %convert_element_type3A_10, %convert_element_type3A_12, %dot_general3A {dimension_numbers = #tpu.dot_dimension_numbers<[1], [0], [0], [1], [0, 0, 1, 1], [], []>, transpose_lhs_hint = false} : vector<512x128xf32>, vector<128x128xf32>, vector<512x128xf32> -> vector<512x128xf32>
    %get3A_14 = arith.constant 0 : index
    %get3A_15 = arith.constant 0 : index
    %get3A_16 = vector.load %arg5[%get3A_14, %get3A_15] : memref<1x128xf32, #tpu.memory_space<vmem>>, vector<1x128xf32>
    %add3A = vector.broadcast %get3A_16 : vector<1x128xf32> to vector<512x128xf32>
    %add3A_17 = arith.addf %dot_general3A_13, %add3A : vector<512x128xf32>
    %broadcast_in_dim3A_18 = vector.shape_cast %add3A_17 : vector<512x128xf32> to vector<512x1x128xf32>
    %get3A_19 = arith.constant 0 : index
    %get3A_20 = arith.constant 0 : index
    %get3A_21 = vector.load %arg4[%get3A_19, %get3A_20] : memref<128x128xf32, #tpu.memory_space<vmem>>, vector<128x128xf32>
    %convert_element_type3A_22 = arith.truncf %reshape3A_6 : vector<8192x128xf32> to vector<8192x128xbf16>
    %convert_element_type3A_23 = arith.extf %convert_element_type3A_22 : vector<8192x128xbf16> to vector<8192x128xf32>
    %convert_element_type3A_24 = arith.truncf %get3A_21 : vector<128x128xf32> to vector<128x128xbf16>
    %convert_element_type3A_25 = arith.extf %convert_element_type3A_24 : vector<128x128xbf16> to vector<128x128xf32>
    %dot_general3A_26 = arith.constant dense<0.000000e+00> : vector<8192x128xf32>
    %dot_general3A_27 = tpu.matmul %convert_element_type3A_23, %convert_element_type3A_25, %dot_general3A_26 {dimension_numbers = #tpu.dot_dimension_numbers<[1], [0], [0], [1], [0, 0, 1, 1], [], []>, transpose_lhs_hint = false} : vector<8192x128xf32>, vector<128x128xf32>, vector<8192x128xf32> -> vector<8192x128xf32>
    %reshape3A_28 = vector.shape_cast %dot_general3A_27 : vector<8192x128xf32> to vector<512x16x128xf32>
    %add3A_29 = vector.broadcast %broadcast_in_dim3A_18 : vector<512x1x128xf32> to vector<512x16x128xf32>
    %add3A_30 = arith.addf %add3A_29, %reshape3A_28 : vector<512x16x128xf32>
    %gt3A = arith.constant 0.000000e+00 : f32
    %gt3A_31 = vector.broadcast %gt3A : f32 to vector<512x16x128xf32>
    %gt3A_32 = arith.cmpf ogt, %add3A_30, %gt3A_31 : vector<512x16x128xf32>
    %mul3A = arith.constant 2.000000e-01 : f32
    %mul3A_33 = vector.broadcast %mul3A : f32 to vector<512x16x128xf32>
    %mul3A_34 = arith.mulf %mul3A_33, %add3A_30 : vector<512x16x128xf32>
    %select_n3A = arith.select %gt3A_32, %add3A_30, %mul3A_34 : vector<512x16x128xi1>, vector<512x16x128xf32>
    %reshape3A_35 = vector.shape_cast %select_n3A : vector<512x16x128xf32> to vector<8192x128xf32>
    %get3A_36 = arith.constant 0 : index
    %get3A_37 = arith.constant 0 : index
    %get3A_38 = vector.load %arg6[%get3A_36, %get3A_37] : memref<128x128xf32, #tpu.memory_space<vmem>>, vector<128x128xf32>
    %convert_element_type3A_39 = arith.truncf %reshape3A_35 : vector<8192x128xf32> to vector<8192x128xbf16>
    %convert_element_type3A_40 = arith.extf %convert_element_type3A_39 : vector<8192x128xbf16> to vector<8192x128xf32>
    %convert_element_type3A_41 = arith.truncf %get3A_38 : vector<128x128xf32> to vector<128x128xbf16>
    %convert_element_type3A_42 = arith.extf %convert_element_type3A_41 : vector<128x128xbf16> to vector<128x128xf32>
    %dot_general3A_43 = arith.constant dense<0.000000e+00> : vector<8192x128xf32>
    %dot_general3A_44 = tpu.matmul %convert_element_type3A_40, %convert_element_type3A_42, %dot_general3A_43 {dimension_numbers = #tpu.dot_dimension_numbers<[1], [0], [0], [1], [0, 0, 1, 1], [], []>, transpose_lhs_hint = false} : vector<8192x128xf32>, vector<128x128xf32>, vector<8192x128xf32> -> vector<8192x128xf32>
    %get3A_45 = arith.constant 0 : index
    %get3A_46 = arith.constant 0 : index
    %get3A_47 = vector.load %arg7[%get3A_45, %get3A_46] : memref<1x128xf32, #tpu.memory_space<vmem>>, vector<1x128xf32>
    %add3A_48 = vector.broadcast %get3A_47 : vector<1x128xf32> to vector<8192x128xf32>
    %add3A_49 = arith.addf %dot_general3A_44, %add3A_48 : vector<8192x128xf32>
    %gt3A_50 = arith.constant 0.000000e+00 : f32
    %gt3A_51 = vector.broadcast %gt3A_50 : f32 to vector<8192x128xf32>
    %gt3A_52 = arith.cmpf ogt, %add3A_49, %gt3A_51 : vector<8192x128xf32>
    %mul3A_53 = arith.constant 2.000000e-01 : f32
    %mul3A_54 = vector.broadcast %mul3A_53 : f32 to vector<8192x128xf32>
    %mul3A_55 = arith.mulf %mul3A_54, %add3A_49 : vector<8192x128xf32>
    %select_n3A_56 = arith.select %gt3A_52, %add3A_49, %mul3A_55 : vector<8192x128xi1>, vector<8192x128xf32>
    %reshape3A_57 = vector.shape_cast %select_n3A_56 : vector<8192x128xf32> to vector<512x16x128xf32>
    %reduce_max3A = arith.constant dense<0xFF800000> : vector<512x128xf32>
    %reduce_max3A_58 = vector.multi_reduction <maximumf>, %reshape3A_57, %reduce_max3A [1] : vector<512x16x128xf32> to vector<512x128xf32>
    %swap3A = arith.constant 0 : index
    %swap3A_59 = arith.constant 0 : index
    %swap3A_60 = vector.load %arg8[%swap3A, %swap3A_59] : memref<512x128xf32, #tpu.memory_space<vmem>>, vector<512x128xf32>
    tpu.vector_store %arg8[%swap3A, %swap3A_59], %reduce_max3A_58 {strides = array<i32>} : memref<512x128xf32, #tpu.memory_space<vmem>>, vector<512x128xf32>,
    return
  }
  func.func @transform_0(%arg0: i32) -> (i32, i32) {
    %c0_i32 = arith.constant 0 : i32
    %c0_i32_0 = arith.constant 0 : i32
    return %arg0, %c0_i32 : i32, i32
  }
  func.func @transform_1(%arg0: i32) -> (i32, i32) {
    %c0_i32 = arith.constant 0 : i32
    %c0_i32_0 = arith.constant 0 : i32
    return %arg0, %c0_i32 : i32, i32
  }
  func.func @transform_2(%arg0: i32) -> (i32, i32) {
    %c0_i32 = arith.constant 0 : i32
    %c0_i32_0 = arith.constant 0 : i32
    %c0_i32_1 = arith.constant 0 : i32
    return %c0_i32, %c0_i32_0 : i32, i32
  }
  func.func @transform_3(%arg0: i32) -> (i32, i32) {
    %c0_i32 = arith.constant 0 : i32
    %c0_i32_0 = arith.constant 0 : i32
    %c0_i32_1 = arith.constant 0 : i32
    return %c0_i32, %c0_i32_0 : i32, i32
  }
  func.func @transform_4(%arg0: i32) -> (i32, i32) {
    %c0_i32 = arith.constant 0 : i32
    %c0_i32_0 = arith.constant 0 : i32
    %c0_i32_1 = arith.constant 0 : i32
    return %c0_i32, %c0_i32_0 : i32, i32
  }
  func.func @transform_5(%arg0: i32) -> (i32, i32) {
    %c0_i32 = arith.constant 0 : i32
    %c0_i32_0 = arith.constant 0 : i32
    %c0_i32_1 = arith.constant 0 : i32
    return %c0_i32, %c0_i32_0 : i32, i32
  }
  func.func @transform_6(%arg0: i32) -> (i32, i32) {
    %c0_i32 = arith.constant 0 : i32
    %c0_i32_0 = arith.constant 0 : i32
    %c0_i32_1 = arith.constant 0 : i32
    return %c0_i32, %c0_i32_0 : i32, i32
  }
  func.func @transform_7(%arg0: i32) -> (i32, i32) {
    %c0_i32 = arith.constant 0 : i32
    %c0_i32_0 = arith.constant 0 : i32
    return %arg0, %c0_i32 : i32, i32
  }
}

module attributes {stable_mosaic.version = 14 : i64} {
  func.func @_ec2_body(%arg0: i32, %arg1: memref<512x128xf32, #tpu.memory_space<vmem>>, %arg2: memref<8192x128xf32, #tpu.memory_space<vmem>>, %arg3: memref<128x128xf32, #tpu.memory_space<vmem>>, %arg4: memref<128x128xf32, #tpu.memory_space<vmem>>, %arg5: memref<1x128xf32, #tpu.memory_space<vmem>>, %arg6: memref<128x256xf32, #tpu.memory_space<vmem>>, %arg7: memref<1x256xf32, #tpu.memory_space<vmem>>, %arg8: memref<512x256xf32, #tpu.memory_space<vmem>>) attributes {dimension_semantics = [#tpu.dimension_semantics<arbitrary>], iteration_bounds = array<i64: 16>, scalar_prefetch = 0 : i64, scratch_operands = 0 : i64, tpu.core_type = #tpu.core_type<tc>, window_params = [{transform_indices = @transform_0, window_bounds = array<i64: 512, 128>}, {transform_indices = @transform_1, window_bounds = array<i64: 8192, 128>}, {pipeline_mode = #tpu.pipeline_mode<synchronous>, transform_indices = @transform_2, window_bounds = array<i64: 128, 128>}, {pipeline_mode = #tpu.pipeline_mode<synchronous>, transform_indices = @transform_3, window_bounds = array<i64: 128, 128>}, {pipeline_mode = #tpu.pipeline_mode<synchronous>, transform_indices = @transform_4, window_bounds = array<i64: 1, 128>}, {pipeline_mode = #tpu.pipeline_mode<synchronous>, transform_indices = @transform_5, window_bounds = array<i64: 128, 256>}, {pipeline_mode = #tpu.pipeline_mode<synchronous>, transform_indices = @transform_6, window_bounds = array<i64: 1, 256>}, {transform_indices = @transform_7, window_bounds = array<i64: 512, 256>}]} {
    %get3A = arith.constant 0 : index
    %get3A_0 = arith.constant 0 : index
    %get3A_1 = vector.load %arg1[%get3A, %get3A_0] : memref<512x128xf32, #tpu.memory_space<vmem>>, vector<512x128xf32>
    %get3A_2 = arith.constant 0 : index
    %get3A_3 = arith.constant 0 : index
    %get3A_4 = vector.load %arg2[%get3A_2, %get3A_3] : memref<8192x128xf32, #tpu.memory_space<vmem>>, vector<8192x128xf32>
    %reshape3A = vector.shape_cast %get3A_4 : vector<8192x128xf32> to vector<512x16x128xf32>
    %broadcast_in_dim3A = vector.shape_cast %get3A_1 : vector<512x128xf32> to vector<512x1x128xf32>
    %sub3A = vector.broadcast %broadcast_in_dim3A : vector<512x1x128xf32> to vector<512x16x128xf32>
    %sub3A_5 = arith.subf %reshape3A, %sub3A : vector<512x16x128xf32>
    %reshape3A_6 = vector.shape_cast %sub3A_5 : vector<512x16x128xf32> to vector<8192x128xf32>
    %get3A_7 = arith.constant 0 : index
    %get3A_8 = arith.constant 0 : index
    %get3A_9 = vector.load %arg3[%get3A_7, %get3A_8] : memref<128x128xf32, #tpu.memory_space<vmem>>, vector<128x128xf32>
    %convert_element_type3A = arith.truncf %get3A_1 : vector<512x128xf32> to vector<512x128xbf16>
    %convert_element_type3A_10 = arith.extf %convert_element_type3A : vector<512x128xbf16> to vector<512x128xf32>
    %convert_element_type3A_11 = arith.truncf %get3A_9 : vector<128x128xf32> to vector<128x128xbf16>
    %convert_element_type3A_12 = arith.extf %convert_element_type3A_11 : vector<128x128xbf16> to vector<128x128xf32>
    %dot_general3A = arith.constant dense<0.000000e+00> : vector<512x128xf32>
    %dot_general3A_13 = tpu.matmul %convert_element_type3A_10, %convert_element_type3A_12, %dot_general3A {dimension_numbers = #tpu.dot_dimension_numbers<[1], [0], [0], [1], [0, 0, 1, 1], [], []>, transpose_lhs_hint = false} : vector<512x128xf32>, vector<128x128xf32>, vector<512x128xf32> -> vector<512x128xf32>
    %get3A_14 = arith.constant 0 : index
    %get3A_15 = arith.constant 0 : index
    %get3A_16 = vector.load %arg5[%get3A_14, %get3A_15] : memref<1x128xf32, #tpu.memory_space<vmem>>, vector<1x128xf32>
    %add3A = vector.broadcast %get3A_16 : vector<1x128xf32> to vector<512x128xf32>
    %add3A_17 = arith.addf %dot_general3A_13, %add3A : vector<512x128xf32>
    %broadcast_in_dim3A_18 = vector.shape_cast %add3A_17 : vector<512x128xf32> to vector<512x1x128xf32>
    %get3A_19 = arith.constant 0 : index
    %get3A_20 = arith.constant 0 : index
    %get3A_21 = vector.load %arg4[%get3A_19, %get3A_20] : memref<128x128xf32, #tpu.memory_space<vmem>>, vector<128x128xf32>
    %convert_element_type3A_22 = arith.truncf %reshape3A_6 : vector<8192x128xf32> to vector<8192x128xbf16>
    %convert_element_type3A_23 = arith.extf %convert_element_type3A_22 : vector<8192x128xbf16> to vector<8192x128xf32>
    %convert_element_type3A_24 = arith.truncf %get3A_21 : vector<128x128xf32> to vector<128x128xbf16>
    %convert_element_type3A_25 = arith.extf %convert_element_type3A_24 : vector<128x128xbf16> to vector<128x128xf32>
    %dot_general3A_26 = arith.constant dense<0.000000e+00> : vector<8192x128xf32>
    %dot_general3A_27 = tpu.matmul %convert_element_type3A_23, %convert_element_type3A_25, %dot_general3A_26 {dimension_numbers = #tpu.dot_dimension_numbers<[1], [0], [0], [1], [0, 0, 1, 1], [], []>, transpose_lhs_hint = false} : vector<8192x128xf32>, vector<128x128xf32>, vector<8192x128xf32> -> vector<8192x128xf32>
    %reshape3A_28 = vector.shape_cast %dot_general3A_27 : vector<8192x128xf32> to vector<512x16x128xf32>
    %add3A_29 = vector.broadcast %broadcast_in_dim3A_18 : vector<512x1x128xf32> to vector<512x16x128xf32>
    %add3A_30 = arith.addf %add3A_29, %reshape3A_28 : vector<512x16x128xf32>
    %gt3A = arith.constant 0.000000e+00 : f32
    %gt3A_31 = vector.broadcast %gt3A : f32 to vector<512x16x128xf32>
    %gt3A_32 = arith.cmpf ogt, %add3A_30, %gt3A_31 : vector<512x16x128xf32>
    %mul3A = arith.constant 2.000000e-01 : f32
    %mul3A_33 = vector.broadcast %mul3A : f32 to vector<512x16x128xf32>
    %mul3A_34 = arith.mulf %mul3A_33, %add3A_30 : vector<512x16x128xf32>
    %select_n3A = arith.select %gt3A_32, %add3A_30, %mul3A_34 : vector<512x16x128xi1>, vector<512x16x128xf32>
    %reshape3A_35 = vector.shape_cast %select_n3A : vector<512x16x128xf32> to vector<8192x128xf32>
    %get3A_36 = arith.constant 0 : index
    %get3A_37 = arith.constant 0 : index
    %get3A_38 = vector.load %arg6[%get3A_36, %get3A_37] : memref<128x256xf32, #tpu.memory_space<vmem>>, vector<128x256xf32>
    %convert_element_type3A_39 = arith.truncf %reshape3A_35 : vector<8192x128xf32> to vector<8192x128xbf16>
    %convert_element_type3A_40 = arith.extf %convert_element_type3A_39 : vector<8192x128xbf16> to vector<8192x128xf32>
    %convert_element_type3A_41 = arith.truncf %get3A_38 : vector<128x256xf32> to vector<128x256xbf16>
    %convert_element_type3A_42 = arith.extf %convert_element_type3A_41 : vector<128x256xbf16> to vector<128x256xf32>
    %dot_general3A_43 = arith.constant dense<0.000000e+00> : vector<8192x256xf32>
    %dot_general3A_44 = tpu.matmul %convert_element_type3A_40, %convert_element_type3A_42, %dot_general3A_43 {dimension_numbers = #tpu.dot_dimension_numbers<[1], [0], [0], [1], [0, 0, 1, 1], [], []>, transpose_lhs_hint = false} : vector<8192x128xf32>, vector<128x256xf32>, vector<8192x256xf32> -> vector<8192x256xf32>
    %get3A_45 = arith.constant 0 : index
    %get3A_46 = arith.constant 0 : index
    %get3A_47 = vector.load %arg7[%get3A_45, %get3A_46] : memref<1x256xf32, #tpu.memory_space<vmem>>, vector<1x256xf32>
    %add3A_48 = vector.broadcast %get3A_47 : vector<1x256xf32> to vector<8192x256xf32>
    %add3A_49 = arith.addf %dot_general3A_44, %add3A_48 : vector<8192x256xf32>
    %gt3A_50 = arith.constant 0.000000e+00 : f32
    %gt3A_51 = vector.broadcast %gt3A_50 : f32 to vector<8192x256xf32>
    %gt3A_52 = arith.cmpf ogt, %add3A_49, %gt3A_51 : vector<8192x256xf32>
    %mul3A_53 = arith.constant 2.000000e-01 : f32
    %mul3A_54 = vector.broadcast %mul3A_53 : f32 to vector<8192x256xf32>
    %mul3A_55 = arith.mulf %mul3A_54, %add3A_49 : vector<8192x256xf32>
    %select_n3A_56 = arith.select %gt3A_52, %add3A_49, %mul3A_55 : vector<8192x256xi1>, vector<8192x256xf32>
    %reshape3A_57 = vector.shape_cast %select_n3A_56 : vector<8192x256xf32> to vector<512x16x256xf32>
    %reduce_max3A = arith.constant dense<0xFF800000> : vector<512x256xf32>
    %reduce_max3A_58 = vector.multi_reduction <maximumf>, %reshape3A_57, %reduce_max3A [1] : vector<512x16x256xf32> to vector<512x256xf32>
    %swap3A = arith.constant 0 : index
    %swap3A_59 = arith.constant 0 : index
    %swap3A_60 = vector.load %arg8[%swap3A, %swap3A_59] : memref<512x256xf32, #tpu.memory_space<vmem>>, vector<512x256xf32>
    tpu.vector_store %arg8[%swap3A, %swap3A_59], %reduce_max3A_58 {strides = array<i32>} : memref<512x256xf32, #tpu.memory_space<vmem>>, vector<512x256xf32>,
    return
  }
  func.func @transform_0(%arg0: i32) -> (i32, i32) {
    %c0_i32 = arith.constant 0 : i32
    %c0_i32_0 = arith.constant 0 : i32
    return %arg0, %c0_i32 : i32, i32
  }
  func.func @transform_1(%arg0: i32) -> (i32, i32) {
    %c0_i32 = arith.constant 0 : i32
    %c0_i32_0 = arith.constant 0 : i32
    return %arg0, %c0_i32 : i32, i32
  }
  func.func @transform_2(%arg0: i32) -> (i32, i32) {
    %c0_i32 = arith.constant 0 : i32
    %c0_i32_0 = arith.constant 0 : i32
    %c0_i32_1 = arith.constant 0 : i32
    return %c0_i32, %c0_i32_0 : i32, i32
  }
  func.func @transform_3(%arg0: i32) -> (i32, i32) {
    %c0_i32 = arith.constant 0 : i32
    %c0_i32_0 = arith.constant 0 : i32
    %c0_i32_1 = arith.constant 0 : i32
    return %c0_i32, %c0_i32_0 : i32, i32
  }
  func.func @transform_4(%arg0: i32) -> (i32, i32) {
    %c0_i32 = arith.constant 0 : i32
    %c0_i32_0 = arith.constant 0 : i32
    %c0_i32_1 = arith.constant 0 : i32
    return %c0_i32, %c0_i32_0 : i32, i32
  }
  func.func @transform_5(%arg0: i32) -> (i32, i32) {
    %c0_i32 = arith.constant 0 : i32
    %c0_i32_0 = arith.constant 0 : i32
    %c0_i32_1 = arith.constant 0 : i32
    return %c0_i32, %c0_i32_0 : i32, i32
  }
  func.func @transform_6(%arg0: i32) -> (i32, i32) {
    %c0_i32 = arith.constant 0 : i32
    %c0_i32_0 = arith.constant 0 : i32
    %c0_i32_1 = arith.constant 0 : i32
    return %c0_i32, %c0_i32_0 : i32, i32
  }
  func.func @transform_7(%arg0: i32) -> (i32, i32) {
    %c0_i32 = arith.constant 0 : i32
    %c0_i32_0 = arith.constant 0 : i32
    return %arg0, %c0_i32 : i32, i32
  }
}

#map = affine_map<(d0, d1, d2) -> (d0, d1, 0)>
#map1 = affine_map<(d0, d1, d2) -> (d0, d2, 0)>
#map2 = affine_map<(d0, d1, d2) -> (d0, d2)>
#map3 = affine_map<(d0, d1, d2) -> (d1, d2)>
#map4 = affine_map<(d0, d1, d2) -> (d0, d1)>
#map5 = affine_map<(d0, d1, d2) -> (d2, d1)>
module {
  func.func @main(%arg0: i32, %arg1: i32, %arg2: i32, %arg3: memref<1x512x32xf32, #tpu.memory_space<vmem>>, %arg4: memref<1x512x32xf32, #tpu.memory_space<vmem>>, %arg5: memref<1x512x256xf32, #tpu.memory_space<vmem>>, %arg6: memref<1x512x256xf32, #tpu.memory_space<vmem>>, %arg7: memref<1x512x1xf32, #tpu.memory_space<vmem>>, %arg8: memref<1x512x1xf32, #tpu.memory_space<vmem>>) attributes {dimension_semantics = [#tpu.dimension_semantics<parallel>, #tpu.dimension_semantics<parallel>, #tpu.dimension_semantics<arbitrary>], iteration_bounds = array<i64: 2, 8, 8>, scratch_operands = 2 : i64, window_params = [{transform_indices = #map}, {transform_indices = #map1}, {transform_indices = #map1}, {transform_indices = #map}]} {
    %c0 = arith.constant 0 : index
    %c0_i32 = arith.constant 0 : i32
    %0 = arith.cmpi eq, %c0_i32, %arg2 : i32
    scf.if %0 {
      %cst_3 = arith.constant dense<0.000000e+00> : vector<1x512x256xf32>
      vector.store %cst_3, %arg6[%c0, %c0, %c0] : memref<1x512x256xf32, #tpu.memory_space<vmem>>, vector<1x512x256xf32>
      %cst_4 = arith.constant dense<0xFF800000> : vector<1x512x1xf32>
      vector.store %cst_4, %arg7[%c0, %c0, %c0] : memref<1x512x1xf32, #tpu.memory_space<vmem>>, vector<1x512x1xf32>
      %cst_5 = arith.constant dense<0.000000e+00> : vector<1x512x1xf32>
      vector.store %cst_5, %arg8[%c0, %c0, %c0] : memref<1x512x1xf32, #tpu.memory_space<vmem>>, vector<1x512x1xf32>
    }
    %1 = vector.load %arg3[%c0, %c0, %c0] : memref<1x512x32xf32, #tpu.memory_space<vmem>>, vector<1x512x32xf32>
    %2 = vector.shape_cast %1 : vector<1x512x32xf32> to vector<512x32xf32>
    %3 = vector.load %arg4[%c0, %c0, %c0] : memref<1x512x32xf32, #tpu.memory_space<vmem>>, vector<1x512x32xf32>
    %4 = vector.shape_cast %3 : vector<1x512x32xf32> to vector<512x32xf32>
    %cst = arith.constant dense<0.000000e+00> : vector<512x512xf32>
    %5 = vector.contract {indexing_maps = [#map2, #map3, #map4], iterator_types = ["parallel", "parallel", "reduction"], kind = #vector.kind<add>} %2, %4, %cst {precision = #tpu.contract_precision<bf16>} : vector<512x32xf32>, vector<512x32xf32> into vector<512x512xf32>
    %6 = vector.shape_cast %5 : vector<512x512xf32> to vector<1x512x512xf32>
    %cst_0 = arith.constant dense<0xFF800000> : vector<1x512xf32>
    %7 = vector.multi_reduction <maximumf>, %6, %cst_0 [2] : vector<1x512x512xf32> to vector<1x512xf32>
    %8 = vector.shape_cast %7 : vector<1x512xf32> to vector<1x512x1xf32>
    %9 = vector.broadcast %8 : vector<1x512x1xf32> to vector<1x512x512xf32>
    %10 = arith.subf %6, %9 : vector<1x512x512xf32>
    %11 = math.exp %10 : vector<1x512x512xf32>
    %cst_1 = arith.constant dense<0.000000e+00> : vector<1x512xf32>
    %12 = vector.multi_reduction <add>, %11, %cst_1 [2] : vector<1x512x512xf32> to vector<1x512xf32>
    %13 = vector.shape_cast %12 : vector<1x512xf32> to vector<1x512x1xf32>
    %14 = vector.load %arg7[%c0, %c0, %c0] : memref<1x512x1xf32, #tpu.memory_space<vmem>>, vector<1x512x1xf32>
    %15 = arith.maximumf %14, %8 : vector<1x512x1xf32>
    %16 = vector.load %arg8[%c0, %c0, %c0] : memref<1x512x1xf32, #tpu.memory_space<vmem>>, vector<1x512x1xf32>
    %17 = arith.subf %14, %15 : vector<1x512x1xf32>
    %18 = math.exp %17 : vector<1x512x1xf32>
    %19 = arith.mulf %18, %16 : vector<1x512x1xf32>
    %20 = arith.subf %8, %15 : vector<1x512x1xf32>
    %21 = math.exp %20 : vector<1x512x1xf32>
    %22 = arith.mulf %21, %13 : vector<1x512x1xf32>
    %23 = arith.addf %19, %22 : vector<1x512x1xf32>
    %24 = vector.load %arg6[%c0, %c0, %c0] : memref<1x512x256xf32, #tpu.memory_space<vmem>>, vector<1x512x256xf32>
    %25 = arith.subf %14, %15 : vector<1x512x1xf32>
    %26 = math.exp %25 : vector<1x512x1xf32>
    %27 = arith.mulf %26, %16 : vector<1x512x1xf32>
    %28 = arith.divf %27, %23 : vector<1x512x1xf32>
    %29 = vector.broadcast %28 : vector<1x512x1xf32> to vector<1x512x256xf32>
    %30 = arith.mulf %29, %24 : vector<1x512x256xf32>
    %31 = vector.load %arg5[%c0, %c0, %c0] : memref<1x512x256xf32, #tpu.memory_space<vmem>>, vector<1x512x256xf32>
    %32 = vector.shape_cast %31 : vector<1x512x256xf32> to vector<512x256xf32>
    %33 = arith.subf %8, %15 : vector<1x512x1xf32>
    %34 = math.exp %33 : vector<1x512x1xf32>
    %35 = arith.divf %34, %23 : vector<1x512x1xf32>
    %36 = vector.broadcast %35 : vector<1x512x1xf32> to vector<1x512x512xf32>
    %37 = arith.mulf %36, %11 : vector<1x512x512xf32>
    %38 = vector.shape_cast %37 : vector<1x512x512xf32> to vector<512x512xf32>
    %cst_2 = arith.constant dense<0.000000e+00> : vector<512x256xf32>
    %39 = vector.contract {indexing_maps = [#map2, #map5, #map4], iterator_types = ["parallel", "parallel", "reduction"], kind = #vector.kind<add>} %38, %32, %cst_2 {precision = #tpu.contract_precision<bf16>} : vector<512x512xf32>, vector<512x256xf32> into vector<512x256xf32>
    %40 = vector.shape_cast %39 : vector<512x256xf32> to vector<1x512x256xf32>
    %41 = arith.addf %30, %40 : vector<1x512x256xf32>
    %42 = vector.shape_cast %41 : vector<1x512x256xf32> to vector<1x512x256xf32>
    vector.store %42, %arg6[%c0, %c0, %c0] : memref<1x512x256xf32, #tpu.memory_space<vmem>>, vector<1x512x256xf32>
    vector.store %15, %arg7[%c0, %c0, %c0] : memref<1x512x1xf32, #tpu.memory_space<vmem>>, vector<1x512x1xf32>
    vector.store %23, %arg8[%c0, %c0, %c0] : memref<1x512x1xf32, #tpu.memory_space<vmem>>, vector<1x512x1xf32>
    return
  }
}

module attributes {stable_mosaic.version = 14 : i64} {
  func.func @_head_body(%arg0: i32, %arg1: memref<512x512xf32, #tpu.memory_space<vmem>>, %arg2: memref<512x512xf32, #tpu.memory_space<vmem>>, %arg3: memref<1x512xf32, #tpu.memory_space<vmem>>, %arg4: memref<512x512xf32, #tpu.memory_space<vmem>>, %arg5: memref<1x512xf32, #tpu.memory_space<vmem>>, %arg6: memref<512x256xf32, #tpu.memory_space<vmem>>, %arg7: memref<1x256xf32, #tpu.memory_space<vmem>>, %arg8: memref<256x256xf32, #tpu.memory_space<vmem>>, %arg9: memref<1x256xf32, #tpu.memory_space<vmem>>, %arg10: memref<512x256xf32, #tpu.memory_space<vmem>>, %arg11: memref<1x256xf32, #tpu.memory_space<vmem>>, %arg12: memref<256x17xf32, #tpu.memory_space<vmem>>, %arg13: memref<1x17xf32, #tpu.memory_space<vmem>>, %arg14: memref<512x17xf32, #tpu.memory_space<vmem>>) attributes {dimension_semantics = [#tpu.dimension_semantics<arbitrary>], iteration_bounds = array<i64: 16>, scalar_prefetch = 0 : i64, scratch_operands = 0 : i64, tpu.core_type = #tpu.core_type<tc>, window_params = [{transform_indices = @transform_0, window_bounds = array<i64: 512, 512>}, {pipeline_mode = #tpu.pipeline_mode<synchronous>, transform_indices = @transform_1, window_bounds = array<i64: 512, 512>}, {pipeline_mode = #tpu.pipeline_mode<synchronous>, transform_indices = @transform_2, window_bounds = array<i64: 1, 512>}, {pipeline_mode = #tpu.pipeline_mode<synchronous>, transform_indices = @transform_3, window_bounds = array<i64: 512, 512>}, {pipeline_mode = #tpu.pipeline_mode<synchronous>, transform_indices = @transform_4, window_bounds = array<i64: 1, 512>}, {pipeline_mode = #tpu.pipeline_mode<synchronous>, transform_indices = @transform_5, window_bounds = array<i64: 512, 256>}, {pipeline_mode = #tpu.pipeline_mode<synchronous>, transform_indices = @transform_6, window_bounds = array<i64: 1, 256>}, {pipeline_mode = #tpu.pipeline_mode<synchronous>, transform_indices = @transform_7, window_bounds = array<i64: 256, 256>}, {pipeline_mode = #tpu.pipeline_mode<synchronous>, transform_indices = @transform_8, window_bounds = array<i64: 1, 256>}, {pipeline_mode = #tpu.pipeline_mode<synchronous>, transform_indices = @transform_9, window_bounds = array<i64: 512, 256>}, {pipeline_mode = #tpu.pipeline_mode<synchronous>, transform_indices = @transform_10, window_bounds = array<i64: 1, 256>}, {pipeline_mode = #tpu.pipeline_mode<synchronous>, transform_indices = @transform_11, window_bounds = array<i64: 256, 17>}, {pipeline_mode = #tpu.pipeline_mode<synchronous>, transform_indices = @transform_12, window_bounds = array<i64: 1, 17>}, {transform_indices = @transform_13, window_bounds = array<i64: 512, 17>}]} {
    %get3A = arith.constant 0 : index
    %get3A_0 = arith.constant 0 : index
    %get3A_1 = vector.load %arg1[%get3A, %get3A_0] : memref<512x512xf32, #tpu.memory_space<vmem>>, vector<512x512xf32>
    %get3A_2 = arith.constant 0 : index
    %get3A_3 = arith.constant 0 : index
    %get3A_4 = vector.load %arg2[%get3A_2, %get3A_3] : memref<512x512xf32, #tpu.memory_space<vmem>>, vector<512x512xf32>
    %convert_element_type3A = arith.truncf %get3A_1 : vector<512x512xf32> to vector<512x512xbf16>
    %convert_element_type3A_5 = arith.extf %convert_element_type3A : vector<512x512xbf16> to vector<512x512xf32>
    %convert_element_type3A_6 = arith.truncf %get3A_4 : vector<512x512xf32> to vector<512x512xbf16>
    %convert_element_type3A_7 = arith.extf %convert_element_type3A_6 : vector<512x512xbf16> to vector<512x512xf32>
    %dot_general3A = arith.constant dense<0.000000e+00> : vector<512x512xf32>
    %dot_general3A_8 = tpu.matmul %convert_element_type3A_5, %convert_element_type3A_7, %dot_general3A {dimension_numbers = #tpu.dot_dimension_numbers<[1], [0], [0], [1], [0, 0, 1, 1], [], []>, transpose_lhs_hint = false} : vector<512x512xf32>, vector<512x512xf32>, vector<512x512xf32> -> vector<512x512xf32>
    %get3A_9 = arith.constant 0 : index
    %get3A_10 = arith.constant 0 : index
    %get3A_11 = vector.load %arg3[%get3A_9, %get3A_10] : memref<1x512xf32, #tpu.memory_space<vmem>>, vector<1x512xf32>
    %add3A = vector.broadcast %get3A_11 : vector<1x512xf32> to vector<512x512xf32>
    %add3A_12 = arith.addf %dot_general3A_8, %add3A : vector<512x512xf32>
    %gt3A = arith.constant 0.000000e+00 : f32
    %gt3A_13 = vector.broadcast %gt3A : f32 to vector<512x512xf32>
    %gt3A_14 = arith.cmpf ogt, %add3A_12, %gt3A_13 : vector<512x512xf32>
    %mul3A = arith.constant 2.000000e-01 : f32
    %mul3A_15 = vector.broadcast %mul3A : f32 to vector<512x512xf32>
    %mul3A_16 = arith.mulf %mul3A_15, %add3A_12 : vector<512x512xf32>
    %select_n3A = arith.select %gt3A_14, %add3A_12, %mul3A_16 : vector<512x512xi1>, vector<512x512xf32>
    %get3A_17 = arith.constant 0 : index
    %get3A_18 = arith.constant 0 : index
    %get3A_19 = vector.load %arg4[%get3A_17, %get3A_18] : memref<512x512xf32, #tpu.memory_space<vmem>>, vector<512x512xf32>
    %convert_element_type3A_20 = arith.truncf %select_n3A : vector<512x512xf32> to vector<512x512xbf16>
    %convert_element_type3A_21 = arith.extf %convert_element_type3A_20 : vector<512x512xbf16> to vector<512x512xf32>
    %convert_element_type3A_22 = arith.truncf %get3A_19 : vector<512x512xf32> to vector<512x512xbf16>
    %convert_element_type3A_23 = arith.extf %convert_element_type3A_22 : vector<512x512xbf16> to vector<512x512xf32>
    %dot_general3A_24 = arith.constant dense<0.000000e+00> : vector<512x512xf32>
    %dot_general3A_25 = tpu.matmul %convert_element_type3A_21, %convert_element_type3A_23, %dot_general3A_24 {dimension_numbers = #tpu.dot_dimension_numbers<[1], [0], [0], [1], [0, 0, 1, 1], [], []>, transpose_lhs_hint = false} : vector<512x512xf32>, vector<512x512xf32>, vector<512x512xf32> -> vector<512x512xf32>
    %get3A_26 = arith.constant 0 : index
    %get3A_27 = arith.constant 0 : index
    %get3A_28 = vector.load %arg5[%get3A_26, %get3A_27] : memref<1x512xf32, #tpu.memory_space<vmem>>, vector<1x512xf32>
    %add3A_29 = vector.broadcast %get3A_28 : vector<1x512xf32> to vector<512x512xf32>
    %add3A_30 = arith.addf %dot_general3A_25, %add3A_29 : vector<512x512xf32>
    %gt3A_31 = arith.constant 0.000000e+00 : f32
    %gt3A_32 = vector.broadcast %gt3A_31 : f32 to vector<512x512xf32>
    %gt3A_33 = arith.cmpf ogt, %add3A_30, %gt3A_32 : vector<512x512xf32>
    %mul3A_34 = arith.constant 2.000000e-01 : f32
    %mul3A_35 = vector.broadcast %mul3A_34 : f32 to vector<512x512xf32>
    %mul3A_36 = arith.mulf %mul3A_35, %add3A_30 : vector<512x512xf32>
    %select_n3A_37 = arith.select %gt3A_33, %add3A_30, %mul3A_36 : vector<512x512xi1>, vector<512x512xf32>
    %add3A_38 = arith.addf %select_n3A_37, %get3A_1 : vector<512x512xf32>
    %get3A_39 = arith.constant 0 : index
    %get3A_40 = arith.constant 0 : index
    %get3A_41 = vector.load %arg6[%get3A_39, %get3A_40] : memref<512x256xf32, #tpu.memory_space<vmem>>, vector<512x256xf32>
    %convert_element_type3A_42 = arith.truncf %add3A_38 : vector<512x512xf32> to vector<512x512xbf16>
    %convert_element_type3A_43 = arith.extf %convert_element_type3A_42 : vector<512x512xbf16> to vector<512x512xf32>
    %convert_element_type3A_44 = arith.truncf %get3A_41 : vector<512x256xf32> to vector<512x256xbf16>
    %convert_element_type3A_45 = arith.extf %convert_element_type3A_44 : vector<512x256xbf16> to vector<512x256xf32>
    %dot_general3A_46 = arith.constant dense<0.000000e+00> : vector<512x256xf32>
    %dot_general3A_47 = tpu.matmul %convert_element_type3A_43, %convert_element_type3A_45, %dot_general3A_46 {dimension_numbers = #tpu.dot_dimension_numbers<[1], [0], [0], [1], [0, 0, 1, 1], [], []>, transpose_lhs_hint = false} : vector<512x512xf32>, vector<512x256xf32>, vector<512x256xf32> -> vector<512x256xf32>
    %get3A_48 = arith.constant 0 : index
    %get3A_49 = arith.constant 0 : index
    %get3A_50 = vector.load %arg7[%get3A_48, %get3A_49] : memref<1x256xf32, #tpu.memory_space<vmem>>, vector<1x256xf32>
    %add3A_51 = vector.broadcast %get3A_50 : vector<1x256xf32> to vector<512x256xf32>
    %add3A_52 = arith.addf %dot_general3A_47, %add3A_51 : vector<512x256xf32>
    %gt3A_53 = arith.constant 0.000000e+00 : f32
    %gt3A_54 = vector.broadcast %gt3A_53 : f32 to vector<512x256xf32>
    %gt3A_55 = arith.cmpf ogt, %add3A_52, %gt3A_54 : vector<512x256xf32>
    %mul3A_56 = arith.constant 2.000000e-01 : f32
    %mul3A_57 = vector.broadcast %mul3A_56 : f32 to vector<512x256xf32>
    %mul3A_58 = arith.mulf %mul3A_57, %add3A_52 : vector<512x256xf32>
    %select_n3A_59 = arith.select %gt3A_55, %add3A_52, %mul3A_58 : vector<512x256xi1>, vector<512x256xf32>
    %get3A_60 = arith.constant 0 : index
    %get3A_61 = arith.constant 0 : index
    %get3A_62 = vector.load %arg8[%get3A_60, %get3A_61] : memref<256x256xf32, #tpu.memory_space<vmem>>, vector<256x256xf32>
    %convert_element_type3A_63 = arith.truncf %select_n3A_59 : vector<512x256xf32> to vector<512x256xbf16>
    %convert_element_type3A_64 = arith.extf %convert_element_type3A_63 : vector<512x256xbf16> to vector<512x256xf32>
    %convert_element_type3A_65 = arith.truncf %get3A_62 : vector<256x256xf32> to vector<256x256xbf16>
    %convert_element_type3A_66 = arith.extf %convert_element_type3A_65 : vector<256x256xbf16> to vector<256x256xf32>
    %dot_general3A_67 = arith.constant dense<0.000000e+00> : vector<512x256xf32>
    %dot_general3A_68 = tpu.matmul %convert_element_type3A_64, %convert_element_type3A_66, %dot_general3A_67 {dimension_numbers = #tpu.dot_dimension_numbers<[1], [0], [0], [1], [0, 0, 1, 1], [], []>, transpose_lhs_hint = false} : vector<512x256xf32>, vector<256x256xf32>, vector<512x256xf32> -> vector<512x256xf32>
    %get3A_69 = arith.constant 0 : index
    %get3A_70 = arith.constant 0 : index
    %get3A_71 = vector.load %arg9[%get3A_69, %get3A_70] : memref<1x256xf32, #tpu.memory_space<vmem>>, vector<1x256xf32>
    %add3A_72 = vector.broadcast %get3A_71 : vector<1x256xf32> to vector<512x256xf32>
    %add3A_73 = arith.addf %dot_general3A_68, %add3A_72 : vector<512x256xf32>
    %gt3A_74 = arith.constant 0.000000e+00 : f32
    %gt3A_75 = vector.broadcast %gt3A_74 : f32 to vector<512x256xf32>
    %gt3A_76 = arith.cmpf ogt, %add3A_73, %gt3A_75 : vector<512x256xf32>
    %mul3A_77 = arith.constant 2.000000e-01 : f32
    %mul3A_78 = vector.broadcast %mul3A_77 : f32 to vector<512x256xf32>
    %mul3A_79 = arith.mulf %mul3A_78, %add3A_73 : vector<512x256xf32>
    %select_n3A_80 = arith.select %gt3A_76, %add3A_73, %mul3A_79 : vector<512x256xi1>, vector<512x256xf32>
    %get3A_81 = arith.constant 0 : index
    %get3A_82 = arith.constant 0 : index
    %get3A_83 = vector.load %arg10[%get3A_81, %get3A_82] : memref<512x256xf32, #tpu.memory_space<vmem>>, vector<512x256xf32>
    %convert_element_type3A_84 = arith.truncf %add3A_38 : vector<512x512xf32> to vector<512x512xbf16>
    %convert_element_type3A_85 = arith.extf %convert_element_type3A_84 : vector<512x512xbf16> to vector<512x512xf32>
    %convert_element_type3A_86 = arith.truncf %get3A_83 : vector<512x256xf32> to vector<512x256xbf16>
    %convert_element_type3A_87 = arith.extf %convert_element_type3A_86 : vector<512x256xbf16> to vector<512x256xf32>
    %dot_general3A_88 = arith.constant dense<0.000000e+00> : vector<512x256xf32>
    %dot_general3A_89 = tpu.matmul %convert_element_type3A_85, %convert_element_type3A_87, %dot_general3A_88 {dimension_numbers = #tpu.dot_dimension_numbers<[1], [0], [0], [1], [0, 0, 1, 1], [], []>, transpose_lhs_hint = false} : vector<512x512xf32>, vector<512x256xf32>, vector<512x256xf32> -> vector<512x256xf32>
    %add3A_90 = arith.addf %select_n3A_80, %dot_general3A_89 : vector<512x256xf32>
    %get3A_91 = arith.constant 0 : index
    %get3A_92 = arith.constant 0 : index
    %get3A_93 = vector.load %arg11[%get3A_91, %get3A_92] : memref<1x256xf32, #tpu.memory_space<vmem>>, vector<1x256xf32>
    %add3A_94 = vector.broadcast %get3A_93 : vector<1x256xf32> to vector<512x256xf32>
    %add3A_95 = arith.addf %add3A_90, %add3A_94 : vector<512x256xf32>
    %get3A_96 = arith.constant 0 : index
    %get3A_97 = arith.constant 0 : index
    %get3A_98 = vector.load %arg12[%get3A_96, %get3A_97] : memref<256x17xf32, #tpu.memory_space<vmem>>, vector<256x17xf32>
    %convert_element_type3A_99 = arith.truncf %add3A_95 : vector<512x256xf32> to vector<512x256xbf16>
    %convert_element_type3A_100 = arith.extf %convert_element_type3A_99 : vector<512x256xbf16> to vector<512x256xf32>
    %convert_element_type3A_101 = arith.truncf %get3A_98 : vector<256x17xf32> to vector<256x17xbf16>
    %convert_element_type3A_102 = arith.extf %convert_element_type3A_101 : vector<256x17xbf16> to vector<256x17xf32>
    %dot_general3A_103 = arith.constant dense<0.000000e+00> : vector<512x17xf32>
    %dot_general3A_104 = tpu.matmul %convert_element_type3A_100, %convert_element_type3A_102, %dot_general3A_103 {dimension_numbers = #tpu.dot_dimension_numbers<[1], [0], [0], [1], [0, 0, 1, 1], [], []>, transpose_lhs_hint = false} : vector<512x256xf32>, vector<256x17xf32>, vector<512x17xf32> -> vector<512x17xf32>
    %get3A_105 = arith.constant 0 : index
    %get3A_106 = arith.constant 0 : index
    %get3A_107 = vector.load %arg13[%get3A_105, %get3A_106] : memref<1x17xf32, #tpu.memory_space<vmem>>, vector<1x17xf32>
    %add3A_108 = vector.broadcast %get3A_107 : vector<1x17xf32> to vector<512x17xf32>
    %add3A_109 = arith.addf %dot_general3A_104, %add3A_108 : vector<512x17xf32>
    %swap3A = arith.constant 0 : index
    %swap3A_110 = arith.constant 0 : index
    %swap3A_111 = vector.load %arg14[%swap3A, %swap3A_110] : memref<512x17xf32, #tpu.memory_space<vmem>>, vector<512x17xf32>
    tpu.vector_store %arg14[%swap3A, %swap3A_110], %add3A_109 {strides = array<i32>} : memref<512x17xf32, #tpu.memory_space<vmem>>, vector<512x17xf32>,
    return
  }
  func.func @transform_0(%arg0: i32) -> (i32, i32) {
    %c0_i32 = arith.constant 0 : i32
    %c0_i32_0 = arith.constant 0 : i32
    return %arg0, %c0_i32 : i32, i32
  }
  func.func @transform_1(%arg0: i32) -> (i32, i32) {
    %c0_i32 = arith.constant 0 : i32
    %c0_i32_0 = arith.constant 0 : i32
    %c0_i32_1 = arith.constant 0 : i32
    return %c0_i32, %c0_i32_0 : i32, i32
  }
  func.func @transform_2(%arg0: i32) -> (i32, i32) {
    %c0_i32 = arith.constant 0 : i32
    %c0_i32_0 = arith.constant 0 : i32
    %c0_i32_1 = arith.constant 0 : i32
    return %c0_i32, %c0_i32_0 : i32, i32
  }
  func.func @transform_3(%arg0: i32) -> (i32, i32) {
    %c0_i32 = arith.constant 0 : i32
    %c0_i32_0 = arith.constant 0 : i32
    %c0_i32_1 = arith.constant 0 : i32
    return %c0_i32, %c0_i32_0 : i32, i32
  }
  func.func @transform_4(%arg0: i32) -> (i32, i32) {
    %c0_i32 = arith.constant 0 : i32
    %c0_i32_0 = arith.constant 0 : i32
    %c0_i32_1 = arith.constant 0 : i32
    return %c0_i32, %c0_i32_0 : i32, i32
  }
  func.func @transform_5(%arg0: i32) -> (i32, i32) {
    %c0_i32 = arith.constant 0 : i32
    %c0_i32_0 = arith.constant 0 : i32
    %c0_i32_1 = arith.constant 0 : i32
    return %c0_i32, %c0_i32_0 : i32, i32
  }
  func.func @transform_6(%arg0: i32) -> (i32, i32) {
    %c0_i32 = arith.constant 0 : i32
    %c0_i32_0 = arith.constant 0 : i32
    %c0_i32_1 = arith.constant 0 : i32
    return %c0_i32, %c0_i32_0 : i32, i32
  }
  func.func @transform_7(%arg0: i32) -> (i32, i32) {
    %c0_i32 = arith.constant 0 : i32
    %c0_i32_0 = arith.constant 0 : i32
    %c0_i32_1 = arith.constant 0 : i32
    return %c0_i32, %c0_i32_0 : i32, i32
  }
  func.func @transform_8(%arg0: i32) -> (i32, i32) {
    %c0_i32 = arith.constant 0 : i32
    %c0_i32_0 = arith.constant 0 : i32
    %c0_i32_1 = arith.constant 0 : i32
    return %c0_i32, %c0_i32_0 : i32, i32
  }
  func.func @transform_9(%arg0: i32) -> (i32, i32) {
    %c0_i32 = arith.constant 0 : i32
    %c0_i32_0 = arith.constant 0 : i32
    %c0_i32_1 = arith.constant 0 : i32
    return %c0_i32, %c0_i32_0 : i32, i32
  }
  func.func @transform_10(%arg0: i32) -> (i32, i32) {
    %c0_i32 = arith.constant 0 : i32
    %c0_i32_0 = arith.constant 0 : i32
    %c0_i32_1 = arith.constant 0 : i32
    return %c0_i32, %c0_i32_0 : i32, i32
  }
  func.func @transform_11(%arg0: i32) -> (i32, i32) {
    %c0_i32 = arith.constant 0 : i32
    %c0_i32_0 = arith.constant 0 : i32
    %c0_i32_1 = arith.constant 0 : i32
    return %c0_i32, %c0_i32_0 : i32, i32
  }
  func.func @transform_12(%arg0: i32) -> (i32, i32) {
    %c0_i32 = arith.constant 0 : i32
    %c0_i32_0 = arith.constant 0 : i32
    %c0_i32_1 = arith.constant 0 : i32
    return %c0_i32, %c0_i32_0 : i32, i32
  }
  func.func @transform_13(%arg0: i32) -> (i32, i32) {
    %c0_i32 = arith.constant 0 : i32
    %c0_i32_0 = arith.constant 0 : i32
    return %arg0, %c0_i32 : i32, i32
  }
}

</mosaic_0001>

<sc_bundles>
// kernel: kernel.22.cloned.1.call-start
scs
__scs_entry_jumppad:
0x0: {  	(pc) =	sbr.rel $0x88, $3  }
0x1: {  	(tag) =	ssettag $0x0;
	lr =	simm.s32 $0x1  }
0x2: {  	[smem:$0x3F0F] =	sst lr;
	_ =	strace $0xD0000000  }
0x3: {  	_ = 	snop  }
0x4: {  	_ = 	snop  }
0x5: {  	_ = 	snop  }
0x6: {  	_ = 	snop  }
0x7: {  	_ = 	snop  }
__scs_overlays_trampoline_lowered:
0x8: {  	[smem:$0x3F1E] =	sst s0  }
0x9: {  	[smem:$0x3F1F] =	sst s1  }
0xa: {  	[smem:$0x3F20] =	sst s2  }
0xb: {  	[smem:$0x3F21] =	sst s3  }
0xc: {  	[smem:$0x3F22] =	sst s4  }
0xd: {  	[smem:$0x3F23] =	sst s5  }
0xe: {  	[smem:$0x3F24] =	sst s6  }
0xf: {  	[smem:$0x3F25] =	sst s7  }
0x10: {  	[smem:$0x3F26] =	sst s8  }
0x11: {  	[smem:$0x3F27] =	sst s9;
	s0 =	simm.s32 @!p0 $0x0  }
0x12: {  	s1 =	sld [smem:$0x3F0D];
	s0 =	simm.s32 @p0 $0x1  }
0x13: {  	[smem:$0x3F28] =	sst s0;
	s0 =	simm.s32 @!p1 $0x0  }
0x14: {  	s2 =	sld [smem:$0x3F0C];
	s0 =	simm.s32 @p1 $0x1  }
0x15: {  	[smem:$0x3F29] =	sst s0;
	s0 =	simm.s32 @!p2 $0x0  }
0x16: {  	s3 =	sld [smem:$0x3FDB];
	s0 =	simm.s32 @p2 $0x1  }
0x17: {  	s4 =	simm.s32 $0x1BF5;
	[smem:$0x3F2B] =	sst s0  }
0x18: {  	s0 =	sld [smem:$0x3F0E];
	_ =	swait.ge [sflag:s4], $0x0  }
0x19: {  	s7 =	sld [smem:$0x3F0F]  }
0x1a: {  	s8 =	sadd.s32 $0xFFFFE003, lr  }
0x1b: {  	s9 =	sadd.s32 $0xFFFFFEF7, lr;
	s5 =	simm.s32 $0xFFFFFFFF;
	p2 =	slt.u32 s8, $0xFFFFF086  }
0x1c: {  	p1 =	slt.u32 s9, $0xF7A;
	s5 =	simm.s32 @!p2 $0x0  }
0x1d: {  	s5 =	simm.s32 @p1 $0x1;
	p0 =	seq.s32 s7, s2  }
0x1e: {  	s7 =	smul.u32 @!p0 $0xF7A, s2;
	p2 =	seq.s32 @!p0 s5, $0x0  }
0x1f: {  	s9 =	smul.u32 $0xF7A, s1;
	s8 =	simm.s32 @!p0 $0x1BF5;
	p2 =	por !p2, p0  }
0x20: {  	[sflag:s8] =	ssyncset.s32 @!p0 $0xFFFFF086;
	s6 =	sadd.s32 @!p0 s3, s7;
	s7 =	simm.s32 @!p0 $0x108  }
0x21: {  	s3 =	sadd.s32 s3, s9;
	s6 =	sadd.s32 @!p0 $0x88, s6;
	s7 =	simm.s32 @p2 $0x1082  }
0x22: {  	[simem:s7], [sflag:s8] =	dma.local @!p0 [hbm:s6], $0xF7A  }
0x23: {  	s9 =	sor.u32 $0xD0000000, s2;
	s6 =	simm.s32 $0x108;
	_ =	swait.ge @!p0 [sflag:s8], $0x0  }
0x24: {  	s3 =	sadd.s32 $0x88, s3;
	s6 =	simm.s32 @!p1 $0x1082;
	[sflag:s4] =	ssyncset.s32 $0xFFFFF086  }
0x25: {  	[simem:s6], [sflag:s4] =	dma.local [hbm:s3], $0xF7A  }
0x26: {  	[smem:$0x3F0F] =	sst s1;
	(tag) =	ssettag s2;
	_ =	strace s9  }
0x27: {  	s1 =	sld [smem:$0x3F1F]  }
0x28: {  	s2 =	sld [smem:$0x3F20]  }
0x29: {  	s4 =	sld [smem:$0x3F22]  }
0x2a: {  	p0 =	seq.s32 s5, $0x0;
	s5 =	sld [smem:$0x3F23]  }
0x2b: {  	s6 =	sld [smem:$0x3F24]  }
0x2c: {  	s7 =	sld [smem:$0x3F25]  }
0x2d: {  	s3 =	simm.s32 $0x108;
	s8 =	sld [smem:$0x3F26]  }
0x2e: {  	s3 =	simm.s32 @!p0 $0x1082;
	s9 =	sld [smem:$0x3F27]  }
0x2f: {  	lr =	sadd.s32 s0, s3;
	s0 =	sld [smem:$0x3F1E]  }
0x30: {  	s3 =	sld [smem:$0x3F21]  }
0x31: {  	[smem:$0x3F2A] =	sst s10  }
0x32: {  	s10 =	sld [smem:$0x3F28];
	_ =	sdelay $0x3  }
0x33: {  	p0 =	seq.s32 s10, $0x1;
	s10 =	sld [smem:$0x3F2A];
	_ =	sdelay $0x3  }
0x34: {  	[smem:$0x3F2A] =	sst s10  }
0x35: {  	s10 =	sld [smem:$0x3F29];
	_ =	sdelay $0x3  }
0x36: {  	p1 =	seq.s32 s10, $0x1;
	s10 =	sld [smem:$0x3F2A];
	_ =	sdelay $0x3  }
0x37: {  	[smem:$0x3F2A] =	sst s10  }
0x38: {  	s10 =	sld [smem:$0x3F2B]  }
0x39: {  	_ = 	snop;
	(pc) =	sbr.ind lr, $3  }
0x3a: {  	_ = 	snop  }
0x3b: {  	_ = 	snop  }
0x3c: {  	p2 =	seq.s32 s10, $0x1;
	s10 =	sld [smem:$0x3F2A]  }
0x3d: {  	_ =	shalt  }
0x3e: {  	_ =	shalt  }
0x3f: {  	_ =	shalt  }
0x40: {  	_ =	shalt  }
0x41: {  	_ =	shalt  }
0x42: {  	_ =	shalt  }
0x43: {  	_ =	shalt  }
0x44: {  	_ =	shalt  }
0x45: {  	_ =	shalt  }
0x46: {  	_ =	shalt  }
0x47: {  	_ =	shalt  }
0x48: {  	_ =	shalt  }
0x49: {  	_ =	shalt  }
0x4a: {  	_ =	shalt  }
0x4b: {  	_ =	shalt  }
0x4c: {  	_ =	shalt  }
0x4d: {  	_ =	shalt  }
0x4e: {  	_ =	shalt  }
0x4f: {  	_ =	shalt  }
0x50: {  	_ =	shalt  }
0x51: {  	_ =	shalt  }
0x52: {  	_ =	shalt  }
0x53: {  	_ =	shalt  }
0x54: {  	_ =	shalt  }
0x55: {  	_ =	shalt  }
0x56: {  	_ =	shalt  }
0x57: {  	_ =	shalt  }
0x58: {  	_ =	shalt  }
0x59: {  	_ =	shalt  }
0x5a: {  	_ =	shalt  }
0x5b: {  	_ =	shalt  }
0x5c: {  	_ =	shalt  }
0x5d: {  	_ =	shalt  }
0x5e: {  	_ =	shalt  }
0x5f: {  	_ =	shalt  }
0x60: {  	_ =	shalt  }
0x61: {  	_ =	shalt  }
0x62: {  	_ =	shalt  }
0x63: {  	_ =	shalt  }
0x64: {  	_ =	shalt  }
0x65: {  	_ =	shalt  }
0x66: {  	_ =	shalt  }
0x67: {  	_ =	shalt  }
0x68: {  	_ =	shalt  }
0x69: {  	_ =	shalt  }
0x6a: {  	_ =	shalt  }
0x6b: {  	_ =	shalt  }
0x6c: {  	_ =	shalt  }
0x6d: {  	_ =	shalt  }
0x6e: {  	_ =	shalt  }
0x6f: {  	_ =	shalt  }
0x70: {  	_ =	shalt  }
0x71: {  	_ =	shalt  }
0x72: {  	_ =	shalt  }
0x73: {  	_ =	shalt  }
0x74: {  	_ =	shalt  }
0x75: {  	_ =	shalt  }
0x76: {  	_ =	shalt  }
0x77: {  	_ =	shalt  }
0x78: {  	_ =	shalt  }
0x79: {  	_ =	shalt  }
0x7a: {  	_ =	shalt  }
0x7b: {  	_ =	shalt  }
0x7c: {  	_ =	shalt  }
0x7d: {  	_ =	shalt  }
0x7e: {  	_ =	shalt  }
0x7f: {  	_ =	shalt  }
0x80: {  	_ =	shalt  }
0x81: {  	_ =	shalt  }
0x82: {  	_ =	shalt  }
0x83: {  	_ =	shalt  }
0x84: {  	_ =	shalt  }
0x85: {  	_ =	shalt  }
0x86: {  	_ =	shalt  }
0x87: {  	_ =	shalt  }
.Lfunc_end0:
.L_simem_size_0:
called_computation.1_lowered:
.L_overlay_start_0:
0x88: {  	s2 =	sld [smem:$0x3FD9]  }
0x89: {  	s3 =	sld [smem:$0x3FFE];
	_ =	sdelay $0x1  }
0x8a: {  	s1 =	srdreg.scid  }
0x8b: {  	s0 =	sand.u32 $0x1, s1  }
0x8c: {  	s17 =	sshll.u32 s0, $0xA;
	s2 =	sadd.s32 s3, s2  }
0x8d: {  	s2 =	sadd.s32 s2, s17  }
0x8e: {  	[smem:$0x3F36] =	sst s2  }
0x8f: {  	_ = 	snop  }
0x90: {  	s18 =	sld [smem:$0x3FD0];
	(tm) =	ssettm $0x1  }
0x91: {  	s19 =	sld [smem:$0x3FFB];
	_ =	sdelay $0x3  }
0x92: {  	_ =	strace s19  }
0x93: {  	s2 =	sld [smem:$0x3FFC];
	_ =	sdelay $0x3  }
0x94: {  	_ =	strace s2  }
0x95: {  	s2 =	sld [smem:$0x3FFD];
	_ =	sdelay $0x3  }
0x96: {  	_ =	strace s2  }
0x97: {  	_ =	strace $0x8FFFFFFF  }
0x98: {  	s20 =	sld [smem:$0x3FDB];
	_ =	sdelay $0x1  }
0x99: {  	s4 =	simm.s32 $_scs_section_size  }
0x9a: {  	s5 =	simm.s32 $_size__tile_overlayer_lowered;
	s6 =	simm.s32 $_tile_overlayer_lowered  }
0x9b: {  	s7 =	simm.s32 $0x1BFF;
	s21 =	sshll.u32 s6, $0x1;
	s4 =	sadd.s32 s4, s20  }
0x9c: {  	s22 =	simm.s32 $0x0;
	s5 =	sshll.u32 s5, $0x1;
	s6 =	sadd.s32 s21, s4  }
0x9d: {  	[timem:s22], [sflag:s7] =	dma.local [hbm:s6], s5  }
0x9e: {  	_ =	swait.ge [sflag:s7], s5  }
0x9f: {  	s5 =	ssub.s32 $0x0, s5;
	[sflag:s7] =	ssyncset.done $0x0  }
0xa0: {  	[sflag:s7] =	ssyncadd.s32 s5;
	_ =	sdelay $0x1  }
0xa1: {  	s23 =	simm.s32 $0x1B8B  }
0xa2: {  	_ =	swait.ge [sflag:s23], $0x1  }
0xa3: {  	[sflag:s23] =	ssyncset.done $0x0  }
0xa4: {  	[sflag:s23] =	ssyncadd.s32 $0xFFFFFFFF  }
0xa5: {  	s5 =	sld [smem:$0x0]  }
0xa6: {  	s6 =	sand.u32 $0xFFFFFFFE, s1  }
0xa7: {  	p0 =	sne.s32 s1, s6  }
0xa8: {  	s6 =	sshll.u32 @p0 s6, $0xE  }
0xa9: {  	s6 =	sadd.s32 @p0 $0x11B8D, s6;
	s7 =	sshll.u32 @p0 s5, $0x11  }
0xaa: {  	s6 =	sor.u32 @p0 s7, s6  }
0xab: {  	[sflag:s6] =	ssyncadd.remote.s32 @p0 $0x1;
	_ =	sdelay $0x1  }
0xac: {  	s6 =	simm.s32 @p0 $0x1B8D  }
0xad: {  	_ =	swait.eq @p0 [sflag:s6], $0x1  }
0xae: {  	[sflag:s6] =	ssyncadd.s32 @p0 $0xFFFFFFFF  }
0xaf: {  	s7 =	sshll.u32 @!p0 s1, $0xE  }
0xb0: {  	s7 =	sor.u32 @!p0 $0x4000, s7;
	s6 =	simm.s32 @!p0 $0x1B8D  }
0xb1: {  	s5 =	sshll.u32 @!p0 s5, $0x11;
	s7 =	sadd.s32 @!p0 $0x11B8D, s7;
	_ =	swait.eq @!p0 [sflag:s6], $0x1  }
0xb2: {  	s5 =	sor.u32 @!p0 s5, s7;
	[sflag:s6] =	ssyncadd.s32 @!p0 $0xFFFFFFFF  }
0xb3: {  	s25 =	simm.s32 $0x1B8E;
	s24 =	sld [smem:$0x3FFE];
	[sflag:s5] =	ssyncadd.remote.s32 @!p0 $0x1  }
0xb4: {  	s26 =	simm.s32 $execute0_lowered;
	[smem:$0x3FD2] =	sst s25  }
0xb5: {  	s6 =	sshll.u32 s26, $0x1;
	_ =	strace $0x80000049;
	[dreg:$0x1] =	wrdreg $0xFFFFFFFF  }
0xb6: {  	s28 =	simm.s32 $_size_execute0_lowered;
	s4 =	sadd.s32 s4, s6;
	[dreg:$0x0] =	wrdreg $0x0  }
0xb7: {  	s6 =	sshll.u32 s28, $0x1;
	[dreg:$0x2] =	wrdreg s4  }
0xb8: {  	[dreg:$0x3] =	wrdreg s6  }
0xb9: {  	[dreg:$0x4] =	wrdreg $0xC0  }
0xba: {  	_ =	task [dreg:s22], $0x5FFFF  }
0xbb: {  	[dreg:$0x1] =	wrdreg $0xFFFFFFFF  }
0xbc: {  	[dreg:$0x0] =	wrdreg $0x60  }
0xbd: {  	[dreg:$0x2] =	wrdreg s24  }
0xbe: {  	[dreg:$0x3] =	wrdreg s18  }
0xbf: {  	[dreg:$0x4] =	wrdreg $0xB  }
0xc0: {  	_ =	task.clear_ibuf [dreg:s22], $0x5FFFF;
	_ =	strace $0x90000049  }
0xc1: {  	s29 =	simm.s32 $0xB;
	_ =	strace $0x8000004B  }
0xc2: {  	_ =	swait.ge [sflag:s29], $0x1  }
0xc3: {  	[sflag:s29] =	ssyncadd.s32 $0xFFFFFFFF  }
0xc4: {  	_ =	strace $0x9000004B  }
0xc5: {  	_ =	sfence  }
0xc6: {  	s30 =	sld [smem:$0x0];
	_ =	sdelay $0x2  }
0xc7: {  	s31 =	sshll.u32 s1, $0xD;
	s1 =	sshrl.u32 s1, $0x2  }
0xc8: {  	s4 =	sand.u32 $0x4000, s31;
	s1 =	sadd.s32 s1, s30  }
0xc9: {  	s0 =	sor.u32 s4, s0;
	s1 =	sshll.u32 s1, $0x11  }
0xca: {  	s0 =	sor.u32 s1, s0  }
0xcb: {  	s0 =	sadd.s32 $0x8F2B, s0  }
0xcc: {  	[sflag:s0] =	ssyncadd.remote.s32 $0x1  }
0xcd: {  	_ =	sfence.sel $0xFFFF  }
0xce: {  	[dreg:$0x0] =	wrdreg $0xFFFFFFFF;
	(pc) =	sbr.abs _section_cstart, $3  }
0xcf: {  	[dreg:$0x1] =	wrdreg $0xFFFFFFFF  }
0xd0: {  	_ =	task.clear_ibuf [dreg:s22], $0x2FFFF;
	_ =	strace $0x9FFFFFFF  }
0xd1: {  	(tm) =	ssettm $0x7FFFFFFF  }
tec
execute0_lowered:
.L_overlay_start_1:
0x0: {  	(tag) =	ssettag $0x1  }
0x1: {  	s4 =	rddreg [dreg:$0x0]  }
0x2: {  	s5 =	rddreg [dreg:$0x1]  }
0x3: {  	s0 =	rddreg [dreg:$0x2];
	s2 =	simm.s32 $0x0  }
0x4: {  	s3 =	srdreg.scid;
	s1 =	stileid.u32;
	s11 =	simm.s32 $0x1000  }
0x5: {  	s12 =	simm.s32 $0x5000;
	s13 =	simm.s32 $0x1;
	s14 =	simm.s32 $0x2  }
0x6: {  	s15 =	simm.s32 $0x0;
	[smem:$0x7FF] =	sst s2;
	s7 =	sand.u32 $0x1, s3  }
0x7: {  	s6 =	sshll.u32 s1, $0x1;
	s3 =	sadd.s32 $0x212C00, s4;
	s9 =	sadd.s32 $0x232C00, s4  }
0x8: {  	s30 =	sshll.u32 s1, $0x11;
	_ =	strace $0x8000004A;
	s8 =	ssub.s32 $0x2, s7  }
0x9: {  	s6 =	sor.u32 s7, s6;
	s31 =	sshll.u32 s7, $0x10;
	s28 =	sshrl.u32 s8, $0x1  }
0xa: {  	s10 =	sshll.u32 s6, $0x9;
	s6 =	sshll.u32 s6, $0x10;
	s8 =	ssub.s32 s8, s28  }
0xb: {  	s4 =	sadd.s32 s5, s10;
	s29 =	sadd.s32 s9, s6;
	s10 =	simm.s32 $0x80  }
0xc: {  	s5 =	smax.u32 s8, $0x1;
	s6 =	sadd.s32 $0xF000, s29;
	s8 =	sadd.s32 s30, s9  }
0xd: {  	s7 =	sadd.s32 $0xF800, s29;
	s9 =	simm.s32 $0x3;
	s8 =	sadd.s32 s31, s8  }
.LBB2_1:
0xe: {  	[tilespmem:s2], [sflag:$0x3] =	stream.linear.gather [hbm4b:s4+s2], $0x1000, $0x38;
	[tilespmem:$0x9000] =	vst v63  }
0xf: {  	_ =	swait.ge [sflag:s9], $0x1000  }
0x10: {  	[sflag:s9] =	ssyncset.done $0x0  }
0x11: {  	[sflag:s9] =	ssyncadd.s32 $0xFFFFF000  }
0x12: {  	[tilespmem:s11], [sflag:$0x1] =	stream.indirect.gather [hbm4b:s3+s10], $0x80, s2, s10, $0xb8;
	[tilespmem:$0x9000] =	vst v63  }
0x13: {  	_ = 	snop  }
0x14: {  	[tilespmem:s12], [sflag:$0x2] =	stream.indirect.gather [hbm4b:s3+s10], $0x80, s10, s10, $0xb8;
	[tilespmem:$0x9000] =	vst v63  }
0x15: {  	_ =	swait.ge [sflag:s13], $0x4000  }
0x16: {  	[sflag:s13] =	ssyncset.done $0x0  }
0x17: {  	s16 =	sadd.s32 $0x0, s8;
	[sflag:s13] =	ssyncadd.s32 $0xFFFFC000  }
0x18: {  	[hbm4b:s16+s2] =	stream.linear.scatter [tilespmem:s11], [sflag:$0x3], $0x4000, $0x38;
	[tilespmem:$0x9000] =	vst v63  }
0x19: {  	_ =	swait.ge [sflag:s9], $0x4000  }
0x1a: {  	[sflag:s9] =	ssyncset.done $0x0  }
0x1b: {  	s17 =	simm.s32 $0x100;
	[sflag:s9] =	ssyncadd.s32 $0xFFFFC000  }
0x1c: {  	[tilespmem:s11], [sflag:$0x1] =	stream.indirect.gather [hbm4b:s3+s10], $0x80, s17, s10, $0xb8;
	[tilespmem:$0x9000] =	vst v63  }
0x1d: {  	_ =	swait.ge [sflag:s14], $0x4000  }
0x1e: {  	[sflag:s14] =	ssyncset.done $0x0  }
0x1f: {  	s16 =	sadd.s32 $0x800, s16;
	[sflag:s14] =	ssyncadd.s32 $0xFFFFC000  }
0x20: {  	[hbm4b:s16+s2] =	stream.linear.scatter [tilespmem:s12], [sflag:$0x3], $0x4000, $0x38;
	[tilespmem:$0x9000] =	vst v63  }
0x21: {  	_ =	swait.ge [sflag:s9], $0x4000  }
0x22: {  	s18 =	simm.s32 $0x280;
	[sflag:s9] =	ssyncset.done $0x0  }
0x23: {  	s17 =	simm.s32 $0x1000;
	s16 =	simm.s32 $0x180;
	[sflag:s9] =	ssyncadd.s32 $0xFFFFC000  }
.LBB2_2:
0x24: {  	[tilespmem:s12], [sflag:$0x2] =	stream.indirect.gather [hbm4b:s3+s10], $0x80, s16, s10, $0xb8;
	[tilespmem:$0x9000] =	vst v63  }
0x25: {  	s19 =	smov.u32 s17;
	s16 =	smov.u32 s18  }
0x26: {  	p0 =	sne.s32 s17, $0xE000;
	s17 =	sadd.s32 $0x1000, s17;
	_ =	swait.ge [sflag:s13], $0x4000  }
0x27: {  	[sflag:s13] =	ssyncset.done $0x0  }
0x28: {  	s19 =	sadd.s32 s19, s8;
	[sflag:s13] =	ssyncadd.s32 $0xFFFFC000  }
0x29: {  	[hbm4b:s19+s2] =	stream.linear.scatter [tilespmem:s11], [sflag:$0x3], $0x4000, $0x38;
	[tilespmem:$0x9000] =	vst v63  }
0x2a: {  	_ =	swait.ge [sflag:s9], $0x4000  }
0x2b: {  	[sflag:s9] =	ssyncset.done $0x0  }
0x2c: {  	s20 =	sadd.s32 $0xFFFFFF80, s18;
	[sflag:s9] =	ssyncadd.s32 $0xFFFFC000  }
0x2d: {  	[tilespmem:s11], [sflag:$0x1] =	stream.indirect.gather [hbm4b:s3+s10], $0x80, s20, s10, $0xb8;
	[tilespmem:$0x9000] =	vst v63  }
0x2e: {  	_ =	swait.ge [sflag:s14], $0x4000  }
0x2f: {  	[sflag:s14] =	ssyncset.done $0x0  }
.Ltmp0:
0x30: {  	s19 =	sadd.s32 $0x800, s19;
	[sflag:s14] =	ssyncadd.s32 $0xFFFFC000;
	(pc) =	sbr.rel @p0 .LBB2_2-.Ltmp0, $4  }
0x31: {  	[hbm4b:s19+s2] =	stream.linear.scatter [tilespmem:s12], [sflag:$0x3], $0x4000, $0x38;
	[tilespmem:$0x9000] =	vst v63  }
0x32: {  	_ =	swait.ge [sflag:s9], $0x4000  }
0x33: {  	[sflag:s9] =	ssyncset.done $0x0  }
0x34: {  	s18 =	sadd.s32 $0x100, s18;
	[sflag:s9] =	ssyncadd.s32 $0xFFFFC000  }
0x35: {  	[tilespmem:s12], [sflag:$0x2] =	stream.indirect.gather [hbm4b:s3+s10], $0x80, s16, s10, $0xb8;
	[tilespmem:$0x9000] =	vst v63  }
0x36: {  	_ =	swait.ge [sflag:s13], $0x4000  }
0x37: {  	[sflag:s13] =	ssyncset.done $0x0  }
0x38: {  	[sflag:s13] =	ssyncadd.s32 $0xFFFFC000  }
0x39: {  	[hbm4b:s6+s2] =	stream.linear.scatter [tilespmem:s11], [sflag:$0x3], $0x4000, $0x38;
	[tilespmem:$0x9000] =	vst v63  }
0x3a: {  	_ =	swait.ge [sflag:s9], $0x4000  }
0x3b: {  	[sflag:s9] =	ssyncset.done $0x0  }
0x3c: {  	[sflag:s9] =	ssyncadd.s32 $0xFFFFC000  }
0x3d: {  	s15 =	sadd.s32 $0x1, s15;
	_ =	swait.ge [sflag:s14], $0x4000  }
0x3e: {  	p0 =	sne.s32 s15, s5;
	[sflag:s14] =	ssyncset.done $0x0  }
.Ltmp1:
0x3f: {  	[sflag:s14] =	ssyncadd.s32 $0xFFFFC000;
	(pc) =	sbr.rel @p0 .LBB2_1-.Ltmp1, $4  }
0x40: {  	[hbm4b:s7+s2] =	stream.linear.scatter [tilespmem:s12], [sflag:$0x3], $0x4000, $0x38;
	[tilespmem:$0x9000] =	vst v63  }
0x41: {  	_ =	swait.ge [sflag:s9], $0x4000  }
0x42: {  	[sflag:s9] =	ssyncset.done $0x0  }
0x43: {  	[sflag:s9] =	ssyncadd.s32 $0xFFFFC000  }
0x44: {  	_ =	sfence.sel $0x180000  }
0x45: {  	[bflag:$0x0] =	sbarrier.arrive $0xFFFF  }
0x46: {  	p0 =	sne.s32 s1, $0x0;
	_ =	strace $0x9000004A  }
0x47: {  	s0 =	sadd.s32 @!p0 $0x100000, s0;
	[bflag:$0x2] =	sbarrier.arrive $0xFFFF  }
0x48: {  	[sflag:s0] =	ssyncadd.tile.s32 @!p0 $0x1;
	_ =	shalt  }
.Lfunc_end2:
_tile_overlayer_lowered:
.L_overlay_start_2:
0x49: {  	(tag) =	ssettag $0x2  }
0x4a: {  	s0 =	rddreg [dreg:$0x0];
	s2 =	stileid.u32  }
0x4b: {  	s1 =	rddreg [dreg:$0x1];
	p0 =	sne.s32 s2, $0x0  }
0x4c: {  	s3 =	rddreg [dreg:$0x2];
	[bflag:$0x3] =	sbarrier.arrive $0xFFFF;
	s2 =	simm.s32 @!p0 $0x1C03  }
0x4d: {  	[timem:s3], [sflag:s2] =	dma.local @!p0 [hbm:s0], s1  }
0x4e: {  	s0 =	simm.s32 @!p0 $0x3  }
0x4f: {  	_ =	swait.ge @!p0 [sflag:s0], s1  }
0x50: {  	s1 =	ssub.s32 @!p0 $0x0, s1;
	[sflag:s0] =	ssyncset.done @!p0 $0x0  }
0x51: {  	[sflag:s0] =	ssyncadd.s32 @!p0 s1  }
0x52: {  	[bflag:$0x3] =	sbarrier.arrive $0xFFFF  }
0x53: {  	_ =	shalt  }

// kernel: kernel.25.cloned.1.call-start
scs
__scs_entry_jumppad:
0x0: {  	(pc) =	sbr.rel $0x88, $3  }
0x1: {  	(tag) =	ssettag $0x0;
	lr =	simm.s32 $0x1  }
0x2: {  	[smem:$0x3F0F] =	sst lr;
	_ =	strace $0xD0000000  }
0x3: {  	_ = 	snop  }
0x4: {  	_ = 	snop  }
0x5: {  	_ = 	snop  }
0x6: {  	_ = 	snop  }
0x7: {  	_ = 	snop  }
__scs_overlays_trampoline_lowered:
0x8: {  	[smem:$0x3F1E] =	sst s0  }
0x9: {  	[smem:$0x3F1F] =	sst s1  }
0xa: {  	[smem:$0x3F20] =	sst s2  }
0xb: {  	[smem:$0x3F21] =	sst s3  }
0xc: {  	[smem:$0x3F22] =	sst s4  }
0xd: {  	[smem:$0x3F23] =	sst s5  }
0xe: {  	[smem:$0x3F24] =	sst s6  }
0xf: {  	[smem:$0x3F25] =	sst s7  }
0x10: {  	[smem:$0x3F26] =	sst s8  }
0x11: {  	[smem:$0x3F27] =	sst s9;
	s0 =	simm.s32 @!p0 $0x0  }
0x12: {  	s1 =	sld [smem:$0x3F0D];
	s0 =	simm.s32 @p0 $0x1  }
0x13: {  	[smem:$0x3F28] =	sst s0;
	s0 =	simm.s32 @!p1 $0x0  }
0x14: {  	s2 =	sld [smem:$0x3F0C];
	s0 =	simm.s32 @p1 $0x1  }
0x15: {  	[smem:$0x3F29] =	sst s0;
	s0 =	simm.s32 @!p2 $0x0  }
0x16: {  	s3 =	sld [smem:$0x3FDB];
	s0 =	simm.s32 @p2 $0x1  }
0x17: {  	s4 =	simm.s32 $0x1BF5;
	[smem:$0x3F2B] =	sst s0  }
0x18: {  	s0 =	sld [smem:$0x3F0E];
	_ =	swait.ge [sflag:s4], $0x0  }
0x19: {  	s7 =	sld [smem:$0x3F0F]  }
0x1a: {  	s8 =	sadd.s32 $0xFFFFE003, lr  }
0x1b: {  	s9 =	sadd.s32 $0xFFFFFEF7, lr;
	s5 =	simm.s32 $0xFFFFFFFF;
	p2 =	slt.u32 s8, $0xFFFFF086  }
0x1c: {  	p1 =	slt.u32 s9, $0xF7A;
	s5 =	simm.s32 @!p2 $0x0  }
0x1d: {  	s5 =	simm.s32 @p1 $0x1;
	p0 =	seq.s32 s7, s2  }
0x1e: {  	s7 =	smul.u32 @!p0 $0xF7A, s2;
	p2 =	seq.s32 @!p0 s5, $0x0  }
0x1f: {  	s9 =	smul.u32 $0xF7A, s1;
	s8 =	simm.s32 @!p0 $0x1BF5;
	p2 =	por !p2, p0  }
0x20: {  	[sflag:s8] =	ssyncset.s32 @!p0 $0xFFFFF086;
	s6 =	sadd.s32 @!p0 s3, s7;
	s7 =	simm.s32 @!p0 $0x108  }
0x21: {  	s3 =	sadd.s32 s3, s9;
	s6 =	sadd.s32 @!p0 $0x88, s6;
	s7 =	simm.s32 @p2 $0x1082  }
0x22: {  	[simem:s7], [sflag:s8] =	dma.local @!p0 [hbm:s6], $0xF7A  }
0x23: {  	s9 =	sor.u32 $0xD0000000, s2;
	s6 =	simm.s32 $0x108;
	_ =	swait.ge @!p0 [sflag:s8], $0x0  }
0x24: {  	s3 =	sadd.s32 $0x88, s3;
	s6 =	simm.s32 @!p1 $0x1082;
	[sflag:s4] =	ssyncset.s32 $0xFFFFF086  }
0x25: {  	[simem:s6], [sflag:s4] =	dma.local [hbm:s3], $0xF7A  }
0x26: {  	[smem:$0x3F0F] =	sst s1;
	(tag) =	ssettag s2;
	_ =	strace s9  }
0x27: {  	s1 =	sld [smem:$0x3F1F]  }
0x28: {  	s2 =	sld [smem:$0x3F20]  }
0x29: {  	s4 =	sld [smem:$0x3F22]  }
0x2a: {  	p0 =	seq.s32 s5, $0x0;
	s5 =	sld [smem:$0x3F23]  }
0x2b: {  	s6 =	sld [smem:$0x3F24]  }
0x2c: {  	s7 =	sld [smem:$0x3F25]  }
0x2d: {  	s3 =	simm.s32 $0x108;
	s8 =	sld [smem:$0x3F26]  }
0x2e: {  	s3 =	simm.s32 @!p0 $0x1082;
	s9 =	sld [smem:$0x3F27]  }
0x2f: {  	lr =	sadd.s32 s0, s3;
	s0 =	sld [smem:$0x3F1E]  }
0x30: {  	s3 =	sld [smem:$0x3F21]  }
0x31: {  	[smem:$0x3F2A] =	sst s10  }
0x32: {  	s10 =	sld [smem:$0x3F28];
	_ =	sdelay $0x3  }
0x33: {  	p0 =	seq.s32 s10, $0x1;
	s10 =	sld [smem:$0x3F2A];
	_ =	sdelay $0x3  }
0x34: {  	[smem:$0x3F2A] =	sst s10  }
0x35: {  	s10 =	sld [smem:$0x3F29];
	_ =	sdelay $0x3  }
0x36: {  	p1 =	seq.s32 s10, $0x1;
	s10 =	sld [smem:$0x3F2A];
	_ =	sdelay $0x3  }
0x37: {  	[smem:$0x3F2A] =	sst s10  }
0x38: {  	s10 =	sld [smem:$0x3F2B]  }
0x39: {  	_ = 	snop;
	(pc) =	sbr.ind lr, $3  }
0x3a: {  	_ = 	snop  }
0x3b: {  	_ = 	snop  }
0x3c: {  	p2 =	seq.s32 s10, $0x1;
	s10 =	sld [smem:$0x3F2A]  }
0x3d: {  	_ =	shalt  }
0x3e: {  	_ =	shalt  }
0x3f: {  	_ =	shalt  }
0x40: {  	_ =	shalt  }
0x41: {  	_ =	shalt  }
0x42: {  	_ =	shalt  }
0x43: {  	_ =	shalt  }
0x44: {  	_ =	shalt  }
0x45: {  	_ =	shalt  }
0x46: {  	_ =	shalt  }
0x47: {  	_ =	shalt  }
0x48: {  	_ =	shalt  }
0x49: {  	_ =	shalt  }
0x4a: {  	_ =	shalt  }
0x4b: {  	_ =	shalt  }
0x4c: {  	_ =	shalt  }
0x4d: {  	_ =	shalt  }
0x4e: {  	_ =	shalt  }
0x4f: {  	_ =	shalt  }
0x50: {  	_ =	shalt  }
0x51: {  	_ =	shalt  }
0x52: {  	_ =	shalt  }
0x53: {  	_ =	shalt  }
0x54: {  	_ =	shalt  }
0x55: {  	_ =	shalt  }
0x56: {  	_ =	shalt  }
0x57: {  	_ =	shalt  }
0x58: {  	_ =	shalt  }
0x59: {  	_ =	shalt  }
0x5a: {  	_ =	shalt  }
0x5b: {  	_ =	shalt  }
0x5c: {  	_ =	shalt  }
0x5d: {  	_ =	shalt  }
0x5e: {  	_ =	shalt  }
0x5f: {  	_ =	shalt  }
0x60: {  	_ =	shalt  }
0x61: {  	_ =	shalt  }
0x62: {  	_ =	shalt  }
0x63: {  	_ =	shalt  }
0x64: {  	_ =	shalt  }
0x65: {  	_ =	shalt  }
0x66: {  	_ =	shalt  }
0x67: {  	_ =	shalt  }
0x68: {  	_ =	shalt  }
0x69: {  	_ =	shalt  }
0x6a: {  	_ =	shalt  }
0x6b: {  	_ =	shalt  }
0x6c: {  	_ =	shalt  }
0x6d: {  	_ =	shalt  }
0x6e: {  	_ =	shalt  }
0x6f: {  	_ =	shalt  }
0x70: {  	_ =	shalt  }
0x71: {  	_ =	shalt  }
0x72: {  	_ =	shalt  }
0x73: {  	_ =	shalt  }
0x74: {  	_ =	shalt  }
0x75: {  	_ =	shalt  }
0x76: {  	_ =	shalt  }
0x77: {  	_ =	shalt  }
0x78: {  	_ =	shalt  }
0x79: {  	_ =	shalt  }
0x7a: {  	_ =	shalt  }
0x7b: {  	_ =	shalt  }
0x7c: {  	_ =	shalt  }
0x7d: {  	_ =	shalt  }
0x7e: {  	_ =	shalt  }
0x7f: {  	_ =	shalt  }
0x80: {  	_ =	shalt  }
0x81: {  	_ =	shalt  }
0x82: {  	_ =	shalt  }
0x83: {  	_ =	shalt  }
0x84: {  	_ =	shalt  }
0x85: {  	_ =	shalt  }
0x86: {  	_ =	shalt  }
0x87: {  	_ =	shalt  }
.Lfunc_end0:
.L_simem_size_0:
called_computation.2_lowered:
.L_overlay_start_0:
0x88: {  	s2 =	sld [smem:$0x3FD9]  }
0x89: {  	s3 =	sld [smem:$0x3FFE];
	_ =	sdelay $0x1  }
0x8a: {  	s1 =	srdreg.scid  }
0x8b: {  	s0 =	sand.u32 $0x1, s1  }
0x8c: {  	s17 =	sshll.u32 s0, $0xA;
	s2 =	sadd.s32 s3, s2  }
0x8d: {  	s2 =	sadd.s32 s2, s17  }
0x8e: {  	[smem:$0x3F36] =	sst s2  }
0x8f: {  	_ = 	snop  }
0x90: {  	(tm) =	ssettm $0x1  }
0x91: {  	s18 =	sld [smem:$0x3FFB];
	_ =	sdelay $0x3  }
0x92: {  	_ =	strace s18  }
0x93: {  	s2 =	sld [smem:$0x3FFC];
	_ =	sdelay $0x3  }
0x94: {  	_ =	strace s2  }
0x95: {  	s2 =	sld [smem:$0x3FFD];
	_ =	sdelay $0x3  }
0x96: {  	_ =	strace s2  }
0x97: {  	_ =	strace $0x8FFFFFFF  }
0x98: {  	s19 =	sld [smem:$0x3FDB];
	_ =	sdelay $0x1  }
0x99: {  	s20 =	simm.s32 $_scs_section_size  }
0x9a: {  	s4 =	simm.s32 $_size__tile_overlayer_lowered;
	s5 =	simm.s32 $_tile_overlayer_lowered  }
0x9b: {  	s6 =	simm.s32 $0x1BFF;
	s21 =	sshll.u32 s5, $0x1;
	s3 =	sadd.s32 s20, s19  }
0x9c: {  	s22 =	simm.s32 $0x0;
	s4 =	sshll.u32 s4, $0x1;
	s5 =	sadd.s32 s21, s3  }
0x9d: {  	[timem:s22], [sflag:s6] =	dma.local [hbm:s5], s4  }
0x9e: {  	_ =	swait.ge [sflag:s6], s4  }
0x9f: {  	s4 =	ssub.s32 $0x0, s4;
	[sflag:s6] =	ssyncset.done $0x0  }
0xa0: {  	[sflag:s6] =	ssyncadd.s32 s4;
	_ =	sdelay $0x1  }
0xa1: {  	s23 =	simm.s32 $0x1B8B  }
0xa2: {  	_ =	swait.ge [sflag:s23], $0x1  }
0xa3: {  	[sflag:s23] =	ssyncset.done $0x0  }
0xa4: {  	[sflag:s23] =	ssyncadd.s32 $0xFFFFFFFF  }
0xa5: {  	s4 =	sld [smem:$0x0]  }
0xa6: {  	s5 =	sand.u32 $0xFFFFFFFE, s1  }
0xa7: {  	p0 =	sne.s32 s1, s5  }
0xa8: {  	s5 =	sshll.u32 @p0 s5, $0xE  }
0xa9: {  	s5 =	sadd.s32 @p0 $0x11B8D, s5;
	s6 =	sshll.u32 @p0 s4, $0x11  }
0xaa: {  	s5 =	sor.u32 @p0 s6, s5  }
0xab: {  	[sflag:s5] =	ssyncadd.remote.s32 @p0 $0x1;
	_ =	sdelay $0x1  }
0xac: {  	s5 =	simm.s32 @p0 $0x1B8D  }
0xad: {  	_ =	swait.eq @p0 [sflag:s5], $0x1  }
0xae: {  	[sflag:s5] =	ssyncadd.s32 @p0 $0xFFFFFFFF  }
0xaf: {  	s6 =	sshll.u32 @!p0 s1, $0xE  }
0xb0: {  	s6 =	sor.u32 @!p0 $0x4000, s6;
	s5 =	simm.s32 @!p0 $0x1B8D  }
0xb1: {  	s4 =	sshll.u32 @!p0 s4, $0x11;
	s6 =	sadd.s32 @!p0 $0x11B8D, s6;
	_ =	swait.eq @!p0 [sflag:s5], $0x1  }
0xb2: {  	s4 =	sor.u32 @!p0 s4, s6;
	[sflag:s5] =	ssyncadd.s32 @!p0 $0xFFFFFFFF  }
0xb3: {  	s25 =	simm.s32 $0x1B8E;
	s24 =	sld [smem:$0x3FFE];
	[sflag:s4] =	ssyncadd.remote.s32 @!p0 $0x1  }
0xb4: {  	s26 =	simm.s32 $execute0_lowered;
	[smem:$0x3FD2] =	sst s25  }
0xb5: {  	s5 =	sshll.u32 s26, $0x1;
	_ =	strace $0x8000004F;
	[dreg:$0x1] =	wrdreg $0xFFFFFFFF  }
0xb6: {  	s28 =	simm.s32 $_size_execute0_lowered;
	s3 =	sadd.s32 s3, s5;
	[dreg:$0x0] =	wrdreg $0x0  }
0xb7: {  	s5 =	sshll.u32 s28, $0x1;
	[dreg:$0x2] =	wrdreg s3  }
0xb8: {  	[dreg:$0x3] =	wrdreg s5  }
0xb9: {  	[dreg:$0x4] =	wrdreg $0xC0  }
0xba: {  	_ =	task [dreg:s22], $0x5FFFF  }
0xbb: {  	[dreg:$0x1] =	wrdreg $0xFFFFFFFF  }
0xbc: {  	[dreg:$0x0] =	wrdreg $0x60  }
0xbd: {  	[dreg:$0x2] =	wrdreg s24  }
0xbe: {  	[dreg:$0x3] =	wrdreg $0xA  }
0xbf: {  	_ =	task.clear_ibuf [dreg:s22], $0x4FFFF;
	_ =	strace $0x9000004F  }
0xc0: {  	s29 =	simm.s32 $0xA;
	_ =	strace $0x80000051  }
0xc1: {  	_ =	swait.ge [sflag:s29], $0x1  }
0xc2: {  	[sflag:s29] =	ssyncadd.s32 $0xFFFFFFFF  }
0xc3: {  	_ =	strace $0x90000051  }
0xc4: {  	_ =	sfence  }
0xc5: {  	s30 =	sld [smem:$0x0];
	_ =	sdelay $0x2  }
0xc6: {  	s31 =	sshll.u32 s1, $0xD;
	s1 =	sshrl.u32 s1, $0x2  }
0xc7: {  	s4 =	sand.u32 $0x4000, s31;
	s1 =	sadd.s32 s1, s30  }
0xc8: {  	s0 =	sor.u32 s4, s0;
	s1 =	sshll.u32 s1, $0x11  }
0xc9: {  	s0 =	sor.u32 s1, s0  }
0xca: {  	s0 =	sadd.s32 $0x8F2B, s0  }
0xcb: {  	[sflag:s0] =	ssyncadd.remote.s32 $0x1  }
0xcc: {  	_ =	sfence.sel $0xFFFF  }
0xcd: {  	[dreg:$0x0] =	wrdreg $0xFFFFFFFF;
	(pc) =	sbr.abs _section_cstart, $3  }
0xce: {  	[dreg:$0x1] =	wrdreg $0xFFFFFFFF  }
0xcf: {  	_ =	task.clear_ibuf [dreg:s22], $0x2FFFF;
	_ =	strace $0x9FFFFFFF  }
0xd0: {  	(tm) =	ssettm $0x7FFFFFFF  }
0xd1: {  	_ =	shalt  }
tec
execute0_lowered:
.L_overlay_start_1:
0x0: {  	(tag) =	ssettag $0x1  }
0x1: {  	s4 =	rddreg [dreg:$0x0]  }
0x2: {  	s0 =	rddreg [dreg:$0x1];
	s2 =	simm.s32 $0x0;
	s3 =	srdreg.scid  }
0x3: {  	s1 =	stileid.u32;
	s11 =	simm.s32 $0x1000;
	s12 =	simm.s32 $0x5000  }
0x4: {  	s13 =	simm.s32 $0x1;
	s14 =	simm.s32 $0x2;
	s15 =	simm.s32 $0x0  }
0x5: {  	[smem:$0x7FF] =	sst s2;
	s7 =	sand.u32 $0x1, s3;
	s28 =	sshll.u32 s1, $0x1  }
0x6: {  	s3 =	sadd.s32 $0x56800, s4;
	s9 =	sadd.s32 $0x76800, s4;
	s30 =	sshll.u32 s1, $0x11  }
0x7: {  	_ =	strace $0x80000050;
	s5 =	sor.u32 s7, s28;
	s8 =	ssub.s32 $0x2, s7  }
0x8: {  	s31 =	sshll.u32 s7, $0x10;
	s6 =	sshll.u32 s5, $0x9;
	s29 =	sshrl.u32 s8, $0x1  }
0x9: {  	s5 =	sshll.u32 s5, $0x10;
	s6 =	sadd.s32 s6, s4;
	s8 =	ssub.s32 s8, s29  }
0xa: {  	s10 =	sadd.s32 s9, s5;
	s4 =	sadd.s32 $0x52800, s6;
	s5 =	smax.u32 s8, $0x1  }
0xb: {  	s6 =	sadd.s32 $0xF000, s10;
	s8 =	sadd.s32 s30, s9;
	s7 =	sadd.s32 $0xF800, s10  }
0xc: {  	s9 =	simm.s32 $0x3;
	s10 =	simm.s32 $0x80;
	s8 =	sadd.s32 s31, s8  }
.LBB2_1:
0xd: {  	[tilespmem:s2], [sflag:$0x3] =	stream.linear.gather [hbm4b:s4+s2], $0x1000, $0x38;
	[tilespmem:$0x9000] =	vst v63  }
0xe: {  	_ =	swait.ge [sflag:s9], $0x1000  }
0xf: {  	[sflag:s9] =	ssyncset.done $0x0  }
0x10: {  	[sflag:s9] =	ssyncadd.s32 $0xFFFFF000  }
0x11: {  	[tilespmem:s11], [sflag:$0x1] =	stream.indirect.gather [hbm4b:s3+s10], $0x80, s2, s10, $0xb8;
	[tilespmem:$0x9000] =	vst v63  }
0x12: {  	_ = 	snop  }
0x13: {  	[tilespmem:s12], [sflag:$0x2] =	stream.indirect.gather [hbm4b:s3+s10], $0x80, s10, s10, $0xb8;
	[tilespmem:$0x9000] =	vst v63  }
0x14: {  	_ =	swait.ge [sflag:s13], $0x4000  }
0x15: {  	[sflag:s13] =	ssyncset.done $0x0  }
0x16: {  	s16 =	sadd.s32 $0x0, s8;
	[sflag:s13] =	ssyncadd.s32 $0xFFFFC000  }
0x17: {  	[hbm4b:s16+s2] =	stream.linear.scatter [tilespmem:s11], [sflag:$0x3], $0x4000, $0x38;
	[tilespmem:$0x9000] =	vst v63  }
0x18: {  	_ =	swait.ge [sflag:s9], $0x4000  }
0x19: {  	[sflag:s9] =	ssyncset.done $0x0  }
0x1a: {  	s17 =	simm.s32 $0x100;
	[sflag:s9] =	ssyncadd.s32 $0xFFFFC000  }
0x1b: {  	[tilespmem:s11], [sflag:$0x1] =	stream.indirect.gather [hbm4b:s3+s10], $0x80, s17, s10, $0xb8;
	[tilespmem:$0x9000] =	vst v63  }
0x1c: {  	_ =	swait.ge [sflag:s14], $0x4000  }
0x1d: {  	[sflag:s14] =	ssyncset.done $0x0  }
0x1e: {  	s16 =	sadd.s32 $0x800, s16;
	[sflag:s14] =	ssyncadd.s32 $0xFFFFC000  }
0x1f: {  	[hbm4b:s16+s2] =	stream.linear.scatter [tilespmem:s12], [sflag:$0x3], $0x4000, $0x38;
	[tilespmem:$0x9000] =	vst v63  }
0x20: {  	_ =	swait.ge [sflag:s9], $0x4000  }
0x21: {  	s18 =	simm.s32 $0x280;
	[sflag:s9] =	ssyncset.done $0x0  }
0x22: {  	s17 =	simm.s32 $0x1000;
	s16 =	simm.s32 $0x180;
	[sflag:s9] =	ssyncadd.s32 $0xFFFFC000  }
.LBB2_2:
0x23: {  	[tilespmem:s12], [sflag:$0x2] =	stream.indirect.gather [hbm4b:s3+s10], $0x80, s16, s10, $0xb8;
	[tilespmem:$0x9000] =	vst v63  }
0x24: {  	s19 =	smov.u32 s17;
	s16 =	smov.u32 s18  }
0x25: {  	p0 =	sne.s32 s17, $0xE000;
	s17 =	sadd.s32 $0x1000, s17;
	_ =	swait.ge [sflag:s13], $0x4000  }
0x26: {  	[sflag:s13] =	ssyncset.done $0x0  }
0x27: {  	s19 =	sadd.s32 s19, s8;
	[sflag:s13] =	ssyncadd.s32 $0xFFFFC000  }
0x28: {  	[hbm4b:s19+s2] =	stream.linear.scatter [tilespmem:s11], [sflag:$0x3], $0x4000, $0x38;
	[tilespmem:$0x9000] =	vst v63  }
0x29: {  	_ =	swait.ge [sflag:s9], $0x4000  }
0x2a: {  	[sflag:s9] =	ssyncset.done $0x0  }
0x2b: {  	s20 =	sadd.s32 $0xFFFFFF80, s18;
	[sflag:s9] =	ssyncadd.s32 $0xFFFFC000  }
0x2c: {  	[tilespmem:s11], [sflag:$0x1] =	stream.indirect.gather [hbm4b:s3+s10], $0x80, s20, s10, $0xb8;
	[tilespmem:$0x9000] =	vst v63  }
0x2d: {  	_ =	swait.ge [sflag:s14], $0x4000  }
0x2e: {  	[sflag:s14] =	ssyncset.done $0x0  }
.Ltmp0:
0x2f: {  	s19 =	sadd.s32 $0x800, s19;
	[sflag:s14] =	ssyncadd.s32 $0xFFFFC000;
	(pc) =	sbr.rel @p0 .LBB2_2-.Ltmp0, $4  }
0x30: {  	[hbm4b:s19+s2] =	stream.linear.scatter [tilespmem:s12], [sflag:$0x3], $0x4000, $0x38;
	[tilespmem:$0x9000] =	vst v63  }
0x31: {  	_ =	swait.ge [sflag:s9], $0x4000  }
0x32: {  	[sflag:s9] =	ssyncset.done $0x0  }
0x33: {  	s18 =	sadd.s32 $0x100, s18;
	[sflag:s9] =	ssyncadd.s32 $0xFFFFC000  }
0x34: {  	[tilespmem:s12], [sflag:$0x2] =	stream.indirect.gather [hbm4b:s3+s10], $0x80, s16, s10, $0xb8;
	[tilespmem:$0x9000] =	vst v63  }
0x35: {  	_ =	swait.ge [sflag:s13], $0x4000  }
0x36: {  	[sflag:s13] =	ssyncset.done $0x0  }
0x37: {  	[sflag:s13] =	ssyncadd.s32 $0xFFFFC000  }
0x38: {  	[hbm4b:s6+s2] =	stream.linear.scatter [tilespmem:s11], [sflag:$0x3], $0x4000, $0x38;
	[tilespmem:$0x9000] =	vst v63  }
0x39: {  	_ =	swait.ge [sflag:s9], $0x4000  }
0x3a: {  	[sflag:s9] =	ssyncset.done $0x0  }
0x3b: {  	[sflag:s9] =	ssyncadd.s32 $0xFFFFC000  }
0x3c: {  	s15 =	sadd.s32 $0x1, s15;
	_ =	swait.ge [sflag:s14], $0x4000  }
0x3d: {  	p0 =	sne.s32 s15, s5;
	[sflag:s14] =	ssyncset.done $0x0  }
.Ltmp1:
0x3e: {  	[sflag:s14] =	ssyncadd.s32 $0xFFFFC000;
	(pc) =	sbr.rel @p0 .LBB2_1-.Ltmp1, $4  }
0x3f: {  	[hbm4b:s7+s2] =	stream.linear.scatter [tilespmem:s12], [sflag:$0x3], $0x4000, $0x38;
	[tilespmem:$0x9000] =	vst v63  }
0x40: {  	_ =	swait.ge [sflag:s9], $0x4000  }
0x41: {  	[sflag:s9] =	ssyncset.done $0x0  }
0x42: {  	[sflag:s9] =	ssyncadd.s32 $0xFFFFC000  }
0x43: {  	_ =	sfence.sel $0x180000  }
0x44: {  	[bflag:$0x0] =	sbarrier.arrive $0xFFFF  }
0x45: {  	p0 =	sne.s32 s1, $0x0;
	_ =	strace $0x90000050  }
0x46: {  	s0 =	sadd.s32 @!p0 $0x100000, s0;
	[bflag:$0x2] =	sbarrier.arrive $0xFFFF  }
0x47: {  	[sflag:s0] =	ssyncadd.tile.s32 @!p0 $0x1;
	_ =	shalt  }
.Lfunc_end2:
_tile_overlayer_lowered:
.L_overlay_start_2:
0x48: {  	(tag) =	ssettag $0x2  }
0x49: {  	s0 =	rddreg [dreg:$0x0];
	s2 =	stileid.u32  }
0x4a: {  	s1 =	rddreg [dreg:$0x1];
	p0 =	sne.s32 s2, $0x0  }
0x4b: {  	s3 =	rddreg [dreg:$0x2];
	[bflag:$0x3] =	sbarrier.arrive $0xFFFF;
	s2 =	simm.s32 @!p0 $0x1C03  }
0x4c: {  	[timem:s3], [sflag:s2] =	dma.local @!p0 [hbm:s0], s1  }
0x4d: {  	s0 =	simm.s32 @!p0 $0x3  }
0x4e: {  	_ =	swait.ge @!p0 [sflag:s0], s1  }
0x4f: {  	s1 =	ssub.s32 @!p0 $0x0, s1;
	[sflag:s0] =	ssyncset.done @!p0 $0x0  }
0x50: {  	[sflag:s0] =	ssyncadd.s32 @!p0 s1  }
0x51: {  	[bflag:$0x3] =	sbarrier.arrive $0xFFFF  }
0x52: {  	_ =	shalt  }

// kernel: kernel.28.cloned.1.call-start
scs
__scs_entry_jumppad:
0x0: {  	(pc) =	sbr.rel $0x88, $3  }
0x1: {  	(tag) =	ssettag $0x0;
	lr =	simm.s32 $0x1  }
0x2: {  	[smem:$0x3F0F] =	sst lr;
	_ =	strace $0xD0000000  }
0x3: {  	_ = 	snop  }
0x4: {  	_ = 	snop  }
0x5: {  	_ = 	snop  }
0x6: {  	_ = 	snop  }
0x7: {  	_ = 	snop  }
__scs_overlays_trampoline_lowered:
0x8: {  	[smem:$0x3F1E] =	sst s0  }
0x9: {  	[smem:$0x3F1F] =	sst s1  }
0xa: {  	[smem:$0x3F20] =	sst s2  }
0xb: {  	[smem:$0x3F21] =	sst s3  }
0xc: {  	[smem:$0x3F22] =	sst s4  }
0xd: {  	[smem:$0x3F23] =	sst s5  }
0xe: {  	[smem:$0x3F24] =	sst s6  }
0xf: {  	[smem:$0x3F25] =	sst s7  }
0x10: {  	[smem:$0x3F26] =	sst s8  }
0x11: {  	[smem:$0x3F27] =	sst s9;
	s0 =	simm.s32 @!p0 $0x0  }
0x12: {  	s1 =	sld [smem:$0x3F0D];
	s0 =	simm.s32 @p0 $0x1  }
0x13: {  	[smem:$0x3F28] =	sst s0;
	s0 =	simm.s32 @!p1 $0x0  }
0x14: {  	s2 =	sld [smem:$0x3F0C];
	s0 =	simm.s32 @p1 $0x1  }
0x15: {  	[smem:$0x3F29] =	sst s0;
	s0 =	simm.s32 @!p2 $0x0  }
0x16: {  	s3 =	sld [smem:$0x3FDB];
	s0 =	simm.s32 @p2 $0x1  }
0x17: {  	s4 =	simm.s32 $0x1BF5;
	[smem:$0x3F2B] =	sst s0  }
0x18: {  	s0 =	sld [smem:$0x3F0E];
	_ =	swait.ge [sflag:s4], $0x0  }
0x19: {  	s7 =	sld [smem:$0x3F0F]  }
0x1a: {  	s8 =	sadd.s32 $0xFFFFE003, lr  }
0x1b: {  	s9 =	sadd.s32 $0xFFFFFEF7, lr;
	s5 =	simm.s32 $0xFFFFFFFF;
	p2 =	slt.u32 s8, $0xFFFFF086  }
0x1c: {  	p1 =	slt.u32 s9, $0xF7A;
	s5 =	simm.s32 @!p2 $0x0  }
0x1d: {  	s5 =	simm.s32 @p1 $0x1;
	p0 =	seq.s32 s7, s2  }
0x1e: {  	s7 =	smul.u32 @!p0 $0xF7A, s2;
	p2 =	seq.s32 @!p0 s5, $0x0  }
0x1f: {  	s9 =	smul.u32 $0xF7A, s1;
	s8 =	simm.s32 @!p0 $0x1BF5;
	p2 =	por !p2, p0  }
0x20: {  	[sflag:s8] =	ssyncset.s32 @!p0 $0xFFFFF086;
	s6 =	sadd.s32 @!p0 s3, s7;
	s7 =	simm.s32 @!p0 $0x108  }
0x21: {  	s3 =	sadd.s32 s3, s9;
	s6 =	sadd.s32 @!p0 $0x88, s6;
	s7 =	simm.s32 @p2 $0x1082  }
0x22: {  	[simem:s7], [sflag:s8] =	dma.local @!p0 [hbm:s6], $0xF7A  }
0x23: {  	s9 =	sor.u32 $0xD0000000, s2;
	s6 =	simm.s32 $0x108;
	_ =	swait.ge @!p0 [sflag:s8], $0x0  }
0x24: {  	s3 =	sadd.s32 $0x88, s3;
	s6 =	simm.s32 @!p1 $0x1082;
	[sflag:s4] =	ssyncset.s32 $0xFFFFF086  }
0x25: {  	[simem:s6], [sflag:s4] =	dma.local [hbm:s3], $0xF7A  }
0x26: {  	[smem:$0x3F0F] =	sst s1;
	(tag) =	ssettag s2;
	_ =	strace s9  }
0x27: {  	s1 =	sld [smem:$0x3F1F]  }
0x28: {  	s2 =	sld [smem:$0x3F20]  }
0x29: {  	s4 =	sld [smem:$0x3F22]  }
0x2a: {  	p0 =	seq.s32 s5, $0x0;
	s5 =	sld [smem:$0x3F23]  }
0x2b: {  	s6 =	sld [smem:$0x3F24]  }
0x2c: {  	s7 =	sld [smem:$0x3F25]  }
0x2d: {  	s3 =	simm.s32 $0x108;
	s8 =	sld [smem:$0x3F26]  }
0x2e: {  	s3 =	simm.s32 @!p0 $0x1082;
	s9 =	sld [smem:$0x3F27]  }
0x2f: {  	lr =	sadd.s32 s0, s3;
	s0 =	sld [smem:$0x3F1E]  }
0x30: {  	s3 =	sld [smem:$0x3F21]  }
0x31: {  	[smem:$0x3F2A] =	sst s10  }
0x32: {  	s10 =	sld [smem:$0x3F28];
	_ =	sdelay $0x3  }
0x33: {  	p0 =	seq.s32 s10, $0x1;
	s10 =	sld [smem:$0x3F2A];
	_ =	sdelay $0x3  }
0x34: {  	[smem:$0x3F2A] =	sst s10  }
0x35: {  	s10 =	sld [smem:$0x3F29];
	_ =	sdelay $0x3  }
0x36: {  	p1 =	seq.s32 s10, $0x1;
	s10 =	sld [smem:$0x3F2A];
	_ =	sdelay $0x3  }
0x37: {  	[smem:$0x3F2A] =	sst s10  }
0x38: {  	s10 =	sld [smem:$0x3F2B]  }
0x39: {  	_ = 	snop;
	(pc) =	sbr.ind lr, $3  }
0x3a: {  	_ = 	snop  }
0x3b: {  	_ = 	snop  }
0x3c: {  	p2 =	seq.s32 s10, $0x1;
	s10 =	sld [smem:$0x3F2A]  }
0x3d: {  	_ =	shalt  }
0x3e: {  	_ =	shalt  }
0x3f: {  	_ =	shalt  }
0x40: {  	_ =	shalt  }
0x41: {  	_ =	shalt  }
0x42: {  	_ =	shalt  }
0x43: {  	_ =	shalt  }
0x44: {  	_ =	shalt  }
0x45: {  	_ =	shalt  }
0x46: {  	_ =	shalt  }
0x47: {  	_ =	shalt  }
0x48: {  	_ =	shalt  }
0x49: {  	_ =	shalt  }
0x4a: {  	_ =	shalt  }
0x4b: {  	_ =	shalt  }
0x4c: {  	_ =	shalt  }
0x4d: {  	_ =	shalt  }
0x4e: {  	_ =	shalt  }
0x4f: {  	_ =	shalt  }
0x50: {  	_ =	shalt  }
0x51: {  	_ =	shalt  }
0x52: {  	_ =	shalt  }
0x53: {  	_ =	shalt  }
0x54: {  	_ =	shalt  }
0x55: {  	_ =	shalt  }
0x56: {  	_ =	shalt  }
0x57: {  	_ =	shalt  }
0x58: {  	_ =	shalt  }
0x59: {  	_ =	shalt  }
0x5a: {  	_ =	shalt  }
0x5b: {  	_ =	shalt  }
0x5c: {  	_ =	shalt  }
0x5d: {  	_ =	shalt  }
0x5e: {  	_ =	shalt  }
0x5f: {  	_ =	shalt  }
0x60: {  	_ =	shalt  }
0x61: {  	_ =	shalt  }
0x62: {  	_ =	shalt  }
0x63: {  	_ =	shalt  }
0x64: {  	_ =	shalt  }
0x65: {  	_ =	shalt  }
0x66: {  	_ =	shalt  }
0x67: {  	_ =	shalt  }
0x68: {  	_ =	shalt  }
0x69: {  	_ =	shalt  }
0x6a: {  	_ =	shalt  }
0x6b: {  	_ =	shalt  }
0x6c: {  	_ =	shalt  }
0x6d: {  	_ =	shalt  }
0x6e: {  	_ =	shalt  }
0x6f: {  	_ =	shalt  }
0x70: {  	_ =	shalt  }
0x71: {  	_ =	shalt  }
0x72: {  	_ =	shalt  }
0x73: {  	_ =	shalt  }
0x74: {  	_ =	shalt  }
0x75: {  	_ =	shalt  }
0x76: {  	_ =	shalt  }
0x77: {  	_ =	shalt  }
0x78: {  	_ =	shalt  }
0x79: {  	_ =	shalt  }
0x7a: {  	_ =	shalt  }
0x7b: {  	_ =	shalt  }
0x7c: {  	_ =	shalt  }
0x7d: {  	_ =	shalt  }
0x7e: {  	_ =	shalt  }
0x7f: {  	_ =	shalt  }
0x80: {  	_ =	shalt  }
0x81: {  	_ =	shalt  }
0x82: {  	_ =	shalt  }
0x83: {  	_ =	shalt  }
0x84: {  	_ =	shalt  }
0x85: {  	_ =	shalt  }
0x86: {  	_ =	shalt  }
0x87: {  	_ =	shalt  }
.Lfunc_end0:
.L_simem_size_0:
called_computation.3_lowered:
.L_overlay_start_0:
0x88: {  	s2 =	sld [smem:$0x3FD9]  }
0x89: {  	s3 =	sld [smem:$0x3FFE];
	_ =	sdelay $0x1  }
0x8a: {  	s1 =	srdreg.scid  }
0x8b: {  	s0 =	sand.u32 $0x1, s1  }
0x8c: {  	s17 =	sshll.u32 s0, $0xA;
	s2 =	sadd.s32 s3, s2  }
0x8d: {  	s2 =	sadd.s32 s2, s17  }
0x8e: {  	[smem:$0x3F36] =	sst s2  }
0x8f: {  	_ = 	snop  }
0x90: {  	s18 =	sld [smem:$0x3FD0];
	(tm) =	ssettm $0x1  }
0x91: {  	s19 =	sld [smem:$0x3FFB];
	_ =	sdelay $0x3  }
0x92: {  	_ =	strace s19  }
0x93: {  	s2 =	sld [smem:$0x3FFC];
	_ =	sdelay $0x3  }
0x94: {  	_ =	strace s2  }
0x95: {  	s2 =	sld [smem:$0x3FFD];
	_ =	sdelay $0x3  }
0x96: {  	_ =	strace s2  }
0x97: {  	_ =	strace $0x8FFFFFFF  }
0x98: {  	s20 =	sld [smem:$0x3FDB];
	_ =	sdelay $0x1  }
0x99: {  	s4 =	simm.s32 $_scs_section_size  }
0x9a: {  	s5 =	simm.s32 $_size__tile_overlayer_lowered;
	s6 =	simm.s32 $_tile_overlayer_lowered  }
0x9b: {  	s7 =	simm.s32 $0x1BFF;
	s21 =	sshll.u32 s6, $0x1;
	s4 =	sadd.s32 s4, s20  }
0x9c: {  	s22 =	simm.s32 $0x0;
	s5 =	sshll.u32 s5, $0x1;
	s6 =	sadd.s32 s21, s4  }
0x9d: {  	[timem:s22], [sflag:s7] =	dma.local [hbm:s6], s5  }
0x9e: {  	_ =	swait.ge [sflag:s7], s5  }
0x9f: {  	s5 =	ssub.s32 $0x0, s5;
	[sflag:s7] =	ssyncset.done $0x0  }
0xa0: {  	[sflag:s7] =	ssyncadd.s32 s5;
	_ =	sdelay $0x1  }
0xa1: {  	s23 =	simm.s32 $0x1B8B  }
0xa2: {  	_ =	swait.ge [sflag:s23], $0x1  }
0xa3: {  	[sflag:s23] =	ssyncset.done $0x0  }
0xa4: {  	[sflag:s23] =	ssyncadd.s32 $0xFFFFFFFF  }
0xa5: {  	s5 =	sld [smem:$0x0]  }
0xa6: {  	s6 =	sand.u32 $0xFFFFFFFE, s1  }
0xa7: {  	p0 =	sne.s32 s1, s6  }
0xa8: {  	s6 =	sshll.u32 @p0 s6, $0xE  }
0xa9: {  	s6 =	sadd.s32 @p0 $0x11B8D, s6;
	s7 =	sshll.u32 @p0 s5, $0x11  }
0xaa: {  	s6 =	sor.u32 @p0 s7, s6  }
0xab: {  	[sflag:s6] =	ssyncadd.remote.s32 @p0 $0x1;
	_ =	sdelay $0x1  }
0xac: {  	s6 =	simm.s32 @p0 $0x1B8D  }
0xad: {  	_ =	swait.eq @p0 [sflag:s6], $0x1  }
0xae: {  	[sflag:s6] =	ssyncadd.s32 @p0 $0xFFFFFFFF  }
0xaf: {  	s7 =	sshll.u32 @!p0 s1, $0xE  }
0xb0: {  	s7 =	sor.u32 @!p0 $0x4000, s7;
	s6 =	simm.s32 @!p0 $0x1B8D  }
0xb1: {  	s5 =	sshll.u32 @!p0 s5, $0x11;
	s7 =	sadd.s32 @!p0 $0x11B8D, s7;
	_ =	swait.eq @!p0 [sflag:s6], $0x1  }
0xb2: {  	s5 =	sor.u32 @!p0 s5, s7;
	[sflag:s6] =	ssyncadd.s32 @!p0 $0xFFFFFFFF  }
0xb3: {  	s25 =	simm.s32 $0x1B8E;
	s24 =	sld [smem:$0x3FFE];
	[sflag:s5] =	ssyncadd.remote.s32 @!p0 $0x1  }
0xb4: {  	s26 =	simm.s32 $execute0_lowered;
	[smem:$0x3FD2] =	sst s25  }
0xb5: {  	s6 =	sshll.u32 s26, $0x1;
	_ =	strace $0x80000055;
	[dreg:$0x1] =	wrdreg $0xFFFFFFFF  }
0xb6: {  	s28 =	simm.s32 $_size_execute0_lowered;
	s4 =	sadd.s32 s4, s6;
	[dreg:$0x0] =	wrdreg $0x0  }
0xb7: {  	s6 =	sshll.u32 s28, $0x1;
	[dreg:$0x2] =	wrdreg s4  }
0xb8: {  	[dreg:$0x3] =	wrdreg s6  }
0xb9: {  	[dreg:$0x4] =	wrdreg $0xC0  }
0xba: {  	_ =	task [dreg:s22], $0x5FFFF  }
0xbb: {  	[dreg:$0x1] =	wrdreg $0xFFFFFFFF  }
0xbc: {  	[dreg:$0x0] =	wrdreg $0x60  }
0xbd: {  	[dreg:$0x2] =	wrdreg s24  }
0xbe: {  	[dreg:$0x3] =	wrdreg s18  }
0xbf: {  	[dreg:$0x4] =	wrdreg $0x9  }
0xc0: {  	_ =	task.clear_ibuf [dreg:s22], $0x5FFFF;
	_ =	strace $0x90000055  }
0xc1: {  	s29 =	simm.s32 $0x9;
	_ =	strace $0x80000057  }
0xc2: {  	_ =	swait.ge [sflag:s29], $0x1  }
0xc3: {  	[sflag:s29] =	ssyncadd.s32 $0xFFFFFFFF  }
0xc4: {  	_ =	strace $0x90000057  }
0xc5: {  	_ =	sfence  }
0xc6: {  	s30 =	sld [smem:$0x0];
	_ =	sdelay $0x2  }
0xc7: {  	s31 =	sshll.u32 s1, $0xD;
	s1 =	sshrl.u32 s1, $0x2  }
0xc8: {  	s4 =	sand.u32 $0x4000, s31;
	s1 =	sadd.s32 s1, s30  }
0xc9: {  	s0 =	sor.u32 s4, s0;
	s1 =	sshll.u32 s1, $0x11  }
0xca: {  	s0 =	sor.u32 s1, s0  }
0xcb: {  	s0 =	sadd.s32 $0x8F2B, s0  }
0xcc: {  	[sflag:s0] =	ssyncadd.remote.s32 $0x1  }
0xcd: {  	_ =	sfence.sel $0xFFFF  }
0xce: {  	[dreg:$0x0] =	wrdreg $0xFFFFFFFF;
	(pc) =	sbr.abs _section_cstart, $3  }
0xcf: {  	[dreg:$0x1] =	wrdreg $0xFFFFFFFF  }
0xd0: {  	_ =	task.clear_ibuf [dreg:s22], $0x2FFFF;
	_ =	strace $0x9FFFFFFF  }
0xd1: {  	(tm) =	ssettm $0x7FFFFFFF  }
tec
execute0_lowered:
.L_overlay_start_1:
0x0: {  	(tag) =	ssettag $0x1  }
0x1: {  	s4 =	rddreg [dreg:$0x0]  }
0x2: {  	s5 =	rddreg [dreg:$0x1]  }
0x3: {  	s0 =	rddreg [dreg:$0x2];
	s2 =	simm.s32 $0x0  }
0x4: {  	s3 =	srdreg.scid;
	s1 =	stileid.u32;
	s11 =	simm.s32 $0x1000  }
0x5: {  	s12 =	simm.s32 $0x5000;
	s13 =	simm.s32 $0x1;
	s14 =	simm.s32 $0x2  }
0x6: {  	s15 =	simm.s32 $0x0;
	[smem:$0x7FF] =	sst s2;
	s7 =	sand.u32 $0x1, s3  }
0x7: {  	s6 =	sshll.u32 s1, $0x1;
	s3 =	sadd.s32 $0x12800, s4;
	s9 =	sadd.s32 $0x56800, s4  }
0x8: {  	s30 =	sshll.u32 s1, $0x11;
	_ =	strace $0x80000056;
	s8 =	ssub.s32 $0x2, s7  }
0x9: {  	s6 =	sor.u32 s7, s6;
	s31 =	sshll.u32 s7, $0x10;
	s28 =	sshrl.u32 s8, $0x1  }
0xa: {  	s10 =	sshll.u32 s6, $0x9;
	s6 =	sshll.u32 s6, $0x10;
	s8 =	ssub.s32 s8, s28  }
0xb: {  	s4 =	sadd.s32 s5, s10;
	s29 =	sadd.s32 s9, s6;
	s10 =	simm.s32 $0x80  }
0xc: {  	s5 =	smax.u32 s8, $0x1;
	s6 =	sadd.s32 $0xF000, s29;
	s8 =	sadd.s32 s30, s9  }
0xd: {  	s7 =	sadd.s32 $0xF800, s29;
	s9 =	simm.s32 $0x3;
	s8 =	sadd.s32 s31, s8  }
.LBB2_1:
0xe: {  	[tilespmem:s2], [sflag:$0x3] =	stream.linear.gather [hbm4b:s4+s2], $0x1000, $0x38;
	[tilespmem:$0x9000] =	vst v63  }
0xf: {  	_ =	swait.ge [sflag:s9], $0x1000  }
0x10: {  	[sflag:s9] =	ssyncset.done $0x0  }
0x11: {  	[sflag:s9] =	ssyncadd.s32 $0xFFFFF000  }
0x12: {  	[tilespmem:s11], [sflag:$0x1] =	stream.indirect.gather [hbm4b:s3+s10], $0x80, s2, s10, $0xb8;
	[tilespmem:$0x9000] =	vst v63  }
0x13: {  	_ = 	snop  }
0x14: {  	[tilespmem:s12], [sflag:$0x2] =	stream.indirect.gather [hbm4b:s3+s10], $0x80, s10, s10, $0xb8;
	[tilespmem:$0x9000] =	vst v63  }
0x15: {  	_ =	swait.ge [sflag:s13], $0x4000  }
0x16: {  	[sflag:s13] =	ssyncset.done $0x0  }
0x17: {  	s16 =	sadd.s32 $0x0, s8;
	[sflag:s13] =	ssyncadd.s32 $0xFFFFC000  }
0x18: {  	[hbm4b:s16+s2] =	stream.linear.scatter [tilespmem:s11], [sflag:$0x3], $0x4000, $0x38;
	[tilespmem:$0x9000] =	vst v63  }
0x19: {  	_ =	swait.ge [sflag:s9], $0x4000  }
0x1a: {  	[sflag:s9] =	ssyncset.done $0x0  }
0x1b: {  	s17 =	simm.s32 $0x100;
	[sflag:s9] =	ssyncadd.s32 $0xFFFFC000  }
0x1c: {  	[tilespmem:s11], [sflag:$0x1] =	stream.indirect.gather [hbm4b:s3+s10], $0x80, s17, s10, $0xb8;
	[tilespmem:$0x9000] =	vst v63  }
0x1d: {  	_ =	swait.ge [sflag:s14], $0x4000  }
0x1e: {  	[sflag:s14] =	ssyncset.done $0x0  }
0x1f: {  	s16 =	sadd.s32 $0x800, s16;
	[sflag:s14] =	ssyncadd.s32 $0xFFFFC000  }
0x20: {  	[hbm4b:s16+s2] =	stream.linear.scatter [tilespmem:s12], [sflag:$0x3], $0x4000, $0x38;
	[tilespmem:$0x9000] =	vst v63  }
0x21: {  	_ =	swait.ge [sflag:s9], $0x4000  }
0x22: {  	s18 =	simm.s32 $0x280;
	[sflag:s9] =	ssyncset.done $0x0  }
0x23: {  	s17 =	simm.s32 $0x1000;
	s16 =	simm.s32 $0x180;
	[sflag:s9] =	ssyncadd.s32 $0xFFFFC000  }
.LBB2_2:
0x24: {  	[tilespmem:s12], [sflag:$0x2] =	stream.indirect.gather [hbm4b:s3+s10], $0x80, s16, s10, $0xb8;
	[tilespmem:$0x9000] =	vst v63  }
0x25: {  	s19 =	smov.u32 s17;
	s16 =	smov.u32 s18  }
0x26: {  	p0 =	sne.s32 s17, $0xE000;
	s17 =	sadd.s32 $0x1000, s17;
	_ =	swait.ge [sflag:s13], $0x4000  }
0x27: {  	[sflag:s13] =	ssyncset.done $0x0  }
0x28: {  	s19 =	sadd.s32 s19, s8;
	[sflag:s13] =	ssyncadd.s32 $0xFFFFC000  }
0x29: {  	[hbm4b:s19+s2] =	stream.linear.scatter [tilespmem:s11], [sflag:$0x3], $0x4000, $0x38;
	[tilespmem:$0x9000] =	vst v63  }
0x2a: {  	_ =	swait.ge [sflag:s9], $0x4000  }
0x2b: {  	[sflag:s9] =	ssyncset.done $0x0  }
0x2c: {  	s20 =	sadd.s32 $0xFFFFFF80, s18;
	[sflag:s9] =	ssyncadd.s32 $0xFFFFC000  }
0x2d: {  	[tilespmem:s11], [sflag:$0x1] =	stream.indirect.gather [hbm4b:s3+s10], $0x80, s20, s10, $0xb8;
	[tilespmem:$0x9000] =	vst v63  }
0x2e: {  	_ =	swait.ge [sflag:s14], $0x4000  }
0x2f: {  	[sflag:s14] =	ssyncset.done $0x0  }
.Ltmp0:
0x30: {  	s19 =	sadd.s32 $0x800, s19;
	[sflag:s14] =	ssyncadd.s32 $0xFFFFC000;
	(pc) =	sbr.rel @p0 .LBB2_2-.Ltmp0, $4  }
0x31: {  	[hbm4b:s19+s2] =	stream.linear.scatter [tilespmem:s12], [sflag:$0x3], $0x4000, $0x38;
	[tilespmem:$0x9000] =	vst v63  }
0x32: {  	_ =	swait.ge [sflag:s9], $0x4000  }
0x33: {  	[sflag:s9] =	ssyncset.done $0x0  }
0x34: {  	s18 =	sadd.s32 $0x100, s18;
	[sflag:s9] =	ssyncadd.s32 $0xFFFFC000  }
0x35: {  	[tilespmem:s12], [sflag:$0x2] =	stream.indirect.gather [hbm4b:s3+s10], $0x80, s16, s10, $0xb8;
	[tilespmem:$0x9000] =	vst v63  }
0x36: {  	_ =	swait.ge [sflag:s13], $0x4000  }
0x37: {  	[sflag:s13] =	ssyncset.done $0x0  }
0x38: {  	[sflag:s13] =	ssyncadd.s32 $0xFFFFC000  }
0x39: {  	[hbm4b:s6+s2] =	stream.linear.scatter [tilespmem:s11], [sflag:$0x3], $0x4000, $0x38;
	[tilespmem:$0x9000] =	vst v63  }
0x3a: {  	_ =	swait.ge [sflag:s9], $0x4000  }
0x3b: {  	[sflag:s9] =	ssyncset.done $0x0  }
0x3c: {  	[sflag:s9] =	ssyncadd.s32 $0xFFFFC000  }
0x3d: {  	s15 =	sadd.s32 $0x1, s15;
	_ =	swait.ge [sflag:s14], $0x4000  }
0x3e: {  	p0 =	sne.s32 s15, s5;
	[sflag:s14] =	ssyncset.done $0x0  }
.Ltmp1:
0x3f: {  	[sflag:s14] =	ssyncadd.s32 $0xFFFFC000;
	(pc) =	sbr.rel @p0 .LBB2_1-.Ltmp1, $4  }
0x40: {  	[hbm4b:s7+s2] =	stream.linear.scatter [tilespmem:s12], [sflag:$0x3], $0x4000, $0x38;
	[tilespmem:$0x9000] =	vst v63  }
0x41: {  	_ =	swait.ge [sflag:s9], $0x4000  }
0x42: {  	[sflag:s9] =	ssyncset.done $0x0  }
0x43: {  	[sflag:s9] =	ssyncadd.s32 $0xFFFFC000  }
0x44: {  	_ =	sfence.sel $0x180000  }
0x45: {  	[bflag:$0x0] =	sbarrier.arrive $0xFFFF  }
0x46: {  	p0 =	sne.s32 s1, $0x0;
	_ =	strace $0x90000056  }
0x47: {  	s0 =	sadd.s32 @!p0 $0x100000, s0;
	[bflag:$0x2] =	sbarrier.arrive $0xFFFF  }
0x48: {  	[sflag:s0] =	ssyncadd.tile.s32 @!p0 $0x1;
	_ =	shalt  }
.Lfunc_end2:
_tile_overlayer_lowered:
.L_overlay_start_2:
0x49: {  	(tag) =	ssettag $0x2  }
0x4a: {  	s0 =	rddreg [dreg:$0x0];
	s2 =	stileid.u32  }
0x4b: {  	s1 =	rddreg [dreg:$0x1];
	p0 =	sne.s32 s2, $0x0  }
0x4c: {  	s3 =	rddreg [dreg:$0x2];
	[bflag:$0x3] =	sbarrier.arrive $0xFFFF;
	s2 =	simm.s32 @!p0 $0x1C03  }
0x4d: {  	[timem:s3], [sflag:s2] =	dma.local @!p0 [hbm:s0], s1  }
0x4e: {  	s0 =	simm.s32 @!p0 $0x3  }
0x4f: {  	_ =	swait.ge @!p0 [sflag:s0], s1  }
0x50: {  	s1 =	ssub.s32 @!p0 $0x0, s1;
	[sflag:s0] =	ssyncset.done @!p0 $0x0  }
0x51: {  	[sflag:s0] =	ssyncadd.s32 @!p0 s1  }
0x52: {  	[bflag:$0x3] =	sbarrier.arrive $0xFFFF  }
0x53: {  	_ =	shalt  }

// kernel: kernel.31.cloned.1.call-start
scs
__scs_entry_jumppad:
0x0: {  	(pc) =	sbr.rel $0x88, $3  }
0x1: {  	(tag) =	ssettag $0x0;
	lr =	simm.s32 $0x1  }
0x2: {  	[smem:$0x3F0F] =	sst lr;
	_ =	strace $0xD0000000  }
0x3: {  	_ = 	snop  }
0x4: {  	_ = 	snop  }
0x5: {  	_ = 	snop  }
0x6: {  	_ = 	snop  }
0x7: {  	_ = 	snop  }
__scs_overlays_trampoline_lowered:
0x8: {  	[smem:$0x3F1E] =	sst s0  }
0x9: {  	[smem:$0x3F1F] =	sst s1  }
0xa: {  	[smem:$0x3F20] =	sst s2  }
0xb: {  	[smem:$0x3F21] =	sst s3  }
0xc: {  	[smem:$0x3F22] =	sst s4  }
0xd: {  	[smem:$0x3F23] =	sst s5  }
0xe: {  	[smem:$0x3F24] =	sst s6  }
0xf: {  	[smem:$0x3F25] =	sst s7  }
0x10: {  	[smem:$0x3F26] =	sst s8  }
0x11: {  	[smem:$0x3F27] =	sst s9;
	s0 =	simm.s32 @!p0 $0x0  }
0x12: {  	s1 =	sld [smem:$0x3F0D];
	s0 =	simm.s32 @p0 $0x1  }
0x13: {  	[smem:$0x3F28] =	sst s0;
	s0 =	simm.s32 @!p1 $0x0  }
0x14: {  	s2 =	sld [smem:$0x3F0C];
	s0 =	simm.s32 @p1 $0x1  }
0x15: {  	[smem:$0x3F29] =	sst s0;
	s0 =	simm.s32 @!p2 $0x0  }
0x16: {  	s3 =	sld [smem:$0x3FDB];
	s0 =	simm.s32 @p2 $0x1  }
0x17: {  	s4 =	simm.s32 $0x1BF5;
	[smem:$0x3F2B] =	sst s0  }
0x18: {  	s0 =	sld [smem:$0x3F0E];
	_ =	swait.ge [sflag:s4], $0x0  }
0x19: {  	s7 =	sld [smem:$0x3F0F]  }
0x1a: {  	s8 =	sadd.s32 $0xFFFFE003, lr  }
0x1b: {  	s9 =	sadd.s32 $0xFFFFFEF7, lr;
	s5 =	simm.s32 $0xFFFFFFFF;
	p2 =	slt.u32 s8, $0xFFFFF086  }
0x1c: {  	p1 =	slt.u32 s9, $0xF7A;
	s5 =	simm.s32 @!p2 $0x0  }
0x1d: {  	s5 =	simm.s32 @p1 $0x1;
	p0 =	seq.s32 s7, s2  }
0x1e: {  	s7 =	smul.u32 @!p0 $0xF7A, s2;
	p2 =	seq.s32 @!p0 s5, $0x0  }
0x1f: {  	s9 =	smul.u32 $0xF7A, s1;
	s8 =	simm.s32 @!p0 $0x1BF5;
	p2 =	por !p2, p0  }
0x20: {  	[sflag:s8] =	ssyncset.s32 @!p0 $0xFFFFF086;
	s6 =	sadd.s32 @!p0 s3, s7;
	s7 =	simm.s32 @!p0 $0x108  }
0x21: {  	s3 =	sadd.s32 s3, s9;
	s6 =	sadd.s32 @!p0 $0x88, s6;
	s7 =	simm.s32 @p2 $0x1082  }
0x22: {  	[simem:s7], [sflag:s8] =	dma.local @!p0 [hbm:s6], $0xF7A  }
0x23: {  	s9 =	sor.u32 $0xD0000000, s2;
	s6 =	simm.s32 $0x108;
	_ =	swait.ge @!p0 [sflag:s8], $0x0  }
0x24: {  	s3 =	sadd.s32 $0x88, s3;
	s6 =	simm.s32 @!p1 $0x1082;
	[sflag:s4] =	ssyncset.s32 $0xFFFFF086  }
0x25: {  	[simem:s6], [sflag:s4] =	dma.local [hbm:s3], $0xF7A  }
0x26: {  	[smem:$0x3F0F] =	sst s1;
	(tag) =	ssettag s2;
	_ =	strace s9  }
0x27: {  	s1 =	sld [smem:$0x3F1F]  }
0x28: {  	s2 =	sld [smem:$0x3F20]  }
0x29: {  	s4 =	sld [smem:$0x3F22]  }
0x2a: {  	p0 =	seq.s32 s5, $0x0;
	s5 =	sld [smem:$0x3F23]  }
0x2b: {  	s6 =	sld [smem:$0x3F24]  }
0x2c: {  	s7 =	sld [smem:$0x3F25]  }
0x2d: {  	s3 =	simm.s32 $0x108;
	s8 =	sld [smem:$0x3F26]  }
0x2e: {  	s3 =	simm.s32 @!p0 $0x1082;
	s9 =	sld [smem:$0x3F27]  }
0x2f: {  	lr =	sadd.s32 s0, s3;
	s0 =	sld [smem:$0x3F1E]  }
0x30: {  	s3 =	sld [smem:$0x3F21]  }
0x31: {  	[smem:$0x3F2A] =	sst s10  }
0x32: {  	s10 =	sld [smem:$0x3F28];
	_ =	sdelay $0x3  }
0x33: {  	p0 =	seq.s32 s10, $0x1;
	s10 =	sld [smem:$0x3F2A];
	_ =	sdelay $0x3  }
0x34: {  	[smem:$0x3F2A] =	sst s10  }
0x35: {  	s10 =	sld [smem:$0x3F29];
	_ =	sdelay $0x3  }
0x36: {  	p1 =	seq.s32 s10, $0x1;
	s10 =	sld [smem:$0x3F2A];
	_ =	sdelay $0x3  }
0x37: {  	[smem:$0x3F2A] =	sst s10  }
0x38: {  	s10 =	sld [smem:$0x3F2B]  }
0x39: {  	_ = 	snop;
	(pc) =	sbr.ind lr, $3  }
0x3a: {  	_ = 	snop  }
0x3b: {  	_ = 	snop  }
0x3c: {  	p2 =	seq.s32 s10, $0x1;
	s10 =	sld [smem:$0x3F2A]  }
0x3d: {  	_ =	shalt  }
0x3e: {  	_ =	shalt  }
0x3f: {  	_ =	shalt  }
0x40: {  	_ =	shalt  }
0x41: {  	_ =	shalt  }
0x42: {  	_ =	shalt  }
0x43: {  	_ =	shalt  }
0x44: {  	_ =	shalt  }
0x45: {  	_ =	shalt  }
0x46: {  	_ =	shalt  }
0x47: {  	_ =	shalt  }
0x48: {  	_ =	shalt  }
0x49: {  	_ =	shalt  }
0x4a: {  	_ =	shalt  }
0x4b: {  	_ =	shalt  }
0x4c: {  	_ =	shalt  }
0x4d: {  	_ =	shalt  }
0x4e: {  	_ =	shalt  }
0x4f: {  	_ =	shalt  }
0x50: {  	_ =	shalt  }
0x51: {  	_ =	shalt  }
0x52: {  	_ =	shalt  }
0x53: {  	_ =	shalt  }
0x54: {  	_ =	shalt  }
0x55: {  	_ =	shalt  }
0x56: {  	_ =	shalt  }
0x57: {  	_ =	shalt  }
0x58: {  	_ =	shalt  }
0x59: {  	_ =	shalt  }
0x5a: {  	_ =	shalt  }
0x5b: {  	_ =	shalt  }
0x5c: {  	_ =	shalt  }
0x5d: {  	_ =	shalt  }
0x5e: {  	_ =	shalt  }
0x5f: {  	_ =	shalt  }
0x60: {  	_ =	shalt  }
0x61: {  	_ =	shalt  }
0x62: {  	_ =	shalt  }
0x63: {  	_ =	shalt  }
0x64: {  	_ =	shalt  }
0x65: {  	_ =	shalt  }
0x66: {  	_ =	shalt  }
0x67: {  	_ =	shalt  }
0x68: {  	_ =	shalt  }
0x69: {  	_ =	shalt  }
0x6a: {  	_ =	shalt  }
0x6b: {  	_ =	shalt  }
0x6c: {  	_ =	shalt  }
0x6d: {  	_ =	shalt  }
0x6e: {  	_ =	shalt  }
0x6f: {  	_ =	shalt  }
0x70: {  	_ =	shalt  }
0x71: {  	_ =	shalt  }
0x72: {  	_ =	shalt  }
0x73: {  	_ =	shalt  }
0x74: {  	_ =	shalt  }
0x75: {  	_ =	shalt  }
0x76: {  	_ =	shalt  }
0x77: {  	_ =	shalt  }
0x78: {  	_ =	shalt  }
0x79: {  	_ =	shalt  }
0x7a: {  	_ =	shalt  }
0x7b: {  	_ =	shalt  }
0x7c: {  	_ =	shalt  }
0x7d: {  	_ =	shalt  }
0x7e: {  	_ =	shalt  }
0x7f: {  	_ =	shalt  }
0x80: {  	_ =	shalt  }
0x81: {  	_ =	shalt  }
0x82: {  	_ =	shalt  }
0x83: {  	_ =	shalt  }
0x84: {  	_ =	shalt  }
0x85: {  	_ =	shalt  }
0x86: {  	_ =	shalt  }
0x87: {  	_ =	shalt  }
.Lfunc_end0:
.L_simem_size_0:
called_computation.4_lowered:
.L_overlay_start_0:
0x88: {  	s2 =	sld [smem:$0x3FD9]  }
0x89: {  	s3 =	sld [smem:$0x3FFE];
	_ =	sdelay $0x1  }
0x8a: {  	s1 =	srdreg.scid  }
0x8b: {  	s0 =	sand.u32 $0x1, s1  }
0x8c: {  	s17 =	sshll.u32 s0, $0xA;
	s2 =	sadd.s32 s3, s2  }
0x8d: {  	s2 =	sadd.s32 s2, s17  }
0x8e: {  	[smem:$0x3F36] =	sst s2  }
0x8f: {  	_ = 	snop  }
0x90: {  	(tm) =	ssettm $0x1  }
0x91: {  	s18 =	sld [smem:$0x3FFB];
	_ =	sdelay $0x3  }
0x92: {  	_ =	strace s18  }
0x93: {  	s2 =	sld [smem:$0x3FFC];
	_ =	sdelay $0x3  }
0x94: {  	_ =	strace s2  }
0x95: {  	s2 =	sld [smem:$0x3FFD];
	_ =	sdelay $0x3  }
0x96: {  	_ =	strace s2  }
0x97: {  	_ =	strace $0x8FFFFFFF  }
0x98: {  	s19 =	sld [smem:$0x3FDB];
	_ =	sdelay $0x1  }
0x99: {  	s20 =	simm.s32 $_scs_section_size  }
0x9a: {  	s4 =	simm.s32 $_size__tile_overlayer_lowered;
	s5 =	simm.s32 $_tile_overlayer_lowered  }
0x9b: {  	s6 =	simm.s32 $0x1BFF;
	s21 =	sshll.u32 s5, $0x1;
	s3 =	sadd.s32 s20, s19  }
0x9c: {  	s22 =	simm.s32 $0x0;
	s4 =	sshll.u32 s4, $0x1;
	s5 =	sadd.s32 s21, s3  }
0x9d: {  	[timem:s22], [sflag:s6] =	dma.local [hbm:s5], s4  }
0x9e: {  	_ =	swait.ge [sflag:s6], s4  }
0x9f: {  	s4 =	ssub.s32 $0x0, s4;
	[sflag:s6] =	ssyncset.done $0x0  }
0xa0: {  	[sflag:s6] =	ssyncadd.s32 s4;
	_ =	sdelay $0x1  }
0xa1: {  	s23 =	simm.s32 $0x1B8B  }
0xa2: {  	_ =	swait.ge [sflag:s23], $0x1  }
0xa3: {  	[sflag:s23] =	ssyncset.done $0x0  }
0xa4: {  	[sflag:s23] =	ssyncadd.s32 $0xFFFFFFFF  }
0xa5: {  	s4 =	sld [smem:$0x0]  }
0xa6: {  	s5 =	sand.u32 $0xFFFFFFFE, s1  }
0xa7: {  	p0 =	sne.s32 s1, s5  }
0xa8: {  	s5 =	sshll.u32 @p0 s5, $0xE  }
0xa9: {  	s5 =	sadd.s32 @p0 $0x11B8D, s5;
	s6 =	sshll.u32 @p0 s4, $0x11  }
0xaa: {  	s5 =	sor.u32 @p0 s6, s5  }
0xab: {  	[sflag:s5] =	ssyncadd.remote.s32 @p0 $0x1;
	_ =	sdelay $0x1  }
0xac: {  	s5 =	simm.s32 @p0 $0x1B8D  }
0xad: {  	_ =	swait.eq @p0 [sflag:s5], $0x1  }
0xae: {  	[sflag:s5] =	ssyncadd.s32 @p0 $0xFFFFFFFF  }
0xaf: {  	s6 =	sshll.u32 @!p0 s1, $0xE  }
0xb0: {  	s6 =	sor.u32 @!p0 $0x4000, s6;
	s5 =	simm.s32 @!p0 $0x1B8D  }
0xb1: {  	s4 =	sshll.u32 @!p0 s4, $0x11;
	s6 =	sadd.s32 @!p0 $0x11B8D, s6;
	_ =	swait.eq @!p0 [sflag:s5], $0x1  }
0xb2: {  	s4 =	sor.u32 @!p0 s4, s6;
	[sflag:s5] =	ssyncadd.s32 @!p0 $0xFFFFFFFF  }
0xb3: {  	s25 =	simm.s32 $0x1B8E;
	s24 =	sld [smem:$0x3FFE];
	[sflag:s4] =	ssyncadd.remote.s32 @!p0 $0x1  }
0xb4: {  	s26 =	simm.s32 $execute0_lowered;
	[smem:$0x3FD2] =	sst s25  }
0xb5: {  	s5 =	sshll.u32 s26, $0x1;
	_ =	strace $0x8000005B;
	[dreg:$0x1] =	wrdreg $0xFFFFFFFF  }
0xb6: {  	s28 =	simm.s32 $_size_execute0_lowered;
	s3 =	sadd.s32 s3, s5;
	[dreg:$0x0] =	wrdreg $0x0  }
0xb7: {  	s5 =	sshll.u32 s28, $0x1;
	[dreg:$0x2] =	wrdreg s3  }
0xb8: {  	[dreg:$0x3] =	wrdreg s5  }
0xb9: {  	[dreg:$0x4] =	wrdreg $0xC0  }
0xba: {  	_ =	task [dreg:s22], $0x5FFFF  }
0xbb: {  	[dreg:$0x1] =	wrdreg $0xFFFFFFFF  }
0xbc: {  	[dreg:$0x0] =	wrdreg $0x60  }
0xbd: {  	[dreg:$0x2] =	wrdreg s24  }
0xbe: {  	[dreg:$0x3] =	wrdreg $0x9  }
0xbf: {  	_ =	task.clear_ibuf [dreg:s22], $0x4FFFF;
	_ =	strace $0x9000005B  }
0xc0: {  	s29 =	simm.s32 $0x9;
	_ =	strace $0x8000005D  }
0xc1: {  	_ =	swait.ge [sflag:s29], $0x1  }
0xc2: {  	[sflag:s29] =	ssyncadd.s32 $0xFFFFFFFF  }
0xc3: {  	_ =	strace $0x9000005D  }
0xc4: {  	_ =	sfence  }
0xc5: {  	s30 =	sld [smem:$0x0];
	_ =	sdelay $0x2  }
0xc6: {  	s31 =	sshll.u32 s1, $0xD;
	s1 =	sshrl.u32 s1, $0x2  }
0xc7: {  	s4 =	sand.u32 $0x4000, s31;
	s1 =	sadd.s32 s1, s30  }
0xc8: {  	s0 =	sor.u32 s4, s0;
	s1 =	sshll.u32 s1, $0x11  }
0xc9: {  	s0 =	sor.u32 s1, s0  }
0xca: {  	s0 =	sadd.s32 $0x8F2B, s0  }
0xcb: {  	[sflag:s0] =	ssyncadd.remote.s32 $0x1  }
0xcc: {  	_ =	sfence.sel $0xFFFF  }
0xcd: {  	[dreg:$0x0] =	wrdreg $0xFFFFFFFF;
	(pc) =	sbr.abs _section_cstart, $3  }
0xce: {  	[dreg:$0x1] =	wrdreg $0xFFFFFFFF  }
0xcf: {  	_ =	task.clear_ibuf [dreg:s22], $0x2FFFF;
	_ =	strace $0x9FFFFFFF  }
0xd0: {  	(tm) =	ssettm $0x7FFFFFFF  }
0xd1: {  	_ =	shalt  }
tec
execute0_lowered:
.L_overlay_start_1:
0x0: {  	(tag) =	ssettag $0x1  }
0x1: {  	s4 =	rddreg [dreg:$0x0]  }
0x2: {  	s0 =	rddreg [dreg:$0x1];
	s2 =	simm.s32 $0x0;
	s3 =	srdreg.scid  }
0x3: {  	s1 =	stileid.u32;
	s11 =	simm.s32 $0x1000;
	s12 =	simm.s32 $0x5000  }
0x4: {  	s13 =	simm.s32 $0x1;
	s14 =	simm.s32 $0x2;
	s15 =	simm.s32 $0x0  }
0x5: {  	[smem:$0x7FF] =	sst s2;
	s7 =	sand.u32 $0x1, s3;
	s28 =	sshll.u32 s1, $0x1  }
0x6: {  	s3 =	sadd.s32 $0x12800, s4;
	s9 =	sadd.s32 $0x36800, s4;
	s30 =	sshll.u32 s1, $0x11  }
0x7: {  	_ =	strace $0x8000005C;
	s5 =	sor.u32 s7, s28;
	s8 =	ssub.s32 $0x2, s7  }
0x8: {  	s31 =	sshll.u32 s7, $0x10;
	s6 =	sshll.u32 s5, $0x9;
	s29 =	sshrl.u32 s8, $0x1  }
0x9: {  	s5 =	sshll.u32 s5, $0x10;
	s6 =	sadd.s32 s6, s4;
	s8 =	ssub.s32 s8, s29  }
0xa: {  	s10 =	sadd.s32 s9, s5;
	s4 =	sadd.s32 $0x32800, s6;
	s5 =	smax.u32 s8, $0x1  }
0xb: {  	s6 =	sadd.s32 $0xF000, s10;
	s8 =	sadd.s32 s30, s9;
	s7 =	sadd.s32 $0xF800, s10  }
0xc: {  	s9 =	simm.s32 $0x3;
	s10 =	simm.s32 $0x80;
	s8 =	sadd.s32 s31, s8  }
.LBB2_1:
0xd: {  	[tilespmem:s2], [sflag:$0x3] =	stream.linear.gather [hbm4b:s4+s2], $0x1000, $0x38;
	[tilespmem:$0x9000] =	vst v63  }
0xe: {  	_ =	swait.ge [sflag:s9], $0x1000  }
0xf: {  	[sflag:s9] =	ssyncset.done $0x0  }
0x10: {  	[sflag:s9] =	ssyncadd.s32 $0xFFFFF000  }
0x11: {  	[tilespmem:s11], [sflag:$0x1] =	stream.indirect.gather [hbm4b:s3+s10], $0x80, s2, s10, $0xb8;
	[tilespmem:$0x9000] =	vst v63  }
0x12: {  	_ = 	snop  }
0x13: {  	[tilespmem:s12], [sflag:$0x2] =	stream.indirect.gather [hbm4b:s3+s10], $0x80, s10, s10, $0xb8;
	[tilespmem:$0x9000] =	vst v63  }
0x14: {  	_ =	swait.ge [sflag:s13], $0x4000  }
0x15: {  	[sflag:s13] =	ssyncset.done $0x0  }
0x16: {  	s16 =	sadd.s32 $0x0, s8;
	[sflag:s13] =	ssyncadd.s32 $0xFFFFC000  }
0x17: {  	[hbm4b:s16+s2] =	stream.linear.scatter [tilespmem:s11], [sflag:$0x3], $0x4000, $0x38;
	[tilespmem:$0x9000] =	vst v63  }
0x18: {  	_ =	swait.ge [sflag:s9], $0x4000  }
0x19: {  	[sflag:s9] =	ssyncset.done $0x0  }
0x1a: {  	s17 =	simm.s32 $0x100;
	[sflag:s9] =	ssyncadd.s32 $0xFFFFC000  }
0x1b: {  	[tilespmem:s11], [sflag:$0x1] =	stream.indirect.gather [hbm4b:s3+s10], $0x80, s17, s10, $0xb8;
	[tilespmem:$0x9000] =	vst v63  }
0x1c: {  	_ =	swait.ge [sflag:s14], $0x4000  }
0x1d: {  	[sflag:s14] =	ssyncset.done $0x0  }
0x1e: {  	s16 =	sadd.s32 $0x800, s16;
	[sflag:s14] =	ssyncadd.s32 $0xFFFFC000  }
0x1f: {  	[hbm4b:s16+s2] =	stream.linear.scatter [tilespmem:s12], [sflag:$0x3], $0x4000, $0x38;
	[tilespmem:$0x9000] =	vst v63  }
0x20: {  	_ =	swait.ge [sflag:s9], $0x4000  }
0x21: {  	s18 =	simm.s32 $0x280;
	[sflag:s9] =	ssyncset.done $0x0  }
0x22: {  	s17 =	simm.s32 $0x1000;
	s16 =	simm.s32 $0x180;
	[sflag:s9] =	ssyncadd.s32 $0xFFFFC000  }
.LBB2_2:
0x23: {  	[tilespmem:s12], [sflag:$0x2] =	stream.indirect.gather [hbm4b:s3+s10], $0x80, s16, s10, $0xb8;
	[tilespmem:$0x9000] =	vst v63  }
0x24: {  	s19 =	smov.u32 s17;
	s16 =	smov.u32 s18  }
0x25: {  	p0 =	sne.s32 s17, $0xE000;
	s17 =	sadd.s32 $0x1000, s17;
	_ =	swait.ge [sflag:s13], $0x4000  }
0x26: {  	[sflag:s13] =	ssyncset.done $0x0  }
0x27: {  	s19 =	sadd.s32 s19, s8;
	[sflag:s13] =	ssyncadd.s32 $0xFFFFC000  }
0x28: {  	[hbm4b:s19+s2] =	stream.linear.scatter [tilespmem:s11], [sflag:$0x3], $0x4000, $0x38;
	[tilespmem:$0x9000] =	vst v63  }
0x29: {  	_ =	swait.ge [sflag:s9], $0x4000  }
0x2a: {  	[sflag:s9] =	ssyncset.done $0x0  }
0x2b: {  	s20 =	sadd.s32 $0xFFFFFF80, s18;
	[sflag:s9] =	ssyncadd.s32 $0xFFFFC000  }
0x2c: {  	[tilespmem:s11], [sflag:$0x1] =	stream.indirect.gather [hbm4b:s3+s10], $0x80, s20, s10, $0xb8;
	[tilespmem:$0x9000] =	vst v63  }
0x2d: {  	_ =	swait.ge [sflag:s14], $0x4000  }
0x2e: {  	[sflag:s14] =	ssyncset.done $0x0  }
.Ltmp0:
0x2f: {  	s19 =	sadd.s32 $0x800, s19;
	[sflag:s14] =	ssyncadd.s32 $0xFFFFC000;
	(pc) =	sbr.rel @p0 .LBB2_2-.Ltmp0, $4  }
0x30: {  	[hbm4b:s19+s2] =	stream.linear.scatter [tilespmem:s12], [sflag:$0x3], $0x4000, $0x38;
	[tilespmem:$0x9000] =	vst v63  }
0x31: {  	_ =	swait.ge [sflag:s9], $0x4000  }
0x32: {  	[sflag:s9] =	ssyncset.done $0x0  }
0x33: {  	s18 =	sadd.s32 $0x100, s18;
	[sflag:s9] =	ssyncadd.s32 $0xFFFFC000  }
0x34: {  	[tilespmem:s12], [sflag:$0x2] =	stream.indirect.gather [hbm4b:s3+s10], $0x80, s16, s10, $0xb8;
	[tilespmem:$0x9000] =	vst v63  }
0x35: {  	_ =	swait.ge [sflag:s13], $0x4000  }
0x36: {  	[sflag:s13] =	ssyncset.done $0x0  }
0x37: {  	[sflag:s13] =	ssyncadd.s32 $0xFFFFC000  }
0x38: {  	[hbm4b:s6+s2] =	stream.linear.scatter [tilespmem:s11], [sflag:$0x3], $0x4000, $0x38;
	[tilespmem:$0x9000] =	vst v63  }
0x39: {  	_ =	swait.ge [sflag:s9], $0x4000  }
0x3a: {  	[sflag:s9] =	ssyncset.done $0x0  }
0x3b: {  	[sflag:s9] =	ssyncadd.s32 $0xFFFFC000  }
0x3c: {  	s15 =	sadd.s32 $0x1, s15;
	_ =	swait.ge [sflag:s14], $0x4000  }
0x3d: {  	p0 =	sne.s32 s15, s5;
	[sflag:s14] =	ssyncset.done $0x0  }
.Ltmp1:
0x3e: {  	[sflag:s14] =	ssyncadd.s32 $0xFFFFC000;
	(pc) =	sbr.rel @p0 .LBB2_1-.Ltmp1, $4  }
0x3f: {  	[hbm4b:s7+s2] =	stream.linear.scatter [tilespmem:s12], [sflag:$0x3], $0x4000, $0x38;
	[tilespmem:$0x9000] =	vst v63  }
0x40: {  	_ =	swait.ge [sflag:s9], $0x4000  }
0x41: {  	[sflag:s9] =	ssyncset.done $0x0  }
0x42: {  	[sflag:s9] =	ssyncadd.s32 $0xFFFFC000  }
0x43: {  	_ =	sfence.sel $0x180000  }
0x44: {  	[bflag:$0x0] =	sbarrier.arrive $0xFFFF  }
0x45: {  	p0 =	sne.s32 s1, $0x0;
	_ =	strace $0x9000005C  }
0x46: {  	s0 =	sadd.s32 @!p0 $0x100000, s0;
	[bflag:$0x2] =	sbarrier.arrive $0xFFFF  }
0x47: {  	[sflag:s0] =	ssyncadd.tile.s32 @!p0 $0x1;
	_ =	shalt  }
.Lfunc_end2:
_tile_overlayer_lowered:
.L_overlay_start_2:
0x48: {  	(tag) =	ssettag $0x2  }
0x49: {  	s0 =	rddreg [dreg:$0x0];
	s2 =	stileid.u32  }
0x4a: {  	s1 =	rddreg [dreg:$0x1];
	p0 =	sne.s32 s2, $0x0  }
0x4b: {  	s3 =	rddreg [dreg:$0x2];
	[bflag:$0x3] =	sbarrier.arrive $0xFFFF;
	s2 =	simm.s32 @!p0 $0x1C03  }
0x4c: {  	[timem:s3], [sflag:s2] =	dma.local @!p0 [hbm:s0], s1  }
0x4d: {  	s0 =	simm.s32 @!p0 $0x3  }
0x4e: {  	_ =	swait.ge @!p0 [sflag:s0], s1  }
0x4f: {  	s1 =	ssub.s32 @!p0 $0x0, s1;
	[sflag:s0] =	ssyncset.done @!p0 $0x0  }
0x50: {  	[sflag:s0] =	ssyncadd.s32 @!p0 s1  }
0x51: {  	[bflag:$0x3] =	sbarrier.arrive $0xFFFF  }
0x52: {  	_ =	shalt  }

// kernel: kernel.34.cloned.1.call-start
scs
__scs_entry_jumppad:
0x0: {  	(pc) =	sbr.rel $0x88, $3  }
0x1: {  	(tag) =	ssettag $0x0;
	lr =	simm.s32 $0x1  }
0x2: {  	[smem:$0x3F0F] =	sst lr;
	_ =	strace $0xD0000000  }
0x3: {  	_ = 	snop  }
0x4: {  	_ = 	snop  }
0x5: {  	_ = 	snop  }
0x6: {  	_ = 	snop  }
0x7: {  	_ = 	snop  }
__scs_overlays_trampoline_lowered:
0x8: {  	[smem:$0x3F1E] =	sst s0  }
0x9: {  	[smem:$0x3F1F] =	sst s1  }
0xa: {  	[smem:$0x3F20] =	sst s2  }
0xb: {  	[smem:$0x3F21] =	sst s3  }
0xc: {  	[smem:$0x3F22] =	sst s4  }
0xd: {  	[smem:$0x3F23] =	sst s5  }
0xe: {  	[smem:$0x3F24] =	sst s6  }
0xf: {  	[smem:$0x3F25] =	sst s7  }
0x10: {  	[smem:$0x3F26] =	sst s8  }
0x11: {  	[smem:$0x3F27] =	sst s9;
	s0 =	simm.s32 @!p0 $0x0  }
0x12: {  	s1 =	sld [smem:$0x3F0D];
	s0 =	simm.s32 @p0 $0x1  }
0x13: {  	[smem:$0x3F28] =	sst s0;
	s0 =	simm.s32 @!p1 $0x0  }
0x14: {  	s2 =	sld [smem:$0x3F0C];
	s0 =	simm.s32 @p1 $0x1  }
0x15: {  	[smem:$0x3F29] =	sst s0;
	s0 =	simm.s32 @!p2 $0x0  }
0x16: {  	s3 =	sld [smem:$0x3FDB];
	s0 =	simm.s32 @p2 $0x1  }
0x17: {  	s4 =	simm.s32 $0x1BF5;
	[smem:$0x3F2B] =	sst s0  }
0x18: {  	s0 =	sld [smem:$0x3F0E];
	_ =	swait.ge [sflag:s4], $0x0  }
0x19: {  	s7 =	sld [smem:$0x3F0F]  }
0x1a: {  	s8 =	sadd.s32 $0xFFFFE003, lr  }
0x1b: {  	s9 =	sadd.s32 $0xFFFFFEF7, lr;
	s5 =	simm.s32 $0xFFFFFFFF;
	p2 =	slt.u32 s8, $0xFFFFF086  }
0x1c: {  	p1 =	slt.u32 s9, $0xF7A;
	s5 =	simm.s32 @!p2 $0x0  }
0x1d: {  	s5 =	simm.s32 @p1 $0x1;
	p0 =	seq.s32 s7, s2  }
0x1e: {  	s7 =	smul.u32 @!p0 $0xF7A, s2;
	p2 =	seq.s32 @!p0 s5, $0x0  }
0x1f: {  	s9 =	smul.u32 $0xF7A, s1;
	s8 =	simm.s32 @!p0 $0x1BF5;
	p2 =	por !p2, p0  }
0x20: {  	[sflag:s8] =	ssyncset.s32 @!p0 $0xFFFFF086;
	s6 =	sadd.s32 @!p0 s3, s7;
	s7 =	simm.s32 @!p0 $0x108  }
0x21: {  	s3 =	sadd.s32 s3, s9;
	s6 =	sadd.s32 @!p0 $0x88, s6;
	s7 =	simm.s32 @p2 $0x1082  }
0x22: {  	[simem:s7], [sflag:s8] =	dma.local @!p0 [hbm:s6], $0xF7A  }
0x23: {  	s9 =	sor.u32 $0xD0000000, s2;
	s6 =	simm.s32 $0x108;
	_ =	swait.ge @!p0 [sflag:s8], $0x0  }
0x24: {  	s3 =	sadd.s32 $0x88, s3;
	s6 =	simm.s32 @!p1 $0x1082;
	[sflag:s4] =	ssyncset.s32 $0xFFFFF086  }
0x25: {  	[simem:s6], [sflag:s4] =	dma.local [hbm:s3], $0xF7A  }
0x26: {  	[smem:$0x3F0F] =	sst s1;
	(tag) =	ssettag s2;
	_ =	strace s9  }
0x27: {  	s1 =	sld [smem:$0x3F1F]  }
0x28: {  	s2 =	sld [smem:$0x3F20]  }
0x29: {  	s4 =	sld [smem:$0x3F22]  }
0x2a: {  	p0 =	seq.s32 s5, $0x0;
	s5 =	sld [smem:$0x3F23]  }
0x2b: {  	s6 =	sld [smem:$0x3F24]  }
0x2c: {  	s7 =	sld [smem:$0x3F25]  }
0x2d: {  	s3 =	simm.s32 $0x108;
	s8 =	sld [smem:$0x3F26]  }
0x2e: {  	s3 =	simm.s32 @!p0 $0x1082;
	s9 =	sld [smem:$0x3F27]  }
0x2f: {  	lr =	sadd.s32 s0, s3;
	s0 =	sld [smem:$0x3F1E]  }
0x30: {  	s3 =	sld [smem:$0x3F21]  }
0x31: {  	[smem:$0x3F2A] =	sst s10  }
0x32: {  	s10 =	sld [smem:$0x3F28];
	_ =	sdelay $0x3  }
0x33: {  	p0 =	seq.s32 s10, $0x1;
	s10 =	sld [smem:$0x3F2A];
	_ =	sdelay $0x3  }
0x34: {  	[smem:$0x3F2A] =	sst s10  }
0x35: {  	s10 =	sld [smem:$0x3F29];
	_ =	sdelay $0x3  }
0x36: {  	p1 =	seq.s32 s10, $0x1;
	s10 =	sld [smem:$0x3F2A];
	_ =	sdelay $0x3  }
0x37: {  	[smem:$0x3F2A] =	sst s10  }
0x38: {  	s10 =	sld [smem:$0x3F2B]  }
0x39: {  	_ = 	snop;
	(pc) =	sbr.ind lr, $3  }
0x3a: {  	_ = 	snop  }
0x3b: {  	_ = 	snop  }
0x3c: {  	p2 =	seq.s32 s10, $0x1;
	s10 =	sld [smem:$0x3F2A]  }
0x3d: {  	_ =	shalt  }
0x3e: {  	_ =	shalt  }
0x3f: {  	_ =	shalt  }
0x40: {  	_ =	shalt  }
0x41: {  	_ =	shalt  }
0x42: {  	_ =	shalt  }
0x43: {  	_ =	shalt  }
0x44: {  	_ =	shalt  }
0x45: {  	_ =	shalt  }
0x46: {  	_ =	shalt  }
0x47: {  	_ =	shalt  }
0x48: {  	_ =	shalt  }
0x49: {  	_ =	shalt  }
0x4a: {  	_ =	shalt  }
0x4b: {  	_ =	shalt  }
0x4c: {  	_ =	shalt  }
0x4d: {  	_ =	shalt  }
0x4e: {  	_ =	shalt  }
0x4f: {  	_ =	shalt  }
0x50: {  	_ =	shalt  }
0x51: {  	_ =	shalt  }
0x52: {  	_ =	shalt  }
0x53: {  	_ =	shalt  }
0x54: {  	_ =	shalt  }
0x55: {  	_ =	shalt  }
0x56: {  	_ =	shalt  }
0x57: {  	_ =	shalt  }
0x58: {  	_ =	shalt  }
0x59: {  	_ =	shalt  }
0x5a: {  	_ =	shalt  }
0x5b: {  	_ =	shalt  }
0x5c: {  	_ =	shalt  }
0x5d: {  	_ =	shalt  }
0x5e: {  	_ =	shalt  }
0x5f: {  	_ =	shalt  }
0x60: {  	_ =	shalt  }
0x61: {  	_ =	shalt  }
0x62: {  	_ =	shalt  }
0x63: {  	_ =	shalt  }
0x64: {  	_ =	shalt  }
0x65: {  	_ =	shalt  }
0x66: {  	_ =	shalt  }
0x67: {  	_ =	shalt  }
0x68: {  	_ =	shalt  }
0x69: {  	_ =	shalt  }
0x6a: {  	_ =	shalt  }
0x6b: {  	_ =	shalt  }
0x6c: {  	_ =	shalt  }
0x6d: {  	_ =	shalt  }
0x6e: {  	_ =	shalt  }
0x6f: {  	_ =	shalt  }
0x70: {  	_ =	shalt  }
0x71: {  	_ =	shalt  }
0x72: {  	_ =	shalt  }
0x73: {  	_ =	shalt  }
0x74: {  	_ =	shalt  }
0x75: {  	_ =	shalt  }
0x76: {  	_ =	shalt  }
0x77: {  	_ =	shalt  }
0x78: {  	_ =	shalt  }
0x79: {  	_ =	shalt  }
0x7a: {  	_ =	shalt  }
0x7b: {  	_ =	shalt  }
0x7c: {  	_ =	shalt  }
0x7d: {  	_ =	shalt  }
0x7e: {  	_ =	shalt  }
0x7f: {  	_ =	shalt  }
0x80: {  	_ =	shalt  }
0x81: {  	_ =	shalt  }
0x82: {  	_ =	shalt  }
0x83: {  	_ =	shalt  }
0x84: {  	_ =	shalt  }
0x85: {  	_ =	shalt  }
0x86: {  	_ =	shalt  }
0x87: {  	_ =	shalt  }
.Lfunc_end0:
.L_simem_size_0:
called_computation.5_lowered:
.L_overlay_start_0:
0x88: {  	s2 =	sld [smem:$0x3FD9]  }
0x89: {  	s3 =	sld [smem:$0x3FFE];
	_ =	sdelay $0x1  }
0x8a: {  	s1 =	srdreg.scid  }
0x8b: {  	s0 =	sand.u32 $0x1, s1  }
0x8c: {  	s17 =	sshll.u32 s0, $0xA;
	s2 =	sadd.s32 s3, s2  }
0x8d: {  	s2 =	sadd.s32 s2, s17  }
0x8e: {  	[smem:$0x3F36] =	sst s2  }
0x8f: {  	_ = 	snop  }
0x90: {  	s18 =	sld [smem:$0x3FD0];
	(tm) =	ssettm $0x1  }
0x91: {  	s19 =	sld [smem:$0x3FFB];
	_ =	sdelay $0x3  }
0x92: {  	_ =	strace s19  }
0x93: {  	s2 =	sld [smem:$0x3FFC];
	_ =	sdelay $0x3  }
0x94: {  	_ =	strace s2  }
0x95: {  	s2 =	sld [smem:$0x3FFD];
	_ =	sdelay $0x3  }
0x96: {  	_ =	strace s2  }
0x97: {  	_ =	strace $0x8FFFFFFF  }
0x98: {  	s20 =	sld [smem:$0x3FDB];
	_ =	sdelay $0x1  }
0x99: {  	s4 =	simm.s32 $_scs_section_size  }
0x9a: {  	s5 =	simm.s32 $_size__tile_overlayer_lowered;
	s6 =	simm.s32 $_tile_overlayer_lowered  }
0x9b: {  	s7 =	simm.s32 $0x1BFF;
	s21 =	sshll.u32 s6, $0x1;
	s4 =	sadd.s32 s4, s20  }
0x9c: {  	s22 =	simm.s32 $0x0;
	s5 =	sshll.u32 s5, $0x1;
	s6 =	sadd.s32 s21, s4  }
0x9d: {  	[timem:s22], [sflag:s7] =	dma.local [hbm:s6], s5  }
0x9e: {  	_ =	swait.ge [sflag:s7], s5  }
0x9f: {  	s5 =	ssub.s32 $0x0, s5;
	[sflag:s7] =	ssyncset.done $0x0  }
0xa0: {  	[sflag:s7] =	ssyncadd.s32 s5;
	_ =	sdelay $0x1  }
0xa1: {  	s23 =	simm.s32 $0x1B8B  }
0xa2: {  	_ =	swait.ge [sflag:s23], $0x1  }
0xa3: {  	[sflag:s23] =	ssyncset.done $0x0  }
0xa4: {  	[sflag:s23] =	ssyncadd.s32 $0xFFFFFFFF  }
0xa5: {  	s5 =	sld [smem:$0x0]  }
0xa6: {  	s6 =	sand.u32 $0xFFFFFFFE, s1  }
0xa7: {  	p0 =	sne.s32 s1, s6  }
0xa8: {  	s6 =	sshll.u32 @p0 s6, $0xE  }
0xa9: {  	s6 =	sadd.s32 @p0 $0x11B8D, s6;
	s7 =	sshll.u32 @p0 s5, $0x11  }
0xaa: {  	s6 =	sor.u32 @p0 s7, s6  }
0xab: {  	[sflag:s6] =	ssyncadd.remote.s32 @p0 $0x1;
	_ =	sdelay $0x1  }
0xac: {  	s6 =	simm.s32 @p0 $0x1B8D  }
0xad: {  	_ =	swait.eq @p0 [sflag:s6], $0x1  }
0xae: {  	[sflag:s6] =	ssyncadd.s32 @p0 $0xFFFFFFFF  }
0xaf: {  	s7 =	sshll.u32 @!p0 s1, $0xE  }
0xb0: {  	s7 =	sor.u32 @!p0 $0x4000, s7;
	s6 =	simm.s32 @!p0 $0x1B8D  }
0xb1: {  	s5 =	sshll.u32 @!p0 s5, $0x11;
	s7 =	sadd.s32 @!p0 $0x11B8D, s7;
	_ =	swait.eq @!p0 [sflag:s6], $0x1  }
0xb2: {  	s5 =	sor.u32 @!p0 s5, s7;
	[sflag:s6] =	ssyncadd.s32 @!p0 $0xFFFFFFFF  }
0xb3: {  	s25 =	simm.s32 $0x1B8E;
	s24 =	sld [smem:$0x3FFE];
	[sflag:s5] =	ssyncadd.remote.s32 @!p0 $0x1  }
0xb4: {  	s26 =	simm.s32 $execute0_lowered;
	[smem:$0x3FD2] =	sst s25  }
0xb5: {  	s6 =	sshll.u32 s26, $0x1;
	_ =	strace $0x8000004C;
	[dreg:$0x1] =	wrdreg $0xFFFFFFFF  }
0xb6: {  	s28 =	simm.s32 $_size_execute0_lowered;
	s4 =	sadd.s32 s4, s6;
	[dreg:$0x0] =	wrdreg $0x0  }
0xb7: {  	s6 =	sshll.u32 s28, $0x1;
	[dreg:$0x2] =	wrdreg s4  }
0xb8: {  	[dreg:$0x3] =	wrdreg s6  }
0xb9: {  	[dreg:$0x4] =	wrdreg $0xC0  }
0xba: {  	_ =	task [dreg:s22], $0x5FFFF  }
0xbb: {  	[dreg:$0x1] =	wrdreg $0xFFFFFFFF  }
0xbc: {  	[dreg:$0x0] =	wrdreg $0x60  }
0xbd: {  	[dreg:$0x2] =	wrdreg s24  }
0xbe: {  	[dreg:$0x3] =	wrdreg s18  }
0xbf: {  	[dreg:$0x4] =	wrdreg $0x9  }
0xc0: {  	_ =	task.clear_ibuf [dreg:s22], $0x5FFFF;
	_ =	strace $0x9000004C  }
0xc1: {  	s29 =	simm.s32 $0x9;
	_ =	strace $0x8000004E  }
0xc2: {  	_ =	swait.ge [sflag:s29], $0x1  }
0xc3: {  	[sflag:s29] =	ssyncadd.s32 $0xFFFFFFFF  }
0xc4: {  	_ =	strace $0x9000004E  }
0xc5: {  	_ =	sfence  }
0xc6: {  	s30 =	sld [smem:$0x0];
	_ =	sdelay $0x2  }
0xc7: {  	s31 =	sshll.u32 s1, $0xD;
	s1 =	sshrl.u32 s1, $0x2  }
0xc8: {  	s4 =	sand.u32 $0x4000, s31;
	s1 =	sadd.s32 s1, s30  }
0xc9: {  	s0 =	sor.u32 s4, s0;
	s1 =	sshll.u32 s1, $0x11  }
0xca: {  	s0 =	sor.u32 s1, s0  }
0xcb: {  	s0 =	sadd.s32 $0x8F2B, s0  }
0xcc: {  	[sflag:s0] =	ssyncadd.remote.s32 $0x1  }
0xcd: {  	_ =	sfence.sel $0xFFFF  }
0xce: {  	[dreg:$0x0] =	wrdreg $0xFFFFFFFF;
	(pc) =	sbr.abs _section_cstart, $3  }
0xcf: {  	[dreg:$0x1] =	wrdreg $0xFFFFFFFF  }
0xd0: {  	_ =	task.clear_ibuf [dreg:s22], $0x2FFFF;
	_ =	strace $0x9FFFFFFF  }
0xd1: {  	(tm) =	ssettm $0x7FFFFFFF  }
tec
execute0_lowered:
.L_overlay_start_1:
0x0: {  	(tag) =	ssettag $0x1  }
0x1: {  	s4 =	rddreg [dreg:$0x0]  }
0x2: {  	s5 =	rddreg [dreg:$0x1]  }
0x3: {  	s0 =	rddreg [dreg:$0x2];
	s2 =	simm.s32 $0x0  }
0x4: {  	s3 =	srdreg.scid;
	s1 =	stileid.u32;
	s11 =	simm.s32 $0x1000  }
0x5: {  	s12 =	simm.s32 $0x5000;
	s13 =	simm.s32 $0x1;
	s14 =	simm.s32 $0x2  }
0x6: {  	s15 =	simm.s32 $0x0;
	[smem:$0x7FF] =	sst s2;
	s7 =	sand.u32 $0x1, s3  }
0x7: {  	s6 =	sshll.u32 s1, $0x1;
	s3 =	sadd.s32 $0x432C00, s4;
	s9 =	sadd.s32 $0x452C00, s4  }
0x8: {  	s30 =	sshll.u32 s1, $0x11;
	_ =	strace $0x8000004D;
	s8 =	ssub.s32 $0x2, s7  }
0x9: {  	s6 =	sor.u32 s7, s6;
	s31 =	sshll.u32 s7, $0x10;
	s28 =	sshrl.u32 s8, $0x1  }
0xa: {  	s10 =	sshll.u32 s6, $0x9;
	s6 =	sshll.u32 s6, $0x10;
	s8 =	ssub.s32 s8, s28  }
0xb: {  	s4 =	sadd.s32 s5, s10;
	s29 =	sadd.s32 s9, s6;
	s10 =	simm.s32 $0x80  }
0xc: {  	s5 =	smax.u32 s8, $0x1;
	s6 =	sadd.s32 $0xF000, s29;
	s8 =	sadd.s32 s30, s9  }
0xd: {  	s7 =	sadd.s32 $0xF800, s29;
	s9 =	simm.s32 $0x3;
	s8 =	sadd.s32 s31, s8  }
.LBB2_1:
0xe: {  	[tilespmem:s2], [sflag:$0x3] =	stream.linear.gather [hbm4b:s4+s2], $0x1000, $0x38;
	[tilespmem:$0x9000] =	vst v63  }
0xf: {  	_ =	swait.ge [sflag:s9], $0x1000  }
0x10: {  	[sflag:s9] =	ssyncset.done $0x0  }
0x11: {  	[sflag:s9] =	ssyncadd.s32 $0xFFFFF000  }
0x12: {  	[tilespmem:s11], [sflag:$0x1] =	stream.indirect.gather [hbm4b:s3+s10], $0x80, s2, s10, $0xb8;
	[tilespmem:$0x9000] =	vst v63  }
0x13: {  	_ = 	snop  }
0x14: {  	[tilespmem:s12], [sflag:$0x2] =	stream.indirect.gather [hbm4b:s3+s10], $0x80, s10, s10, $0xb8;
	[tilespmem:$0x9000] =	vst v63  }
0x15: {  	_ =	swait.ge [sflag:s13], $0x4000  }
0x16: {  	[sflag:s13] =	ssyncset.done $0x0  }
0x17: {  	s16 =	sadd.s32 $0x0, s8;
	[sflag:s13] =	ssyncadd.s32 $0xFFFFC000  }
0x18: {  	[hbm4b:s16+s2] =	stream.linear.scatter [tilespmem:s11], [sflag:$0x3], $0x4000, $0x38;
	[tilespmem:$0x9000] =	vst v63  }
0x19: {  	_ =	swait.ge [sflag:s9], $0x4000  }
0x1a: {  	[sflag:s9] =	ssyncset.done $0x0  }
0x1b: {  	s17 =	simm.s32 $0x100;
	[sflag:s9] =	ssyncadd.s32 $0xFFFFC000  }
0x1c: {  	[tilespmem:s11], [sflag:$0x1] =	stream.indirect.gather [hbm4b:s3+s10], $0x80, s17, s10, $0xb8;
	[tilespmem:$0x9000] =	vst v63  }
0x1d: {  	_ =	swait.ge [sflag:s14], $0x4000  }
0x1e: {  	[sflag:s14] =	ssyncset.done $0x0  }
0x1f: {  	s16 =	sadd.s32 $0x800, s16;
	[sflag:s14] =	ssyncadd.s32 $0xFFFFC000  }
0x20: {  	[hbm4b:s16+s2] =	stream.linear.scatter [tilespmem:s12], [sflag:$0x3], $0x4000, $0x38;
	[tilespmem:$0x9000] =	vst v63  }
0x21: {  	_ =	swait.ge [sflag:s9], $0x4000  }
0x22: {  	s18 =	simm.s32 $0x280;
	[sflag:s9] =	ssyncset.done $0x0  }
0x23: {  	s17 =	simm.s32 $0x1000;
	s16 =	simm.s32 $0x180;
	[sflag:s9] =	ssyncadd.s32 $0xFFFFC000  }
.LBB2_2:
0x24: {  	[tilespmem:s12], [sflag:$0x2] =	stream.indirect.gather [hbm4b:s3+s10], $0x80, s16, s10, $0xb8;
	[tilespmem:$0x9000] =	vst v63  }
0x25: {  	s19 =	smov.u32 s17;
	s16 =	smov.u32 s18  }
0x26: {  	p0 =	sne.s32 s17, $0xE000;
	s17 =	sadd.s32 $0x1000, s17;
	_ =	swait.ge [sflag:s13], $0x4000  }
0x27: {  	[sflag:s13] =	ssyncset.done $0x0  }
0x28: {  	s19 =	sadd.s32 s19, s8;
	[sflag:s13] =	ssyncadd.s32 $0xFFFFC000  }
0x29: {  	[hbm4b:s19+s2] =	stream.linear.scatter [tilespmem:s11], [sflag:$0x3], $0x4000, $0x38;
	[tilespmem:$0x9000] =	vst v63  }
0x2a: {  	_ =	swait.ge [sflag:s9], $0x4000  }
0x2b: {  	[sflag:s9] =	ssyncset.done $0x0  }
0x2c: {  	s20 =	sadd.s32 $0xFFFFFF80, s18;
	[sflag:s9] =	ssyncadd.s32 $0xFFFFC000  }
0x2d: {  	[tilespmem:s11], [sflag:$0x1] =	stream.indirect.gather [hbm4b:s3+s10], $0x80, s20, s10, $0xb8;
	[tilespmem:$0x9000] =	vst v63  }
0x2e: {  	_ =	swait.ge [sflag:s14], $0x4000  }
0x2f: {  	[sflag:s14] =	ssyncset.done $0x0  }
.Ltmp0:
0x30: {  	s19 =	sadd.s32 $0x800, s19;
	[sflag:s14] =	ssyncadd.s32 $0xFFFFC000;
	(pc) =	sbr.rel @p0 .LBB2_2-.Ltmp0, $4  }
0x31: {  	[hbm4b:s19+s2] =	stream.linear.scatter [tilespmem:s12], [sflag:$0x3], $0x4000, $0x38;
	[tilespmem:$0x9000] =	vst v63  }
0x32: {  	_ =	swait.ge [sflag:s9], $0x4000  }
0x33: {  	[sflag:s9] =	ssyncset.done $0x0  }
0x34: {  	s18 =	sadd.s32 $0x100, s18;
	[sflag:s9] =	ssyncadd.s32 $0xFFFFC000  }
0x35: {  	[tilespmem:s12], [sflag:$0x2] =	stream.indirect.gather [hbm4b:s3+s10], $0x80, s16, s10, $0xb8;
	[tilespmem:$0x9000] =	vst v63  }
0x36: {  	_ =	swait.ge [sflag:s13], $0x4000  }
0x37: {  	[sflag:s13] =	ssyncset.done $0x0  }
0x38: {  	[sflag:s13] =	ssyncadd.s32 $0xFFFFC000  }
0x39: {  	[hbm4b:s6+s2] =	stream.linear.scatter [tilespmem:s11], [sflag:$0x3], $0x4000, $0x38;
	[tilespmem:$0x9000] =	vst v63  }
0x3a: {  	_ =	swait.ge [sflag:s9], $0x4000  }
0x3b: {  	[sflag:s9] =	ssyncset.done $0x0  }
0x3c: {  	[sflag:s9] =	ssyncadd.s32 $0xFFFFC000  }
0x3d: {  	s15 =	sadd.s32 $0x1, s15;
	_ =	swait.ge [sflag:s14], $0x4000  }
0x3e: {  	p0 =	sne.s32 s15, s5;
	[sflag:s14] =	ssyncset.done $0x0  }
.Ltmp1:
0x3f: {  	[sflag:s14] =	ssyncadd.s32 $0xFFFFC000;
	(pc) =	sbr.rel @p0 .LBB2_1-.Ltmp1, $4  }
0x40: {  	[hbm4b:s7+s2] =	stream.linear.scatter [tilespmem:s12], [sflag:$0x3], $0x4000, $0x38;
	[tilespmem:$0x9000] =	vst v63  }
0x41: {  	_ =	swait.ge [sflag:s9], $0x4000  }
0x42: {  	[sflag:s9] =	ssyncset.done $0x0  }
0x43: {  	[sflag:s9] =	ssyncadd.s32 $0xFFFFC000  }
0x44: {  	_ =	sfence.sel $0x180000  }
0x45: {  	[bflag:$0x0] =	sbarrier.arrive $0xFFFF  }
0x46: {  	p0 =	sne.s32 s1, $0x0;
	_ =	strace $0x9000004D  }
0x47: {  	s0 =	sadd.s32 @!p0 $0x100000, s0;
	[bflag:$0x2] =	sbarrier.arrive $0xFFFF  }
0x48: {  	[sflag:s0] =	ssyncadd.tile.s32 @!p0 $0x1;
	_ =	shalt  }
.Lfunc_end2:
_tile_overlayer_lowered:
.L_overlay_start_2:
0x49: {  	(tag) =	ssettag $0x2  }
0x4a: {  	s0 =	rddreg [dreg:$0x0];
	s2 =	stileid.u32  }
0x4b: {  	s1 =	rddreg [dreg:$0x1];
	p0 =	sne.s32 s2, $0x0  }
0x4c: {  	s3 =	rddreg [dreg:$0x2];
	[bflag:$0x3] =	sbarrier.arrive $0xFFFF;
	s2 =	simm.s32 @!p0 $0x1C03  }
0x4d: {  	[timem:s3], [sflag:s2] =	dma.local @!p0 [hbm:s0], s1  }
0x4e: {  	s0 =	simm.s32 @!p0 $0x3  }
0x4f: {  	_ =	swait.ge @!p0 [sflag:s0], s1  }
0x50: {  	s1 =	ssub.s32 @!p0 $0x0, s1;
	[sflag:s0] =	ssyncset.done @!p0 $0x0  }
0x51: {  	[sflag:s0] =	ssyncadd.s32 @!p0 s1  }
0x52: {  	[bflag:$0x3] =	sbarrier.arrive $0xFFFF  }
0x53: {  	_ =	shalt  }

// kernel: kernel.37.cloned.1.call-start
scs
__scs_entry_jumppad:
0x0: {  	(pc) =	sbr.rel $0x88, $3  }
0x1: {  	(tag) =	ssettag $0x0;
	lr =	simm.s32 $0x1  }
0x2: {  	[smem:$0x3F0F] =	sst lr;
	_ =	strace $0xD0000000  }
0x3: {  	_ = 	snop  }
0x4: {  	_ = 	snop  }
0x5: {  	_ = 	snop  }
0x6: {  	_ = 	snop  }
0x7: {  	_ = 	snop  }
__scs_overlays_trampoline_lowered:
0x8: {  	[smem:$0x3F1E] =	sst s0  }
0x9: {  	[smem:$0x3F1F] =	sst s1  }
0xa: {  	[smem:$0x3F20] =	sst s2  }
0xb: {  	[smem:$0x3F21] =	sst s3  }
0xc: {  	[smem:$0x3F22] =	sst s4  }
0xd: {  	[smem:$0x3F23] =	sst s5  }
0xe: {  	[smem:$0x3F24] =	sst s6  }
0xf: {  	[smem:$0x3F25] =	sst s7  }
0x10: {  	[smem:$0x3F26] =	sst s8  }
0x11: {  	[smem:$0x3F27] =	sst s9;
	s0 =	simm.s32 @!p0 $0x0  }
0x12: {  	s1 =	sld [smem:$0x3F0D];
	s0 =	simm.s32 @p0 $0x1  }
0x13: {  	[smem:$0x3F28] =	sst s0;
	s0 =	simm.s32 @!p1 $0x0  }
0x14: {  	s2 =	sld [smem:$0x3F0C];
	s0 =	simm.s32 @p1 $0x1  }
0x15: {  	[smem:$0x3F29] =	sst s0;
	s0 =	simm.s32 @!p2 $0x0  }
0x16: {  	s3 =	sld [smem:$0x3FDB];
	s0 =	simm.s32 @p2 $0x1  }
0x17: {  	s4 =	simm.s32 $0x1BF5;
	[smem:$0x3F2B] =	sst s0  }
0x18: {  	s0 =	sld [smem:$0x3F0E];
	_ =	swait.ge [sflag:s4], $0x0  }
0x19: {  	s7 =	sld [smem:$0x3F0F]  }
0x1a: {  	s8 =	sadd.s32 $0xFFFFE003, lr  }
0x1b: {  	s9 =	sadd.s32 $0xFFFFFEF7, lr;
	s5 =	simm.s32 $0xFFFFFFFF;
	p2 =	slt.u32 s8, $0xFFFFF086  }
0x1c: {  	p1 =	slt.u32 s9, $0xF7A;
	s5 =	simm.s32 @!p2 $0x0  }
0x1d: {  	s5 =	simm.s32 @p1 $0x1;
	p0 =	seq.s32 s7, s2  }
0x1e: {  	s7 =	smul.u32 @!p0 $0xF7A, s2;
	p2 =	seq.s32 @!p0 s5, $0x0  }
0x1f: {  	s9 =	smul.u32 $0xF7A, s1;
	s8 =	simm.s32 @!p0 $0x1BF5;
	p2 =	por !p2, p0  }
0x20: {  	[sflag:s8] =	ssyncset.s32 @!p0 $0xFFFFF086;
	s6 =	sadd.s32 @!p0 s3, s7;
	s7 =	simm.s32 @!p0 $0x108  }
0x21: {  	s3 =	sadd.s32 s3, s9;
	s6 =	sadd.s32 @!p0 $0x88, s6;
	s7 =	simm.s32 @p2 $0x1082  }
0x22: {  	[simem:s7], [sflag:s8] =	dma.local @!p0 [hbm:s6], $0xF7A  }
0x23: {  	s9 =	sor.u32 $0xD0000000, s2;
	s6 =	simm.s32 $0x108;
	_ =	swait.ge @!p0 [sflag:s8], $0x0  }
0x24: {  	s3 =	sadd.s32 $0x88, s3;
	s6 =	simm.s32 @!p1 $0x1082;
	[sflag:s4] =	ssyncset.s32 $0xFFFFF086  }
0x25: {  	[simem:s6], [sflag:s4] =	dma.local [hbm:s3], $0xF7A  }
0x26: {  	[smem:$0x3F0F] =	sst s1;
	(tag) =	ssettag s2;
	_ =	strace s9  }
0x27: {  	s1 =	sld [smem:$0x3F1F]  }
0x28: {  	s2 =	sld [smem:$0x3F20]  }
0x29: {  	s4 =	sld [smem:$0x3F22]  }
0x2a: {  	p0 =	seq.s32 s5, $0x0;
	s5 =	sld [smem:$0x3F23]  }
0x2b: {  	s6 =	sld [smem:$0x3F24]  }
0x2c: {  	s7 =	sld [smem:$0x3F25]  }
0x2d: {  	s3 =	simm.s32 $0x108;
	s8 =	sld [smem:$0x3F26]  }
0x2e: {  	s3 =	simm.s32 @!p0 $0x1082;
	s9 =	sld [smem:$0x3F27]  }
0x2f: {  	lr =	sadd.s32 s0, s3;
	s0 =	sld [smem:$0x3F1E]  }
0x30: {  	s3 =	sld [smem:$0x3F21]  }
0x31: {  	[smem:$0x3F2A] =	sst s10  }
0x32: {  	s10 =	sld [smem:$0x3F28];
	_ =	sdelay $0x3  }
0x33: {  	p0 =	seq.s32 s10, $0x1;
	s10 =	sld [smem:$0x3F2A];
	_ =	sdelay $0x3  }
0x34: {  	[smem:$0x3F2A] =	sst s10  }
0x35: {  	s10 =	sld [smem:$0x3F29];
	_ =	sdelay $0x3  }
0x36: {  	p1 =	seq.s32 s10, $0x1;
	s10 =	sld [smem:$0x3F2A];
	_ =	sdelay $0x3  }
0x37: {  	[smem:$0x3F2A] =	sst s10  }
0x38: {  	s10 =	sld [smem:$0x3F2B]  }
0x39: {  	_ = 	snop;
	(pc) =	sbr.ind lr, $3  }
0x3a: {  	_ = 	snop  }
0x3b: {  	_ = 	snop  }
0x3c: {  	p2 =	seq.s32 s10, $0x1;
	s10 =	sld [smem:$0x3F2A]  }
0x3d: {  	_ =	shalt  }
0x3e: {  	_ =	shalt  }
0x3f: {  	_ =	shalt  }
0x40: {  	_ =	shalt  }
0x41: {  	_ =	shalt  }
0x42: {  	_ =	shalt  }
0x43: {  	_ =	shalt  }
0x44: {  	_ =	shalt  }
0x45: {  	_ =	shalt  }
0x46: {  	_ =	shalt  }
0x47: {  	_ =	shalt  }
0x48: {  	_ =	shalt  }
0x49: {  	_ =	shalt  }
0x4a: {  	_ =	shalt  }
0x4b: {  	_ =	shalt  }
0x4c: {  	_ =	shalt  }
0x4d: {  	_ =	shalt  }
0x4e: {  	_ =	shalt  }
0x4f: {  	_ =	shalt  }
0x50: {  	_ =	shalt  }
0x51: {  	_ =	shalt  }
0x52: {  	_ =	shalt  }
0x53: {  	_ =	shalt  }
0x54: {  	_ =	shalt  }
0x55: {  	_ =	shalt  }
0x56: {  	_ =	shalt  }
0x57: {  	_ =	shalt  }
0x58: {  	_ =	shalt  }
0x59: {  	_ =	shalt  }
0x5a: {  	_ =	shalt  }
0x5b: {  	_ =	shalt  }
0x5c: {  	_ =	shalt  }
0x5d: {  	_ =	shalt  }
0x5e: {  	_ =	shalt  }
0x5f: {  	_ =	shalt  }
0x60: {  	_ =	shalt  }
0x61: {  	_ =	shalt  }
0x62: {  	_ =	shalt  }
0x63: {  	_ =	shalt  }
0x64: {  	_ =	shalt  }
0x65: {  	_ =	shalt  }
0x66: {  	_ =	shalt  }
0x67: {  	_ =	shalt  }
0x68: {  	_ =	shalt  }
0x69: {  	_ =	shalt  }
0x6a: {  	_ =	shalt  }
0x6b: {  	_ =	shalt  }
0x6c: {  	_ =	shalt  }
0x6d: {  	_ =	shalt  }
0x6e: {  	_ =	shalt  }
0x6f: {  	_ =	shalt  }
0x70: {  	_ =	shalt  }
0x71: {  	_ =	shalt  }
0x72: {  	_ =	shalt  }
0x73: {  	_ =	shalt  }
0x74: {  	_ =	shalt  }
0x75: {  	_ =	shalt  }
0x76: {  	_ =	shalt  }
0x77: {  	_ =	shalt  }
0x78: {  	_ =	shalt  }
0x79: {  	_ =	shalt  }
0x7a: {  	_ =	shalt  }
0x7b: {  	_ =	shalt  }
0x7c: {  	_ =	shalt  }
0x7d: {  	_ =	shalt  }
0x7e: {  	_ =	shalt  }
0x7f: {  	_ =	shalt  }
0x80: {  	_ =	shalt  }
0x81: {  	_ =	shalt  }
0x82: {  	_ =	shalt  }
0x83: {  	_ =	shalt  }
0x84: {  	_ =	shalt  }
0x85: {  	_ =	shalt  }
0x86: {  	_ =	shalt  }
0x87: {  	_ =	shalt  }
.Lfunc_end0:
.L_simem_size_0:
called_computation.6_lowered:
.L_overlay_start_0:
0x88: {  	s2 =	sld [smem:$0x3FD9]  }
0x89: {  	s3 =	sld [smem:$0x3FFE];
	_ =	sdelay $0x1  }
0x8a: {  	s1 =	srdreg.scid  }
0x8b: {  	s0 =	sand.u32 $0x1, s1  }
0x8c: {  	s17 =	sshll.u32 s0, $0xA;
	s2 =	sadd.s32 s3, s2  }
0x8d: {  	s2 =	sadd.s32 s2, s17  }
0x8e: {  	[smem:$0x3F36] =	sst s2  }
0x8f: {  	_ = 	snop  }
0x90: {  	(tm) =	ssettm $0x1  }
0x91: {  	s18 =	sld [smem:$0x3FFB];
	_ =	sdelay $0x3  }
0x92: {  	_ =	strace s18  }
0x93: {  	s2 =	sld [smem:$0x3FFC];
	_ =	sdelay $0x3  }
0x94: {  	_ =	strace s2  }
0x95: {  	s2 =	sld [smem:$0x3FFD];
	_ =	sdelay $0x3  }
0x96: {  	_ =	strace s2  }
0x97: {  	_ =	strace $0x8FFFFFFF  }
0x98: {  	s19 =	sld [smem:$0x3FDB];
	_ =	sdelay $0x1  }
0x99: {  	s20 =	simm.s32 $_scs_section_size  }
0x9a: {  	s4 =	simm.s32 $_size__tile_overlayer_lowered;
	s5 =	simm.s32 $_tile_overlayer_lowered  }
0x9b: {  	s6 =	simm.s32 $0x1BFF;
	s21 =	sshll.u32 s5, $0x1;
	s3 =	sadd.s32 s20, s19  }
0x9c: {  	s22 =	simm.s32 $0x0;
	s4 =	sshll.u32 s4, $0x1;
	s5 =	sadd.s32 s21, s3  }
0x9d: {  	[timem:s22], [sflag:s6] =	dma.local [hbm:s5], s4  }
0x9e: {  	_ =	swait.ge [sflag:s6], s4  }
0x9f: {  	s4 =	ssub.s32 $0x0, s4;
	[sflag:s6] =	ssyncset.done $0x0  }
0xa0: {  	[sflag:s6] =	ssyncadd.s32 s4;
	_ =	sdelay $0x1  }
0xa1: {  	s23 =	simm.s32 $0x1B8B  }
0xa2: {  	_ =	swait.ge [sflag:s23], $0x1  }
0xa3: {  	[sflag:s23] =	ssyncset.done $0x0  }
0xa4: {  	[sflag:s23] =	ssyncadd.s32 $0xFFFFFFFF  }
0xa5: {  	s4 =	sld [smem:$0x0]  }
0xa6: {  	s5 =	sand.u32 $0xFFFFFFFE, s1  }
0xa7: {  	p0 =	sne.s32 s1, s5  }
0xa8: {  	s5 =	sshll.u32 @p0 s5, $0xE  }
0xa9: {  	s5 =	sadd.s32 @p0 $0x11B8D, s5;
	s6 =	sshll.u32 @p0 s4, $0x11  }
0xaa: {  	s5 =	sor.u32 @p0 s6, s5  }
0xab: {  	[sflag:s5] =	ssyncadd.remote.s32 @p0 $0x1;
	_ =	sdelay $0x1  }
0xac: {  	s5 =	simm.s32 @p0 $0x1B8D  }
0xad: {  	_ =	swait.eq @p0 [sflag:s5], $0x1  }
0xae: {  	[sflag:s5] =	ssyncadd.s32 @p0 $0xFFFFFFFF  }
0xaf: {  	s6 =	sshll.u32 @!p0 s1, $0xE  }
0xb0: {  	s6 =	sor.u32 @!p0 $0x4000, s6;
	s5 =	simm.s32 @!p0 $0x1B8D  }
0xb1: {  	s4 =	sshll.u32 @!p0 s4, $0x11;
	s6 =	sadd.s32 @!p0 $0x11B8D, s6;
	_ =	swait.eq @!p0 [sflag:s5], $0x1  }
0xb2: {  	s4 =	sor.u32 @!p0 s4, s6;
	[sflag:s5] =	ssyncadd.s32 @!p0 $0xFFFFFFFF  }
0xb3: {  	s25 =	simm.s32 $0x1B8E;
	s24 =	sld [smem:$0x3FFE];
	[sflag:s4] =	ssyncadd.remote.s32 @!p0 $0x1  }
0xb4: {  	s26 =	simm.s32 $execute0_lowered;
	[smem:$0x3FD2] =	sst s25  }
0xb5: {  	s5 =	sshll.u32 s26, $0x1;
	_ =	strace $0x80000052;
	[dreg:$0x1] =	wrdreg $0xFFFFFFFF  }
0xb6: {  	s28 =	simm.s32 $_size_execute0_lowered;
	s3 =	sadd.s32 s3, s5;
	[dreg:$0x0] =	wrdreg $0x0  }
0xb7: {  	s5 =	sshll.u32 s28, $0x1;
	[dreg:$0x2] =	wrdreg s3  }
0xb8: {  	[dreg:$0x3] =	wrdreg s5  }
0xb9: {  	[dreg:$0x4] =	wrdreg $0xC0  }
0xba: {  	_ =	task [dreg:s22], $0x5FFFF  }
0xbb: {  	[dreg:$0x1] =	wrdreg $0xFFFFFFFF  }
0xbc: {  	[dreg:$0x0] =	wrdreg $0x60  }
0xbd: {  	[dreg:$0x2] =	wrdreg s24  }
0xbe: {  	[dreg:$0x3] =	wrdreg $0xB  }
0xbf: {  	_ =	task.clear_ibuf [dreg:s22], $0x4FFFF;
	_ =	strace $0x90000052  }
0xc0: {  	s29 =	simm.s32 $0xB;
	_ =	strace $0x80000054  }
0xc1: {  	_ =	swait.ge [sflag:s29], $0x1  }
0xc2: {  	[sflag:s29] =	ssyncadd.s32 $0xFFFFFFFF  }
0xc3: {  	_ =	strace $0x90000054  }
0xc4: {  	_ =	sfence  }
0xc5: {  	s30 =	sld [smem:$0x0];
	_ =	sdelay $0x2  }
0xc6: {  	s31 =	sshll.u32 s1, $0xD;
	s1 =	sshrl.u32 s1, $0x2  }
0xc7: {  	s4 =	sand.u32 $0x4000, s31;
	s1 =	sadd.s32 s1, s30  }
0xc8: {  	s0 =	sor.u32 s4, s0;
	s1 =	sshll.u32 s1, $0x11  }
0xc9: {  	s0 =	sor.u32 s1, s0  }
0xca: {  	s0 =	sadd.s32 $0x8F2B, s0  }
0xcb: {  	[sflag:s0] =	ssyncadd.remote.s32 $0x1  }
0xcc: {  	_ =	sfence.sel $0xFFFF  }
0xcd: {  	[dreg:$0x0] =	wrdreg $0xFFFFFFFF;
	(pc) =	sbr.abs _section_cstart, $3  }
0xce: {  	[dreg:$0x1] =	wrdreg $0xFFFFFFFF  }
0xcf: {  	_ =	task.clear_ibuf [dreg:s22], $0x2FFFF;
	_ =	strace $0x9FFFFFFF  }
0xd0: {  	(tm) =	ssettm $0x7FFFFFFF  }
0xd1: {  	_ =	shalt  }
tec
execute0_lowered:
.L_overlay_start_1:
0x0: {  	(tag) =	ssettag $0x1  }
0x1: {  	s4 =	rddreg [dreg:$0x0]  }
0x2: {  	s0 =	rddreg [dreg:$0x1];
	s2 =	simm.s32 $0x0;
	s3 =	srdreg.scid  }
0x3: {  	s1 =	stileid.u32;
	s11 =	simm.s32 $0x1000;
	s12 =	simm.s32 $0x5000  }
0x4: {  	s13 =	simm.s32 $0x1;
	s14 =	simm.s32 $0x2;
	s15 =	simm.s32 $0x0  }
0x5: {  	[smem:$0x7FF] =	sst s2;
	s7 =	sand.u32 $0x1, s3;
	s3 =	sadd.s32 $0x276800, s4  }
0x6: {  	s28 =	sshll.u32 s1, $0x1;
	s9 =	sadd.s32 $0x296800, s4;
	s30 =	sshll.u32 s1, $0x11  }
0x7: {  	_ =	strace $0x80000053;
	s5 =	sor.u32 s7, s28;
	s8 =	ssub.s32 $0x2, s7  }
0x8: {  	s31 =	sshll.u32 s7, $0x10;
	s6 =	sshll.u32 s5, $0x9;
	s29 =	sshrl.u32 s8, $0x1  }
0x9: {  	s5 =	sshll.u32 s5, $0x10;
	s6 =	sadd.s32 s6, s4;
	s8 =	ssub.s32 s8, s29  }
0xa: {  	s10 =	sadd.s32 s9, s5;
	s4 =	sadd.s32 $0x52800, s6;
	s5 =	smax.u32 s8, $0x1  }
0xb: {  	s6 =	sadd.s32 $0xF000, s10;
	s8 =	sadd.s32 s30, s9;
	s7 =	sadd.s32 $0xF800, s10  }
0xc: {  	s9 =	simm.s32 $0x3;
	s10 =	simm.s32 $0x80;
	s8 =	sadd.s32 s31, s8  }
.LBB2_1:
0xd: {  	[tilespmem:s2], [sflag:$0x3] =	stream.linear.gather [hbm4b:s4+s2], $0x1000, $0x38;
	[tilespmem:$0x9000] =	vst v63  }
0xe: {  	_ =	swait.ge [sflag:s9], $0x1000  }
0xf: {  	[sflag:s9] =	ssyncset.done $0x0  }
0x10: {  	[sflag:s9] =	ssyncadd.s32 $0xFFFFF000  }
0x11: {  	[tilespmem:s11], [sflag:$0x1] =	stream.indirect.gather [hbm4b:s3+s10], $0x80, s2, s10, $0xb8;
	[tilespmem:$0x9000] =	vst v63  }
0x12: {  	_ = 	snop  }
0x13: {  	[tilespmem:s12], [sflag:$0x2] =	stream.indirect.gather [hbm4b:s3+s10], $0x80, s10, s10, $0xb8;
	[tilespmem:$0x9000] =	vst v63  }
0x14: {  	_ =	swait.ge [sflag:s13], $0x4000  }
0x15: {  	[sflag:s13] =	ssyncset.done $0x0  }
0x16: {  	s16 =	sadd.s32 $0x0, s8;
	[sflag:s13] =	ssyncadd.s32 $0xFFFFC000  }
0x17: {  	[hbm4b:s16+s2] =	stream.linear.scatter [tilespmem:s11], [sflag:$0x3], $0x4000, $0x38;
	[tilespmem:$0x9000] =	vst v63  }
0x18: {  	_ =	swait.ge [sflag:s9], $0x4000  }
0x19: {  	[sflag:s9] =	ssyncset.done $0x0  }
0x1a: {  	s17 =	simm.s32 $0x100;
	[sflag:s9] =	ssyncadd.s32 $0xFFFFC000  }
0x1b: {  	[tilespmem:s11], [sflag:$0x1] =	stream.indirect.gather [hbm4b:s3+s10], $0x80, s17, s10, $0xb8;
	[tilespmem:$0x9000] =	vst v63  }
0x1c: {  	_ =	swait.ge [sflag:s14], $0x4000  }
0x1d: {  	[sflag:s14] =	ssyncset.done $0x0  }
0x1e: {  	s16 =	sadd.s32 $0x800, s16;
	[sflag:s14] =	ssyncadd.s32 $0xFFFFC000  }
0x1f: {  	[hbm4b:s16+s2] =	stream.linear.scatter [tilespmem:s12], [sflag:$0x3], $0x4000, $0x38;
	[tilespmem:$0x9000] =	vst v63  }
0x20: {  	_ =	swait.ge [sflag:s9], $0x4000  }
0x21: {  	s18 =	simm.s32 $0x280;
	[sflag:s9] =	ssyncset.done $0x0  }
0x22: {  	s17 =	simm.s32 $0x1000;
	s16 =	simm.s32 $0x180;
	[sflag:s9] =	ssyncadd.s32 $0xFFFFC000  }
.LBB2_2:
0x23: {  	[tilespmem:s12], [sflag:$0x2] =	stream.indirect.gather [hbm4b:s3+s10], $0x80, s16, s10, $0xb8;
	[tilespmem:$0x9000] =	vst v63  }
0x24: {  	s19 =	smov.u32 s17;
	s16 =	smov.u32 s18  }
0x25: {  	p0 =	sne.s32 s17, $0xE000;
	s17 =	sadd.s32 $0x1000, s17;
	_ =	swait.ge [sflag:s13], $0x4000  }
0x26: {  	[sflag:s13] =	ssyncset.done $0x0  }
0x27: {  	s19 =	sadd.s32 s19, s8;
	[sflag:s13] =	ssyncadd.s32 $0xFFFFC000  }
0x28: {  	[hbm4b:s19+s2] =	stream.linear.scatter [tilespmem:s11], [sflag:$0x3], $0x4000, $0x38;
	[tilespmem:$0x9000] =	vst v63  }
0x29: {  	_ =	swait.ge [sflag:s9], $0x4000  }
0x2a: {  	[sflag:s9] =	ssyncset.done $0x0  }
0x2b: {  	s20 =	sadd.s32 $0xFFFFFF80, s18;
	[sflag:s9] =	ssyncadd.s32 $0xFFFFC000  }
0x2c: {  	[tilespmem:s11], [sflag:$0x1] =	stream.indirect.gather [hbm4b:s3+s10], $0x80, s20, s10, $0xb8;
	[tilespmem:$0x9000] =	vst v63  }
0x2d: {  	_ =	swait.ge [sflag:s14], $0x4000  }
0x2e: {  	[sflag:s14] =	ssyncset.done $0x0  }
.Ltmp0:
0x2f: {  	s19 =	sadd.s32 $0x800, s19;
	[sflag:s14] =	ssyncadd.s32 $0xFFFFC000;
	(pc) =	sbr.rel @p0 .LBB2_2-.Ltmp0, $4  }
0x30: {  	[hbm4b:s19+s2] =	stream.linear.scatter [tilespmem:s12], [sflag:$0x3], $0x4000, $0x38;
	[tilespmem:$0x9000] =	vst v63  }
0x31: {  	_ =	swait.ge [sflag:s9], $0x4000  }
0x32: {  	[sflag:s9] =	ssyncset.done $0x0  }
0x33: {  	s18 =	sadd.s32 $0x100, s18;
	[sflag:s9] =	ssyncadd.s32 $0xFFFFC000  }
0x34: {  	[tilespmem:s12], [sflag:$0x2] =	stream.indirect.gather [hbm4b:s3+s10], $0x80, s16, s10, $0xb8;
	[tilespmem:$0x9000] =	vst v63  }
0x35: {  	_ =	swait.ge [sflag:s13], $0x4000  }
0x36: {  	[sflag:s13] =	ssyncset.done $0x0  }
0x37: {  	[sflag:s13] =	ssyncadd.s32 $0xFFFFC000  }
0x38: {  	[hbm4b:s6+s2] =	stream.linear.scatter [tilespmem:s11], [sflag:$0x3], $0x4000, $0x38;
	[tilespmem:$0x9000] =	vst v63  }
0x39: {  	_ =	swait.ge [sflag:s9], $0x4000  }
0x3a: {  	[sflag:s9] =	ssyncset.done $0x0  }
0x3b: {  	[sflag:s9] =	ssyncadd.s32 $0xFFFFC000  }
0x3c: {  	s15 =	sadd.s32 $0x1, s15;
	_ =	swait.ge [sflag:s14], $0x4000  }
0x3d: {  	p0 =	sne.s32 s15, s5;
	[sflag:s14] =	ssyncset.done $0x0  }
.Ltmp1:
0x3e: {  	[sflag:s14] =	ssyncadd.s32 $0xFFFFC000;
	(pc) =	sbr.rel @p0 .LBB2_1-.Ltmp1, $4  }
0x3f: {  	[hbm4b:s7+s2] =	stream.linear.scatter [tilespmem:s12], [sflag:$0x3], $0x4000, $0x38;
	[tilespmem:$0x9000] =	vst v63  }
0x40: {  	_ =	swait.ge [sflag:s9], $0x4000  }
0x41: {  	[sflag:s9] =	ssyncset.done $0x0  }
0x42: {  	[sflag:s9] =	ssyncadd.s32 $0xFFFFC000  }
0x43: {  	_ =	sfence.sel $0x180000  }
0x44: {  	[bflag:$0x0] =	sbarrier.arrive $0xFFFF  }
0x45: {  	p0 =	sne.s32 s1, $0x0;
	_ =	strace $0x90000053  }
0x46: {  	s0 =	sadd.s32 @!p0 $0x100000, s0;
	[bflag:$0x2] =	sbarrier.arrive $0xFFFF  }
0x47: {  	[sflag:s0] =	ssyncadd.tile.s32 @!p0 $0x1;
	_ =	shalt  }
.Lfunc_end2:
_tile_overlayer_lowered:
.L_overlay_start_2:
0x48: {  	(tag) =	ssettag $0x2  }
0x49: {  	s0 =	rddreg [dreg:$0x0];
	s2 =	stileid.u32  }
0x4a: {  	s1 =	rddreg [dreg:$0x1];
	p0 =	sne.s32 s2, $0x0  }
0x4b: {  	s3 =	rddreg [dreg:$0x2];
	[bflag:$0x3] =	sbarrier.arrive $0xFFFF;
	s2 =	simm.s32 @!p0 $0x1C03  }
0x4c: {  	[timem:s3], [sflag:s2] =	dma.local @!p0 [hbm:s0], s1  }
0x4d: {  	s0 =	simm.s32 @!p0 $0x3  }
0x4e: {  	_ =	swait.ge @!p0 [sflag:s0], s1  }
0x4f: {  	s1 =	ssub.s32 @!p0 $0x0, s1;
	[sflag:s0] =	ssyncset.done @!p0 $0x0  }
0x50: {  	[sflag:s0] =	ssyncadd.s32 @!p0 s1  }
0x51: {  	[bflag:$0x3] =	sbarrier.arrive $0xFFFF  }
0x52: {  	_ =	shalt  }

// kernel: kernel.40.cloned.1.call-start
scs
__scs_entry_jumppad:
0x0: {  	(pc) =	sbr.rel $0x88, $3  }
0x1: {  	(tag) =	ssettag $0x0;
	lr =	simm.s32 $0x1  }
0x2: {  	[smem:$0x3F0F] =	sst lr;
	_ =	strace $0xD0000000  }
0x3: {  	_ = 	snop  }
0x4: {  	_ = 	snop  }
0x5: {  	_ = 	snop  }
0x6: {  	_ = 	snop  }
0x7: {  	_ = 	snop  }
__scs_overlays_trampoline_lowered:
0x8: {  	[smem:$0x3F1E] =	sst s0  }
0x9: {  	[smem:$0x3F1F] =	sst s1  }
0xa: {  	[smem:$0x3F20] =	sst s2  }
0xb: {  	[smem:$0x3F21] =	sst s3  }
0xc: {  	[smem:$0x3F22] =	sst s4  }
0xd: {  	[smem:$0x3F23] =	sst s5  }
0xe: {  	[smem:$0x3F24] =	sst s6  }
0xf: {  	[smem:$0x3F25] =	sst s7  }
0x10: {  	[smem:$0x3F26] =	sst s8  }
0x11: {  	[smem:$0x3F27] =	sst s9;
	s0 =	simm.s32 @!p0 $0x0  }
0x12: {  	s1 =	sld [smem:$0x3F0D];
	s0 =	simm.s32 @p0 $0x1  }
0x13: {  	[smem:$0x3F28] =	sst s0;
	s0 =	simm.s32 @!p1 $0x0  }
0x14: {  	s2 =	sld [smem:$0x3F0C];
	s0 =	simm.s32 @p1 $0x1  }
0x15: {  	[smem:$0x3F29] =	sst s0;
	s0 =	simm.s32 @!p2 $0x0  }
0x16: {  	s3 =	sld [smem:$0x3FDB];
	s0 =	simm.s32 @p2 $0x1  }
0x17: {  	s4 =	simm.s32 $0x1BF5;
	[smem:$0x3F2B] =	sst s0  }
0x18: {  	s0 =	sld [smem:$0x3F0E];
	_ =	swait.ge [sflag:s4], $0x0  }
0x19: {  	s7 =	sld [smem:$0x3F0F]  }
0x1a: {  	s8 =	sadd.s32 $0xFFFFE003, lr  }
0x1b: {  	s9 =	sadd.s32 $0xFFFFFEF7, lr;
	s5 =	simm.s32 $0xFFFFFFFF;
	p2 =	slt.u32 s8, $0xFFFFF086  }
0x1c: {  	p1 =	slt.u32 s9, $0xF7A;
	s5 =	simm.s32 @!p2 $0x0  }
0x1d: {  	s5 =	simm.s32 @p1 $0x1;
	p0 =	seq.s32 s7, s2  }
0x1e: {  	s7 =	smul.u32 @!p0 $0xF7A, s2;
	p2 =	seq.s32 @!p0 s5, $0x0  }
0x1f: {  	s9 =	smul.u32 $0xF7A, s1;
	s8 =	simm.s32 @!p0 $0x1BF5;
	p2 =	por !p2, p0  }
0x20: {  	[sflag:s8] =	ssyncset.s32 @!p0 $0xFFFFF086;
	s6 =	sadd.s32 @!p0 s3, s7;
	s7 =	simm.s32 @!p0 $0x108  }
0x21: {  	s3 =	sadd.s32 s3, s9;
	s6 =	sadd.s32 @!p0 $0x88, s6;
	s7 =	simm.s32 @p2 $0x1082  }
0x22: {  	[simem:s7], [sflag:s8] =	dma.local @!p0 [hbm:s6], $0xF7A  }
0x23: {  	s9 =	sor.u32 $0xD0000000, s2;
	s6 =	simm.s32 $0x108;
	_ =	swait.ge @!p0 [sflag:s8], $0x0  }
0x24: {  	s3 =	sadd.s32 $0x88, s3;
	s6 =	simm.s32 @!p1 $0x1082;
	[sflag:s4] =	ssyncset.s32 $0xFFFFF086  }
0x25: {  	[simem:s6], [sflag:s4] =	dma.local [hbm:s3], $0xF7A  }
0x26: {  	[smem:$0x3F0F] =	sst s1;
	(tag) =	ssettag s2;
	_ =	strace s9  }
0x27: {  	s1 =	sld [smem:$0x3F1F]  }
0x28: {  	s2 =	sld [smem:$0x3F20]  }
0x29: {  	s4 =	sld [smem:$0x3F22]  }
0x2a: {  	p0 =	seq.s32 s5, $0x0;
	s5 =	sld [smem:$0x3F23]  }
0x2b: {  	s6 =	sld [smem:$0x3F24]  }
0x2c: {  	s7 =	sld [smem:$0x3F25]  }
0x2d: {  	s3 =	simm.s32 $0x108;
	s8 =	sld [smem:$0x3F26]  }
0x2e: {  	s3 =	simm.s32 @!p0 $0x1082;
	s9 =	sld [smem:$0x3F27]  }
0x2f: {  	lr =	sadd.s32 s0, s3;
	s0 =	sld [smem:$0x3F1E]  }
0x30: {  	s3 =	sld [smem:$0x3F21]  }
0x31: {  	[smem:$0x3F2A] =	sst s10  }
0x32: {  	s10 =	sld [smem:$0x3F28];
	_ =	sdelay $0x3  }
0x33: {  	p0 =	seq.s32 s10, $0x1;
	s10 =	sld [smem:$0x3F2A];
	_ =	sdelay $0x3  }
0x34: {  	[smem:$0x3F2A] =	sst s10  }
0x35: {  	s10 =	sld [smem:$0x3F29];
	_ =	sdelay $0x3  }
0x36: {  	p1 =	seq.s32 s10, $0x1;
	s10 =	sld [smem:$0x3F2A];
	_ =	sdelay $0x3  }
0x37: {  	[smem:$0x3F2A] =	sst s10  }
0x38: {  	s10 =	sld [smem:$0x3F2B]  }
0x39: {  	_ = 	snop;
	(pc) =	sbr.ind lr, $3  }
0x3a: {  	_ = 	snop  }
0x3b: {  	_ = 	snop  }
0x3c: {  	p2 =	seq.s32 s10, $0x1;
	s10 =	sld [smem:$0x3F2A]  }
0x3d: {  	_ =	shalt  }
0x3e: {  	_ =	shalt  }
0x3f: {  	_ =	shalt  }
0x40: {  	_ =	shalt  }
0x41: {  	_ =	shalt  }
0x42: {  	_ =	shalt  }
0x43: {  	_ =	shalt  }
0x44: {  	_ =	shalt  }
0x45: {  	_ =	shalt  }
0x46: {  	_ =	shalt  }
0x47: {  	_ =	shalt  }
0x48: {  	_ =	shalt  }
0x49: {  	_ =	shalt  }
0x4a: {  	_ =	shalt  }
0x4b: {  	_ =	shalt  }
0x4c: {  	_ =	shalt  }
0x4d: {  	_ =	shalt  }
0x4e: {  	_ =	shalt  }
0x4f: {  	_ =	shalt  }
0x50: {  	_ =	shalt  }
0x51: {  	_ =	shalt  }
0x52: {  	_ =	shalt  }
0x53: {  	_ =	shalt  }
0x54: {  	_ =	shalt  }
0x55: {  	_ =	shalt  }
0x56: {  	_ =	shalt  }
0x57: {  	_ =	shalt  }
0x58: {  	_ =	shalt  }
0x59: {  	_ =	shalt  }
0x5a: {  	_ =	shalt  }
0x5b: {  	_ =	shalt  }
0x5c: {  	_ =	shalt  }
0x5d: {  	_ =	shalt  }
0x5e: {  	_ =	shalt  }
0x5f: {  	_ =	shalt  }
0x60: {  	_ =	shalt  }
0x61: {  	_ =	shalt  }
0x62: {  	_ =	shalt  }
0x63: {  	_ =	shalt  }
0x64: {  	_ =	shalt  }
0x65: {  	_ =	shalt  }
0x66: {  	_ =	shalt  }
0x67: {  	_ =	shalt  }
0x68: {  	_ =	shalt  }
0x69: {  	_ =	shalt  }
0x6a: {  	_ =	shalt  }
0x6b: {  	_ =	shalt  }
0x6c: {  	_ =	shalt  }
0x6d: {  	_ =	shalt  }
0x6e: {  	_ =	shalt  }
0x6f: {  	_ =	shalt  }
0x70: {  	_ =	shalt  }
0x71: {  	_ =	shalt  }
0x72: {  	_ =	shalt  }
0x73: {  	_ =	shalt  }
0x74: {  	_ =	shalt  }
0x75: {  	_ =	shalt  }
0x76: {  	_ =	shalt  }
0x77: {  	_ =	shalt  }
0x78: {  	_ =	shalt  }
0x79: {  	_ =	shalt  }
0x7a: {  	_ =	shalt  }
0x7b: {  	_ =	shalt  }
0x7c: {  	_ =	shalt  }
0x7d: {  	_ =	shalt  }
0x7e: {  	_ =	shalt  }
0x7f: {  	_ =	shalt  }
0x80: {  	_ =	shalt  }
0x81: {  	_ =	shalt  }
0x82: {  	_ =	shalt  }
0x83: {  	_ =	shalt  }
0x84: {  	_ =	shalt  }
0x85: {  	_ =	shalt  }
0x86: {  	_ =	shalt  }
0x87: {  	_ =	shalt  }
.Lfunc_end0:
.L_simem_size_0:
called_computation.7_lowered:
.L_overlay_start_0:
0x88: {  	s2 =	sld [smem:$0x3FD9]  }
0x89: {  	s3 =	sld [smem:$0x3FFE];
	_ =	sdelay $0x1  }
0x8a: {  	s1 =	srdreg.scid  }
0x8b: {  	s0 =	sand.u32 $0x1, s1  }
0x8c: {  	s17 =	sshll.u32 s0, $0xA;
	s2 =	sadd.s32 s3, s2  }
0x8d: {  	s2 =	sadd.s32 s2, s17  }
0x8e: {  	[smem:$0x3F36] =	sst s2  }
0x8f: {  	_ = 	snop  }
0x90: {  	s18 =	sld [smem:$0x3FD0];
	(tm) =	ssettm $0x1  }
0x91: {  	s19 =	sld [smem:$0x3FFB];
	_ =	sdelay $0x3  }
0x92: {  	_ =	strace s19  }
0x93: {  	s2 =	sld [smem:$0x3FFC];
	_ =	sdelay $0x3  }
0x94: {  	_ =	strace s2  }
0x95: {  	s2 =	sld [smem:$0x3FFD];
	_ =	sdelay $0x3  }
0x96: {  	_ =	strace s2  }
0x97: {  	_ =	strace $0x8FFFFFFF  }
0x98: {  	s20 =	sld [smem:$0x3FDB];
	_ =	sdelay $0x1  }
0x99: {  	s4 =	simm.s32 $_scs_section_size  }
0x9a: {  	s5 =	simm.s32 $_size__tile_overlayer_lowered;
	s6 =	simm.s32 $_tile_overlayer_lowered  }
0x9b: {  	s7 =	simm.s32 $0x1BFF;
	s21 =	sshll.u32 s6, $0x1;
	s4 =	sadd.s32 s4, s20  }
0x9c: {  	s22 =	simm.s32 $0x0;
	s5 =	sshll.u32 s5, $0x1;
	s6 =	sadd.s32 s21, s4  }
0x9d: {  	[timem:s22], [sflag:s7] =	dma.local [hbm:s6], s5  }
0x9e: {  	_ =	swait.ge [sflag:s7], s5  }
0x9f: {  	s5 =	ssub.s32 $0x0, s5;
	[sflag:s7] =	ssyncset.done $0x0  }
0xa0: {  	[sflag:s7] =	ssyncadd.s32 s5;
	_ =	sdelay $0x1  }
0xa1: {  	s23 =	simm.s32 $0x1B8B  }
0xa2: {  	_ =	swait.ge [sflag:s23], $0x1  }
0xa3: {  	[sflag:s23] =	ssyncset.done $0x0  }
0xa4: {  	[sflag:s23] =	ssyncadd.s32 $0xFFFFFFFF  }
0xa5: {  	s5 =	sld [smem:$0x0]  }
0xa6: {  	s6 =	sand.u32 $0xFFFFFFFE, s1  }
0xa7: {  	p0 =	sne.s32 s1, s6  }
0xa8: {  	s6 =	sshll.u32 @p0 s6, $0xE  }
0xa9: {  	s6 =	sadd.s32 @p0 $0x11B8D, s6;
	s7 =	sshll.u32 @p0 s5, $0x11  }
0xaa: {  	s6 =	sor.u32 @p0 s7, s6  }
0xab: {  	[sflag:s6] =	ssyncadd.remote.s32 @p0 $0x1;
	_ =	sdelay $0x1  }
0xac: {  	s6 =	simm.s32 @p0 $0x1B8D  }
0xad: {  	_ =	swait.eq @p0 [sflag:s6], $0x1  }
0xae: {  	[sflag:s6] =	ssyncadd.s32 @p0 $0xFFFFFFFF  }
0xaf: {  	s7 =	sshll.u32 @!p0 s1, $0xE  }
0xb0: {  	s7 =	sor.u32 @!p0 $0x4000, s7;
	s6 =	simm.s32 @!p0 $0x1B8D  }
0xb1: {  	s5 =	sshll.u32 @!p0 s5, $0x11;
	s7 =	sadd.s32 @!p0 $0x11B8D, s7;
	_ =	swait.eq @!p0 [sflag:s6], $0x1  }
0xb2: {  	s5 =	sor.u32 @!p0 s5, s7;
	[sflag:s6] =	ssyncadd.s32 @!p0 $0xFFFFFFFF  }
0xb3: {  	s25 =	simm.s32 $0x1B8E;
	s24 =	sld [smem:$0x3FFE];
	[sflag:s5] =	ssyncadd.remote.s32 @!p0 $0x1  }
0xb4: {  	s26 =	simm.s32 $execute0_lowered;
	[smem:$0x3FD2] =	sst s25  }
0xb5: {  	s6 =	sshll.u32 s26, $0x1;
	_ =	strace $0x80000058;
	[dreg:$0x1] =	wrdreg $0xFFFFFFFF  }
0xb6: {  	s28 =	simm.s32 $_size_execute0_lowered;
	s4 =	sadd.s32 s4, s6;
	[dreg:$0x0] =	wrdreg $0x0  }
0xb7: {  	s6 =	sshll.u32 s28, $0x1;
	[dreg:$0x2] =	wrdreg s4  }
0xb8: {  	[dreg:$0x3] =	wrdreg s6  }
0xb9: {  	[dreg:$0x4] =	wrdreg $0xC0  }
0xba: {  	_ =	task [dreg:s22], $0x5FFFF  }
0xbb: {  	[dreg:$0x1] =	wrdreg $0xFFFFFFFF  }
0xbc: {  	[dreg:$0x0] =	wrdreg $0x60  }
0xbd: {  	[dreg:$0x2] =	wrdreg s24  }
0xbe: {  	[dreg:$0x3] =	wrdreg s18  }
0xbf: {  	[dreg:$0x4] =	wrdreg $0xA  }
0xc0: {  	_ =	task.clear_ibuf [dreg:s22], $0x5FFFF;
	_ =	strace $0x90000058  }
0xc1: {  	s29 =	simm.s32 $0xA;
	_ =	strace $0x8000005A  }
0xc2: {  	_ =	swait.ge [sflag:s29], $0x1  }
0xc3: {  	[sflag:s29] =	ssyncadd.s32 $0xFFFFFFFF  }
0xc4: {  	_ =	strace $0x9000005A  }
0xc5: {  	_ =	sfence  }
0xc6: {  	s30 =	sld [smem:$0x0];
	_ =	sdelay $0x2  }
0xc7: {  	s31 =	sshll.u32 s1, $0xD;
	s1 =	sshrl.u32 s1, $0x2  }
0xc8: {  	s4 =	sand.u32 $0x4000, s31;
	s1 =	sadd.s32 s1, s30  }
0xc9: {  	s0 =	sor.u32 s4, s0;
	s1 =	sshll.u32 s1, $0x11  }
0xca: {  	s0 =	sor.u32 s1, s0  }
0xcb: {  	s0 =	sadd.s32 $0x8F2B, s0  }
0xcc: {  	[sflag:s0] =	ssyncadd.remote.s32 $0x1  }
0xcd: {  	_ =	sfence.sel $0xFFFF  }
0xce: {  	[dreg:$0x0] =	wrdreg $0xFFFFFFFF;
	(pc) =	sbr.abs _section_cstart, $3  }
0xcf: {  	[dreg:$0x1] =	wrdreg $0xFFFFFFFF  }
0xd0: {  	_ =	task.clear_ibuf [dreg:s22], $0x2FFFF;
	_ =	strace $0x9FFFFFFF  }
0xd1: {  	(tm) =	ssettm $0x7FFFFFFF  }
tec
execute0_lowered:
.L_overlay_start_1:
0x0: {  	(tag) =	ssettag $0x1  }
0x1: {  	s4 =	rddreg [dreg:$0x0]  }
0x2: {  	s5 =	rddreg [dreg:$0x1]  }
0x3: {  	s0 =	rddreg [dreg:$0x2];
	s2 =	simm.s32 $0x0  }
0x4: {  	s3 =	srdreg.scid;
	s1 =	stileid.u32;
	s11 =	simm.s32 $0x1000  }
0x5: {  	s12 =	simm.s32 $0x5000;
	s13 =	simm.s32 $0x1;
	s14 =	simm.s32 $0x2  }
0x6: {  	s15 =	simm.s32 $0x0;
	[smem:$0x7FF] =	sst s2;
	s7 =	sand.u32 $0x1, s3  }
0x7: {  	s6 =	sshll.u32 s1, $0x1;
	s3 =	sadd.s32 $0x256800, s4;
	s9 =	sadd.s32 $0x276800, s4  }
0x8: {  	s30 =	sshll.u32 s1, $0x11;
	_ =	strace $0x80000059;
	s8 =	ssub.s32 $0x2, s7  }
0x9: {  	s6 =	sor.u32 s7, s6;
	s31 =	sshll.u32 s7, $0x10;
	s28 =	sshrl.u32 s8, $0x1  }
0xa: {  	s10 =	sshll.u32 s6, $0x9;
	s6 =	sshll.u32 s6, $0x10;
	s8 =	ssub.s32 s8, s28  }
0xb: {  	s4 =	sadd.s32 s5, s10;
	s29 =	sadd.s32 s9, s6;
	s10 =	simm.s32 $0x80  }
0xc: {  	s5 =	smax.u32 s8, $0x1;
	s6 =	sadd.s32 $0xF000, s29;
	s8 =	sadd.s32 s30, s9  }
0xd: {  	s7 =	sadd.s32 $0xF800, s29;
	s9 =	simm.s32 $0x3;
	s8 =	sadd.s32 s31, s8  }
.LBB2_1:
0xe: {  	[tilespmem:s2], [sflag:$0x3] =	stream.linear.gather [hbm4b:s4+s2], $0x1000, $0x38;
	[tilespmem:$0x9000] =	vst v63  }
0xf: {  	_ =	swait.ge [sflag:s9], $0x1000  }
0x10: {  	[sflag:s9] =	ssyncset.done $0x0  }
0x11: {  	[sflag:s9] =	ssyncadd.s32 $0xFFFFF000  }
0x12: {  	[tilespmem:s11], [sflag:$0x1] =	stream.indirect.gather [hbm4b:s3+s10], $0x80, s2, s10, $0xb8;
	[tilespmem:$0x9000] =	vst v63  }
0x13: {  	_ = 	snop  }
0x14: {  	[tilespmem:s12], [sflag:$0x2] =	stream.indirect.gather [hbm4b:s3+s10], $0x80, s10, s10, $0xb8;
	[tilespmem:$0x9000] =	vst v63  }
0x15: {  	_ =	swait.ge [sflag:s13], $0x4000  }
0x16: {  	[sflag:s13] =	ssyncset.done $0x0  }
0x17: {  	s16 =	sadd.s32 $0x0, s8;
	[sflag:s13] =	ssyncadd.s32 $0xFFFFC000  }
0x18: {  	[hbm4b:s16+s2] =	stream.linear.scatter [tilespmem:s11], [sflag:$0x3], $0x4000, $0x38;
	[tilespmem:$0x9000] =	vst v63  }
0x19: {  	_ =	swait.ge [sflag:s9], $0x4000  }
0x1a: {  	[sflag:s9] =	ssyncset.done $0x0  }
0x1b: {  	s17 =	simm.s32 $0x100;
	[sflag:s9] =	ssyncadd.s32 $0xFFFFC000  }
0x1c: {  	[tilespmem:s11], [sflag:$0x1] =	stream.indirect.gather [hbm4b:s3+s10], $0x80, s17, s10, $0xb8;
	[tilespmem:$0x9000] =	vst v63  }
0x1d: {  	_ =	swait.ge [sflag:s14], $0x4000  }
0x1e: {  	[sflag:s14] =	ssyncset.done $0x0  }
0x1f: {  	s16 =	sadd.s32 $0x800, s16;
	[sflag:s14] =	ssyncadd.s32 $0xFFFFC000  }
0x20: {  	[hbm4b:s16+s2] =	stream.linear.scatter [tilespmem:s12], [sflag:$0x3], $0x4000, $0x38;
	[tilespmem:$0x9000] =	vst v63  }
0x21: {  	_ =	swait.ge [sflag:s9], $0x4000  }
0x22: {  	s18 =	simm.s32 $0x280;
	[sflag:s9] =	ssyncset.done $0x0  }
0x23: {  	s17 =	simm.s32 $0x1000;
	s16 =	simm.s32 $0x180;
	[sflag:s9] =	ssyncadd.s32 $0xFFFFC000  }
.LBB2_2:
0x24: {  	[tilespmem:s12], [sflag:$0x2] =	stream.indirect.gather [hbm4b:s3+s10], $0x80, s16, s10, $0xb8;
	[tilespmem:$0x9000] =	vst v63  }
0x25: {  	s19 =	smov.u32 s17;
	s16 =	smov.u32 s18  }
0x26: {  	p0 =	sne.s32 s17, $0xE000;
	s17 =	sadd.s32 $0x1000, s17;
	_ =	swait.ge [sflag:s13], $0x4000  }
0x27: {  	[sflag:s13] =	ssyncset.done $0x0  }
0x28: {  	s19 =	sadd.s32 s19, s8;
	[sflag:s13] =	ssyncadd.s32 $0xFFFFC000  }
0x29: {  	[hbm4b:s19+s2] =	stream.linear.scatter [tilespmem:s11], [sflag:$0x3], $0x4000, $0x38;
	[tilespmem:$0x9000] =	vst v63  }
0x2a: {  	_ =	swait.ge [sflag:s9], $0x4000  }
0x2b: {  	[sflag:s9] =	ssyncset.done $0x0  }
0x2c: {  	s20 =	sadd.s32 $0xFFFFFF80, s18;
	[sflag:s9] =	ssyncadd.s32 $0xFFFFC000  }
0x2d: {  	[tilespmem:s11], [sflag:$0x1] =	stream.indirect.gather [hbm4b:s3+s10], $0x80, s20, s10, $0xb8;
	[tilespmem:$0x9000] =	vst v63  }
0x2e: {  	_ =	swait.ge [sflag:s14], $0x4000  }
0x2f: {  	[sflag:s14] =	ssyncset.done $0x0  }
.Ltmp0:
0x30: {  	s19 =	sadd.s32 $0x800, s19;
	[sflag:s14] =	ssyncadd.s32 $0xFFFFC000;
	(pc) =	sbr.rel @p0 .LBB2_2-.Ltmp0, $4  }
0x31: {  	[hbm4b:s19+s2] =	stream.linear.scatter [tilespmem:s12], [sflag:$0x3], $0x4000, $0x38;
	[tilespmem:$0x9000] =	vst v63  }
0x32: {  	_ =	swait.ge [sflag:s9], $0x4000  }
0x33: {  	[sflag:s9] =	ssyncset.done $0x0  }
0x34: {  	s18 =	sadd.s32 $0x100, s18;
	[sflag:s9] =	ssyncadd.s32 $0xFFFFC000  }
0x35: {  	[tilespmem:s12], [sflag:$0x2] =	stream.indirect.gather [hbm4b:s3+s10], $0x80, s16, s10, $0xb8;
	[tilespmem:$0x9000] =	vst v63  }
0x36: {  	_ =	swait.ge [sflag:s13], $0x4000  }
0x37: {  	[sflag:s13] =	ssyncset.done $0x0  }
0x38: {  	[sflag:s13] =	ssyncadd.s32 $0xFFFFC000  }
0x39: {  	[hbm4b:s6+s2] =	stream.linear.scatter [tilespmem:s11], [sflag:$0x3], $0x4000, $0x38;
	[tilespmem:$0x9000] =	vst v63  }
0x3a: {  	_ =	swait.ge [sflag:s9], $0x4000  }
0x3b: {  	[sflag:s9] =	ssyncset.done $0x0  }
0x3c: {  	[sflag:s9] =	ssyncadd.s32 $0xFFFFC000  }
0x3d: {  	s15 =	sadd.s32 $0x1, s15;
	_ =	swait.ge [sflag:s14], $0x4000  }
0x3e: {  	p0 =	sne.s32 s15, s5;
	[sflag:s14] =	ssyncset.done $0x0  }
.Ltmp1:
0x3f: {  	[sflag:s14] =	ssyncadd.s32 $0xFFFFC000;
	(pc) =	sbr.rel @p0 .LBB2_1-.Ltmp1, $4  }
0x40: {  	[hbm4b:s7+s2] =	stream.linear.scatter [tilespmem:s12], [sflag:$0x3], $0x4000, $0x38;
	[tilespmem:$0x9000] =	vst v63  }
0x41: {  	_ =	swait.ge [sflag:s9], $0x4000  }
0x42: {  	[sflag:s9] =	ssyncset.done $0x0  }
0x43: {  	[sflag:s9] =	ssyncadd.s32 $0xFFFFC000  }
0x44: {  	_ =	sfence.sel $0x180000  }
0x45: {  	[bflag:$0x0] =	sbarrier.arrive $0xFFFF  }
0x46: {  	p0 =	sne.s32 s1, $0x0;
	_ =	strace $0x90000059  }
0x47: {  	s0 =	sadd.s32 @!p0 $0x100000, s0;
	[bflag:$0x2] =	sbarrier.arrive $0xFFFF  }
0x48: {  	[sflag:s0] =	ssyncadd.tile.s32 @!p0 $0x1;
	_ =	shalt  }
.Lfunc_end2:
_tile_overlayer_lowered:
.L_overlay_start_2:
0x49: {  	(tag) =	ssettag $0x2  }
0x4a: {  	s0 =	rddreg [dreg:$0x0];
	s2 =	stileid.u32  }
0x4b: {  	s1 =	rddreg [dreg:$0x1];
	p0 =	sne.s32 s2, $0x0  }
0x4c: {  	s3 =	rddreg [dreg:$0x2];
	[bflag:$0x3] =	sbarrier.arrive $0xFFFF;
	s2 =	simm.s32 @!p0 $0x1C03  }
0x4d: {  	[timem:s3], [sflag:s2] =	dma.local @!p0 [hbm:s0], s1  }
0x4e: {  	s0 =	simm.s32 @!p0 $0x3  }
0x4f: {  	_ =	swait.ge @!p0 [sflag:s0], s1  }
0x50: {  	s1 =	ssub.s32 @!p0 $0x0, s1;
	[sflag:s0] =	ssyncset.done @!p0 $0x0  }
0x51: {  	[sflag:s0] =	ssyncadd.s32 @!p0 s1  }
0x52: {  	[bflag:$0x3] =	sbarrier.arrive $0xFFFF  }
0x53: {  	_ =	shalt  }

// kernel: kernel.43.cloned.1.call-start
scs
__scs_entry_jumppad:
0x0: {  	(pc) =	sbr.rel $0x88, $3  }
0x1: {  	(tag) =	ssettag $0x0;
	lr =	simm.s32 $0x1  }
0x2: {  	[smem:$0x3F0F] =	sst lr;
	_ =	strace $0xD0000000  }
0x3: {  	_ = 	snop  }
0x4: {  	_ = 	snop  }
0x5: {  	_ = 	snop  }
0x6: {  	_ = 	snop  }
0x7: {  	_ = 	snop  }
__scs_overlays_trampoline_lowered:
0x8: {  	[smem:$0x3F1E] =	sst s0  }
0x9: {  	[smem:$0x3F1F] =	sst s1  }
0xa: {  	[smem:$0x3F20] =	sst s2  }
0xb: {  	[smem:$0x3F21] =	sst s3  }
0xc: {  	[smem:$0x3F22] =	sst s4  }
0xd: {  	[smem:$0x3F23] =	sst s5  }
0xe: {  	[smem:$0x3F24] =	sst s6  }
0xf: {  	[smem:$0x3F25] =	sst s7  }
0x10: {  	[smem:$0x3F26] =	sst s8  }
0x11: {  	[smem:$0x3F27] =	sst s9;
	s0 =	simm.s32 @!p0 $0x0  }
0x12: {  	s1 =	sld [smem:$0x3F0D];
	s0 =	simm.s32 @p0 $0x1  }
0x13: {  	[smem:$0x3F28] =	sst s0;
	s0 =	simm.s32 @!p1 $0x0  }
0x14: {  	s2 =	sld [smem:$0x3F0C];
	s0 =	simm.s32 @p1 $0x1  }
0x15: {  	[smem:$0x3F29] =	sst s0;
	s0 =	simm.s32 @!p2 $0x0  }
0x16: {  	s3 =	sld [smem:$0x3FDB];
	s0 =	simm.s32 @p2 $0x1  }
0x17: {  	s4 =	simm.s32 $0x1BF5;
	[smem:$0x3F2B] =	sst s0  }
0x18: {  	s0 =	sld [smem:$0x3F0E];
	_ =	swait.ge [sflag:s4], $0x0  }
0x19: {  	s7 =	sld [smem:$0x3F0F]  }
0x1a: {  	s8 =	sadd.s32 $0xFFFFE003, lr  }
0x1b: {  	s9 =	sadd.s32 $0xFFFFFEF7, lr;
	s5 =	simm.s32 $0xFFFFFFFF;
	p2 =	slt.u32 s8, $0xFFFFF086  }
0x1c: {  	p1 =	slt.u32 s9, $0xF7A;
	s5 =	simm.s32 @!p2 $0x0  }
0x1d: {  	s5 =	simm.s32 @p1 $0x1;
	p0 =	seq.s32 s7, s2  }
0x1e: {  	s7 =	smul.u32 @!p0 $0xF7A, s2;
	p2 =	seq.s32 @!p0 s5, $0x0  }
0x1f: {  	s9 =	smul.u32 $0xF7A, s1;
	s8 =	simm.s32 @!p0 $0x1BF5;
	p2 =	por !p2, p0  }
0x20: {  	[sflag:s8] =	ssyncset.s32 @!p0 $0xFFFFF086;
	s6 =	sadd.s32 @!p0 s3, s7;
	s7 =	simm.s32 @!p0 $0x108  }
0x21: {  	s3 =	sadd.s32 s3, s9;
	s6 =	sadd.s32 @!p0 $0x88, s6;
	s7 =	simm.s32 @p2 $0x1082  }
0x22: {  	[simem:s7], [sflag:s8] =	dma.local @!p0 [hbm:s6], $0xF7A  }
0x23: {  	s9 =	sor.u32 $0xD0000000, s2;
	s6 =	simm.s32 $0x108;
	_ =	swait.ge @!p0 [sflag:s8], $0x0  }
0x24: {  	s3 =	sadd.s32 $0x88, s3;
	s6 =	simm.s32 @!p1 $0x1082;
	[sflag:s4] =	ssyncset.s32 $0xFFFFF086  }
0x25: {  	[simem:s6], [sflag:s4] =	dma.local [hbm:s3], $0xF7A  }
0x26: {  	[smem:$0x3F0F] =	sst s1;
	(tag) =	ssettag s2;
	_ =	strace s9  }
0x27: {  	s1 =	sld [smem:$0x3F1F]  }
0x28: {  	s2 =	sld [smem:$0x3F20]  }
0x29: {  	s4 =	sld [smem:$0x3F22]  }
0x2a: {  	p0 =	seq.s32 s5, $0x0;
	s5 =	sld [smem:$0x3F23]  }
0x2b: {  	s6 =	sld [smem:$0x3F24]  }
0x2c: {  	s7 =	sld [smem:$0x3F25]  }
0x2d: {  	s3 =	simm.s32 $0x108;
	s8 =	sld [smem:$0x3F26]  }
0x2e: {  	s3 =	simm.s32 @!p0 $0x1082;
	s9 =	sld [smem:$0x3F27]  }
0x2f: {  	lr =	sadd.s32 s0, s3;
	s0 =	sld [smem:$0x3F1E]  }
0x30: {  	s3 =	sld [smem:$0x3F21]  }
0x31: {  	[smem:$0x3F2A] =	sst s10  }
0x32: {  	s10 =	sld [smem:$0x3F28];
	_ =	sdelay $0x3  }
0x33: {  	p0 =	seq.s32 s10, $0x1;
	s10 =	sld [smem:$0x3F2A];
	_ =	sdelay $0x3  }
0x34: {  	[smem:$0x3F2A] =	sst s10  }
0x35: {  	s10 =	sld [smem:$0x3F29];
	_ =	sdelay $0x3  }
0x36: {  	p1 =	seq.s32 s10, $0x1;
	s10 =	sld [smem:$0x3F2A];
	_ =	sdelay $0x3  }
0x37: {  	[smem:$0x3F2A] =	sst s10  }
0x38: {  	s10 =	sld [smem:$0x3F2B]  }
0x39: {  	_ = 	snop;
	(pc) =	sbr.ind lr, $3  }
0x3a: {  	_ = 	snop  }
0x3b: {  	_ = 	snop  }
0x3c: {  	p2 =	seq.s32 s10, $0x1;
	s10 =	sld [smem:$0x3F2A]  }
0x3d: {  	_ =	shalt  }
0x3e: {  	_ =	shalt  }
0x3f: {  	_ =	shalt  }
0x40: {  	_ =	shalt  }
0x41: {  	_ =	shalt  }
0x42: {  	_ =	shalt  }
0x43: {  	_ =	shalt  }
0x44: {  	_ =	shalt  }
0x45: {  	_ =	shalt  }
0x46: {  	_ =	shalt  }
0x47: {  	_ =	shalt  }
0x48: {  	_ =	shalt  }
0x49: {  	_ =	shalt  }
0x4a: {  	_ =	shalt  }
0x4b: {  	_ =	shalt  }
0x4c: {  	_ =	shalt  }
0x4d: {  	_ =	shalt  }
0x4e: {  	_ =	shalt  }
0x4f: {  	_ =	shalt  }
0x50: {  	_ =	shalt  }
0x51: {  	_ =	shalt  }
0x52: {  	_ =	shalt  }
0x53: {  	_ =	shalt  }
0x54: {  	_ =	shalt  }
0x55: {  	_ =	shalt  }
0x56: {  	_ =	shalt  }
0x57: {  	_ =	shalt  }
0x58: {  	_ =	shalt  }
0x59: {  	_ =	shalt  }
0x5a: {  	_ =	shalt  }
0x5b: {  	_ =	shalt  }
0x5c: {  	_ =	shalt  }
0x5d: {  	_ =	shalt  }
0x5e: {  	_ =	shalt  }
0x5f: {  	_ =	shalt  }
0x60: {  	_ =	shalt  }
0x61: {  	_ =	shalt  }
0x62: {  	_ =	shalt  }
0x63: {  	_ =	shalt  }
0x64: {  	_ =	shalt  }
0x65: {  	_ =	shalt  }
0x66: {  	_ =	shalt  }
0x67: {  	_ =	shalt  }
0x68: {  	_ =	shalt  }
0x69: {  	_ =	shalt  }
0x6a: {  	_ =	shalt  }
0x6b: {  	_ =	shalt  }
0x6c: {  	_ =	shalt  }
0x6d: {  	_ =	shalt  }
0x6e: {  	_ =	shalt  }
0x6f: {  	_ =	shalt  }
0x70: {  	_ =	shalt  }
0x71: {  	_ =	shalt  }
0x72: {  	_ =	shalt  }
0x73: {  	_ =	shalt  }
0x74: {  	_ =	shalt  }
0x75: {  	_ =	shalt  }
0x76: {  	_ =	shalt  }
0x77: {  	_ =	shalt  }
0x78: {  	_ =	shalt  }
0x79: {  	_ =	shalt  }
0x7a: {  	_ =	shalt  }
0x7b: {  	_ =	shalt  }
0x7c: {  	_ =	shalt  }
0x7d: {  	_ =	shalt  }
0x7e: {  	_ =	shalt  }
0x7f: {  	_ =	shalt  }
0x80: {  	_ =	shalt  }
0x81: {  	_ =	shalt  }
0x82: {  	_ =	shalt  }
0x83: {  	_ =	shalt  }
0x84: {  	_ =	shalt  }
0x85: {  	_ =	shalt  }
0x86: {  	_ =	shalt  }
0x87: {  	_ =	shalt  }
.Lfunc_end0:
.L_simem_size_0:
called_computation.8_lowered:
.L_overlay_start_0:
0x88: {  	s2 =	sld [smem:$0x3FD9]  }
0x89: {  	s3 =	sld [smem:$0x3FFE];
	_ =	sdelay $0x1  }
0x8a: {  	s1 =	srdreg.scid  }
0x8b: {  	s0 =	sand.u32 $0x1, s1  }
0x8c: {  	s17 =	sshll.u32 s0, $0xA;
	s2 =	sadd.s32 s3, s2  }
0x8d: {  	s2 =	sadd.s32 s2, s17  }
0x8e: {  	[smem:$0x3F36] =	sst s2  }
0x8f: {  	_ = 	snop  }
0x90: {  	(tm) =	ssettm $0x1  }
0x91: {  	s18 =	sld [smem:$0x3FFB];
	_ =	sdelay $0x3  }
0x92: {  	_ =	strace s18  }
0x93: {  	s2 =	sld [smem:$0x3FFC];
	_ =	sdelay $0x3  }
0x94: {  	_ =	strace s2  }
0x95: {  	s2 =	sld [smem:$0x3FFD];
	_ =	sdelay $0x3  }
0x96: {  	_ =	strace s2  }
0x97: {  	_ =	strace $0x8FFFFFFF  }
0x98: {  	s19 =	sld [smem:$0x3FDB];
	_ =	sdelay $0x1  }
0x99: {  	s20 =	simm.s32 $_scs_section_size  }
0x9a: {  	s4 =	simm.s32 $_size__tile_overlayer_lowered;
	s5 =	simm.s32 $_tile_overlayer_lowered  }
0x9b: {  	s6 =	simm.s32 $0x1BFF;
	s21 =	sshll.u32 s5, $0x1;
	s3 =	sadd.s32 s20, s19  }
0x9c: {  	s22 =	simm.s32 $0x0;
	s4 =	sshll.u32 s4, $0x1;
	s5 =	sadd.s32 s21, s3  }
0x9d: {  	[timem:s22], [sflag:s6] =	dma.local [hbm:s5], s4  }
0x9e: {  	_ =	swait.ge [sflag:s6], s4  }
0x9f: {  	s4 =	ssub.s32 $0x0, s4;
	[sflag:s6] =	ssyncset.done $0x0  }
0xa0: {  	[sflag:s6] =	ssyncadd.s32 s4;
	_ =	sdelay $0x1  }
0xa1: {  	s23 =	simm.s32 $0x1B8B  }
0xa2: {  	_ =	swait.ge [sflag:s23], $0x1  }
0xa3: {  	[sflag:s23] =	ssyncset.done $0x0  }
0xa4: {  	[sflag:s23] =	ssyncadd.s32 $0xFFFFFFFF  }
0xa5: {  	s4 =	sld [smem:$0x0]  }
0xa6: {  	s5 =	sand.u32 $0xFFFFFFFE, s1  }
0xa7: {  	p0 =	sne.s32 s1, s5  }
0xa8: {  	s5 =	sshll.u32 @p0 s5, $0xE  }
0xa9: {  	s5 =	sadd.s32 @p0 $0x11B8D, s5;
	s6 =	sshll.u32 @p0 s4, $0x11  }
0xaa: {  	s5 =	sor.u32 @p0 s6, s5  }
0xab: {  	[sflag:s5] =	ssyncadd.remote.s32 @p0 $0x1;
	_ =	sdelay $0x1  }
0xac: {  	s5 =	simm.s32 @p0 $0x1B8D  }
0xad: {  	_ =	swait.eq @p0 [sflag:s5], $0x1  }
0xae: {  	[sflag:s5] =	ssyncadd.s32 @p0 $0xFFFFFFFF  }
0xaf: {  	s6 =	sshll.u32 @!p0 s1, $0xE  }
0xb0: {  	s6 =	sor.u32 @!p0 $0x4000, s6;
	s5 =	simm.s32 @!p0 $0x1B8D  }
0xb1: {  	s4 =	sshll.u32 @!p0 s4, $0x11;
	s6 =	sadd.s32 @!p0 $0x11B8D, s6;
	_ =	swait.eq @!p0 [sflag:s5], $0x1  }
0xb2: {  	s4 =	sor.u32 @!p0 s4, s6;
	[sflag:s5] =	ssyncadd.s32 @!p0 $0xFFFFFFFF  }
0xb3: {  	s25 =	simm.s32 $0x1B8E;
	s24 =	sld [smem:$0x3FFE];
	[sflag:s4] =	ssyncadd.remote.s32 @!p0 $0x1  }
0xb4: {  	s26 =	simm.s32 $execute0_lowered;
	[smem:$0x3FD2] =	sst s25  }
0xb5: {  	s5 =	sshll.u32 s26, $0x1;
	_ =	strace $0x8000005E;
	[dreg:$0x1] =	wrdreg $0xFFFFFFFF  }
0xb6: {  	s28 =	simm.s32 $_size_execute0_lowered;
	s3 =	sadd.s32 s3, s5;
	[dreg:$0x0] =	wrdreg $0x0  }
0xb7: {  	s5 =	sshll.u32 s28, $0x1;
	[dreg:$0x2] =	wrdreg s3  }
0xb8: {  	[dreg:$0x3] =	wrdreg s5  }
0xb9: {  	[dreg:$0x4] =	wrdreg $0xC0  }
0xba: {  	_ =	task [dreg:s22], $0x5FFFF  }
0xbb: {  	[dreg:$0x1] =	wrdreg $0xFFFFFFFF  }
0xbc: {  	[dreg:$0x0] =	wrdreg $0x60  }
0xbd: {  	[dreg:$0x2] =	wrdreg s24  }
0xbe: {  	[dreg:$0x3] =	wrdreg $0xA  }
0xbf: {  	_ =	task.clear_ibuf [dreg:s22], $0x4FFFF;
	_ =	strace $0x9000005E  }
0xc0: {  	s29 =	simm.s32 $0xA;
	_ =	strace $0x80000060  }
0xc1: {  	_ =	swait.ge [sflag:s29], $0x1  }
0xc2: {  	[sflag:s29] =	ssyncadd.s32 $0xFFFFFFFF  }
0xc3: {  	_ =	strace $0x90000060  }
0xc4: {  	_ =	sfence  }
0xc5: {  	s30 =	sld [smem:$0x0];
	_ =	sdelay $0x2  }
0xc6: {  	s31 =	sshll.u32 s1, $0xD;
	s1 =	sshrl.u32 s1, $0x2  }
0xc7: {  	s4 =	sand.u32 $0x4000, s31;
	s1 =	sadd.s32 s1, s30  }
0xc8: {  	s0 =	sor.u32 s4, s0;
	s1 =	sshll.u32 s1, $0x11  }
0xc9: {  	s0 =	sor.u32 s1, s0  }
0xca: {  	s0 =	sadd.s32 $0x8F2B, s0  }
0xcb: {  	[sflag:s0] =	ssyncadd.remote.s32 $0x1  }
0xcc: {  	_ =	sfence.sel $0xFFFF  }
0xcd: {  	[dreg:$0x0] =	wrdreg $0xFFFFFFFF;
	(pc) =	sbr.abs _section_cstart, $3  }
0xce: {  	[dreg:$0x1] =	wrdreg $0xFFFFFFFF  }
0xcf: {  	_ =	task.clear_ibuf [dreg:s22], $0x2FFFF;
	_ =	strace $0x9FFFFFFF  }
0xd0: {  	(tm) =	ssettm $0x7FFFFFFF  }
0xd1: {  	_ =	shalt  }
tec
execute0_lowered:
.L_overlay_start_1:
0x0: {  	(tag) =	ssettag $0x1  }
0x1: {  	s4 =	rddreg [dreg:$0x0]  }
0x2: {  	s0 =	rddreg [dreg:$0x1];
	s2 =	simm.s32 $0x0;
	s3 =	srdreg.scid  }
0x3: {  	s1 =	stileid.u32;
	s11 =	simm.s32 $0x1000;
	s12 =	simm.s32 $0x5000  }
0x4: {  	s13 =	simm.s32 $0x1;
	s14 =	simm.s32 $0x2;
	s15 =	simm.s32 $0x0  }
0x5: {  	[smem:$0x7FF] =	sst s2;
	s7 =	sand.u32 $0x1, s3;
	s3 =	sadd.s32 $0x236800, s4  }
0x6: {  	s28 =	sshll.u32 s1, $0x1;
	s9 =	sadd.s32 $0x256800, s4;
	s30 =	sshll.u32 s1, $0x11  }
0x7: {  	_ =	strace $0x8000005F;
	s5 =	sor.u32 s7, s28;
	s8 =	ssub.s32 $0x2, s7  }
0x8: {  	s31 =	sshll.u32 s7, $0x10;
	s6 =	sshll.u32 s5, $0x9;
	s29 =	sshrl.u32 s8, $0x1  }
0x9: {  	s5 =	sshll.u32 s5, $0x10;
	s6 =	sadd.s32 s6, s4;
	s8 =	ssub.s32 s8, s29  }
0xa: {  	s10 =	sadd.s32 s9, s5;
	s4 =	sadd.s32 $0x32800, s6;
	s5 =	smax.u32 s8, $0x1  }
0xb: {  	s6 =	sadd.s32 $0xF000, s10;
	s8 =	sadd.s32 s30, s9;
	s7 =	sadd.s32 $0xF800, s10  }
0xc: {  	s9 =	simm.s32 $0x3;
	s10 =	simm.s32 $0x80;
	s8 =	sadd.s32 s31, s8  }
.LBB2_1:
0xd: {  	[tilespmem:s2], [sflag:$0x3] =	stream.linear.gather [hbm4b:s4+s2], $0x1000, $0x38;
	[tilespmem:$0x9000] =	vst v63  }
0xe: {  	_ =	swait.ge [sflag:s9], $0x1000  }
0xf: {  	[sflag:s9] =	ssyncset.done $0x0  }
0x10: {  	[sflag:s9] =	ssyncadd.s32 $0xFFFFF000  }
0x11: {  	[tilespmem:s11], [sflag:$0x1] =	stream.indirect.gather [hbm4b:s3+s10], $0x80, s2, s10, $0xb8;
	[tilespmem:$0x9000] =	vst v63  }
0x12: {  	_ = 	snop  }
0x13: {  	[tilespmem:s12], [sflag:$0x2] =	stream.indirect.gather [hbm4b:s3+s10], $0x80, s10, s10, $0xb8;
	[tilespmem:$0x9000] =	vst v63  }
0x14: {  	_ =	swait.ge [sflag:s13], $0x4000  }
0x15: {  	[sflag:s13] =	ssyncset.done $0x0  }
0x16: {  	s16 =	sadd.s32 $0x0, s8;
	[sflag:s13] =	ssyncadd.s32 $0xFFFFC000  }
0x17: {  	[hbm4b:s16+s2] =	stream.linear.scatter [tilespmem:s11], [sflag:$0x3], $0x4000, $0x38;
	[tilespmem:$0x9000] =	vst v63  }
0x18: {  	_ =	swait.ge [sflag:s9], $0x4000  }
0x19: {  	[sflag:s9] =	ssyncset.done $0x0  }
0x1a: {  	s17 =	simm.s32 $0x100;
	[sflag:s9] =	ssyncadd.s32 $0xFFFFC000  }
0x1b: {  	[tilespmem:s11], [sflag:$0x1] =	stream.indirect.gather [hbm4b:s3+s10], $0x80, s17, s10, $0xb8;
	[tilespmem:$0x9000] =	vst v63  }
0x1c: {  	_ =	swait.ge [sflag:s14], $0x4000  }
0x1d: {  	[sflag:s14] =	ssyncset.done $0x0  }
0x1e: {  	s16 =	sadd.s32 $0x800, s16;
	[sflag:s14] =	ssyncadd.s32 $0xFFFFC000  }
0x1f: {  	[hbm4b:s16+s2] =	stream.linear.scatter [tilespmem:s12], [sflag:$0x3], $0x4000, $0x38;
	[tilespmem:$0x9000] =	vst v63  }
0x20: {  	_ =	swait.ge [sflag:s9], $0x4000  }
0x21: {  	s18 =	simm.s32 $0x280;
	[sflag:s9] =	ssyncset.done $0x0  }
0x22: {  	s17 =	simm.s32 $0x1000;
	s16 =	simm.s32 $0x180;
	[sflag:s9] =	ssyncadd.s32 $0xFFFFC000  }
.LBB2_2:
0x23: {  	[tilespmem:s12], [sflag:$0x2] =	stream.indirect.gather [hbm4b:s3+s10], $0x80, s16, s10, $0xb8;
	[tilespmem:$0x9000] =	vst v63  }
0x24: {  	s19 =	smov.u32 s17;
	s16 =	smov.u32 s18  }
0x25: {  	p0 =	sne.s32 s17, $0xE000;
	s17 =	sadd.s32 $0x1000, s17;
	_ =	swait.ge [sflag:s13], $0x4000  }
0x26: {  	[sflag:s13] =	ssyncset.done $0x0  }
0x27: {  	s19 =	sadd.s32 s19, s8;
	[sflag:s13] =	ssyncadd.s32 $0xFFFFC000  }
0x28: {  	[hbm4b:s19+s2] =	stream.linear.scatter [tilespmem:s11], [sflag:$0x3], $0x4000, $0x38;
	[tilespmem:$0x9000] =	vst v63  }
0x29: {  	_ =	swait.ge [sflag:s9], $0x4000  }
0x2a: {  	[sflag:s9] =	ssyncset.done $0x0  }
0x2b: {  	s20 =	sadd.s32 $0xFFFFFF80, s18;
	[sflag:s9] =	ssyncadd.s32 $0xFFFFC000  }
0x2c: {  	[tilespmem:s11], [sflag:$0x1] =	stream.indirect.gather [hbm4b:s3+s10], $0x80, s20, s10, $0xb8;
	[tilespmem:$0x9000] =	vst v63  }
0x2d: {  	_ =	swait.ge [sflag:s14], $0x4000  }
0x2e: {  	[sflag:s14] =	ssyncset.done $0x0  }
.Ltmp0:
0x2f: {  	s19 =	sadd.s32 $0x800, s19;
	[sflag:s14] =	ssyncadd.s32 $0xFFFFC000;
	(pc) =	sbr.rel @p0 .LBB2_2-.Ltmp0, $4  }
0x30: {  	[hbm4b:s19+s2] =	stream.linear.scatter [tilespmem:s12], [sflag:$0x3], $0x4000, $0x38;
	[tilespmem:$0x9000] =	vst v63  }
0x31: {  	_ =	swait.ge [sflag:s9], $0x4000  }
0x32: {  	[sflag:s9] =	ssyncset.done $0x0  }
0x33: {  	s18 =	sadd.s32 $0x100, s18;
	[sflag:s9] =	ssyncadd.s32 $0xFFFFC000  }
0x34: {  	[tilespmem:s12], [sflag:$0x2] =	stream.indirect.gather [hbm4b:s3+s10], $0x80, s16, s10, $0xb8;
	[tilespmem:$0x9000] =	vst v63  }
0x35: {  	_ =	swait.ge [sflag:s13], $0x4000  }
0x36: {  	[sflag:s13] =	ssyncset.done $0x0  }
0x37: {  	[sflag:s13] =	ssyncadd.s32 $0xFFFFC000  }
0x38: {  	[hbm4b:s6+s2] =	stream.linear.scatter [tilespmem:s11], [sflag:$0x3], $0x4000, $0x38;
	[tilespmem:$0x9000] =	vst v63  }
0x39: {  	_ =	swait.ge [sflag:s9], $0x4000  }
0x3a: {  	[sflag:s9] =	ssyncset.done $0x0  }
0x3b: {  	[sflag:s9] =	ssyncadd.s32 $0xFFFFC000  }
0x3c: {  	s15 =	sadd.s32 $0x1, s15;
	_ =	swait.ge [sflag:s14], $0x4000  }
0x3d: {  	p0 =	sne.s32 s15, s5;
	[sflag:s14] =	ssyncset.done $0x0  }
.Ltmp1:
0x3e: {  	[sflag:s14] =	ssyncadd.s32 $0xFFFFC000;
	(pc) =	sbr.rel @p0 .LBB2_1-.Ltmp1, $4  }
0x3f: {  	[hbm4b:s7+s2] =	stream.linear.scatter [tilespmem:s12], [sflag:$0x3], $0x4000, $0x38;
	[tilespmem:$0x9000] =	vst v63  }
0x40: {  	_ =	swait.ge [sflag:s9], $0x4000  }
0x41: {  	[sflag:s9] =	ssyncset.done $0x0  }
0x42: {  	[sflag:s9] =	ssyncadd.s32 $0xFFFFC000  }
0x43: {  	_ =	sfence.sel $0x180000  }
0x44: {  	[bflag:$0x0] =	sbarrier.arrive $0xFFFF  }
0x45: {  	p0 =	sne.s32 s1, $0x0;
	_ =	strace $0x9000005F  }
0x46: {  	s0 =	sadd.s32 @!p0 $0x100000, s0;
	[bflag:$0x2] =	sbarrier.arrive $0xFFFF  }
0x47: {  	[sflag:s0] =	ssyncadd.tile.s32 @!p0 $0x1;
	_ =	shalt  }
.Lfunc_end2:
_tile_overlayer_lowered:
.L_overlay_start_2:
0x48: {  	(tag) =	ssettag $0x2  }
0x49: {  	s0 =	rddreg [dreg:$0x0];
	s2 =	stileid.u32  }
0x4a: {  	s1 =	rddreg [dreg:$0x1];
	p0 =	sne.s32 s2, $0x0  }
0x4b: {  	s3 =	rddreg [dreg:$0x2];
	[bflag:$0x3] =	sbarrier.arrive $0xFFFF;
	s2 =	simm.s32 @!p0 $0x1C03  }
0x4c: {  	[timem:s3], [sflag:s2] =	dma.local @!p0 [hbm:s0], s1  }
0x4d: {  	s0 =	simm.s32 @!p0 $0x3  }
0x4e: {  	_ =	swait.ge @!p0 [sflag:s0], s1  }
0x4f: {  	s1 =	ssub.s32 @!p0 $0x0, s1;
	[sflag:s0] =	ssyncset.done @!p0 $0x0  }
0x50: {  	[sflag:s0] =	ssyncadd.s32 @!p0 s1  }
0x51: {  	[bflag:$0x3] =	sbarrier.arrive $0xFFFF  }
0x52: {  	_ =	shalt  }

// kernel: sparse-core-data-format-call.cloned.1.call-start
scs
called_computation_lowered:
.L_overlay_start_0:
0x0: {  	s1 =	sld [smem:$0x3FD9]  }
0x1: {  	s2 =	sld [smem:$0x3FFE];
	_ =	sdelay $0x1  }
0x2: {  	s3 =	srdreg.scid  }
0x3: {  	s0 =	sand.u32 $0x1, s3  }
0x4: {  	s17 =	sshll.u32 s0, $0xA;
	s1 =	sadd.s32 s2, s1  }
0x5: {  	s1 =	sadd.s32 s1, s17  }
0x6: {  	[smem:$0x3F36] =	sst s1  }
0x7: {  	_ = 	snop  }
0x8: {  	(tm) =	ssettm $0x1  }
0x9: {  	s18 =	sld [smem:$0x3FFB];
	_ =	sdelay $0x3  }
0xa: {  	_ =	strace s18  }
0xb: {  	s1 =	sld [smem:$0x3FFC];
	_ =	sdelay $0x3  }
0xc: {  	_ =	strace s1  }
0xd: {  	s1 =	sld [smem:$0x3FFD];
	_ =	sdelay $0x3  }
0xe: {  	_ =	strace s1  }
0xf: {  	_ =	strace $0x8FFFFFFF  }
0x10: {  	s19 =	sld [smem:$0x3FDB];
	_ =	sdelay $0x1  }
0x11: {  	s20 =	simm.s32 $_scs_section_size  }
0x12: {  	s4 =	simm.s32 $_size__tile_overlayer_lowered;
	s5 =	simm.s32 $_tile_overlayer_lowered  }
0x13: {  	s23 =	simm.s32 $0x1BFF;
	s22 =	sshll.u32 s5, $0x1;
	s1 =	sadd.s32 s20, s19  }
0x14: {  	s6 =	simm.s32 $0x0;
	s21 =	sshll.u32 s4, $0x1;
	s4 =	sadd.s32 s22, s1  }
0x15: {  	[timem:s6], [sflag:s23] =	dma.local [hbm:s4], s21  }
0x16: {  	_ =	swait.ge [sflag:s23], s21  }
0x17: {  	s2 =	ssub.s32 $0x0, s21;
	[sflag:s23] =	ssyncset.done $0x0  }
0x18: {  	[sflag:s23] =	ssyncadd.s32 s2;
	_ =	sdelay $0x1  }
0x19: {  	s24 =	simm.s32 $0x1B8B  }
0x1a: {  	_ =	swait.ge [sflag:s24], $0x1  }
0x1b: {  	[sflag:s24] =	ssyncset.done $0x0  }
0x1c: {  	s26 =	simm.s32 $0x1B8E;
	s25 =	sld [smem:$0x3FFE];
	[sflag:s24] =	ssyncadd.s32 $0xFFFFFFFF  }
0x1d: {  	s27 =	simm.s32 $execute0_lowered;
	[smem:$0x3FD2] =	sst s26  }
0x1e: {  	s4 =	sshll.u32 s27, $0x1;
	_ =	strace $0x80000046;
	[dreg:$0x1] =	wrdreg $0xFFFFFFFF  }
0x1f: {  	s28 =	simm.s32 $_size_execute0_lowered;
	s1 =	sadd.s32 s1, s4;
	[dreg:$0x0] =	wrdreg $0x0  }
0x20: {  	s4 =	sshll.u32 s28, $0x1;
	[dreg:$0x2] =	wrdreg s1  }
0x21: {  	[dreg:$0x3] =	wrdreg s4  }
0x22: {  	[dreg:$0x4] =	wrdreg $0xC0  }
0x23: {  	_ =	task [dreg:s6], $0x5FFFF  }
0x24: {  	[dreg:$0x1] =	wrdreg $0xFFFFFFFF  }
0x25: {  	[dreg:$0x0] =	wrdreg $0x60  }
0x26: {  	[dreg:$0x2] =	wrdreg s25  }
0x27: {  	[dreg:$0x3] =	wrdreg $0xA  }
0x28: {  	_ =	task.clear_ibuf [dreg:s6], $0x4FFFF;
	_ =	strace $0x90000046  }
0x29: {  	s29 =	simm.s32 $0xA;
	_ =	strace $0x80000048  }
0x2a: {  	_ =	swait.ge [sflag:s29], $0x1  }
0x2b: {  	[sflag:s29] =	ssyncadd.s32 $0xFFFFFFFF  }
0x2c: {  	_ =	strace $0x90000048  }
0x2d: {  	_ =	sfence  }
0x2e: {  	s30 =	sld [smem:$0x0];
	_ =	sdelay $0x2  }
0x2f: {  	s31 =	sshll.u32 s3, $0xD;
	s3 =	sshrl.u32 s3, $0x2  }
0x30: {  	s2 =	sand.u32 $0x4000, s31;
	s1 =	sadd.s32 s3, s30  }
0x31: {  	s0 =	sor.u32 s2, s0;
	s1 =	sshll.u32 s1, $0x11  }
0x32: {  	s0 =	sor.u32 s1, s0  }
0x33: {  	s0 =	sadd.s32 $0x8F2B, s0  }
0x34: {  	[sflag:s0] =	ssyncadd.remote.s32 $0x1  }
0x35: {  	_ =	sfence.sel $0xFFFF  }
0x36: {  	[dreg:$0x0] =	wrdreg $0xFFFFFFFF;
	(pc) =	sbr.abs _section_cstart, $3  }
0x37: {  	[dreg:$0x1] =	wrdreg $0xFFFFFFFF  }
0x38: {  	_ =	task.clear_ibuf [dreg:s6], $0x2FFFF;
	_ =	strace $0x9FFFFFFF  }
0x39: {  	(tm) =	ssettm $0x7FFFFFFF  }
tec
execute0_lowered:
.L_overlay_start_1:
0x0: {  	(tag) =	ssettag $0x1  }
0x1: {  	s0 =	stileid.u32  }
0x2: {  	s1 =	srdreg.scid;
	s5 =	rddreg [dreg:$0x0];
	s31 =	simm.s32 $0x2  }
0x3: {  	s16 =	simm.s32 $0x0;
	s2 =	sshll.u32 s0, $0x6;
	s1 =	sshll.u32 s1, $0xA  }
0x4: {  	s9 =	simm.s32 $0x8000;
	s14 =	simm.s32 $0x0;
	s1 =	sor.u32 s2, s1  }
0x5: {  	s15 =	simm.s32 $0x0;
	s10 =	simm.s32 $0x0;
	s1 =	sand.u32 $0x780, s1  }
0x6: {  	s13 =	simm.s32 $0x0;
	s2 =	sand.u32 $0x1, s0;
	s3 =	ssub.s32 $0x1000, s1  }
0x7: {  	s4 =	ssub.s32 $0x2, s2;
	s12 =	smov.u32 s2;
	s6 =	sand.u32 $0x780, s3  }
0x8: {  	s7 =	sshrl.u32 s4, $0x1;
	p0 =	sne.s32 s6, $0x0;
	s6 =	simm.s32 $0x1  }
0x9: {  	s4 =	sand.u32 $0x1, s4;
	s8 =	sshrl.u32 s3, $0xB;
	s6 =	simm.s32 @!p0 $0x0  }
.Ltmp0:
0xa: {  	s4 =	sadd.s32 s4, s7;
	s6 =	sadd.s32 s6, s8;
	(pc) =	sbr.rel .LBB1_1-.Ltmp0, $4  }
0xb: {  	s11 =	smov.u32 s1;
	s3 =	rddreg [dreg:$0x1];
	s7 =	smul.u32 s6, s4  }
0xc: {  	_ =	strace $0x80000047;
	p0 =	por $0x0, $0x0;
	s6 =	simm.s32 $0x1  }
0xd: {  	s4 =	sadd.s32 $0x12C00, s5;
	[sflag:s6] =	ssyncpa.u1 $0x0;
	s7 =	sshll.u32 s7, $0x3  }
0xe: {  	s5 =	sadd.s32 $0x112C00, s5;
	[sflag:s31] =	ssyncpa.u1 $0x0;
	s8 =	sor.u32 $0x1, s7  }
.LBB1_4:
0xf: {  	v5 =	vld [tilespmem:s19+$0xFFFFFFD0]  }
0x10: {  	[tilespmem:s20+$0x2040 ss:$0x81] =	vst.msk $0xffff, v1;
	v58 =	vld [tilespmem:s19+$0xFFFFFFE0]  }
0x11: {  	[tilespmem:s20+$0x2850 ss:$0x81] =	vst.msk $0xffff, v2;
	v59 =	vld [tilespmem:s19+$0xFFFFFFF0]  }
0x12: {  	s21 =	sshra.s32 s21, $0x2;
	[tilespmem:s20+$0x3060 ss:$0x81] =	vst.msk $0xffff, v3;
	v60 =	vld [tilespmem:s19+$0x0]  }
0x13: {  	[tilespmem:s20+$0x0 ss:$0x81] =	vst.msk $0xffff, v0;
	v61 =	vld [tilespmem:s19+$0x10];
	s18 =	sadd.s32 s21, s18  }
0x14: {  	s26 =	sshll.u32 s16, $0xC;
	v62 =	vld [tilespmem:s19+$0x20];
	[tilespmem:s18+$0x3870 ss:$0x81] =	vst.msk $0xffff, v4  }
0x15: {  	s27 =	sand.u32 $0x78, s14;
	s22 =	sshll.u32 s14, $0x3;
	v63 =	vld [tilespmem:s19+$0xFFFFFFC0];
	s29 =	sshll.u32 s16, $0x7;
	[tilespmem:s18+$0x810 ss:$0x81] =	vst.msk $0xffff, v5  }
0x16: {  	s15 =	sshll.u32 s15, $0x13;
	s20 =	sand.u32 $0x3F8000, s26;
	s28 =	sand.u32 $0x3FFC00, s22;
	[tilespmem:s18+$0x1020 ss:$0x81] =	vst.msk $0xffff, v58  }
0x17: {  	s31 =	sand.u32 $0x7, s14;
	s22 =	sand.u32 $0xC00, s22;
	s19 =	sadd.s32 s28, s20;
	[tilespmem:s18+$0x1830 ss:$0x81] =	vst.msk $0xffff, v59  }
0x18: {  	s16 =	sand.u32 $0x380, s29;
	s30 =	sor.u32 s27, s22;
	s19 =	sshrl.u32 s19, $0x3;
	[tilespmem:s18+$0x2040 ss:$0x81] =	vst.msk $0xffff, v60  }
0x19: {  	s15 =	sadd.s32 s5, s15;
	s16 =	sor.u32 s16, s30;
	s19 =	sand.u32 $0x7FE00, s19;
	[tilespmem:s18+$0x2850 ss:$0x81] =	vst.msk $0xffff, v61  }
0x1a: {  	s14 =	sshll.u32 s31, $0x12;
	s16 =	sshrl.u32 s16, $0x3;
	[tilespmem:s18+$0x3060 ss:$0x81] =	vst.msk $0xffff, v62;
	s15 =	sadd.s32 s19, s15  }
0x1b: {  	s14 =	sor.u32 $0x400, s14;
	[tilespmem:s18+$0x0 ss:$0x81] =	vst.msk $0xffff, v63;
	s15 =	sadd.s32 s16, s15  }
0x1c: {  	[hbm4b:s15+s14] =	stream.strided.scatter [tilespmem:s17], [sflag:$0x2], $0x4000, s9, s14, $0x20;
	[tilespmem:$0x10100] =	vst v63  }
.LBB1_5:
0x1d: {  	s17 =	sadd.s32 $0x80, s10  }
0x1e: {  	s14 =	sadd.s32 $0x800, s11;
	s18 =	smov.u32 s11;
	p2 =	sgt.s32 s17, $0x3FF  }
0x1f: {  	s18 =	smov.u32 @p2 s14  }
0x20: {  	s20 =	smov.u32 s12;
	s14 =	sadd.s32 $0x2, s12;
	p3 =	sgt.s32 s18, $0xFFF  }
0x21: {  	s20 =	smov.u32 @p3 s14  }
0x22: {  	s17 =	simm.s32 @p2 $0x0;
	p2 =	sgt.s32 s20, $0x1  }
0x23: {  	p1 =	slt.u32 s13, $0x2;
	s20 =	smov.u32 @p2 s2;
	p2 =	sne.s32 s13, s8  }
.Ltmp1:
0x24: {  	s19 =	simm.s32 @!p1 $0x2;
	(pc) =	sbr.rel @!p2 .LBB1_6-.Ltmp1, $4  }
0x25: {  	s16 =	smov.u32 s10;
	s15 =	smov.u32 s12;
	_ =	swait.ge @!p1 [sflag:s19], $0x4000  }
0x26: {  	p0 =	por !p0, !p0;
	[sflag:s19] =	ssyncset.done @!p1 $0x0;
	s10 =	smov.u32 s17  }
0x27: {  	s18 =	smov.u32 @p3 s1;
	s14 =	smov.u32 s11;
	[sflag:s19] =	ssyncadd.s32 @!p1 $0xFFFFC000  }
0x28: {  	s11 =	smov.u32 s18;
	s13 =	sadd.s32 $0x1, s13;
	s12 =	smov.u32 s20  }
.LBB1_1:
0x29: {  	p1 =	sge.u32 s13, s7  }
0x2a: {  	s31 =	sadd.s32 $0xFFFFFFFF, s13;
	s17 =	sshll.u32 @!p1 s11, $0x7  }
0x2b: {  	s18 =	sxor.u32 @!p1 $0xFFFFFFFF, s13;
	s19 =	sand.u32 @!p1 $0x78, s10;
	s20 =	sand.u32 @!p1 $0x380, s17  }
0x2c: {  	s18 =	sshll.u32 @!p1 s18, $0xE;
	s19 =	sor.u32 @!p1 s19, s20;
	s20 =	sshll.u32 @!p1 s12, $0x13  }
0x2d: {  	s17 =	sand.u32 @!p1 $0x7FC00, s17;
	s19 =	sshrl.u32 @!p1 s19, $0x3;
	s20 =	sadd.s32 @!p1 s4, s20  }
0x2e: {  	s17 =	sadd.s32 @!p1 s10, s17;
	s19 =	sadd.s32 @!p1 s19, s20;
	s20 =	sand.u32 @!p1 $0x7, s10  }
0x2f: {  	s18 =	sand.u32 @!p1 $0x4000, s18;
	s17 =	sand.u32 @!p1 $0x7FF80, s17;
	s20 =	sshll.u32 @!p1 s20, $0x12  }
0x30: {  	s17 =	sadd.s32 @!p1 s17, s19;
	s19 =	sor.u32 @!p1 $0x400, s20;
	s20 =	simm.s32 @!p1 $0x2000  }
0x31: {  	[tilespmem:s18], [sflag:$0x1] =	stream.strided.gather @!p1 [hbm4b:s17+s19], $0x4000, s20, s19, $0x38;
	[tilespmem:$0x10100] =	vst v63  }
0x32: {  	p1 =	sge.u32 s31, s7  }
.Ltmp2:
0x33: {  	_ = 	snop;
	(pc) =	sbr.rel @p1 .LBB1_5-.Ltmp2, $1  }
0x34: {  	_ =	sdelay $0x3  }
0x35: {  	s17 =	simm.s32 $0x1  }
0x36: {  	_ =	swait.ge [sflag:s6], $0x4000;
	s17 =	simm.s32 @!p0 $0x0  }
0x37: {  	[sflag:s6] =	ssyncset.done $0x0;
	s18 =	sshll.u32 s17, $0xE  }
0x38: {  	[sflag:s6] =	ssyncadd.s32 $0xFFFFC000;
	s19 =	sor.u32 $0x40, s18  }
0x39: {  	s17 =	smul.u32 $0x10200, s17;
	v0 =	vld [tilespmem:s19+$0x30]  }
0x3a: {  	v3 =	vld [tilespmem:s19+$0xFFFFFFD0]  }
0x3b: {  	s17 =	sshrl.u32 s17, $0x2;
	v4 =	vld [tilespmem:s19+$0xFFFFFFE0]  }
0x3c: {  	v5 =	vld [tilespmem:s19+$0xFFFFFFF0];
	s18 =	sor.u32 $0x8000, s17  }
0x3d: {  	s31 =	sand.u32 $0x1, s13;
	v1 =	vld [tilespmem:s19+$0x0];
	s20 =	sadd.s32 $0x0, s18  }
0x3e: {  	v2 =	vld [tilespmem:s19+$0x10];
	s17 =	smul.u32 $0x10200, s31;
	[tilespmem:s20+$0x3870 ss:$0x81] =	vst.msk $0xffff, v0  }
0x3f: {  	[tilespmem:s20+$0x810 ss:$0x81] =	vst.msk $0xffff, v3;
	v3 =	vld [tilespmem:s19+$0x20]  }
0x40: {  	s17 =	sshrl.u32 s17, $0x2;
	v0 =	vld [tilespmem:s19+$0xFFFFFFC0];
	[tilespmem:s20+$0x1020 ss:$0x81] =	vst.msk $0xffff, v4;
	s19 =	sadd.s32 $0x80, s19  }
0x41: {  	s21 =	simm.s32 $0x4;
	s22 =	simm.s32 $0x8;
	s17 =	sor.u32 $0x8000, s17;
	[tilespmem:s20+$0x1830 ss:$0x81] =	vst.msk $0xffff, v5;
	v4 =	vld [tilespmem:s19+$0x30]  }
.LBB1_3:
0x42: {  	p1 =	sne.s32 s22, $0x1FC;
	v5 =	vld [tilespmem:s19+$0xFFFFFFD0];
	[tilespmem:s20+$0x2040 ss:$0x81] =	vst.msk $0xffff, v1  }
0x43: {  	v6 =	vld [tilespmem:s19+$0xFFFFFFE0];
	[tilespmem:s20+$0x2850 ss:$0x81] =	vst.msk $0xffff, v2  }
0x44: {  	s23 =	sshra.s32 s21, $0x2;
	s21 =	smov.u32 s22;
	v7 =	vld [tilespmem:s19+$0xFFFFFFF0];
	[tilespmem:s20+$0x3060 ss:$0x81] =	vst.msk $0xffff, v3  }
.Ltmp3:
0x45: {  	v1 =	vld [tilespmem:s19+$0x0];
	[tilespmem:s20+$0x0 ss:$0x81] =	vst.msk $0xffff, v0;
	s20 =	sadd.s32 s23, s18;
	(pc) =	sbr.rel @p1 .LBB1_3-.Ltmp3, $4  }
0x46: {  	v2 =	vld [tilespmem:s19+$0x10];
	[tilespmem:s20+$0x3870 ss:$0x81] =	vst.msk $0xffff, v4  }
0x47: {  	[tilespmem:s20+$0x810 ss:$0x81] =	vst.msk $0xffff, v5;
	v3 =	vld [tilespmem:s19+$0x20]  }
0x48: {  	v0 =	vld [tilespmem:s19+$0xFFFFFFC0];
	[tilespmem:s20+$0x1020 ss:$0x81] =	vst.msk $0xffff, v6;
	s19 =	sadd.s32 $0x80, s19  }
0x49: {  	s22 =	sadd.s32 $0x4, s22;
	v4 =	vld [tilespmem:s19+$0x30];
	[tilespmem:s20+$0x1830 ss:$0x81] =	vst.msk $0xffff, v7  }
.Ltmp4:
0x4a: {  	_ = 	snop;
	(pc) =	sbr.rel .LBB1_4-.Ltmp4, $1  }
0x4b: {  	_ =	sdelay $0x3  }
.LBB1_6:
0x4c: {  	_ =	sfence.sel $0x180000  }
0x4d: {  	s1 =	simm.s32 $0x1;
	[bflag:$0x0] =	sbarrier.arrive $0xFFFF  }
0x4e: {  	s31 =	simm.s32 $0x2;
	[sflag:s1] =	ssyncpa.u1 $0x1  }
0x4f: {  	[sflag:s31] =	ssyncpa.u1 $0x1  }
0x50: {  	p0 =	sne.s32 s0, $0x0;
	_ =	strace $0x90000047  }
0x51: {  	s0 =	sadd.s32 @!p0 $0x100000, s3;
	[bflag:$0x2] =	sbarrier.arrive $0xFFFF  }
0x52: {  	[sflag:s0] =	ssyncadd.tile.s32 @!p0 $0x1;
	_ =	shalt  }
.Lfunc_end1:
_tile_overlayer_lowered:
.L_overlay_start_2:
0x53: {  	(tag) =	ssettag $0x2  }
0x54: {  	s0 =	rddreg [dreg:$0x0];
	s2 =	stileid.u32  }
0x55: {  	s1 =	rddreg [dreg:$0x1];
	p0 =	sne.s32 s2, $0x0  }
0x56: {  	s3 =	rddreg [dreg:$0x2];
	[bflag:$0x3] =	sbarrier.arrive $0xFFFF;
	s2 =	simm.s32 @!p0 $0x1C01  }
0x57: {  	[timem:s3], [sflag:s2] =	dma.local @!p0 [hbm:s0], s1  }
0x58: {  	s0 =	simm.s32 @!p0 $0x1  }
0x59: {  	_ =	swait.ge @!p0 [sflag:s0], s1  }
0x5a: {  	s1 =	ssub.s32 @!p0 $0x0, s1;
	[sflag:s0] =	ssyncset.done @!p0 $0x0  }
0x5b: {  	[sflag:s0] =	ssyncadd.s32 @!p0 s1  }
0x5c: {  	[bflag:$0x3] =	sbarrier.arrive $0xFFFF  }
0x5d: {  	_ =	shalt  }

</sc_bundles>
